<compile_context>
chip_gen: v7x
topology: tpu7x:2x2x1
jax: 0.10.2.dev20260603
libtpu: 0.0.44.dev20260713+nightly
codegen_flags: <defaults>
</compile_context>

<pallas_src>
import functools

import jax
import jax.numpy as jnp
from jax import lax
from jax.experimental import pallas as pl
from jax.experimental.pallas import tpu as pltpu
from jax.experimental.pallas import tpu_sc as plsc

POI = 100000
RC = 4
RD = 16
J = RC * RD
LRW = RC * (RD - 1)
D = 64
B = 4096
C = 50
NW = 32
BPW = B // NW
L = 16
NCH = BPW // 2
NBUF = 4

_mesh = plsc.VectorSubcoreMesh(core_axis_name="c", subcore_axis_name="s")


@functools.partial(
    pl.kernel,
    out_type=jax.ShapeDtypeStruct((NW, L), jnp.float32),
    mesh=_mesh,
    compiler_params=pltpu.CompilerParams(needs_layout_passes=False,
                                         use_tc_tiling_on_sc=False),
    scratch_types=[
        pltpu.VMEM((NCH, 2 * J), jnp.int32),
        pltpu.VMEM((BPW,), jnp.int32),
        pltpu.VMEM((BPW,), jnp.int32),
        pltpu.VMEM((BPW,), jnp.int32),
        pltpu.VMEM((BPW, J), jnp.int32),
        pltpu.VMEM((NCH, 2 * J), jnp.int32),
        pltpu.VMEM((BPW, 4 * LRW), jnp.int32),
        pltpu.VMEM((BPW, 4 * RC), jnp.float32),
        pltpu.VMEM((BPW, D), jnp.float32),
        pltpu.VMEM((BPW, J), jnp.float32),
        pltpu.VMEM((2 * J, D), jnp.float32),
        pltpu.VMEM((2 * J, D), jnp.float32),
        pltpu.VMEM((2 * J, D), jnp.float32),
        pltpu.VMEM((2 * J, D), jnp.float32),
        pltpu.VMEM((L, L), jnp.float32),
        pltpu.VMEM((L,), jnp.float32),
        pltpu.SemaphoreType.DMA,
        pltpu.SemaphoreType.DMA,
        pltpu.SemaphoreType.DMA,
        pltpu.SemaphoreType.DMA,
    ],
)
def _poi2vec_sc(ctx_hbm, tgt_hbm, route_hbm, lr_hbm, prob_hbm, pw_hbm, rw_hbm,
                out_hbm, ctx_v, tgt_v, ptix_v, off_v, ri_v, rif_v, lr_v,
                prob_v, phi_v, psi_v, rb0, rb1, rb2, rb3, tbuf, acc_v,
                sem0, sem1, sem2, sem3):
    wid = lax.axis_index("s") * 2 + lax.axis_index("c")
    base = wid * BPW
    iota = lax.iota(jnp.int32, L)
    bufs = ((rb0, sem0), (rb1, sem1), (rb2, sem2), (rb3, sem3))

    pltpu.sync_copy(ctx_hbm.at[pl.ds(wid * NCH, NCH)], ctx_v)
    pltpu.sync_copy(tgt_hbm.at[pl.ds(base, BPW)], tgt_v)

    @pl.loop(0, BPW // L)
    def _tgt_split(kk):
        tv = tgt_v[pl.ds(kk * L, L)]
        ptix_v[pl.ds(kk * L, L)] = lax.shift_right_logical(tv, 2)
        off_v[pl.ds(kk * L, L)] = lax.bitwise_and(tv, 3) * LRW

    pltpu.async_copy(route_hbm.at[tgt_v], ri_v, sem0)
    pltpu.async_copy(lr_hbm.at[ptix_v], lr_v, sem1)
    pltpu.async_copy(prob_hbm.at[ptix_v], prob_v, sem2)
    pltpu.make_async_copy(route_hbm.at[tgt_v], ri_v, sem0).wait()
    pltpu.make_async_copy(lr_hbm.at[ptix_v], lr_v, sem1).wait()
    pltpu.make_async_copy(prob_hbm.at[ptix_v], prob_v, sem2).wait()

    @pl.loop(0, NCH)
    def _repack(g):
        for half in range(2):
            for q in range(RC):
                rif_v[g, pl.ds(half * J + q * L, L)] = (
                    ri_v[g * 2 + half, pl.ds(q * L, L)])

    for i in range(NBUF - 1):
        pltpu.async_copy(pw_hbm.at[ctx_v.at[i]], bufs[i][0], bufs[i][1])

    @pl.loop(0, NCH, step=NBUF)
    def _phase_a(g):
        for par in range(NBUF):
            buf, sem_cur = bufs[par]
            nbuf, sem_nxt = bufs[(par + NBUF - 1) % NBUF]
            gg = g + par

            @pl.when(gg + NBUF - 1 < NCH)
            def _start_next():
                pltpu.async_copy(pw_hbm.at[ctx_v.at[gg + NBUF - 1]],
                                 nbuf, sem_nxt)

            pltpu.make_async_copy(pw_hbm.at[ctx_v.at[gg]], buf,
                                  sem_cur).wait()

            @pl.loop(0, 2)
            def _h(h):
                zero = jnp.zeros((L,), jnp.float32)

                @pl.loop(0, J, init_carry=(zero, zero, zero, zero), unroll=8)
                def acc(r, carry):
                    a0, a1, a2, a3 = carry
                    row = h * J + r
                    a0 = a0 + buf[row, pl.ds(0, L)]
                    a1 = a1 + buf[row, pl.ds(L, L)]
                    a2 = a2 + buf[row, pl.ds(2 * L, L)]
                    a3 = a3 + buf[row, pl.ds(3 * L, L)]
                    return a0, a1, a2, a3

                a0, a1, a2, a3 = acc
                b = gg * 2 + h
                last = h * J + (C - 1)
                a0 = a0 - 14.0 * buf[last, pl.ds(0, L)]
                a1 = a1 - 14.0 * buf[last, pl.ds(L, L)]
                a2 = a2 - 14.0 * buf[last, pl.ds(2 * L, L)]
                a3 = a3 - 14.0 * buf[last, pl.ds(3 * L, L)]
                phi_v[b, pl.ds(0, L)] = a0
                phi_v[b, pl.ds(L, L)] = a1
                phi_v[b, pl.ds(2 * L, L)] = a2
                phi_v[b, pl.ds(3 * L, L)] = a3

    for i in range(NBUF - 1):
        pltpu.async_copy(rw_hbm.at[rif_v.at[i]], bufs[i][0], bufs[i][1])

    @pl.loop(0, NCH, step=NBUF)
    def _phase_b(g):
        for par in range(NBUF):
            buf, sem_cur = bufs[par]
            nbuf, sem_nxt = bufs[(par + NBUF - 1) % NBUF]
            gg = g + par

            @pl.when(gg + NBUF - 1 < NCH)
            def _start_next():
                pltpu.async_copy(rw_hbm.at[rif_v.at[gg + NBUF - 1]],
                                 nbuf, sem_nxt)

            pltpu.make_async_copy(rw_hbm.at[rif_v.at[gg]], buf,
                                  sem_cur).wait()

            @pl.loop(0, 2 * RC)
            def _bt(bt):
                h = lax.shift_right_logical(bt, 2)
                t = lax.bitwise_and(bt, 3)
                b = gg * 2 + h
                p0 = phi_v[b, pl.ds(0, L)]
                p1 = phi_v[b, pl.ds(L, L)]
                p2 = phi_v[b, pl.ds(2 * L, L)]
                p3 = phi_v[b, pl.ds(3 * L, L)]
                rowbase = h * J + t * L

                @pl.loop(0, L, unroll=8)
                def _j(j16):
                    row = rowbase + j16
                    pj = (buf[row, pl.ds(0, L)] * p0
                          + buf[row, pl.ds(L, L)] * p1
                          + buf[row, pl.ds(2 * L, L)] * p2
                          + buf[row, pl.ds(3 * L, L)] * p3)
                    tbuf[j16, :] = pj

                s0 = jnp.zeros((L,), jnp.float32)

                @pl.loop(0, L, init_carry=s0, unroll=8)
                def s(c, acc):
                    col = jnp.full((L,), c, jnp.int32)
                    return acc + plsc.load_gather(tbuf, [iota, col])

                psi = 1.0 / (1.0 + jnp.exp(-s))
                bvec = jnp.full((L,), b, jnp.int32)
                offv = plsc.load_gather(off_v, [bvec])
                lrcol = offv + jnp.minimum((RD - 1) * t + iota, LRW - 1)
                lrv = plsc.load_gather(lr_v, [bvec, lrcol])
                lr_eff = jnp.where(iota == L - 1, 0, lrv)
                psi_v[b, pl.ds(t * L, L)] = jnp.where(lr_eff == 1, psi,
                                                      1.0 - psi)

    bsub = lax.shift_right_logical(iota, 2)
    rc = lax.bitwise_and(iota, 3)

    def _phase_c(q, acc16):
        rows = q * 4 + bsub
        prod = jnp.ones((L,), jnp.float32)
        for d in range(RD):
            prod = prod * plsc.load_gather(psi_v, [rows, rc * L + d])
        tvec = plsc.load_gather(tgt_v, [rows])
        pv = plsc.load_gather(prob_v, [rows, lax.bitwise_and(tvec, 3) * RC + rc])
        return acc16 + prod * pv

    acc16 = lax.fori_loop(0, BPW // 4, _phase_c, jnp.zeros((L,), jnp.float32))
    acc_v[...] = acc16
    pltpu.sync_copy(acc_v, out_hbm.at[wid])


def kernel(context, target, id2route, id2lr, id2prob, poi_weight, route_weight):
    ctxp = jnp.pad(context, ((0, 0), (0, J - C)), mode='edge').reshape(B // 2, 2 * J)
    route2 = id2route.reshape(POI, J)
    lr4 = id2lr.reshape(POI // 4, 4 * LRW)
    prob4 = id2prob.reshape(POI // 4, 4 * RC)
    parts = _poi2vec_sc(ctxp, target, route2, lr4, prob4,
                        poi_weight, route_weight)
    return -jnp.sum(parts) / jnp.float32(B)

# --- scband reference (transcript-rebuilt; emitter-appended) ---
"""Pipeline reference for scband-poi2-vec-53034256171039 (READ-ONLY COPY).

The authoritative reference and input builder live on the scoring server;
editing this copy changes nothing except your own understanding.
"""

import jax, jax.numpy as jnp
import numpy as np

POI_CNT = 100000
ROUTE_DEPTH = 16
ROUTE_CNT = 2 ** ROUTE_DEPTH - 1
ROUTE_COUNT = 4
FEAT_DIM = 64
BATCH = 4096
CTX_LEN = 50


def setup_inputs(seed: int = 0) -> dict:
    key = jax.random.key(seed)
    ks = jax.random.split(key, 8)
    context = jax.random.randint(ks[0], (BATCH, CTX_LEN), 0, POI_CNT, dtype=jnp.int32)
    target = jax.random.randint(ks[1], (BATCH,), 0, POI_CNT, dtype=jnp.int32)
    id2route = jax.random.randint(ks[2], (POI_CNT, ROUTE_COUNT, ROUTE_DEPTH), 0, ROUTE_CNT, dtype=jnp.int32)
    id2lr = jax.random.randint(ks[3], (POI_CNT, ROUTE_COUNT, ROUTE_DEPTH - 1), 0, 2, dtype=jnp.int32)
    id2prob = jax.random.uniform(ks[4], (POI_CNT, ROUTE_COUNT), dtype=jnp.float32)
    poi_weight = (0.02 * jax.random.normal(ks[5], (POI_CNT, FEAT_DIM), dtype=jnp.float32)).at[0].set(0.0)
    route_weight = (0.02 * jax.random.normal(ks[6], (ROUTE_CNT, FEAT_DIM), dtype=jnp.float32)).at[0].set(0.0)
    return {"context": context, "target": target, "id2route": id2route, "id2lr": id2lr,
            "id2prob": id2prob, "poi_weight": poi_weight, "route_weight": route_weight}


def reference(context, target, id2route, id2lr, id2prob, poi_weight, route_weight):
    # emulate nn.Embedding padding_idx=0 (row 0 is always zero)
    pmask = jnp.ones((poi_weight.shape[0], 1), poi_weight.dtype).at[0].set(0.0)
    rmask = jnp.ones((route_weight.shape[0], 1), route_weight.dtype).at[0].set(0.0)
    pw = poi_weight * pmask
    rw = route_weight * rmask

    route = jnp.take(id2route, target, axis=0)           # [B, RC, RD]
    B, RC, RD = route.shape
    route = route.reshape(B, RC * RD)

    lr = jnp.take(id2lr, target, axis=0).astype(jnp.float32)      # [B, RC, RD-1]
    lr = jnp.concatenate([lr, jnp.zeros((B, RC, 1), jnp.float32)], axis=2)
    lr = lr.reshape(B, RC * RD)

    prob = jnp.take(id2prob, target, axis=0).reshape(B, RC)

    ctx = jnp.take(pw, context, axis=0)                  # [B, C, D] embedding gather
    rte = jnp.take(rw, route, axis=0)                    # [B, RC*RD, D] embedding gather

    phi_context = jnp.sum(ctx, axis=1, keepdims=True).transpose(0, 2, 1)   # [B, D, 1]
    psi_context = jnp.matmul(rte, phi_context)                             # [B, RC*RD, 1]
    psi_context = jax.nn.sigmoid(psi_context).reshape(B, RC * RD)
    psi_context = jnp.power(psi_context * 2.0, lr) - psi_context
    psi_context = psi_context.reshape(B, RC, RD)

    pr_path = jnp.ones((B, RC), jnp.float32)
    for i in range(RD):
        pr_path = psi_context[:, :, i] * pr_path
    pr_path = jnp.sum(pr_path * prob, axis=1)
    loss = -jnp.mean(pr_path)
    return loss

if __name__ == "__main__":
    import jax
    _d = setup_inputs()
    print(jax.jit(kernel)(*tuple(_d.values())))

</pallas_src>

<mosaic_0001>
#map = affine_map<(d0, d1) -> (0, 0)>
#map1 = affine_map<(d0, d1) -> (0)>
module attributes {stable_mosaic.version = 14 : i64} {
  func.func @_poi2vec_sc(%arg0: i32, %arg1: i32, %arg2: memref<2048x128xi32, #tpu.memory_space<hbm>>, %arg3: memref<4096xi32, #tpu.memory_space<hbm>>, %arg4: memref<100000x64xi32, #tpu.memory_space<hbm>>, %arg5: memref<25000x240xi32, #tpu.memory_space<hbm>>, %arg6: memref<25000x16xf32, #tpu.memory_space<hbm>>, %arg7: memref<100000x64xf32, #tpu.memory_space<hbm>>, %arg8: memref<65535x64xf32, #tpu.memory_space<hbm>>, %arg9: memref<32x16xf32, #tpu.memory_space<hbm>>, %arg10: memref<64x128xi32, #tpu.memory_space<vmem>>, %arg11: memref<128xi32, #tpu.memory_space<vmem>>, %arg12: memref<128xi32, #tpu.memory_space<vmem>>, %arg13: memref<128xi32, #tpu.memory_space<vmem>>, %arg14: memref<128x64xi32, #tpu.memory_space<vmem>>, %arg15: memref<64x128xi32, #tpu.memory_space<vmem>>, %arg16: memref<128x240xi32, #tpu.memory_space<vmem>>, %arg17: memref<128x16xf32, #tpu.memory_space<vmem>>, %arg18: memref<128x64xf32, #tpu.memory_space<vmem>>, %arg19: memref<128x64xf32, #tpu.memory_space<vmem>>, %arg20: memref<128x64xf32, #tpu.memory_space<vmem>>, %arg21: memref<128x64xf32, #tpu.memory_space<vmem>>, %arg22: memref<128x64xf32, #tpu.memory_space<vmem>>, %arg23: memref<128x64xf32, #tpu.memory_space<vmem>>, %arg24: memref<16x16xf32, #tpu.memory_space<vmem>>, %arg25: memref<16xf32, #tpu.memory_space<vmem>>, %arg26: memref<!tpu.dma_semaphore, #tpu.memory_space<semaphore_mem>>, %arg27: memref<!tpu.dma_semaphore, #tpu.memory_space<semaphore_mem>>, %arg28: memref<!tpu.dma_semaphore, #tpu.memory_space<semaphore_mem>>, %arg29: memref<!tpu.dma_semaphore, #tpu.memory_space<semaphore_mem>>) attributes {dimension_semantics = [#tpu.dimension_semantics<core_parallel>, #tpu.dimension_semantics<subcore_parallel>], iteration_bounds = array<i64: 2, 16>, scalar_prefetch = 0 : i64, scratch_operands = 20 : i64, tpu.core_type = #tpu.core_type<sc_vector_subcore>, window_params = [{transform_indices = #map}, {transform_indices = #map1}, {transform_indices = #map}, {transform_indices = #map}, {transform_indices = #map}, {transform_indices = #map}, {transform_indices = #map}, {transform_indices = #map}]} {
    %mul3A = arith.constant 2 : i32
    %mul3A_0 = arith.muli %arg1, %mul3A : i32
    %add3A = arith.addi %mul3A_0, %arg0 : i32
    %mul3A_1 = arith.constant 128 : i32
    %mul3A_2 = arith.muli %add3A, %mul3A_1 : i32
    %iota3A = tpu.iota {dimensions = array<i32: 0>} : vector<16xi32>
    %mul3A_3 = arith.constant 64 : i32
    %mul3A_4 = arith.muli %add3A, %mul3A_3 : i32
    "tpu.region"() ({
      %run_scoped3A = tpu.sem_alloc : memref<!tpu.dma_semaphore, #tpu.memory_space<semaphore_mem>>
      %dma_start3A_94 = arith.constant 0 : i32
      %dma_start3A_95 = tpu.memref_slice %arg2[%mul3A_4, %dma_start3A_94] : memref<2048x128xi32, #tpu.memory_space<hbm>> -> memref<64x128xi32, #tpu.memory_space<hbm>>
      %dma_start3A_96 = arith.constant 0 : i32
      %dma_start3A_97 = tpu.memref_slice %arg2[%mul3A_4, %dma_start3A_96] : memref<2048x128xi32, #tpu.memory_space<hbm>> -> memref<64x128xi32, #tpu.memory_space<hbm>>
      tpu.enqueue_dma source(%dma_start3A_97 : memref<64x128xi32, #tpu.memory_space<hbm>>) target(%arg10 : memref<64x128xi32, #tpu.memory_space<vmem>>) target_semaphore(%run_scoped3A : memref<!tpu.dma_semaphore, #tpu.memory_space<semaphore_mem>>)
      %dma_wait3A_98 = arith.constant 0 : i32
      %dma_wait3A_99 = tpu.memref_slice %arg2[%mul3A_4, %dma_wait3A_98] : memref<2048x128xi32, #tpu.memory_space<hbm>> -> memref<64x128xi32, #tpu.memory_space<hbm>>
      %dma_wait3A_100 = arith.constant 0 : i32
      %dma_wait3A_101 = tpu.memref_slice %arg2[%mul3A_4, %dma_wait3A_100] : memref<2048x128xi32, #tpu.memory_space<hbm>> -> memref<64x128xi32, #tpu.memory_space<hbm>>
      tpu.wait_dma2 semaphore(%run_scoped3A : memref<!tpu.dma_semaphore, #tpu.memory_space<semaphore_mem>>) src(%dma_wait3A_101 : memref<64x128xi32, #tpu.memory_space<hbm>>) dst(%arg10 : memref<64x128xi32, #tpu.memory_space<vmem>>)
      tpu.yield
    }) : () -> ()
    "tpu.region"() ({
      %run_scoped3A = tpu.sem_alloc : memref<!tpu.dma_semaphore, #tpu.memory_space<semaphore_mem>>
      %dma_start3A_94 = tpu.memref_slice %arg3[%mul3A_2] : memref<4096xi32, #tpu.memory_space<hbm>> -> memref<128xi32, #tpu.memory_space<hbm>>
      %dma_start3A_95 = tpu.memref_slice %arg3[%mul3A_2] : memref<4096xi32, #tpu.memory_space<hbm>> -> memref<128xi32, #tpu.memory_space<hbm>>
      tpu.enqueue_dma source(%dma_start3A_95 : memref<128xi32, #tpu.memory_space<hbm>>) target(%arg11 : memref<128xi32, #tpu.memory_space<vmem>>) target_semaphore(%run_scoped3A : memref<!tpu.dma_semaphore, #tpu.memory_space<semaphore_mem>>)
      %dma_wait3A_96 = tpu.memref_slice %arg3[%mul3A_2] : memref<4096xi32, #tpu.memory_space<hbm>> -> memref<128xi32, #tpu.memory_space<hbm>>
      %dma_wait3A_97 = tpu.memref_slice %arg3[%mul3A_2] : memref<4096xi32, #tpu.memory_space<hbm>> -> memref<128xi32, #tpu.memory_space<hbm>>
      tpu.wait_dma2 semaphore(%run_scoped3A : memref<!tpu.dma_semaphore, #tpu.memory_space<semaphore_mem>>) src(%dma_wait3A_97 : memref<128xi32, #tpu.memory_space<hbm>>) dst(%arg11 : memref<128xi32, #tpu.memory_space<vmem>>)
      tpu.yield
    }) : () -> ()
    %scan3A = arith.constant 0 : i32
    %scan3A_5 = arith.constant 8 : i32
    %scan3A_6 = arith.addi %scan3A, %scan3A_5 : i32
    %scan3A_7 = arith.constant 1 : i32
    scf.for %scan3A_94 = %scan3A to %scan3A_6 step %scan3A_7  : i32 {
      %mul3A_95 = arith.constant 1 : i32
      %mul3A_96 = arith.muli %scan3A_94, %mul3A_95 : i32
      %add3A_97 = arith.constant 0 : i32
      %add3A_98 = arith.addi %add3A_97, %mul3A_96 : i32
      %mul3A_99 = arith.constant 16 : i32
      %mul3A_100 = arith.muli %add3A_98, %mul3A_99 : i32
      %get3A = arith.index_cast %mul3A_100 : i32 to index
      %get3A_101 = tpu.vector_load %arg11[%get3A] {strides = array<i32>} : memref<128xi32, #tpu.memory_space<vmem>>, vector<16xi32>,
      %shift_right_logical3A_102 = arith.constant 2 : i32
      %shift_right_logical3A_103 = vector.broadcast %shift_right_logical3A_102 : i32 to vector<16xi32>
      %shift_right_logical3A_104 = arith.shrui %get3A_101, %shift_right_logical3A_103 : vector<16xi32>
      %mul3A_105 = arith.constant 16 : i32
      %mul3A_106 = arith.muli %add3A_98, %mul3A_105 : i32
      %swap3A_107 = arith.index_cast %mul3A_106 : i32 to index
      %swap3A_108 = tpu.vector_load %arg12[%swap3A_107] {strides = array<i32>} : memref<128xi32, #tpu.memory_space<vmem>>, vector<16xi32>,
      tpu.vector_store %arg12[%swap3A_107], %shift_right_logical3A_104 {strides = array<i32>} : memref<128xi32, #tpu.memory_space<vmem>>, vector<16xi32>,
      %and3A_109 = arith.constant 3 : i32
      %and3A_110 = vector.broadcast %and3A_109 : i32 to vector<16xi32>
      %and3A_111 = arith.andi %get3A_101, %and3A_110 : vector<16xi32>
      %mul3A_112 = arith.constant 60 : i32
      %mul3A_113 = vector.broadcast %mul3A_112 : i32 to vector<16xi32>
      %mul3A_114 = arith.muli %and3A_111, %mul3A_113 : vector<16xi32>
      %mul3A_115 = arith.constant 16 : i32
      %mul3A_116 = arith.muli %add3A_98, %mul3A_115 : i32
      %swap3A_117 = arith.index_cast %mul3A_116 : i32 to index
      %swap3A_118 = tpu.vector_load %arg13[%swap3A_117] {strides = array<i32>} : memref<128xi32, #tpu.memory_space<vmem>>, vector<16xi32>,
      tpu.vector_store %arg13[%swap3A_117], %mul3A_114 {strides = array<i32>} : memref<128xi32, #tpu.memory_space<vmem>>, vector<16xi32>,
    }
    %scan3A_8 = arith.constant 8 : i32
    %dma_start3A = arith.constant 0 : i32
    %dma_start3A_9 = arith.constant 0 : i32
    %dma_start3A_10 = tpu.memref_slice %arg4[%dma_start3A, %dma_start3A_9] : memref<100000x64xi32, #tpu.memory_space<hbm>> -> memref<100000x64xi32, #tpu.memory_space<hbm>>
    tpu.enqueue_indirect_dma source(%dma_start3A_10 : memref<100000x64xi32, #tpu.memory_space<hbm>>) target(%arg14 : memref<128x64xi32, #tpu.memory_space<vmem>>) offsets(%arg11 : memref<128xi32, #tpu.memory_space<vmem>>) semaphore(%arg26 : memref<!tpu.dma_semaphore, #tpu.memory_space<semaphore_mem>>)
    %dma_start3A_11 = arith.constant 0 : i32
    %dma_start3A_12 = arith.constant 0 : i32
    %dma_start3A_13 = tpu.memref_slice %arg5[%dma_start3A_11, %dma_start3A_12] : memref<25000x240xi32, #tpu.memory_space<hbm>> -> memref<25000x240xi32, #tpu.memory_space<hbm>>
    tpu.enqueue_indirect_dma source(%dma_start3A_13 : memref<25000x240xi32, #tpu.memory_space<hbm>>) target(%arg16 : memref<128x240xi32, #tpu.memory_space<vmem>>) offsets(%arg12 : memref<128xi32, #tpu.memory_space<vmem>>) semaphore(%arg27 : memref<!tpu.dma_semaphore, #tpu.memory_space<semaphore_mem>>)
    %dma_start3A_14 = arith.constant 0 : i32
    %dma_start3A_15 = arith.constant 0 : i32
    %dma_start3A_16 = tpu.memref_slice %arg6[%dma_start3A_14, %dma_start3A_15] : memref<25000x16xf32, #tpu.memory_space<hbm>> -> memref<25000x16xf32, #tpu.memory_space<hbm>>
    tpu.enqueue_indirect_dma source(%dma_start3A_16 : memref<25000x16xf32, #tpu.memory_space<hbm>>) target(%arg17 : memref<128x16xf32, #tpu.memory_space<vmem>>) offsets(%arg12 : memref<128xi32, #tpu.memory_space<vmem>>) semaphore(%arg28 : memref<!tpu.dma_semaphore, #tpu.memory_space<semaphore_mem>>)
    %dma_wait3A = arith.constant 0 : i32
    %dma_wait3A_17 = arith.constant 0 : i32
    %dma_wait3A_18 = tpu.memref_slice %arg4[%dma_wait3A, %dma_wait3A_17] : memref<100000x64xi32, #tpu.memory_space<hbm>> -> memref<100000x64xi32, #tpu.memory_space<hbm>>
    tpu.wait_indirect_dma semaphore(%arg26 : memref<!tpu.dma_semaphore, #tpu.memory_space<semaphore_mem>>) src(%dma_wait3A_18 : memref<100000x64xi32, #tpu.memory_space<hbm>>) dst(%arg14 : memref<128x64xi32, #tpu.memory_space<vmem>>)
    %dma_wait3A_19 = arith.constant 0 : i32
    %dma_wait3A_20 = arith.constant 0 : i32
    %dma_wait3A_21 = tpu.memref_slice %arg5[%dma_wait3A_19, %dma_wait3A_20] : memref<25000x240xi32, #tpu.memory_space<hbm>> -> memref<25000x240xi32, #tpu.memory_space<hbm>>
    tpu.wait_indirect_dma semaphore(%arg27 : memref<!tpu.dma_semaphore, #tpu.memory_space<semaphore_mem>>) src(%dma_wait3A_21 : memref<25000x240xi32, #tpu.memory_space<hbm>>) dst(%arg16 : memref<128x240xi32, #tpu.memory_space<vmem>>)
    %dma_wait3A_22 = arith.constant 0 : i32
    %dma_wait3A_23 = arith.constant 0 : i32
    %dma_wait3A_24 = tpu.memref_slice %arg6[%dma_wait3A_22, %dma_wait3A_23] : memref<25000x16xf32, #tpu.memory_space<hbm>> -> memref<25000x16xf32, #tpu.memory_space<hbm>>
    tpu.wait_indirect_dma semaphore(%arg28 : memref<!tpu.dma_semaphore, #tpu.memory_space<semaphore_mem>>) src(%dma_wait3A_24 : memref<25000x16xf32, #tpu.memory_space<hbm>>) dst(%arg17 : memref<128x16xf32, #tpu.memory_space<vmem>>)
    %scan3A_25 = arith.constant 0 : i32
    %scan3A_26 = arith.constant 64 : i32
    %scan3A_27 = arith.addi %scan3A_25, %scan3A_26 : i32
    %scan3A_28 = arith.constant 1 : i32
    scf.for %scan3A_94 = %scan3A_25 to %scan3A_27 step %scan3A_28  : i32 {
      %mul3A_95 = arith.constant 1 : i32
      %mul3A_96 = arith.muli %scan3A_94, %mul3A_95 : i32
      %add3A_97 = arith.constant 0 : i32
      %add3A_98 = arith.addi %add3A_97, %mul3A_96 : i32
      %mul3A_99 = arith.constant 2 : i32
      %mul3A_100 = arith.muli %add3A_98, %mul3A_99 : i32
      %add3A_101 = arith.constant 0 : i32
      %add3A_102 = arith.addi %mul3A_100, %add3A_101 : i32
      %get3A = arith.index_cast %add3A_102 : i32 to index
      %get3A_103 = arith.constant 0 : index
      %get3A_104 = tpu.vector_load %arg14[%get3A, %get3A_103] {strides = array<i32>} : memref<128x64xi32, #tpu.memory_space<vmem>>, vector<16xi32>,
      %swap3A_105 = arith.index_cast %add3A_98 : i32 to index
      %swap3A_106 = arith.constant 0 : index
      %swap3A_107 = tpu.vector_load %arg15[%swap3A_105, %swap3A_106] {strides = array<i32>} : memref<64x128xi32, #tpu.memory_space<vmem>>, vector<16xi32>,
      tpu.vector_store %arg15[%swap3A_105, %swap3A_106], %get3A_104 {strides = array<i32>} : memref<64x128xi32, #tpu.memory_space<vmem>>, vector<16xi32>,
      %mul3A_108 = arith.constant 2 : i32
      %mul3A_109 = arith.muli %add3A_98, %mul3A_108 : i32
      %add3A_110 = arith.constant 0 : i32
      %add3A_111 = arith.addi %mul3A_109, %add3A_110 : i32
      %get3A_112 = arith.index_cast %add3A_111 : i32 to index
      %get3A_113 = arith.constant 16 : index
      %get3A_114 = tpu.vector_load %arg14[%get3A_112, %get3A_113] {strides = array<i32>} : memref<128x64xi32, #tpu.memory_space<vmem>>, vector<16xi32>,
      %swap3A_115 = arith.index_cast %add3A_98 : i32 to index
      %swap3A_116 = arith.constant 16 : index
      %swap3A_117 = tpu.vector_load %arg15[%swap3A_115, %swap3A_116] {strides = array<i32>} : memref<64x128xi32, #tpu.memory_space<vmem>>, vector<16xi32>,
      tpu.vector_store %arg15[%swap3A_115, %swap3A_116], %get3A_114 {strides = array<i32>} : memref<64x128xi32, #tpu.memory_space<vmem>>, vector<16xi32>,
      %mul3A_118 = arith.constant 2 : i32
      %mul3A_119 = arith.muli %add3A_98, %mul3A_118 : i32
      %add3A_120 = arith.constant 0 : i32
      %add3A_121 = arith.addi %mul3A_119, %add3A_120 : i32
      %get3A_122 = arith.index_cast %add3A_121 : i32 to index
      %get3A_123 = arith.constant 32 : index
      %get3A_124 = tpu.vector_load %arg14[%get3A_122, %get3A_123] {strides = array<i32>} : memref<128x64xi32, #tpu.memory_space<vmem>>, vector<16xi32>,
      %swap3A_125 = arith.index_cast %add3A_98 : i32 to index
      %swap3A_126 = arith.constant 32 : index
      %swap3A_127 = tpu.vector_load %arg15[%swap3A_125, %swap3A_126] {strides = array<i32>} : memref<64x128xi32, #tpu.memory_space<vmem>>, vector<16xi32>,
      tpu.vector_store %arg15[%swap3A_125, %swap3A_126], %get3A_124 {strides = array<i32>} : memref<64x128xi32, #tpu.memory_space<vmem>>, vector<16xi32>,
      %mul3A_128 = arith.constant 2 : i32
      %mul3A_129 = arith.muli %add3A_98, %mul3A_128 : i32
      %add3A_130 = arith.constant 0 : i32
      %add3A_131 = arith.addi %mul3A_129, %add3A_130 : i32
      %get3A_132 = arith.index_cast %add3A_131 : i32 to index
      %get3A_133 = arith.constant 48 : index
      %get3A_134 = tpu.vector_load %arg14[%get3A_132, %get3A_133] {strides = array<i32>} : memref<128x64xi32, #tpu.memory_space<vmem>>, vector<16xi32>,
      %swap3A_135 = arith.index_cast %add3A_98 : i32 to index
      %swap3A_136 = arith.constant 48 : index
      %swap3A_137 = tpu.vector_load %arg15[%swap3A_135, %swap3A_136] {strides = array<i32>} : memref<64x128xi32, #tpu.memory_space<vmem>>, vector<16xi32>,
      tpu.vector_store %arg15[%swap3A_135, %swap3A_136], %get3A_134 {strides = array<i32>} : memref<64x128xi32, #tpu.memory_space<vmem>>, vector<16xi32>,
      %mul3A_138 = arith.constant 2 : i32
      %mul3A_139 = arith.muli %add3A_98, %mul3A_138 : i32
      %add3A_140 = arith.constant 1 : i32
      %add3A_141 = arith.addi %mul3A_139, %add3A_140 : i32
      %get3A_142 = arith.index_cast %add3A_141 : i32 to index
      %get3A_143 = arith.constant 0 : index
      %get3A_144 = tpu.vector_load %arg14[%get3A_142, %get3A_143] {strides = array<i32>} : memref<128x64xi32, #tpu.memory_space<vmem>>, vector<16xi32>,
      %swap3A_145 = arith.index_cast %add3A_98 : i32 to index
      %swap3A_146 = arith.constant 64 : index
      %swap3A_147 = tpu.vector_load %arg15[%swap3A_145, %swap3A_146] {strides = array<i32>} : memref<64x128xi32, #tpu.memory_space<vmem>>, vector<16xi32>,
      tpu.vector_store %arg15[%swap3A_145, %swap3A_146], %get3A_144 {strides = array<i32>} : memref<64x128xi32, #tpu.memory_space<vmem>>, vector<16xi32>,
      %mul3A_148 = arith.constant 2 : i32
      %mul3A_149 = arith.muli %add3A_98, %mul3A_148 : i32
      %add3A_150 = arith.constant 1 : i32
      %add3A_151 = arith.addi %mul3A_149, %add3A_150 : i32
      %get3A_152 = arith.index_cast %add3A_151 : i32 to index
      %get3A_153 = arith.constant 16 : index
      %get3A_154 = tpu.vector_load %arg14[%get3A_152, %get3A_153] {strides = array<i32>} : memref<128x64xi32, #tpu.memory_space<vmem>>, vector<16xi32>,
      %swap3A_155 = arith.index_cast %add3A_98 : i32 to index
      %swap3A_156 = arith.constant 80 : index
      %swap3A_157 = tpu.vector_load %arg15[%swap3A_155, %swap3A_156] {strides = array<i32>} : memref<64x128xi32, #tpu.memory_space<vmem>>, vector<16xi32>,
      tpu.vector_store %arg15[%swap3A_155, %swap3A_156], %get3A_154 {strides = array<i32>} : memref<64x128xi32, #tpu.memory_space<vmem>>, vector<16xi32>,
      %mul3A_158 = arith.constant 2 : i32
      %mul3A_159 = arith.muli %add3A_98, %mul3A_158 : i32
      %add3A_160 = arith.constant 1 : i32
      %add3A_161 = arith.addi %mul3A_159, %add3A_160 : i32
      %get3A_162 = arith.index_cast %add3A_161 : i32 to index
      %get3A_163 = arith.constant 32 : index
      %get3A_164 = tpu.vector_load %arg14[%get3A_162, %get3A_163] {strides = array<i32>} : memref<128x64xi32, #tpu.memory_space<vmem>>, vector<16xi32>,
      %swap3A_165 = arith.index_cast %add3A_98 : i32 to index
      %swap3A_166 = arith.constant 96 : index
      %swap3A_167 = tpu.vector_load %arg15[%swap3A_165, %swap3A_166] {strides = array<i32>} : memref<64x128xi32, #tpu.memory_space<vmem>>, vector<16xi32>,
      tpu.vector_store %arg15[%swap3A_165, %swap3A_166], %get3A_164 {strides = array<i32>} : memref<64x128xi32, #tpu.memory_space<vmem>>, vector<16xi32>,
      %mul3A_168 = arith.constant 2 : i32
      %mul3A_169 = arith.muli %add3A_98, %mul3A_168 : i32
      %add3A_170 = arith.constant 1 : i32
      %add3A_171 = arith.addi %mul3A_169, %add3A_170 : i32
      %get3A_172 = arith.index_cast %add3A_171 : i32 to index
      %get3A_173 = arith.constant 48 : index
      %get3A_174 = tpu.vector_load %arg14[%get3A_172, %get3A_173] {strides = array<i32>} : memref<128x64xi32, #tpu.memory_space<vmem>>, vector<16xi32>,
      %swap3A_175 = arith.index_cast %add3A_98 : i32 to index
      %swap3A_176 = arith.constant 112 : index
      %swap3A_177 = tpu.vector_load %arg15[%swap3A_175, %swap3A_176] {strides = array<i32>} : memref<64x128xi32, #tpu.memory_space<vmem>>, vector<16xi32>,
      tpu.vector_store %arg15[%swap3A_175, %swap3A_176], %get3A_174 {strides = array<i32>} : memref<64x128xi32, #tpu.memory_space<vmem>>, vector<16xi32>,
    }
    %scan3A_29 = arith.constant 64 : i32
    %dma_start3A_30 = arith.constant 0 : i32
    %dma_start3A_31 = arith.constant 0 : i32
    %dma_start3A_32 = tpu.memref_slice %arg10[%dma_start3A_30, %dma_start3A_31] : memref<64x128xi32, #tpu.memory_space<vmem>> -> memref<1x128xi32, #tpu.memory_space<vmem>>
    %dma_start3A_33 = tpu.memref_squeeze %dma_start3A_32 : memref<1x128xi32, #tpu.memory_space<vmem>> -> memref<128xi32, #tpu.memory_space<vmem>>
    %dma_start3A_34 = arith.constant 0 : i32
    %dma_start3A_35 = arith.constant 0 : i32
    %dma_start3A_36 = tpu.memref_slice %arg7[%dma_start3A_34, %dma_start3A_35] : memref<100000x64xf32, #tpu.memory_space<hbm>> -> memref<100000x64xf32, #tpu.memory_space<hbm>>
    tpu.enqueue_indirect_dma source(%dma_start3A_36 : memref<100000x64xf32, #tpu.memory_space<hbm>>) target(%arg20 : memref<128x64xf32, #tpu.memory_space<vmem>>) offsets(%dma_start3A_33 : memref<128xi32, #tpu.memory_space<vmem>>) semaphore(%arg26 : memref<!tpu.dma_semaphore, #tpu.memory_space<semaphore_mem>>)
    %dma_start3A_37 = arith.constant 1 : i32
    %dma_start3A_38 = arith.constant 0 : i32
    %dma_start3A_39 = tpu.memref_slice %arg10[%dma_start3A_37, %dma_start3A_38] : memref<64x128xi32, #tpu.memory_space<vmem>> -> memref<1x128xi32, #tpu.memory_space<vmem>>
    %dma_start3A_40 = tpu.memref_squeeze %dma_start3A_39 : memref<1x128xi32, #tpu.memory_space<vmem>> -> memref<128xi32, #tpu.memory_space<vmem>>
    %dma_start3A_41 = arith.constant 0 : i32
    %dma_start3A_42 = arith.constant 0 : i32
    %dma_start3A_43 = tpu.memref_slice %arg7[%dma_start3A_41, %dma_start3A_42] : memref<100000x64xf32, #tpu.memory_space<hbm>> -> memref<100000x64xf32, #tpu.memory_space<hbm>>
    tpu.enqueue_indirect_dma source(%dma_start3A_43 : memref<100000x64xf32, #tpu.memory_space<hbm>>) target(%arg21 : memref<128x64xf32, #tpu.memory_space<vmem>>) offsets(%dma_start3A_40 : memref<128xi32, #tpu.memory_space<vmem>>) semaphore(%arg27 : memref<!tpu.dma_semaphore, #tpu.memory_space<semaphore_mem>>)
    %dma_start3A_44 = arith.constant 2 : i32
    %dma_start3A_45 = arith.constant 0 : i32
    %dma_start3A_46 = tpu.memref_slice %arg10[%dma_start3A_44, %dma_start3A_45] : memref<64x128xi32, #tpu.memory_space<vmem>> -> memref<1x128xi32, #tpu.memory_space<vmem>>
    %dma_start3A_47 = tpu.memref_squeeze %dma_start3A_46 : memref<1x128xi32, #tpu.memory_space<vmem>> -> memref<128xi32, #tpu.memory_space<vmem>>
    %dma_start3A_48 = arith.constant 0 : i32
    %dma_start3A_49 = arith.constant 0 : i32
    %dma_start3A_50 = tpu.memref_slice %arg7[%dma_start3A_48, %dma_start3A_49] : memref<100000x64xf32, #tpu.memory_space<hbm>> -> memref<100000x64xf32, #tpu.memory_space<hbm>>
    tpu.enqueue_indirect_dma source(%dma_start3A_50 : memref<100000x64xf32, #tpu.memory_space<hbm>>) target(%arg22 : memref<128x64xf32, #tpu.memory_space<vmem>>) offsets(%dma_start3A_47 : memref<128xi32, #tpu.memory_space<vmem>>) semaphore(%arg28 : memref<!tpu.dma_semaphore, #tpu.memory_space<semaphore_mem>>)
    %scan3A_51 = arith.constant 0 : i32
    %scan3A_52 = arith.constant 16 : i32
    %scan3A_53 = arith.addi %scan3A_51, %scan3A_52 : i32
    %scan3A_54 = arith.constant 1 : i32
    scf.for %scan3A_94 = %scan3A_51 to %scan3A_53 step %scan3A_54  : i32 {
      %mul3A_95 = arith.constant 4 : i32
      %mul3A_96 = arith.muli %scan3A_94, %mul3A_95 : i32
      %add3A_97 = arith.constant 0 : i32
      %add3A_98 = arith.addi %add3A_97, %mul3A_96 : i32
      %add3A_99 = arith.constant 0 : i32
      %add3A_100 = arith.addi %add3A_98, %add3A_99 : i32
      %add3A_101 = arith.constant 4 : i32
      %add3A_102 = arith.addi %add3A_100, %add3A_101 : i32
      %sub3A = arith.constant 1 : i32
      %sub3A_103 = arith.subi %add3A_102, %sub3A : i32
      %lt3A = arith.constant 64 : i32
      %lt3A_104 = arith.cmpi slt, %sub3A_103, %lt3A : i32
      %convert_element_type3A = arith.extui %lt3A_104 : i1 to i32
      %cond3A = arith.constant 0 : i32
      %cond3A_105 = arith.cmpi ne, %convert_element_type3A, %cond3A : i32
      scf.if %cond3A_105 {
        %add3A_183 = arith.constant 4 : i32
        %add3A_184 = arith.addi %add3A_100, %add3A_183 : i32
        %sub3A_185 = arith.constant 1 : i32
        %sub3A_186 = arith.subi %add3A_184, %sub3A_185 : i32
        %dma_start3A_187 = arith.constant 0 : i32
        %dma_start3A_188 = tpu.memref_slice %arg10[%sub3A_186, %dma_start3A_187] : memref<64x128xi32, #tpu.memory_space<vmem>> -> memref<1x128xi32, #tpu.memory_space<vmem>>
        %dma_start3A_189 = tpu.memref_squeeze %dma_start3A_188 : memref<1x128xi32, #tpu.memory_space<vmem>> -> memref<128xi32, #tpu.memory_space<vmem>>
        %dma_start3A_190 = arith.constant 0 : i32
        %dma_start3A_191 = arith.constant 0 : i32
        %dma_start3A_192 = tpu.memref_slice %arg7[%dma_start3A_190, %dma_start3A_191] : memref<100000x64xf32, #tpu.memory_space<hbm>> -> memref<100000x64xf32, #tpu.memory_space<hbm>>
        tpu.enqueue_indirect_dma source(%dma_start3A_192 : memref<100000x64xf32, #tpu.memory_space<hbm>>) target(%arg23 : memref<128x64xf32, #tpu.memory_space<vmem>>) offsets(%dma_start3A_189 : memref<128xi32, #tpu.memory_space<vmem>>) semaphore(%arg29 : memref<!tpu.dma_semaphore, #tpu.memory_space<semaphore_mem>>)
      } else {
      }
      %dma_wait3A_106 = arith.constant 0 : i32
      %dma_wait3A_107 = tpu.memref_slice %arg10[%add3A_100, %dma_wait3A_106] : memref<64x128xi32, #tpu.memory_space<vmem>> -> memref<1x128xi32, #tpu.memory_space<vmem>>
      %dma_wait3A_108 = tpu.memref_squeeze %dma_wait3A_107 : memref<1x128xi32, #tpu.memory_space<vmem>> -> memref<128xi32, #tpu.memory_space<vmem>>
      %dma_wait3A_109 = arith.constant 0 : i32
      %dma_wait3A_110 = arith.constant 0 : i32
      %dma_wait3A_111 = tpu.memref_slice %arg7[%dma_wait3A_109, %dma_wait3A_110] : memref<100000x64xf32, #tpu.memory_space<hbm>> -> memref<100000x64xf32, #tpu.memory_space<hbm>>
      tpu.wait_indirect_dma semaphore(%arg26 : memref<!tpu.dma_semaphore, #tpu.memory_space<semaphore_mem>>) src(%dma_wait3A_111 : memref<100000x64xf32, #tpu.memory_space<hbm>>) dst(%arg20 : memref<128x64xf32, #tpu.memory_space<vmem>>)
      %scan3A_112 = arith.constant 0 : i32
      %scan3A_113 = arith.constant 2 : i32
      %scan3A_114 = arith.addi %scan3A_112, %scan3A_113 : i32
      %scan3A_115 = arith.constant 1 : i32
      scf.for %scan3A_183 = %scan3A_112 to %scan3A_114 step %scan3A_115  : i32 {
        %mul3A_184 = arith.constant 1 : i32
        %mul3A_185 = arith.muli %scan3A_183, %mul3A_184 : i32
        %add3A_186 = arith.constant 0 : i32
        %add3A_187 = arith.addi %add3A_186, %mul3A_185 : i32
        %broadcast_in_dim3A_188 = arith.constant 0.000000e+00 : f32
        %broadcast_in_dim3A_189 = vector.broadcast %broadcast_in_dim3A_188 : f32 to vector<16xf32>
        %scan3A_190 = arith.constant 0 : i32
        %scan3A_191 = arith.constant 64 : i32
        %scan3A_192 = arith.addi %scan3A_190, %scan3A_191 : i32
        %scan3A_193 = arith.constant 8 : i32
        %scan3A_194:4 = scf.for %scan3A_242 = %scan3A_190 to %scan3A_192 step %scan3A_193 iter_args(%scan3A_243 = %broadcast_in_dim3A_189, %scan3A_244 = %broadcast_in_dim3A_189, %scan3A_245 = %broadcast_in_dim3A_189, %scan3A_246 = %broadcast_in_dim3A_189) -> (vector<16xf32>, vector<16xf32>, vector<16xf32>, vector<16xf32>)  : i32 {
          %mul3A_247 = arith.constant 1 : i32
          %mul3A_248 = arith.muli %scan3A_242, %mul3A_247 : i32
          %add3A_249 = arith.constant 0 : i32
          %add3A_250 = arith.addi %add3A_249, %mul3A_248 : i32
          %mul3A_251 = arith.constant 64 : i32
          %mul3A_252 = arith.muli %add3A_187, %mul3A_251 : i32
          %add3A_253 = arith.addi %mul3A_252, %add3A_250 : i32
          %get3A_254 = arith.index_cast %add3A_253 : i32 to index
          %get3A_255 = arith.constant 0 : index
          %get3A_256 = tpu.vector_load %arg20[%get3A_254, %get3A_255] {strides = array<i32>} : memref<128x64xf32, #tpu.memory_space<vmem>>, vector<16xf32>,
          %add3A_257 = arith.addf %scan3A_243, %get3A_256 : vector<16xf32>
          %get3A_258 = arith.index_cast %add3A_253 : i32 to index
          %get3A_259 = arith.constant 16 : index
          %get3A_260 = tpu.vector_load %arg20[%get3A_258, %get3A_259] {strides = array<i32>} : memref<128x64xf32, #tpu.memory_space<vmem>>, vector<16xf32>,
          %add3A_261 = arith.addf %scan3A_244, %get3A_260 : vector<16xf32>
          %get3A_262 = arith.index_cast %add3A_253 : i32 to index
          %get3A_263 = arith.constant 32 : index
          %get3A_264 = tpu.vector_load %arg20[%get3A_262, %get3A_263] {strides = array<i32>} : memref<128x64xf32, #tpu.memory_space<vmem>>, vector<16xf32>,
          %add3A_265 = arith.addf %scan3A_245, %get3A_264 : vector<16xf32>
          %get3A_266 = arith.index_cast %add3A_253 : i32 to index
          %get3A_267 = arith.constant 48 : index
          %get3A_268 = tpu.vector_load %arg20[%get3A_266, %get3A_267] {strides = array<i32>} : memref<128x64xf32, #tpu.memory_space<vmem>>, vector<16xf32>,
          %add3A_269 = arith.addf %scan3A_246, %get3A_268 : vector<16xf32>
          %scan3A_270 = arith.constant 1 : i32
          %scan3A_271 = arith.addi %scan3A_242, %scan3A_270 : i32
          %mul3A_272 = arith.constant 1 : i32
          %mul3A_273 = arith.muli %scan3A_271, %mul3A_272 : i32
          %add3A_274 = arith.constant 0 : i32
          %add3A_275 = arith.addi %add3A_274, %mul3A_273 : i32
          %mul3A_276 = arith.constant 64 : i32
          %mul3A_277 = arith.muli %add3A_187, %mul3A_276 : i32
          %add3A_278 = arith.addi %mul3A_277, %add3A_275 : i32
          %get3A_279 = arith.index_cast %add3A_278 : i32 to index
          %get3A_280 = arith.constant 0 : index
          %get3A_281 = tpu.vector_load %arg20[%get3A_279, %get3A_280] {strides = array<i32>} : memref<128x64xf32, #tpu.memory_space<vmem>>, vector<16xf32>,
          %add3A_282 = arith.addf %add3A_257, %get3A_281 : vector<16xf32>
          %get3A_283 = arith.index_cast %add3A_278 : i32 to index
          %get3A_284 = arith.constant 16 : index
          %get3A_285 = tpu.vector_load %arg20[%get3A_283, %get3A_284] {strides = array<i32>} : memref<128x64xf32, #tpu.memory_space<vmem>>, vector<16xf32>,
          %add3A_286 = arith.addf %add3A_261, %get3A_285 : vector<16xf32>
          %get3A_287 = arith.index_cast %add3A_278 : i32 to index
          %get3A_288 = arith.constant 32 : index
          %get3A_289 = tpu.vector_load %arg20[%get3A_287, %get3A_288] {strides = array<i32>} : memref<128x64xf32, #tpu.memory_space<vmem>>, vector<16xf32>,
          %add3A_290 = arith.addf %add3A_265, %get3A_289 : vector<16xf32>
          %get3A_291 = arith.index_cast %add3A_278 : i32 to index
          %get3A_292 = arith.constant 48 : index
          %get3A_293 = tpu.vector_load %arg20[%get3A_291, %get3A_292] {strides = array<i32>} : memref<128x64xf32, #tpu.memory_space<vmem>>, vector<16xf32>,
          %add3A_294 = arith.addf %add3A_269, %get3A_293 : vector<16xf32>
          %scan3A_295 = arith.constant 2 : i32
          %scan3A_296 = arith.addi %scan3A_242, %scan3A_295 : i32
          %mul3A_297 = arith.constant 1 : i32
          %mul3A_298 = arith.muli %scan3A_296, %mul3A_297 : i32
          %add3A_299 = arith.constant 0 : i32
          %add3A_300 = arith.addi %add3A_299, %mul3A_298 : i32
          %mul3A_301 = arith.constant 64 : i32
          %mul3A_302 = arith.muli %add3A_187, %mul3A_301 : i32
          %add3A_303 = arith.addi %mul3A_302, %add3A_300 : i32
          %get3A_304 = arith.index_cast %add3A_303 : i32 to index
          %get3A_305 = arith.constant 0 : index
          %get3A_306 = tpu.vector_load %arg20[%get3A_304, %get3A_305] {strides = array<i32>} : memref<128x64xf32, #tpu.memory_space<vmem>>, vector<16xf32>,
          %add3A_307 = arith.addf %add3A_282, %get3A_306 : vector<16xf32>
          %get3A_308 = arith.index_cast %add3A_303 : i32 to index
          %get3A_309 = arith.constant 16 : index
          %get3A_310 = tpu.vector_load %arg20[%get3A_308, %get3A_309] {strides = array<i32>} : memref<128x64xf32, #tpu.memory_space<vmem>>, vector<16xf32>,
          %add3A_311 = arith.addf %add3A_286, %get3A_310 : vector<16xf32>
          %get3A_312 = arith.index_cast %add3A_303 : i32 to index
          %get3A_313 = arith.constant 32 : index
          %get3A_314 = tpu.vector_load %arg20[%get3A_312, %get3A_313] {strides = array<i32>} : memref<128x64xf32, #tpu.memory_space<vmem>>, vector<16xf32>,
          %add3A_315 = arith.addf %add3A_290, %get3A_314 : vector<16xf32>
          %get3A_316 = arith.index_cast %add3A_303 : i32 to index
          %get3A_317 = arith.constant 48 : index
          %get3A_318 = tpu.vector_load %arg20[%get3A_316, %get3A_317] {strides = array<i32>} : memref<128x64xf32, #tpu.memory_space<vmem>>, vector<16xf32>,
          %add3A_319 = arith.addf %add3A_294, %get3A_318 : vector<16xf32>
          %scan3A_320 = arith.constant 3 : i32
          %scan3A_321 = arith.addi %scan3A_242, %scan3A_320 : i32
          %mul3A_322 = arith.constant 1 : i32
          %mul3A_323 = arith.muli %scan3A_321, %mul3A_322 : i32
          %add3A_324 = arith.constant 0 : i32
          %add3A_325 = arith.addi %add3A_324, %mul3A_323 : i32
          %mul3A_326 = arith.constant 64 : i32
          %mul3A_327 = arith.muli %add3A_187, %mul3A_326 : i32
          %add3A_328 = arith.addi %mul3A_327, %add3A_325 : i32
          %get3A_329 = arith.index_cast %add3A_328 : i32 to index
          %get3A_330 = arith.constant 0 : index
          %get3A_331 = tpu.vector_load %arg20[%get3A_329, %get3A_330] {strides = array<i32>} : memref<128x64xf32, #tpu.memory_space<vmem>>, vector<16xf32>,
          %add3A_332 = arith.addf %add3A_307, %get3A_331 : vector<16xf32>
          %get3A_333 = arith.index_cast %add3A_328 : i32 to index
          %get3A_334 = arith.constant 16 : index
          %get3A_335 = tpu.vector_load %arg20[%get3A_333, %get3A_334] {strides = array<i32>} : memref<128x64xf32, #tpu.memory_space<vmem>>, vector<16xf32>,
          %add3A_336 = arith.addf %add3A_311, %get3A_335 : vector<16xf32>
          %get3A_337 = arith.index_cast %add3A_328 : i32 to index
          %get3A_338 = arith.constant 32 : index
          %get3A_339 = tpu.vector_load %arg20[%get3A_337, %get3A_338] {strides = array<i32>} : memref<128x64xf32, #tpu.memory_space<vmem>>, vector<16xf32>,
          %add3A_340 = arith.addf %add3A_315, %get3A_339 : vector<16xf32>
          %get3A_341 = arith.index_cast %add3A_328 : i32 to index
          %get3A_342 = arith.constant 48 : index
          %get3A_343 = tpu.vector_load %arg20[%get3A_341, %get3A_342] {strides = array<i32>} : memref<128x64xf32, #tpu.memory_space<vmem>>, vector<16xf32>,
          %add3A_344 = arith.addf %add3A_319, %get3A_343 : vector<16xf32>
          %scan3A_345 = arith.constant 4 : i32
          %scan3A_346 = arith.addi %scan3A_242, %scan3A_345 : i32
          %mul3A_347 = arith.constant 1 : i32
          %mul3A_348 = arith.muli %scan3A_346, %mul3A_347 : i32
          %add3A_349 = arith.constant 0 : i32
          %add3A_350 = arith.addi %add3A_349, %mul3A_348 : i32
          %mul3A_351 = arith.constant 64 : i32
          %mul3A_352 = arith.muli %add3A_187, %mul3A_351 : i32
          %add3A_353 = arith.addi %mul3A_352, %add3A_350 : i32
          %get3A_354 = arith.index_cast %add3A_353 : i32 to index
          %get3A_355 = arith.constant 0 : index
          %get3A_356 = tpu.vector_load %arg20[%get3A_354, %get3A_355] {strides = array<i32>} : memref<128x64xf32, #tpu.memory_space<vmem>>, vector<16xf32>,
          %add3A_357 = arith.addf %add3A_332, %get3A_356 : vector<16xf32>
          %get3A_358 = arith.index_cast %add3A_353 : i32 to index
          %get3A_359 = arith.constant 16 : index
          %get3A_360 = tpu.vector_load %arg20[%get3A_358, %get3A_359] {strides = array<i32>} : memref<128x64xf32, #tpu.memory_space<vmem>>, vector<16xf32>,
          %add3A_361 = arith.addf %add3A_336, %get3A_360 : vector<16xf32>
          %get3A_362 = arith.index_cast %add3A_353 : i32 to index
          %get3A_363 = arith.constant 32 : index
          %get3A_364 = tpu.vector_load %arg20[%get3A_362, %get3A_363] {strides = array<i32>} : memref<128x64xf32, #tpu.memory_space<vmem>>, vector<16xf32>,
          %add3A_365 = arith.addf %add3A_340, %get3A_364 : vector<16xf32>
          %get3A_366 = arith.index_cast %add3A_353 : i32 to index
          %get3A_367 = arith.constant 48 : index
          %get3A_368 = tpu.vector_load %arg20[%get3A_366, %get3A_367] {strides = array<i32>} : memref<128x64xf32, #tpu.memory_space<vmem>>, vector<16xf32>,
          %add3A_369 = arith.addf %add3A_344, %get3A_368 : vector<16xf32>
          %scan3A_370 = arith.constant 5 : i32
          %scan3A_371 = arith.addi %scan3A_242, %scan3A_370 : i32
          %mul3A_372 = arith.constant 1 : i32
          %mul3A_373 = arith.muli %scan3A_371, %mul3A_372 : i32
          %add3A_374 = arith.constant 0 : i32
          %add3A_375 = arith.addi %add3A_374, %mul3A_373 : i32
          %mul3A_376 = arith.constant 64 : i32
          %mul3A_377 = arith.muli %add3A_187, %mul3A_376 : i32
          %add3A_378 = arith.addi %mul3A_377, %add3A_375 : i32
          %get3A_379 = arith.index_cast %add3A_378 : i32 to index
          %get3A_380 = arith.constant 0 : index
          %get3A_381 = tpu.vector_load %arg20[%get3A_379, %get3A_380] {strides = array<i32>} : memref<128x64xf32, #tpu.memory_space<vmem>>, vector<16xf32>,
          %add3A_382 = arith.addf %add3A_357, %get3A_381 : vector<16xf32>
          %get3A_383 = arith.index_cast %add3A_378 : i32 to index
          %get3A_384 = arith.constant 16 : index
          %get3A_385 = tpu.vector_load %arg20[%get3A_383, %get3A_384] {strides = array<i32>} : memref<128x64xf32, #tpu.memory_space<vmem>>, vector<16xf32>,
          %add3A_386 = arith.addf %add3A_361, %get3A_385 : vector<16xf32>
          %get3A_387 = arith.index_cast %add3A_378 : i32 to index
          %get3A_388 = arith.constant 32 : index
          %get3A_389 = tpu.vector_load %arg20[%get3A_387, %get3A_388] {strides = array<i32>} : memref<128x64xf32, #tpu.memory_space<vmem>>, vector<16xf32>,
          %add3A_390 = arith.addf %add3A_365, %get3A_389 : vector<16xf32>
          %get3A_391 = arith.index_cast %add3A_378 : i32 to index
          %get3A_392 = arith.constant 48 : index
          %get3A_393 = tpu.vector_load %arg20[%get3A_391, %get3A_392] {strides = array<i32>} : memref<128x64xf32, #tpu.memory_space<vmem>>, vector<16xf32>,
          %add3A_394 = arith.addf %add3A_369, %get3A_393 : vector<16xf32>
          %scan3A_395 = arith.constant 6 : i32
          %scan3A_396 = arith.addi %scan3A_242, %scan3A_395 : i32
          %mul3A_397 = arith.constant 1 : i32
          %mul3A_398 = arith.muli %scan3A_396, %mul3A_397 : i32
          %add3A_399 = arith.constant 0 : i32
          %add3A_400 = arith.addi %add3A_399, %mul3A_398 : i32
          %mul3A_401 = arith.constant 64 : i32
          %mul3A_402 = arith.muli %add3A_187, %mul3A_401 : i32
          %add3A_403 = arith.addi %mul3A_402, %add3A_400 : i32
          %get3A_404 = arith.index_cast %add3A_403 : i32 to index
          %get3A_405 = arith.constant 0 : index
          %get3A_406 = tpu.vector_load %arg20[%get3A_404, %get3A_405] {strides = array<i32>} : memref<128x64xf32, #tpu.memory_space<vmem>>, vector<16xf32>,
          %add3A_407 = arith.addf %add3A_382, %get3A_406 : vector<16xf32>
          %get3A_408 = arith.index_cast %add3A_403 : i32 to index
          %get3A_409 = arith.constant 16 : index
          %get3A_410 = tpu.vector_load %arg20[%get3A_408, %get3A_409] {strides = array<i32>} : memref<128x64xf32, #tpu.memory_space<vmem>>, vector<16xf32>,
          %add3A_411 = arith.addf %add3A_386, %get3A_410 : vector<16xf32>
          %get3A_412 = arith.index_cast %add3A_403 : i32 to index
          %get3A_413 = arith.constant 32 : index
          %get3A_414 = tpu.vector_load %arg20[%get3A_412, %get3A_413] {strides = array<i32>} : memref<128x64xf32, #tpu.memory_space<vmem>>, vector<16xf32>,
          %add3A_415 = arith.addf %add3A_390, %get3A_414 : vector<16xf32>
          %get3A_416 = arith.index_cast %add3A_403 : i32 to index
          %get3A_417 = arith.constant 48 : index
          %get3A_418 = tpu.vector_load %arg20[%get3A_416, %get3A_417] {strides = array<i32>} : memref<128x64xf32, #tpu.memory_space<vmem>>, vector<16xf32>,
          %add3A_419 = arith.addf %add3A_394, %get3A_418 : vector<16xf32>
          %scan3A_420 = arith.constant 7 : i32
          %scan3A_421 = arith.addi %scan3A_242, %scan3A_420 : i32
          %mul3A_422 = arith.constant 1 : i32
          %mul3A_423 = arith.muli %scan3A_421, %mul3A_422 : i32
          %add3A_424 = arith.constant 0 : i32
          %add3A_425 = arith.addi %add3A_424, %mul3A_423 : i32
          %mul3A_426 = arith.constant 64 : i32
          %mul3A_427 = arith.muli %add3A_187, %mul3A_426 : i32
          %add3A_428 = arith.addi %mul3A_427, %add3A_425 : i32
          %get3A_429 = arith.index_cast %add3A_428 : i32 to index
          %get3A_430 = arith.constant 0 : index
          %get3A_431 = tpu.vector_load %arg20[%get3A_429, %get3A_430] {strides = array<i32>} : memref<128x64xf32, #tpu.memory_space<vmem>>, vector<16xf32>,
          %add3A_432 = arith.addf %add3A_407, %get3A_431 : vector<16xf32>
          %get3A_433 = arith.index_cast %add3A_428 : i32 to index
          %get3A_434 = arith.constant 16 : index
          %get3A_435 = tpu.vector_load %arg20[%get3A_433, %get3A_434] {strides = array<i32>} : memref<128x64xf32, #tpu.memory_space<vmem>>, vector<16xf32>,
          %add3A_436 = arith.addf %add3A_411, %get3A_435 : vector<16xf32>
          %get3A_437 = arith.index_cast %add3A_428 : i32 to index
          %get3A_438 = arith.constant 32 : index
          %get3A_439 = tpu.vector_load %arg20[%get3A_437, %get3A_438] {strides = array<i32>} : memref<128x64xf32, #tpu.memory_space<vmem>>, vector<16xf32>,
          %add3A_440 = arith.addf %add3A_415, %get3A_439 : vector<16xf32>
          %get3A_441 = arith.index_cast %add3A_428 : i32 to index
          %get3A_442 = arith.constant 48 : index
          %get3A_443 = tpu.vector_load %arg20[%get3A_441, %get3A_442] {strides = array<i32>} : memref<128x64xf32, #tpu.memory_space<vmem>>, vector<16xf32>,
          %add3A_444 = arith.addf %add3A_419, %get3A_443 : vector<16xf32>
          scf.yield %add3A_432, %add3A_436, %add3A_440, %add3A_444 : vector<16xf32>, vector<16xf32>, vector<16xf32>, vector<16xf32>
        }
        %scan3A_195 = arith.constant 64 : i32
        %mul3A_196 = arith.constant 2 : i32
        %mul3A_197 = arith.muli %add3A_100, %mul3A_196 : i32
        %add3A_198 = arith.addi %mul3A_197, %add3A_187 : i32
        %mul3A_199 = arith.constant 64 : i32
        %mul3A_200 = arith.muli %add3A_187, %mul3A_199 : i32
        %add3A_201 = arith.constant 49 : i32
        %add3A_202 = arith.addi %mul3A_200, %add3A_201 : i32
        %get3A = arith.index_cast %add3A_202 : i32 to index
        %get3A_203 = arith.constant 0 : index
        %get3A_204 = tpu.vector_load %arg20[%get3A, %get3A_203] {strides = array<i32>} : memref<128x64xf32, #tpu.memory_space<vmem>>, vector<16xf32>,
        %mul3A_205 = arith.constant 1.400000e+01 : f32
        %mul3A_206 = vector.broadcast %mul3A_205 : f32 to vector<16xf32>
        %mul3A_207 = arith.mulf %mul3A_206, %get3A_204 : vector<16xf32>
        %sub3A_208 = arith.subf %scan3A_194#0, %mul3A_207 : vector<16xf32>
        %get3A_209 = arith.index_cast %add3A_202 : i32 to index
        %get3A_210 = arith.constant 16 : index
        %get3A_211 = tpu.vector_load %arg20[%get3A_209, %get3A_210] {strides = array<i32>} : memref<128x64xf32, #tpu.memory_space<vmem>>, vector<16xf32>,
        %mul3A_212 = arith.constant 1.400000e+01 : f32
        %mul3A_213 = vector.broadcast %mul3A_212 : f32 to vector<16xf32>
        %mul3A_214 = arith.mulf %mul3A_213, %get3A_211 : vector<16xf32>
        %sub3A_215 = arith.subf %scan3A_194#1, %mul3A_214 : vector<16xf32>
        %get3A_216 = arith.index_cast %add3A_202 : i32 to index
        %get3A_217 = arith.constant 32 : index
        %get3A_218 = tpu.vector_load %arg20[%get3A_216, %get3A_217] {strides = array<i32>} : memref<128x64xf32, #tpu.memory_space<vmem>>, vector<16xf32>,
        %mul3A_219 = arith.constant 1.400000e+01 : f32
        %mul3A_220 = vector.broadcast %mul3A_219 : f32 to vector<16xf32>
        %mul3A_221 = arith.mulf %mul3A_220, %get3A_218 : vector<16xf32>
        %sub3A_222 = arith.subf %scan3A_194#2, %mul3A_221 : vector<16xf32>
        %get3A_223 = arith.index_cast %add3A_202 : i32 to index
        %get3A_224 = arith.constant 48 : index
        %get3A_225 = tpu.vector_load %arg20[%get3A_223, %get3A_224] {strides = array<i32>} : memref<128x64xf32, #tpu.memory_space<vmem>>, vector<16xf32>,
        %mul3A_226 = arith.constant 1.400000e+01 : f32
        %mul3A_227 = vector.broadcast %mul3A_226 : f32 to vector<16xf32>
        %mul3A_228 = arith.mulf %mul3A_227, %get3A_225 : vector<16xf32>
        %sub3A_229 = arith.subf %scan3A_194#3, %mul3A_228 : vector<16xf32>
        %swap3A_230 = arith.index_cast %add3A_198 : i32 to index
        %swap3A_231 = arith.constant 0 : index
        %swap3A_232 = tpu.vector_load %arg18[%swap3A_230, %swap3A_231] {strides = array<i32>} : memref<128x64xf32, #tpu.memory_space<vmem>>, vector<16xf32>,
        tpu.vector_store %arg18[%swap3A_230, %swap3A_231], %sub3A_208 {strides = array<i32>} : memref<128x64xf32, #tpu.memory_space<vmem>>, vector<16xf32>,
        %swap3A_233 = arith.index_cast %add3A_198 : i32 to index
        %swap3A_234 = arith.constant 16 : index
        %swap3A_235 = tpu.vector_load %arg18[%swap3A_233, %swap3A_234] {strides = array<i32>} : memref<128x64xf32, #tpu.memory_space<vmem>>, vector<16xf32>,
        tpu.vector_store %arg18[%swap3A_233, %swap3A_234], %sub3A_215 {strides = array<i32>} : memref<128x64xf32, #tpu.memory_space<vmem>>, vector<16xf32>,
        %swap3A_236 = arith.index_cast %add3A_198 : i32 to index
        %swap3A_237 = arith.constant 32 : index
        %swap3A_238 = tpu.vector_load %arg18[%swap3A_236, %swap3A_237] {strides = array<i32>} : memref<128x64xf32, #tpu.memory_space<vmem>>, vector<16xf32>,
        tpu.vector_store %arg18[%swap3A_236, %swap3A_237], %sub3A_222 {strides = array<i32>} : memref<128x64xf32, #tpu.memory_space<vmem>>, vector<16xf32>,
        %swap3A_239 = arith.index_cast %add3A_198 : i32 to index
        %swap3A_240 = arith.constant 48 : index
        %swap3A_241 = tpu.vector_load %arg18[%swap3A_239, %swap3A_240] {strides = array<i32>} : memref<128x64xf32, #tpu.memory_space<vmem>>, vector<16xf32>,
        tpu.vector_store %arg18[%swap3A_239, %swap3A_240], %sub3A_229 {strides = array<i32>} : memref<128x64xf32, #tpu.memory_space<vmem>>, vector<16xf32>,
      }
      %scan3A_116 = arith.constant 2 : i32
      %add3A_117 = arith.constant 1 : i32
      %add3A_118 = arith.addi %add3A_98, %add3A_117 : i32
      %add3A_119 = arith.constant 4 : i32
      %add3A_120 = arith.addi %add3A_118, %add3A_119 : i32
      %sub3A_121 = arith.constant 1 : i32
      %sub3A_122 = arith.subi %add3A_120, %sub3A_121 : i32
      %lt3A_123 = arith.constant 64 : i32
      %lt3A_124 = arith.cmpi slt, %sub3A_122, %lt3A_123 : i32
      %convert_element_type3A_125 = arith.extui %lt3A_124 : i1 to i32
      %cond3A_126 = arith.constant 0 : i32
      %cond3A_127 = arith.cmpi ne, %convert_element_type3A_125, %cond3A_126 : i32
      scf.if %cond3A_127 {
        %add3A_183 = arith.constant 4 : i32
        %add3A_184 = arith.addi %add3A_118, %add3A_183 : i32
        %sub3A_185 = arith.constant 1 : i32
        %sub3A_186 = arith.subi %add3A_184, %sub3A_185 : i32
        %dma_start3A_187 = arith.constant 0 : i32
        %dma_start3A_188 = tpu.memref_slice %arg10[%sub3A_186, %dma_start3A_187] : memref<64x128xi32, #tpu.memory_space<vmem>> -> memref<1x128xi32, #tpu.memory_space<vmem>>
        %dma_start3A_189 = tpu.memref_squeeze %dma_start3A_188 : memref<1x128xi32, #tpu.memory_space<vmem>> -> memref<128xi32, #tpu.memory_space<vmem>>
        %dma_start3A_190 = arith.constant 0 : i32
        %dma_start3A_191 = arith.constant 0 : i32
        %dma_start3A_192 = tpu.memref_slice %arg7[%dma_start3A_190, %dma_start3A_191] : memref<100000x64xf32, #tpu.memory_space<hbm>> -> memref<100000x64xf32, #tpu.memory_space<hbm>>
        tpu.enqueue_indirect_dma source(%dma_start3A_192 : memref<100000x64xf32, #tpu.memory_space<hbm>>) target(%arg20 : memref<128x64xf32, #tpu.memory_space<vmem>>) offsets(%dma_start3A_189 : memref<128xi32, #tpu.memory_space<vmem>>) semaphore(%arg26 : memref<!tpu.dma_semaphore, #tpu.memory_space<semaphore_mem>>)
      } else {
      }
      %dma_wait3A_128 = arith.constant 0 : i32
      %dma_wait3A_129 = tpu.memref_slice %arg10[%add3A_118, %dma_wait3A_128] : memref<64x128xi32, #tpu.memory_space<vmem>> -> memref<1x128xi32, #tpu.memory_space<vmem>>
      %dma_wait3A_130 = tpu.memref_squeeze %dma_wait3A_129 : memref<1x128xi32, #tpu.memory_space<vmem>> -> memref<128xi32, #tpu.memory_space<vmem>>
      %dma_wait3A_131 = arith.constant 0 : i32
      %dma_wait3A_132 = arith.constant 0 : i32
      %dma_wait3A_133 = tpu.memref_slice %arg7[%dma_wait3A_131, %dma_wait3A_132] : memref<100000x64xf32, #tpu.memory_space<hbm>> -> memref<100000x64xf32, #tpu.memory_space<hbm>>
      tpu.wait_indirect_dma semaphore(%arg27 : memref<!tpu.dma_semaphore, #tpu.memory_space<semaphore_mem>>) src(%dma_wait3A_133 : memref<100000x64xf32, #tpu.memory_space<hbm>>) dst(%arg21 : memref<128x64xf32, #tpu.memory_space<vmem>>)
      %scan3A_134 = arith.constant 0 : i32
      %scan3A_135 = arith.constant 2 : i32
      %scan3A_136 = arith.addi %scan3A_134, %scan3A_135 : i32
      %scan3A_137 = arith.constant 1 : i32
      scf.for %scan3A_183 = %scan3A_134 to %scan3A_136 step %scan3A_137  : i32 {
        %mul3A_184 = arith.constant 1 : i32
        %mul3A_185 = arith.muli %scan3A_183, %mul3A_184 : i32
        %add3A_186 = arith.constant 0 : i32
        %add3A_187 = arith.addi %add3A_186, %mul3A_185 : i32
        %broadcast_in_dim3A_188 = arith.constant 0.000000e+00 : f32
        %broadcast_in_dim3A_189 = vector.broadcast %broadcast_in_dim3A_188 : f32 to vector<16xf32>
        %scan3A_190 = arith.constant 0 : i32
        %scan3A_191 = arith.constant 64 : i32
        %scan3A_192 = arith.addi %scan3A_190, %scan3A_191 : i32
        %scan3A_193 = arith.constant 8 : i32
        %scan3A_194:4 = scf.for %scan3A_242 = %scan3A_190 to %scan3A_192 step %scan3A_193 iter_args(%scan3A_243 = %broadcast_in_dim3A_189, %scan3A_244 = %broadcast_in_dim3A_189, %scan3A_245 = %broadcast_in_dim3A_189, %scan3A_246 = %broadcast_in_dim3A_189) -> (vector<16xf32>, vector<16xf32>, vector<16xf32>, vector<16xf32>)  : i32 {
          %mul3A_247 = arith.constant 1 : i32
          %mul3A_248 = arith.muli %scan3A_242, %mul3A_247 : i32
          %add3A_249 = arith.constant 0 : i32
          %add3A_250 = arith.addi %add3A_249, %mul3A_248 : i32
          %mul3A_251 = arith.constant 64 : i32
          %mul3A_252 = arith.muli %add3A_187, %mul3A_251 : i32
          %add3A_253 = arith.addi %mul3A_252, %add3A_250 : i32
          %get3A_254 = arith.index_cast %add3A_253 : i32 to index
          %get3A_255 = arith.constant 0 : index
          %get3A_256 = tpu.vector_load %arg21[%get3A_254, %get3A_255] {strides = array<i32>} : memref<128x64xf32, #tpu.memory_space<vmem>>, vector<16xf32>,
          %add3A_257 = arith.addf %scan3A_243, %get3A_256 : vector<16xf32>
          %get3A_258 = arith.index_cast %add3A_253 : i32 to index
          %get3A_259 = arith.constant 16 : index
          %get3A_260 = tpu.vector_load %arg21[%get3A_258, %get3A_259] {strides = array<i32>} : memref<128x64xf32, #tpu.memory_space<vmem>>, vector<16xf32>,
          %add3A_261 = arith.addf %scan3A_244, %get3A_260 : vector<16xf32>
          %get3A_262 = arith.index_cast %add3A_253 : i32 to index
          %get3A_263 = arith.constant 32 : index
          %get3A_264 = tpu.vector_load %arg21[%get3A_262, %get3A_263] {strides = array<i32>} : memref<128x64xf32, #tpu.memory_space<vmem>>, vector<16xf32>,
          %add3A_265 = arith.addf %scan3A_245, %get3A_264 : vector<16xf32>
          %get3A_266 = arith.index_cast %add3A_253 : i32 to index
          %get3A_267 = arith.constant 48 : index
          %get3A_268 = tpu.vector_load %arg21[%get3A_266, %get3A_267] {strides = array<i32>} : memref<128x64xf32, #tpu.memory_space<vmem>>, vector<16xf32>,
          %add3A_269 = arith.addf %scan3A_246, %get3A_268 : vector<16xf32>
          %scan3A_270 = arith.constant 1 : i32
          %scan3A_271 = arith.addi %scan3A_242, %scan3A_270 : i32
          %mul3A_272 = arith.constant 1 : i32
          %mul3A_273 = arith.muli %scan3A_271, %mul3A_272 : i32
          %add3A_274 = arith.constant 0 : i32
          %add3A_275 = arith.addi %add3A_274, %mul3A_273 : i32
          %mul3A_276 = arith.constant 64 : i32
          %mul3A_277 = arith.muli %add3A_187, %mul3A_276 : i32
          %add3A_278 = arith.addi %mul3A_277, %add3A_275 : i32
          %get3A_279 = arith.index_cast %add3A_278 : i32 to index
          %get3A_280 = arith.constant 0 : index
          %get3A_281 = tpu.vector_load %arg21[%get3A_279, %get3A_280] {strides = array<i32>} : memref<128x64xf32, #tpu.memory_space<vmem>>, vector<16xf32>,
          %add3A_282 = arith.addf %add3A_257, %get3A_281 : vector<16xf32>
          %get3A_283 = arith.index_cast %add3A_278 : i32 to index
          %get3A_284 = arith.constant 16 : index
          %get3A_285 = tpu.vector_load %arg21[%get3A_283, %get3A_284] {strides = array<i32>} : memref<128x64xf32, #tpu.memory_space<vmem>>, vector<16xf32>,
          %add3A_286 = arith.addf %add3A_261, %get3A_285 : vector<16xf32>
          %get3A_287 = arith.index_cast %add3A_278 : i32 to index
          %get3A_288 = arith.constant 32 : index
          %get3A_289 = tpu.vector_load %arg21[%get3A_287, %get3A_288] {strides = array<i32>} : memref<128x64xf32, #tpu.memory_space<vmem>>, vector<16xf32>,
          %add3A_290 = arith.addf %add3A_265, %get3A_289 : vector<16xf32>
          %get3A_291 = arith.index_cast %add3A_278 : i32 to index
          %get3A_292 = arith.constant 48 : index
          %get3A_293 = tpu.vector_load %arg21[%get3A_291, %get3A_292] {strides = array<i32>} : memref<128x64xf32, #tpu.memory_space<vmem>>, vector<16xf32>,
          %add3A_294 = arith.addf %add3A_269, %get3A_293 : vector<16xf32>
          %scan3A_295 = arith.constant 2 : i32
          %scan3A_296 = arith.addi %scan3A_242, %scan3A_295 : i32
          %mul3A_297 = arith.constant 1 : i32
          %mul3A_298 = arith.muli %scan3A_296, %mul3A_297 : i32
          %add3A_299 = arith.constant 0 : i32
          %add3A_300 = arith.addi %add3A_299, %mul3A_298 : i32
          %mul3A_301 = arith.constant 64 : i32
          %mul3A_302 = arith.muli %add3A_187, %mul3A_301 : i32
          %add3A_303 = arith.addi %mul3A_302, %add3A_300 : i32
          %get3A_304 = arith.index_cast %add3A_303 : i32 to index
          %get3A_305 = arith.constant 0 : index
          %get3A_306 = tpu.vector_load %arg21[%get3A_304, %get3A_305] {strides = array<i32>} : memref<128x64xf32, #tpu.memory_space<vmem>>, vector<16xf32>,
          %add3A_307 = arith.addf %add3A_282, %get3A_306 : vector<16xf32>
          %get3A_308 = arith.index_cast %add3A_303 : i32 to index
          %get3A_309 = arith.constant 16 : index
          %get3A_310 = tpu.vector_load %arg21[%get3A_308, %get3A_309] {strides = array<i32>} : memref<128x64xf32, #tpu.memory_space<vmem>>, vector<16xf32>,
          %add3A_311 = arith.addf %add3A_286, %get3A_310 : vector<16xf32>
          %get3A_312 = arith.index_cast %add3A_303 : i32 to index
          %get3A_313 = arith.constant 32 : index
          %get3A_314 = tpu.vector_load %arg21[%get3A_312, %get3A_313] {strides = array<i32>} : memref<128x64xf32, #tpu.memory_space<vmem>>, vector<16xf32>,
          %add3A_315 = arith.addf %add3A_290, %get3A_314 : vector<16xf32>
          %get3A_316 = arith.index_cast %add3A_303 : i32 to index
          %get3A_317 = arith.constant 48 : index
          %get3A_318 = tpu.vector_load %arg21[%get3A_316, %get3A_317] {strides = array<i32>} : memref<128x64xf32, #tpu.memory_space<vmem>>, vector<16xf32>,
          %add3A_319 = arith.addf %add3A_294, %get3A_318 : vector<16xf32>
          %scan3A_320 = arith.constant 3 : i32
          %scan3A_321 = arith.addi %scan3A_242, %scan3A_320 : i32
          %mul3A_322 = arith.constant 1 : i32
          %mul3A_323 = arith.muli %scan3A_321, %mul3A_322 : i32
          %add3A_324 = arith.constant 0 : i32
          %add3A_325 = arith.addi %add3A_324, %mul3A_323 : i32
          %mul3A_326 = arith.constant 64 : i32
          %mul3A_327 = arith.muli %add3A_187, %mul3A_326 : i32
          %add3A_328 = arith.addi %mul3A_327, %add3A_325 : i32
          %get3A_329 = arith.index_cast %add3A_328 : i32 to index
          %get3A_330 = arith.constant 0 : index
          %get3A_331 = tpu.vector_load %arg21[%get3A_329, %get3A_330] {strides = array<i32>} : memref<128x64xf32, #tpu.memory_space<vmem>>, vector<16xf32>,
          %add3A_332 = arith.addf %add3A_307, %get3A_331 : vector<16xf32>
          %get3A_333 = arith.index_cast %add3A_328 : i32 to index
          %get3A_334 = arith.constant 16 : index
          %get3A_335 = tpu.vector_load %arg21[%get3A_333, %get3A_334] {strides = array<i32>} : memref<128x64xf32, #tpu.memory_space<vmem>>, vector<16xf32>,
          %add3A_336 = arith.addf %add3A_311, %get3A_335 : vector<16xf32>
          %get3A_337 = arith.index_cast %add3A_328 : i32 to index
          %get3A_338 = arith.constant 32 : index
          %get3A_339 = tpu.vector_load %arg21[%get3A_337, %get3A_338] {strides = array<i32>} : memref<128x64xf32, #tpu.memory_space<vmem>>, vector<16xf32>,
          %add3A_340 = arith.addf %add3A_315, %get3A_339 : vector<16xf32>
          %get3A_341 = arith.index_cast %add3A_328 : i32 to index
          %get3A_342 = arith.constant 48 : index
          %get3A_343 = tpu.vector_load %arg21[%get3A_341, %get3A_342] {strides = array<i32>} : memref<128x64xf32, #tpu.memory_space<vmem>>, vector<16xf32>,
          %add3A_344 = arith.addf %add3A_319, %get3A_343 : vector<16xf32>
          %scan3A_345 = arith.constant 4 : i32
          %scan3A_346 = arith.addi %scan3A_242, %scan3A_345 : i32
          %mul3A_347 = arith.constant 1 : i32
          %mul3A_348 = arith.muli %scan3A_346, %mul3A_347 : i32
          %add3A_349 = arith.constant 0 : i32
          %add3A_350 = arith.addi %add3A_349, %mul3A_348 : i32
          %mul3A_351 = arith.constant 64 : i32
          %mul3A_352 = arith.muli %add3A_187, %mul3A_351 : i32
          %add3A_353 = arith.addi %mul3A_352, %add3A_350 : i32
          %get3A_354 = arith.index_cast %add3A_353 : i32 to index
          %get3A_355 = arith.constant 0 : index
          %get3A_356 = tpu.vector_load %arg21[%get3A_354, %get3A_355] {strides = array<i32>} : memref<128x64xf32, #tpu.memory_space<vmem>>, vector<16xf32>,
          %add3A_357 = arith.addf %add3A_332, %get3A_356 : vector<16xf32>
          %get3A_358 = arith.index_cast %add3A_353 : i32 to index
          %get3A_359 = arith.constant 16 : index
          %get3A_360 = tpu.vector_load %arg21[%get3A_358, %get3A_359] {strides = array<i32>} : memref<128x64xf32, #tpu.memory_space<vmem>>, vector<16xf32>,
          %add3A_361 = arith.addf %add3A_336, %get3A_360 : vector<16xf32>
          %get3A_362 = arith.index_cast %add3A_353 : i32 to index
          %get3A_363 = arith.constant 32 : index
          %get3A_364 = tpu.vector_load %arg21[%get3A_362, %get3A_363] {strides = array<i32>} : memref<128x64xf32, #tpu.memory_space<vmem>>, vector<16xf32>,
          %add3A_365 = arith.addf %add3A_340, %get3A_364 : vector<16xf32>
          %get3A_366 = arith.index_cast %add3A_353 : i32 to index
          %get3A_367 = arith.constant 48 : index
          %get3A_368 = tpu.vector_load %arg21[%get3A_366, %get3A_367] {strides = array<i32>} : memref<128x64xf32, #tpu.memory_space<vmem>>, vector<16xf32>,
          %add3A_369 = arith.addf %add3A_344, %get3A_368 : vector<16xf32>
          %scan3A_370 = arith.constant 5 : i32
          %scan3A_371 = arith.addi %scan3A_242, %scan3A_370 : i32
          %mul3A_372 = arith.constant 1 : i32
          %mul3A_373 = arith.muli %scan3A_371, %mul3A_372 : i32
          %add3A_374 = arith.constant 0 : i32
          %add3A_375 = arith.addi %add3A_374, %mul3A_373 : i32
          %mul3A_376 = arith.constant 64 : i32
          %mul3A_377 = arith.muli %add3A_187, %mul3A_376 : i32
          %add3A_378 = arith.addi %mul3A_377, %add3A_375 : i32
          %get3A_379 = arith.index_cast %add3A_378 : i32 to index
          %get3A_380 = arith.constant 0 : index
          %get3A_381 = tpu.vector_load %arg21[%get3A_379, %get3A_380] {strides = array<i32>} : memref<128x64xf32, #tpu.memory_space<vmem>>, vector<16xf32>,
          %add3A_382 = arith.addf %add3A_357, %get3A_381 : vector<16xf32>
          %get3A_383 = arith.index_cast %add3A_378 : i32 to index
          %get3A_384 = arith.constant 16 : index
          %get3A_385 = tpu.vector_load %arg21[%get3A_383, %get3A_384] {strides = array<i32>} : memref<128x64xf32, #tpu.memory_space<vmem>>, vector<16xf32>,
          %add3A_386 = arith.addf %add3A_361, %get3A_385 : vector<16xf32>
          %get3A_387 = arith.index_cast %add3A_378 : i32 to index
          %get3A_388 = arith.constant 32 : index
          %get3A_389 = tpu.vector_load %arg21[%get3A_387, %get3A_388] {strides = array<i32>} : memref<128x64xf32, #tpu.memory_space<vmem>>, vector<16xf32>,
          %add3A_390 = arith.addf %add3A_365, %get3A_389 : vector<16xf32>
          %get3A_391 = arith.index_cast %add3A_378 : i32 to index
          %get3A_392 = arith.constant 48 : index
          %get3A_393 = tpu.vector_load %arg21[%get3A_391, %get3A_392] {strides = array<i32>} : memref<128x64xf32, #tpu.memory_space<vmem>>, vector<16xf32>,
          %add3A_394 = arith.addf %add3A_369, %get3A_393 : vector<16xf32>
          %scan3A_395 = arith.constant 6 : i32
          %scan3A_396 = arith.addi %scan3A_242, %scan3A_395 : i32
          %mul3A_397 = arith.constant 1 : i32
          %mul3A_398 = arith.muli %scan3A_396, %mul3A_397 : i32
          %add3A_399 = arith.constant 0 : i32
          %add3A_400 = arith.addi %add3A_399, %mul3A_398 : i32
          %mul3A_401 = arith.constant 64 : i32
          %mul3A_402 = arith.muli %add3A_187, %mul3A_401 : i32
          %add3A_403 = arith.addi %mul3A_402, %add3A_400 : i32
          %get3A_404 = arith.index_cast %add3A_403 : i32 to index
          %get3A_405 = arith.constant 0 : index
          %get3A_406 = tpu.vector_load %arg21[%get3A_404, %get3A_405] {strides = array<i32>} : memref<128x64xf32, #tpu.memory_space<vmem>>, vector<16xf32>,
          %add3A_407 = arith.addf %add3A_382, %get3A_406 : vector<16xf32>
          %get3A_408 = arith.index_cast %add3A_403 : i32 to index
          %get3A_409 = arith.constant 16 : index
          %get3A_410 = tpu.vector_load %arg21[%get3A_408, %get3A_409] {strides = array<i32>} : memref<128x64xf32, #tpu.memory_space<vmem>>, vector<16xf32>,
          %add3A_411 = arith.addf %add3A_386, %get3A_410 : vector<16xf32>
          %get3A_412 = arith.index_cast %add3A_403 : i32 to index
          %get3A_413 = arith.constant 32 : index
          %get3A_414 = tpu.vector_load %arg21[%get3A_412, %get3A_413] {strides = array<i32>} : memref<128x64xf32, #tpu.memory_space<vmem>>, vector<16xf32>,
          %add3A_415 = arith.addf %add3A_390, %get3A_414 : vector<16xf32>
          %get3A_416 = arith.index_cast %add3A_403 : i32 to index
          %get3A_417 = arith.constant 48 : index
          %get3A_418 = tpu.vector_load %arg21[%get3A_416, %get3A_417] {strides = array<i32>} : memref<128x64xf32, #tpu.memory_space<vmem>>, vector<16xf32>,
          %add3A_419 = arith.addf %add3A_394, %get3A_418 : vector<16xf32>
          %scan3A_420 = arith.constant 7 : i32
          %scan3A_421 = arith.addi %scan3A_242, %scan3A_420 : i32
          %mul3A_422 = arith.constant 1 : i32
          %mul3A_423 = arith.muli %scan3A_421, %mul3A_422 : i32
          %add3A_424 = arith.constant 0 : i32
          %add3A_425 = arith.addi %add3A_424, %mul3A_423 : i32
          %mul3A_426 = arith.constant 64 : i32
          %mul3A_427 = arith.muli %add3A_187, %mul3A_426 : i32
          %add3A_428 = arith.addi %mul3A_427, %add3A_425 : i32
          %get3A_429 = arith.index_cast %add3A_428 : i32 to index
          %get3A_430 = arith.constant 0 : index
          %get3A_431 = tpu.vector_load %arg21[%get3A_429, %get3A_430] {strides = array<i32>} : memref<128x64xf32, #tpu.memory_space<vmem>>, vector<16xf32>,
          %add3A_432 = arith.addf %add3A_407, %get3A_431 : vector<16xf32>
          %get3A_433 = arith.index_cast %add3A_428 : i32 to index
          %get3A_434 = arith.constant 16 : index
          %get3A_435 = tpu.vector_load %arg21[%get3A_433, %get3A_434] {strides = array<i32>} : memref<128x64xf32, #tpu.memory_space<vmem>>, vector<16xf32>,
          %add3A_436 = arith.addf %add3A_411, %get3A_435 : vector<16xf32>
          %get3A_437 = arith.index_cast %add3A_428 : i32 to index
          %get3A_438 = arith.constant 32 : index
          %get3A_439 = tpu.vector_load %arg21[%get3A_437, %get3A_438] {strides = array<i32>} : memref<128x64xf32, #tpu.memory_space<vmem>>, vector<16xf32>,
          %add3A_440 = arith.addf %add3A_415, %get3A_439 : vector<16xf32>
          %get3A_441 = arith.index_cast %add3A_428 : i32 to index
          %get3A_442 = arith.constant 48 : index
          %get3A_443 = tpu.vector_load %arg21[%get3A_441, %get3A_442] {strides = array<i32>} : memref<128x64xf32, #tpu.memory_space<vmem>>, vector<16xf32>,
          %add3A_444 = arith.addf %add3A_419, %get3A_443 : vector<16xf32>
          scf.yield %add3A_432, %add3A_436, %add3A_440, %add3A_444 : vector<16xf32>, vector<16xf32>, vector<16xf32>, vector<16xf32>
        }
        %scan3A_195 = arith.constant 64 : i32
        %mul3A_196 = arith.constant 2 : i32
        %mul3A_197 = arith.muli %add3A_118, %mul3A_196 : i32
        %add3A_198 = arith.addi %mul3A_197, %add3A_187 : i32
        %mul3A_199 = arith.constant 64 : i32
        %mul3A_200 = arith.muli %add3A_187, %mul3A_199 : i32
        %add3A_201 = arith.constant 49 : i32
        %add3A_202 = arith.addi %mul3A_200, %add3A_201 : i32
        %get3A = arith.index_cast %add3A_202 : i32 to index
        %get3A_203 = arith.constant 0 : index
        %get3A_204 = tpu.vector_load %arg21[%get3A, %get3A_203] {strides = array<i32>} : memref<128x64xf32, #tpu.memory_space<vmem>>, vector<16xf32>,
        %mul3A_205 = arith.constant 1.400000e+01 : f32
        %mul3A_206 = vector.broadcast %mul3A_205 : f32 to vector<16xf32>
        %mul3A_207 = arith.mulf %mul3A_206, %get3A_204 : vector<16xf32>
        %sub3A_208 = arith.subf %scan3A_194#0, %mul3A_207 : vector<16xf32>
        %get3A_209 = arith.index_cast %add3A_202 : i32 to index
        %get3A_210 = arith.constant 16 : index
        %get3A_211 = tpu.vector_load %arg21[%get3A_209, %get3A_210] {strides = array<i32>} : memref<128x64xf32, #tpu.memory_space<vmem>>, vector<16xf32>,
        %mul3A_212 = arith.constant 1.400000e+01 : f32
        %mul3A_213 = vector.broadcast %mul3A_212 : f32 to vector<16xf32>
        %mul3A_214 = arith.mulf %mul3A_213, %get3A_211 : vector<16xf32>
        %sub3A_215 = arith.subf %scan3A_194#1, %mul3A_214 : vector<16xf32>
        %get3A_216 = arith.index_cast %add3A_202 : i32 to index
        %get3A_217 = arith.constant 32 : index
        %get3A_218 = tpu.vector_load %arg21[%get3A_216, %get3A_217] {strides = array<i32>} : memref<128x64xf32, #tpu.memory_space<vmem>>, vector<16xf32>,
        %mul3A_219 = arith.constant 1.400000e+01 : f32
        %mul3A_220 = vector.broadcast %mul3A_219 : f32 to vector<16xf32>
        %mul3A_221 = arith.mulf %mul3A_220, %get3A_218 : vector<16xf32>
        %sub3A_222 = arith.subf %scan3A_194#2, %mul3A_221 : vector<16xf32>
        %get3A_223 = arith.index_cast %add3A_202 : i32 to index
        %get3A_224 = arith.constant 48 : index
        %get3A_225 = tpu.vector_load %arg21[%get3A_223, %get3A_224] {strides = array<i32>} : memref<128x64xf32, #tpu.memory_space<vmem>>, vector<16xf32>,
        %mul3A_226 = arith.constant 1.400000e+01 : f32
        %mul3A_227 = vector.broadcast %mul3A_226 : f32 to vector<16xf32>
        %mul3A_228 = arith.mulf %mul3A_227, %get3A_225 : vector<16xf32>
        %sub3A_229 = arith.subf %scan3A_194#3, %mul3A_228 : vector<16xf32>
        %swap3A_230 = arith.index_cast %add3A_198 : i32 to index
        %swap3A_231 = arith.constant 0 : index
        %swap3A_232 = tpu.vector_load %arg18[%swap3A_230, %swap3A_231] {strides = array<i32>} : memref<128x64xf32, #tpu.memory_space<vmem>>, vector<16xf32>,
        tpu.vector_store %arg18[%swap3A_230, %swap3A_231], %sub3A_208 {strides = array<i32>} : memref<128x64xf32, #tpu.memory_space<vmem>>, vector<16xf32>,
        %swap3A_233 = arith.index_cast %add3A_198 : i32 to index
        %swap3A_234 = arith.constant 16 : index
        %swap3A_235 = tpu.vector_load %arg18[%swap3A_233, %swap3A_234] {strides = array<i32>} : memref<128x64xf32, #tpu.memory_space<vmem>>, vector<16xf32>,
        tpu.vector_store %arg18[%swap3A_233, %swap3A_234], %sub3A_215 {strides = array<i32>} : memref<128x64xf32, #tpu.memory_space<vmem>>, vector<16xf32>,
        %swap3A_236 = arith.index_cast %add3A_198 : i32 to index
        %swap3A_237 = arith.constant 32 : index
        %swap3A_238 = tpu.vector_load %arg18[%swap3A_236, %swap3A_237] {strides = array<i32>} : memref<128x64xf32, #tpu.memory_space<vmem>>, vector<16xf32>,
        tpu.vector_store %arg18[%swap3A_236, %swap3A_237], %sub3A_222 {strides = array<i32>} : memref<128x64xf32, #tpu.memory_space<vmem>>, vector<16xf32>,
        %swap3A_239 = arith.index_cast %add3A_198 : i32 to index
        %swap3A_240 = arith.constant 48 : index
        %swap3A_241 = tpu.vector_load %arg18[%swap3A_239, %swap3A_240] {strides = array<i32>} : memref<128x64xf32, #tpu.memory_space<vmem>>, vector<16xf32>,
        tpu.vector_store %arg18[%swap3A_239, %swap3A_240], %sub3A_229 {strides = array<i32>} : memref<128x64xf32, #tpu.memory_space<vmem>>, vector<16xf32>,
      }
      %scan3A_138 = arith.constant 2 : i32
      %add3A_139 = arith.constant 2 : i32
      %add3A_140 = arith.addi %add3A_98, %add3A_139 : i32
      %add3A_141 = arith.constant 4 : i32
      %add3A_142 = arith.addi %add3A_140, %add3A_141 : i32
      %sub3A_143 = arith.constant 1 : i32
      %sub3A_144 = arith.subi %add3A_142, %sub3A_143 : i32
      %lt3A_145 = arith.constant 64 : i32
      %lt3A_146 = arith.cmpi slt, %sub3A_144, %lt3A_145 : i32
      %convert_element_type3A_147 = arith.extui %lt3A_146 : i1 to i32
      %cond3A_148 = arith.constant 0 : i32
      %cond3A_149 = arith.cmpi ne, %convert_element_type3A_147, %cond3A_148 : i32
      scf.if %cond3A_149 {
        %add3A_183 = arith.constant 4 : i32
        %add3A_184 = arith.addi %add3A_140, %add3A_183 : i32
        %sub3A_185 = arith.constant 1 : i32
        %sub3A_186 = arith.subi %add3A_184, %sub3A_185 : i32
        %dma_start3A_187 = arith.constant 0 : i32
        %dma_start3A_188 = tpu.memref_slice %arg10[%sub3A_186, %dma_start3A_187] : memref<64x128xi32, #tpu.memory_space<vmem>> -> memref<1x128xi32, #tpu.memory_space<vmem>>
        %dma_start3A_189 = tpu.memref_squeeze %dma_start3A_188 : memref<1x128xi32, #tpu.memory_space<vmem>> -> memref<128xi32, #tpu.memory_space<vmem>>
        %dma_start3A_190 = arith.constant 0 : i32
        %dma_start3A_191 = arith.constant 0 : i32
        %dma_start3A_192 = tpu.memref_slice %arg7[%dma_start3A_190, %dma_start3A_191] : memref<100000x64xf32, #tpu.memory_space<hbm>> -> memref<100000x64xf32, #tpu.memory_space<hbm>>
        tpu.enqueue_indirect_dma source(%dma_start3A_192 : memref<100000x64xf32, #tpu.memory_space<hbm>>) target(%arg21 : memref<128x64xf32, #tpu.memory_space<vmem>>) offsets(%dma_start3A_189 : memref<128xi32, #tpu.memory_space<vmem>>) semaphore(%arg27 : memref<!tpu.dma_semaphore, #tpu.memory_space<semaphore_mem>>)
      } else {
      }
      %dma_wait3A_150 = arith.constant 0 : i32
      %dma_wait3A_151 = tpu.memref_slice %arg10[%add3A_140, %dma_wait3A_150] : memref<64x128xi32, #tpu.memory_space<vmem>> -> memref<1x128xi32, #tpu.memory_space<vmem>>
      %dma_wait3A_152 = tpu.memref_squeeze %dma_wait3A_151 : memref<1x128xi32, #tpu.memory_space<vmem>> -> memref<128xi32, #tpu.memory_space<vmem>>
      %dma_wait3A_153 = arith.constant 0 : i32
      %dma_wait3A_154 = arith.constant 0 : i32
      %dma_wait3A_155 = tpu.memref_slice %arg7[%dma_wait3A_153, %dma_wait3A_154] : memref<100000x64xf32, #tpu.memory_space<hbm>> -> memref<100000x64xf32, #tpu.memory_space<hbm>>
      tpu.wait_indirect_dma semaphore(%arg28 : memref<!tpu.dma_semaphore, #tpu.memory_space<semaphore_mem>>) src(%dma_wait3A_155 : memref<100000x64xf32, #tpu.memory_space<hbm>>) dst(%arg22 : memref<128x64xf32, #tpu.memory_space<vmem>>)
      %scan3A_156 = arith.constant 0 : i32
      %scan3A_157 = arith.constant 2 : i32
      %scan3A_158 = arith.addi %scan3A_156, %scan3A_157 : i32
      %scan3A_159 = arith.constant 1 : i32
      scf.for %scan3A_183 = %scan3A_156 to %scan3A_158 step %scan3A_159  : i32 {
        %mul3A_184 = arith.constant 1 : i32
        %mul3A_185 = arith.muli %scan3A_183, %mul3A_184 : i32
        %add3A_186 = arith.constant 0 : i32
        %add3A_187 = arith.addi %add3A_186, %mul3A_185 : i32
        %broadcast_in_dim3A_188 = arith.constant 0.000000e+00 : f32
        %broadcast_in_dim3A_189 = vector.broadcast %broadcast_in_dim3A_188 : f32 to vector<16xf32>
        %scan3A_190 = arith.constant 0 : i32
        %scan3A_191 = arith.constant 64 : i32
        %scan3A_192 = arith.addi %scan3A_190, %scan3A_191 : i32
        %scan3A_193 = arith.constant 8 : i32
        %scan3A_194:4 = scf.for %scan3A_242 = %scan3A_190 to %scan3A_192 step %scan3A_193 iter_args(%scan3A_243 = %broadcast_in_dim3A_189, %scan3A_244 = %broadcast_in_dim3A_189, %scan3A_245 = %broadcast_in_dim3A_189, %scan3A_246 = %broadcast_in_dim3A_189) -> (vector<16xf32>, vector<16xf32>, vector<16xf32>, vector<16xf32>)  : i32 {
          %mul3A_247 = arith.constant 1 : i32
          %mul3A_248 = arith.muli %scan3A_242, %mul3A_247 : i32
          %add3A_249 = arith.constant 0 : i32
          %add3A_250 = arith.addi %add3A_249, %mul3A_248 : i32
          %mul3A_251 = arith.constant 64 : i32
          %mul3A_252 = arith.muli %add3A_187, %mul3A_251 : i32
          %add3A_253 = arith.addi %mul3A_252, %add3A_250 : i32
          %get3A_254 = arith.index_cast %add3A_253 : i32 to index
          %get3A_255 = arith.constant 0 : index
          %get3A_256 = tpu.vector_load %arg22[%get3A_254, %get3A_255] {strides = array<i32>} : memref<128x64xf32, #tpu.memory_space<vmem>>, vector<16xf32>,
          %add3A_257 = arith.addf %scan3A_243, %get3A_256 : vector<16xf32>
          %get3A_258 = arith.index_cast %add3A_253 : i32 to index
          %get3A_259 = arith.constant 16 : index
          %get3A_260 = tpu.vector_load %arg22[%get3A_258, %get3A_259] {strides = array<i32>} : memref<128x64xf32, #tpu.memory_space<vmem>>, vector<16xf32>,
          %add3A_261 = arith.addf %scan3A_244, %get3A_260 : vector<16xf32>
          %get3A_262 = arith.index_cast %add3A_253 : i32 to index
          %get3A_263 = arith.constant 32 : index
          %get3A_264 = tpu.vector_load %arg22[%get3A_262, %get3A_263] {strides = array<i32>} : memref<128x64xf32, #tpu.memory_space<vmem>>, vector<16xf32>,
          %add3A_265 = arith.addf %scan3A_245, %get3A_264 : vector<16xf32>
          %get3A_266 = arith.index_cast %add3A_253 : i32 to index
          %get3A_267 = arith.constant 48 : index
          %get3A_268 = tpu.vector_load %arg22[%get3A_266, %get3A_267] {strides = array<i32>} : memref<128x64xf32, #tpu.memory_space<vmem>>, vector<16xf32>,
          %add3A_269 = arith.addf %scan3A_246, %get3A_268 : vector<16xf32>
          %scan3A_270 = arith.constant 1 : i32
          %scan3A_271 = arith.addi %scan3A_242, %scan3A_270 : i32
          %mul3A_272 = arith.constant 1 : i32
          %mul3A_273 = arith.muli %scan3A_271, %mul3A_272 : i32
          %add3A_274 = arith.constant 0 : i32
          %add3A_275 = arith.addi %add3A_274, %mul3A_273 : i32
          %mul3A_276 = arith.constant 64 : i32
          %mul3A_277 = arith.muli %add3A_187, %mul3A_276 : i32
          %add3A_278 = arith.addi %mul3A_277, %add3A_275 : i32
          %get3A_279 = arith.index_cast %add3A_278 : i32 to index
          %get3A_280 = arith.constant 0 : index
          %get3A_281 = tpu.vector_load %arg22[%get3A_279, %get3A_280] {strides = array<i32>} : memref<128x64xf32, #tpu.memory_space<vmem>>, vector<16xf32>,
          %add3A_282 = arith.addf %add3A_257, %get3A_281 : vector<16xf32>
          %get3A_283 = arith.index_cast %add3A_278 : i32 to index
          %get3A_284 = arith.constant 16 : index
          %get3A_285 = tpu.vector_load %arg22[%get3A_283, %get3A_284] {strides = array<i32>} : memref<128x64xf32, #tpu.memory_space<vmem>>, vector<16xf32>,
          %add3A_286 = arith.addf %add3A_261, %get3A_285 : vector<16xf32>
          %get3A_287 = arith.index_cast %add3A_278 : i32 to index
          %get3A_288 = arith.constant 32 : index
          %get3A_289 = tpu.vector_load %arg22[%get3A_287, %get3A_288] {strides = array<i32>} : memref<128x64xf32, #tpu.memory_space<vmem>>, vector<16xf32>,
          %add3A_290 = arith.addf %add3A_265, %get3A_289 : vector<16xf32>
          %get3A_291 = arith.index_cast %add3A_278 : i32 to index
          %get3A_292 = arith.constant 48 : index
          %get3A_293 = tpu.vector_load %arg22[%get3A_291, %get3A_292] {strides = array<i32>} : memref<128x64xf32, #tpu.memory_space<vmem>>, vector<16xf32>,
          %add3A_294 = arith.addf %add3A_269, %get3A_293 : vector<16xf32>
          %scan3A_295 = arith.constant 2 : i32
          %scan3A_296 = arith.addi %scan3A_242, %scan3A_295 : i32
          %mul3A_297 = arith.constant 1 : i32
          %mul3A_298 = arith.muli %scan3A_296, %mul3A_297 : i32
          %add3A_299 = arith.constant 0 : i32
          %add3A_300 = arith.addi %add3A_299, %mul3A_298 : i32
          %mul3A_301 = arith.constant 64 : i32
          %mul3A_302 = arith.muli %add3A_187, %mul3A_301 : i32
          %add3A_303 = arith.addi %mul3A_302, %add3A_300 : i32
          %get3A_304 = arith.index_cast %add3A_303 : i32 to index
          %get3A_305 = arith.constant 0 : index
          %get3A_306 = tpu.vector_load %arg22[%get3A_304, %get3A_305] {strides = array<i32>} : memref<128x64xf32, #tpu.memory_space<vmem>>, vector<16xf32>,
          %add3A_307 = arith.addf %add3A_282, %get3A_306 : vector<16xf32>
          %get3A_308 = arith.index_cast %add3A_303 : i32 to index
          %get3A_309 = arith.constant 16 : index
          %get3A_310 = tpu.vector_load %arg22[%get3A_308, %get3A_309] {strides = array<i32>} : memref<128x64xf32, #tpu.memory_space<vmem>>, vector<16xf32>,
          %add3A_311 = arith.addf %add3A_286, %get3A_310 : vector<16xf32>
          %get3A_312 = arith.index_cast %add3A_303 : i32 to index
          %get3A_313 = arith.constant 32 : index
          %get3A_314 = tpu.vector_load %arg22[%get3A_312, %get3A_313] {strides = array<i32>} : memref<128x64xf32, #tpu.memory_space<vmem>>, vector<16xf32>,
          %add3A_315 = arith.addf %add3A_290, %get3A_314 : vector<16xf32>
          %get3A_316 = arith.index_cast %add3A_303 : i32 to index
          %get3A_317 = arith.constant 48 : index
          %get3A_318 = tpu.vector_load %arg22[%get3A_316, %get3A_317] {strides = array<i32>} : memref<128x64xf32, #tpu.memory_space<vmem>>, vector<16xf32>,
          %add3A_319 = arith.addf %add3A_294, %get3A_318 : vector<16xf32>
          %scan3A_320 = arith.constant 3 : i32
          %scan3A_321 = arith.addi %scan3A_242, %scan3A_320 : i32
          %mul3A_322 = arith.constant 1 : i32
          %mul3A_323 = arith.muli %scan3A_321, %mul3A_322 : i32
          %add3A_324 = arith.constant 0 : i32
          %add3A_325 = arith.addi %add3A_324, %mul3A_323 : i32
          %mul3A_326 = arith.constant 64 : i32
          %mul3A_327 = arith.muli %add3A_187, %mul3A_326 : i32
          %add3A_328 = arith.addi %mul3A_327, %add3A_325 : i32
          %get3A_329 = arith.index_cast %add3A_328 : i32 to index
          %get3A_330 = arith.constant 0 : index
          %get3A_331 = tpu.vector_load %arg22[%get3A_329, %get3A_330] {strides = array<i32>} : memref<128x64xf32, #tpu.memory_space<vmem>>, vector<16xf32>,
          %add3A_332 = arith.addf %add3A_307, %get3A_331 : vector<16xf32>
          %get3A_333 = arith.index_cast %add3A_328 : i32 to index
          %get3A_334 = arith.constant 16 : index
          %get3A_335 = tpu.vector_load %arg22[%get3A_333, %get3A_334] {strides = array<i32>} : memref<128x64xf32, #tpu.memory_space<vmem>>, vector<16xf32>,
          %add3A_336 = arith.addf %add3A_311, %get3A_335 : vector<16xf32>
          %get3A_337 = arith.index_cast %add3A_328 : i32 to index
          %get3A_338 = arith.constant 32 : index
          %get3A_339 = tpu.vector_load %arg22[%get3A_337, %get3A_338] {strides = array<i32>} : memref<128x64xf32, #tpu.memory_space<vmem>>, vector<16xf32>,
          %add3A_340 = arith.addf %add3A_315, %get3A_339 : vector<16xf32>
          %get3A_341 = arith.index_cast %add3A_328 : i32 to index
          %get3A_342 = arith.constant 48 : index
          %get3A_343 = tpu.vector_load %arg22[%get3A_341, %get3A_342] {strides = array<i32>} : memref<128x64xf32, #tpu.memory_space<vmem>>, vector<16xf32>,
          %add3A_344 = arith.addf %add3A_319, %get3A_343 : vector<16xf32>
          %scan3A_345 = arith.constant 4 : i32
          %scan3A_346 = arith.addi %scan3A_242, %scan3A_345 : i32
          %mul3A_347 = arith.constant 1 : i32
          %mul3A_348 = arith.muli %scan3A_346, %mul3A_347 : i32
          %add3A_349 = arith.constant 0 : i32
          %add3A_350 = arith.addi %add3A_349, %mul3A_348 : i32
          %mul3A_351 = arith.constant 64 : i32
          %mul3A_352 = arith.muli %add3A_187, %mul3A_351 : i32
          %add3A_353 = arith.addi %mul3A_352, %add3A_350 : i32
          %get3A_354 = arith.index_cast %add3A_353 : i32 to index
          %get3A_355 = arith.constant 0 : index
          %get3A_356 = tpu.vector_load %arg22[%get3A_354, %get3A_355] {strides = array<i32>} : memref<128x64xf32, #tpu.memory_space<vmem>>, vector<16xf32>,
          %add3A_357 = arith.addf %add3A_332, %get3A_356 : vector<16xf32>
          %get3A_358 = arith.index_cast %add3A_353 : i32 to index
          %get3A_359 = arith.constant 16 : index
          %get3A_360 = tpu.vector_load %arg22[%get3A_358, %get3A_359] {strides = array<i32>} : memref<128x64xf32, #tpu.memory_space<vmem>>, vector<16xf32>,
          %add3A_361 = arith.addf %add3A_336, %get3A_360 : vector<16xf32>
          %get3A_362 = arith.index_cast %add3A_353 : i32 to index
          %get3A_363 = arith.constant 32 : index
          %get3A_364 = tpu.vector_load %arg22[%get3A_362, %get3A_363] {strides = array<i32>} : memref<128x64xf32, #tpu.memory_space<vmem>>, vector<16xf32>,
          %add3A_365 = arith.addf %add3A_340, %get3A_364 : vector<16xf32>
          %get3A_366 = arith.index_cast %add3A_353 : i32 to index
          %get3A_367 = arith.constant 48 : index
          %get3A_368 = tpu.vector_load %arg22[%get3A_366, %get3A_367] {strides = array<i32>} : memref<128x64xf32, #tpu.memory_space<vmem>>, vector<16xf32>,
          %add3A_369 = arith.addf %add3A_344, %get3A_368 : vector<16xf32>
          %scan3A_370 = arith.constant 5 : i32
          %scan3A_371 = arith.addi %scan3A_242, %scan3A_370 : i32
          %mul3A_372 = arith.constant 1 : i32
          %mul3A_373 = arith.muli %scan3A_371, %mul3A_372 : i32
          %add3A_374 = arith.constant 0 : i32
          %add3A_375 = arith.addi %add3A_374, %mul3A_373 : i32
          %mul3A_376 = arith.constant 64 : i32
          %mul3A_377 = arith.muli %add3A_187, %mul3A_376 : i32
          %add3A_378 = arith.addi %mul3A_377, %add3A_375 : i32
          %get3A_379 = arith.index_cast %add3A_378 : i32 to index
          %get3A_380 = arith.constant 0 : index
          %get3A_381 = tpu.vector_load %arg22[%get3A_379, %get3A_380] {strides = array<i32>} : memref<128x64xf32, #tpu.memory_space<vmem>>, vector<16xf32>,
          %add3A_382 = arith.addf %add3A_357, %get3A_381 : vector<16xf32>
          %get3A_383 = arith.index_cast %add3A_378 : i32 to index
          %get3A_384 = arith.constant 16 : index
          %get3A_385 = tpu.vector_load %arg22[%get3A_383, %get3A_384] {strides = array<i32>} : memref<128x64xf32, #tpu.memory_space<vmem>>, vector<16xf32>,
          %add3A_386 = arith.addf %add3A_361, %get3A_385 : vector<16xf32>
          %get3A_387 = arith.index_cast %add3A_378 : i32 to index
          %get3A_388 = arith.constant 32 : index
          %get3A_389 = tpu.vector_load %arg22[%get3A_387, %get3A_388] {strides = array<i32>} : memref<128x64xf32, #tpu.memory_space<vmem>>, vector<16xf32>,
          %add3A_390 = arith.addf %add3A_365, %get3A_389 : vector<16xf32>
          %get3A_391 = arith.index_cast %add3A_378 : i32 to index
          %get3A_392 = arith.constant 48 : index
          %get3A_393 = tpu.vector_load %arg22[%get3A_391, %get3A_392] {strides = array<i32>} : memref<128x64xf32, #tpu.memory_space<vmem>>, vector<16xf32>,
          %add3A_394 = arith.addf %add3A_369, %get3A_393 : vector<16xf32>
          %scan3A_395 = arith.constant 6 : i32
          %scan3A_396 = arith.addi %scan3A_242, %scan3A_395 : i32
          %mul3A_397 = arith.constant 1 : i32
          %mul3A_398 = arith.muli %scan3A_396, %mul3A_397 : i32
          %add3A_399 = arith.constant 0 : i32
          %add3A_400 = arith.addi %add3A_399, %mul3A_398 : i32
          %mul3A_401 = arith.constant 64 : i32
          %mul3A_402 = arith.muli %add3A_187, %mul3A_401 : i32
          %add3A_403 = arith.addi %mul3A_402, %add3A_400 : i32
          %get3A_404 = arith.index_cast %add3A_403 : i32 to index
          %get3A_405 = arith.constant 0 : index
          %get3A_406 = tpu.vector_load %arg22[%get3A_404, %get3A_405] {strides = array<i32>} : memref<128x64xf32, #tpu.memory_space<vmem>>, vector<16xf32>,
          %add3A_407 = arith.addf %add3A_382, %get3A_406 : vector<16xf32>
          %get3A_408 = arith.index_cast %add3A_403 : i32 to index
          %get3A_409 = arith.constant 16 : index
          %get3A_410 = tpu.vector_load %arg22[%get3A_408, %get3A_409] {strides = array<i32>} : memref<128x64xf32, #tpu.memory_space<vmem>>, vector<16xf32>,
          %add3A_411 = arith.addf %add3A_386, %get3A_410 : vector<16xf32>
          %get3A_412 = arith.index_cast %add3A_403 : i32 to index
          %get3A_413 = arith.constant 32 : index
          %get3A_414 = tpu.vector_load %arg22[%get3A_412, %get3A_413] {strides = array<i32>} : memref<128x64xf32, #tpu.memory_space<vmem>>, vector<16xf32>,
          %add3A_415 = arith.addf %add3A_390, %get3A_414 : vector<16xf32>
          %get3A_416 = arith.index_cast %add3A_403 : i32 to index
          %get3A_417 = arith.constant 48 : index
          %get3A_418 = tpu.vector_load %arg22[%get3A_416, %get3A_417] {strides = array<i32>} : memref<128x64xf32, #tpu.memory_space<vmem>>, vector<16xf32>,
          %add3A_419 = arith.addf %add3A_394, %get3A_418 : vector<16xf32>
          %scan3A_420 = arith.constant 7 : i32
          %scan3A_421 = arith.addi %scan3A_242, %scan3A_420 : i32
          %mul3A_422 = arith.constant 1 : i32
          %mul3A_423 = arith.muli %scan3A_421, %mul3A_422 : i32
          %add3A_424 = arith.constant 0 : i32
          %add3A_425 = arith.addi %add3A_424, %mul3A_423 : i32
          %mul3A_426 = arith.constant 64 : i32
          %mul3A_427 = arith.muli %add3A_187, %mul3A_426 : i32
          %add3A_428 = arith.addi %mul3A_427, %add3A_425 : i32
          %get3A_429 = arith.index_cast %add3A_428 : i32 to index
          %get3A_430 = arith.constant 0 : index
          %get3A_431 = tpu.vector_load %arg22[%get3A_429, %get3A_430] {strides = array<i32>} : memref<128x64xf32, #tpu.memory_space<vmem>>, vector<16xf32>,
          %add3A_432 = arith.addf %add3A_407, %get3A_431 : vector<16xf32>
          %get3A_433 = arith.index_cast %add3A_428 : i32 to index
          %get3A_434 = arith.constant 16 : index
          %get3A_435 = tpu.vector_load %arg22[%get3A_433, %get3A_434] {strides = array<i32>} : memref<128x64xf32, #tpu.memory_space<vmem>>, vector<16xf32>,
          %add3A_436 = arith.addf %add3A_411, %get3A_435 : vector<16xf32>
          %get3A_437 = arith.index_cast %add3A_428 : i32 to index
          %get3A_438 = arith.constant 32 : index
          %get3A_439 = tpu.vector_load %arg22[%get3A_437, %get3A_438] {strides = array<i32>} : memref<128x64xf32, #tpu.memory_space<vmem>>, vector<16xf32>,
          %add3A_440 = arith.addf %add3A_415, %get3A_439 : vector<16xf32>
          %get3A_441 = arith.index_cast %add3A_428 : i32 to index
          %get3A_442 = arith.constant 48 : index
          %get3A_443 = tpu.vector_load %arg22[%get3A_441, %get3A_442] {strides = array<i32>} : memref<128x64xf32, #tpu.memory_space<vmem>>, vector<16xf32>,
          %add3A_444 = arith.addf %add3A_419, %get3A_443 : vector<16xf32>
          scf.yield %add3A_432, %add3A_436, %add3A_440, %add3A_444 : vector<16xf32>, vector<16xf32>, vector<16xf32>, vector<16xf32>
        }
        %scan3A_195 = arith.constant 64 : i32
        %mul3A_196 = arith.constant 2 : i32
        %mul3A_197 = arith.muli %add3A_140, %mul3A_196 : i32
        %add3A_198 = arith.addi %mul3A_197, %add3A_187 : i32
        %mul3A_199 = arith.constant 64 : i32
        %mul3A_200 = arith.muli %add3A_187, %mul3A_199 : i32
        %add3A_201 = arith.constant 49 : i32
        %add3A_202 = arith.addi %mul3A_200, %add3A_201 : i32
        %get3A = arith.index_cast %add3A_202 : i32 to index
        %get3A_203 = arith.constant 0 : index
        %get3A_204 = tpu.vector_load %arg22[%get3A, %get3A_203] {strides = array<i32>} : memref<128x64xf32, #tpu.memory_space<vmem>>, vector<16xf32>,
        %mul3A_205 = arith.constant 1.400000e+01 : f32
        %mul3A_206 = vector.broadcast %mul3A_205 : f32 to vector<16xf32>
        %mul3A_207 = arith.mulf %mul3A_206, %get3A_204 : vector<16xf32>
        %sub3A_208 = arith.subf %scan3A_194#0, %mul3A_207 : vector<16xf32>
        %get3A_209 = arith.index_cast %add3A_202 : i32 to index
        %get3A_210 = arith.constant 16 : index
        %get3A_211 = tpu.vector_load %arg22[%get3A_209, %get3A_210] {strides = array<i32>} : memref<128x64xf32, #tpu.memory_space<vmem>>, vector<16xf32>,
        %mul3A_212 = arith.constant 1.400000e+01 : f32
        %mul3A_213 = vector.broadcast %mul3A_212 : f32 to vector<16xf32>
        %mul3A_214 = arith.mulf %mul3A_213, %get3A_211 : vector<16xf32>
        %sub3A_215 = arith.subf %scan3A_194#1, %mul3A_214 : vector<16xf32>
        %get3A_216 = arith.index_cast %add3A_202 : i32 to index
        %get3A_217 = arith.constant 32 : index
        %get3A_218 = tpu.vector_load %arg22[%get3A_216, %get3A_217] {strides = array<i32>} : memref<128x64xf32, #tpu.memory_space<vmem>>, vector<16xf32>,
        %mul3A_219 = arith.constant 1.400000e+01 : f32
        %mul3A_220 = vector.broadcast %mul3A_219 : f32 to vector<16xf32>
        %mul3A_221 = arith.mulf %mul3A_220, %get3A_218 : vector<16xf32>
        %sub3A_222 = arith.subf %scan3A_194#2, %mul3A_221 : vector<16xf32>
        %get3A_223 = arith.index_cast %add3A_202 : i32 to index
        %get3A_224 = arith.constant 48 : index
        %get3A_225 = tpu.vector_load %arg22[%get3A_223, %get3A_224] {strides = array<i32>} : memref<128x64xf32, #tpu.memory_space<vmem>>, vector<16xf32>,
        %mul3A_226 = arith.constant 1.400000e+01 : f32
        %mul3A_227 = vector.broadcast %mul3A_226 : f32 to vector<16xf32>
        %mul3A_228 = arith.mulf %mul3A_227, %get3A_225 : vector<16xf32>
        %sub3A_229 = arith.subf %scan3A_194#3, %mul3A_228 : vector<16xf32>
        %swap3A_230 = arith.index_cast %add3A_198 : i32 to index
        %swap3A_231 = arith.constant 0 : index
        %swap3A_232 = tpu.vector_load %arg18[%swap3A_230, %swap3A_231] {strides = array<i32>} : memref<128x64xf32, #tpu.memory_space<vmem>>, vector<16xf32>,
        tpu.vector_store %arg18[%swap3A_230, %swap3A_231], %sub3A_208 {strides = array<i32>} : memref<128x64xf32, #tpu.memory_space<vmem>>, vector<16xf32>,
        %swap3A_233 = arith.index_cast %add3A_198 : i32 to index
        %swap3A_234 = arith.constant 16 : index
        %swap3A_235 = tpu.vector_load %arg18[%swap3A_233, %swap3A_234] {strides = array<i32>} : memref<128x64xf32, #tpu.memory_space<vmem>>, vector<16xf32>,
        tpu.vector_store %arg18[%swap3A_233, %swap3A_234], %sub3A_215 {strides = array<i32>} : memref<128x64xf32, #tpu.memory_space<vmem>>, vector<16xf32>,
        %swap3A_236 = arith.index_cast %add3A_198 : i32 to index
        %swap3A_237 = arith.constant 32 : index
        %swap3A_238 = tpu.vector_load %arg18[%swap3A_236, %swap3A_237] {strides = array<i32>} : memref<128x64xf32, #tpu.memory_space<vmem>>, vector<16xf32>,
        tpu.vector_store %arg18[%swap3A_236, %swap3A_237], %sub3A_222 {strides = array<i32>} : memref<128x64xf32, #tpu.memory_space<vmem>>, vector<16xf32>,
        %swap3A_239 = arith.index_cast %add3A_198 : i32 to index
        %swap3A_240 = arith.constant 48 : index
        %swap3A_241 = tpu.vector_load %arg18[%swap3A_239, %swap3A_240] {strides = array<i32>} : memref<128x64xf32, #tpu.memory_space<vmem>>, vector<16xf32>,
        tpu.vector_store %arg18[%swap3A_239, %swap3A_240], %sub3A_229 {strides = array<i32>} : memref<128x64xf32, #tpu.memory_space<vmem>>, vector<16xf32>,
      }
      %scan3A_160 = arith.constant 2 : i32
      %add3A_161 = arith.constant 3 : i32
      %add3A_162 = arith.addi %add3A_98, %add3A_161 : i32
      %add3A_163 = arith.constant 4 : i32
      %add3A_164 = arith.addi %add3A_162, %add3A_163 : i32
      %sub3A_165 = arith.constant 1 : i32
      %sub3A_166 = arith.subi %add3A_164, %sub3A_165 : i32
      %lt3A_167 = arith.constant 64 : i32
      %lt3A_168 = arith.cmpi slt, %sub3A_166, %lt3A_167 : i32
      %convert_element_type3A_169 = arith.extui %lt3A_168 : i1 to i32
      %cond3A_170 = arith.constant 0 : i32
      %cond3A_171 = arith.cmpi ne, %convert_element_type3A_169, %cond3A_170 : i32
      scf.if %cond3A_171 {
        %add3A_183 = arith.constant 4 : i32
        %add3A_184 = arith.addi %add3A_162, %add3A_183 : i32
        %sub3A_185 = arith.constant 1 : i32
        %sub3A_186 = arith.subi %add3A_184, %sub3A_185 : i32
        %dma_start3A_187 = arith.constant 0 : i32
        %dma_start3A_188 = tpu.memref_slice %arg10[%sub3A_186, %dma_start3A_187] : memref<64x128xi32, #tpu.memory_space<vmem>> -> memref<1x128xi32, #tpu.memory_space<vmem>>
        %dma_start3A_189 = tpu.memref_squeeze %dma_start3A_188 : memref<1x128xi32, #tpu.memory_space<vmem>> -> memref<128xi32, #tpu.memory_space<vmem>>
        %dma_start3A_190 = arith.constant 0 : i32
        %dma_start3A_191 = arith.constant 0 : i32
        %dma_start3A_192 = tpu.memref_slice %arg7[%dma_start3A_190, %dma_start3A_191] : memref<100000x64xf32, #tpu.memory_space<hbm>> -> memref<100000x64xf32, #tpu.memory_space<hbm>>
        tpu.enqueue_indirect_dma source(%dma_start3A_192 : memref<100000x64xf32, #tpu.memory_space<hbm>>) target(%arg22 : memref<128x64xf32, #tpu.memory_space<vmem>>) offsets(%dma_start3A_189 : memref<128xi32, #tpu.memory_space<vmem>>) semaphore(%arg28 : memref<!tpu.dma_semaphore, #tpu.memory_space<semaphore_mem>>)
      } else {
      }
      %dma_wait3A_172 = arith.constant 0 : i32
      %dma_wait3A_173 = tpu.memref_slice %arg10[%add3A_162, %dma_wait3A_172] : memref<64x128xi32, #tpu.memory_space<vmem>> -> memref<1x128xi32, #tpu.memory_space<vmem>>
      %dma_wait3A_174 = tpu.memref_squeeze %dma_wait3A_173 : memref<1x128xi32, #tpu.memory_space<vmem>> -> memref<128xi32, #tpu.memory_space<vmem>>
      %dma_wait3A_175 = arith.constant 0 : i32
      %dma_wait3A_176 = arith.constant 0 : i32
      %dma_wait3A_177 = tpu.memref_slice %arg7[%dma_wait3A_175, %dma_wait3A_176] : memref<100000x64xf32, #tpu.memory_space<hbm>> -> memref<100000x64xf32, #tpu.memory_space<hbm>>
      tpu.wait_indirect_dma semaphore(%arg29 : memref<!tpu.dma_semaphore, #tpu.memory_space<semaphore_mem>>) src(%dma_wait3A_177 : memref<100000x64xf32, #tpu.memory_space<hbm>>) dst(%arg23 : memref<128x64xf32, #tpu.memory_space<vmem>>)
      %scan3A_178 = arith.constant 0 : i32
      %scan3A_179 = arith.constant 2 : i32
      %scan3A_180 = arith.addi %scan3A_178, %scan3A_179 : i32
      %scan3A_181 = arith.constant 1 : i32
      scf.for %scan3A_183 = %scan3A_178 to %scan3A_180 step %scan3A_181  : i32 {
        %mul3A_184 = arith.constant 1 : i32
        %mul3A_185 = arith.muli %scan3A_183, %mul3A_184 : i32
        %add3A_186 = arith.constant 0 : i32
        %add3A_187 = arith.addi %add3A_186, %mul3A_185 : i32
        %broadcast_in_dim3A_188 = arith.constant 0.000000e+00 : f32
        %broadcast_in_dim3A_189 = vector.broadcast %broadcast_in_dim3A_188 : f32 to vector<16xf32>
        %scan3A_190 = arith.constant 0 : i32
        %scan3A_191 = arith.constant 64 : i32
        %scan3A_192 = arith.addi %scan3A_190, %scan3A_191 : i32
        %scan3A_193 = arith.constant 8 : i32
        %scan3A_194:4 = scf.for %scan3A_242 = %scan3A_190 to %scan3A_192 step %scan3A_193 iter_args(%scan3A_243 = %broadcast_in_dim3A_189, %scan3A_244 = %broadcast_in_dim3A_189, %scan3A_245 = %broadcast_in_dim3A_189, %scan3A_246 = %broadcast_in_dim3A_189) -> (vector<16xf32>, vector<16xf32>, vector<16xf32>, vector<16xf32>)  : i32 {
          %mul3A_247 = arith.constant 1 : i32
          %mul3A_248 = arith.muli %scan3A_242, %mul3A_247 : i32
          %add3A_249 = arith.constant 0 : i32
          %add3A_250 = arith.addi %add3A_249, %mul3A_248 : i32
          %mul3A_251 = arith.constant 64 : i32
          %mul3A_252 = arith.muli %add3A_187, %mul3A_251 : i32
          %add3A_253 = arith.addi %mul3A_252, %add3A_250 : i32
          %get3A_254 = arith.index_cast %add3A_253 : i32 to index
          %get3A_255 = arith.constant 0 : index
          %get3A_256 = tpu.vector_load %arg23[%get3A_254, %get3A_255] {strides = array<i32>} : memref<128x64xf32, #tpu.memory_space<vmem>>, vector<16xf32>,
          %add3A_257 = arith.addf %scan3A_243, %get3A_256 : vector<16xf32>
          %get3A_258 = arith.index_cast %add3A_253 : i32 to index
          %get3A_259 = arith.constant 16 : index
          %get3A_260 = tpu.vector_load %arg23[%get3A_258, %get3A_259] {strides = array<i32>} : memref<128x64xf32, #tpu.memory_space<vmem>>, vector<16xf32>,
          %add3A_261 = arith.addf %scan3A_244, %get3A_260 : vector<16xf32>
          %get3A_262 = arith.index_cast %add3A_253 : i32 to index
          %get3A_263 = arith.constant 32 : index
          %get3A_264 = tpu.vector_load %arg23[%get3A_262, %get3A_263] {strides = array<i32>} : memref<128x64xf32, #tpu.memory_space<vmem>>, vector<16xf32>,
          %add3A_265 = arith.addf %scan3A_245, %get3A_264 : vector<16xf32>
          %get3A_266 = arith.index_cast %add3A_253 : i32 to index
          %get3A_267 = arith.constant 48 : index
          %get3A_268 = tpu.vector_load %arg23[%get3A_266, %get3A_267] {strides = array<i32>} : memref<128x64xf32, #tpu.memory_space<vmem>>, vector<16xf32>,
          %add3A_269 = arith.addf %scan3A_246, %get3A_268 : vector<16xf32>
          %scan3A_270 = arith.constant 1 : i32
          %scan3A_271 = arith.addi %scan3A_242, %scan3A_270 : i32
          %mul3A_272 = arith.constant 1 : i32
          %mul3A_273 = arith.muli %scan3A_271, %mul3A_272 : i32
          %add3A_274 = arith.constant 0 : i32
          %add3A_275 = arith.addi %add3A_274, %mul3A_273 : i32
          %mul3A_276 = arith.constant 64 : i32
          %mul3A_277 = arith.muli %add3A_187, %mul3A_276 : i32
          %add3A_278 = arith.addi %mul3A_277, %add3A_275 : i32
          %get3A_279 = arith.index_cast %add3A_278 : i32 to index
          %get3A_280 = arith.constant 0 : index
          %get3A_281 = tpu.vector_load %arg23[%get3A_279, %get3A_280] {strides = array<i32>} : memref<128x64xf32, #tpu.memory_space<vmem>>, vector<16xf32>,
          %add3A_282 = arith.addf %add3A_257, %get3A_281 : vector<16xf32>
          %get3A_283 = arith.index_cast %add3A_278 : i32 to index
          %get3A_284 = arith.constant 16 : index
          %get3A_285 = tpu.vector_load %arg23[%get3A_283, %get3A_284] {strides = array<i32>} : memref<128x64xf32, #tpu.memory_space<vmem>>, vector<16xf32>,
          %add3A_286 = arith.addf %add3A_261, %get3A_285 : vector<16xf32>
          %get3A_287 = arith.index_cast %add3A_278 : i32 to index
          %get3A_288 = arith.constant 32 : index
          %get3A_289 = tpu.vector_load %arg23[%get3A_287, %get3A_288] {strides = array<i32>} : memref<128x64xf32, #tpu.memory_space<vmem>>, vector<16xf32>,
          %add3A_290 = arith.addf %add3A_265, %get3A_289 : vector<16xf32>
          %get3A_291 = arith.index_cast %add3A_278 : i32 to index
          %get3A_292 = arith.constant 48 : index
          %get3A_293 = tpu.vector_load %arg23[%get3A_291, %get3A_292] {strides = array<i32>} : memref<128x64xf32, #tpu.memory_space<vmem>>, vector<16xf32>,
          %add3A_294 = arith.addf %add3A_269, %get3A_293 : vector<16xf32>
          %scan3A_295 = arith.constant 2 : i32
          %scan3A_296 = arith.addi %scan3A_242, %scan3A_295 : i32
          %mul3A_297 = arith.constant 1 : i32
          %mul3A_298 = arith.muli %scan3A_296, %mul3A_297 : i32
          %add3A_299 = arith.constant 0 : i32
          %add3A_300 = arith.addi %add3A_299, %mul3A_298 : i32
          %mul3A_301 = arith.constant 64 : i32
          %mul3A_302 = arith.muli %add3A_187, %mul3A_301 : i32
          %add3A_303 = arith.addi %mul3A_302, %add3A_300 : i32
          %get3A_304 = arith.index_cast %add3A_303 : i32 to index
          %get3A_305 = arith.constant 0 : index
          %get3A_306 = tpu.vector_load %arg23[%get3A_304, %get3A_305] {strides = array<i32>} : memref<128x64xf32, #tpu.memory_space<vmem>>, vector<16xf32>,
          %add3A_307 = arith.addf %add3A_282, %get3A_306 : vector<16xf32>
          %get3A_308 = arith.index_cast %add3A_303 : i32 to index
          %get3A_309 = arith.constant 16 : index
          %get3A_310 = tpu.vector_load %arg23[%get3A_308, %get3A_309] {strides = array<i32>} : memref<128x64xf32, #tpu.memory_space<vmem>>, vector<16xf32>,
          %add3A_311 = arith.addf %add3A_286, %get3A_310 : vector<16xf32>
          %get3A_312 = arith.index_cast %add3A_303 : i32 to index
          %get3A_313 = arith.constant 32 : index
          %get3A_314 = tpu.vector_load %arg23[%get3A_312, %get3A_313] {strides = array<i32>} : memref<128x64xf32, #tpu.memory_space<vmem>>, vector<16xf32>,
          %add3A_315 = arith.addf %add3A_290, %get3A_314 : vector<16xf32>
          %get3A_316 = arith.index_cast %add3A_303 : i32 to index
          %get3A_317 = arith.constant 48 : index
          %get3A_318 = tpu.vector_load %arg23[%get3A_316, %get3A_317] {strides = array<i32>} : memref<128x64xf32, #tpu.memory_space<vmem>>, vector<16xf32>,
          %add3A_319 = arith.addf %add3A_294, %get3A_318 : vector<16xf32>
          %scan3A_320 = arith.constant 3 : i32
          %scan3A_321 = arith.addi %scan3A_242, %scan3A_320 : i32
          %mul3A_322 = arith.constant 1 : i32
          %mul3A_323 = arith.muli %scan3A_321, %mul3A_322 : i32
          %add3A_324 = arith.constant 0 : i32
          %add3A_325 = arith.addi %add3A_324, %mul3A_323 : i32
          %mul3A_326 = arith.constant 64 : i32
          %mul3A_327 = arith.muli %add3A_187, %mul3A_326 : i32
          %add3A_328 = arith.addi %mul3A_327, %add3A_325 : i32
          %get3A_329 = arith.index_cast %add3A_328 : i32 to index
          %get3A_330 = arith.constant 0 : index
          %get3A_331 = tpu.vector_load %arg23[%get3A_329, %get3A_330] {strides = array<i32>} : memref<128x64xf32, #tpu.memory_space<vmem>>, vector<16xf32>,
          %add3A_332 = arith.addf %add3A_307, %get3A_331 : vector<16xf32>
          %get3A_333 = arith.index_cast %add3A_328 : i32 to index
          %get3A_334 = arith.constant 16 : index
          %get3A_335 = tpu.vector_load %arg23[%get3A_333, %get3A_334] {strides = array<i32>} : memref<128x64xf32, #tpu.memory_space<vmem>>, vector<16xf32>,
          %add3A_336 = arith.addf %add3A_311, %get3A_335 : vector<16xf32>
          %get3A_337 = arith.index_cast %add3A_328 : i32 to index
          %get3A_338 = arith.constant 32 : index
          %get3A_339 = tpu.vector_load %arg23[%get3A_337, %get3A_338] {strides = array<i32>} : memref<128x64xf32, #tpu.memory_space<vmem>>, vector<16xf32>,
          %add3A_340 = arith.addf %add3A_315, %get3A_339 : vector<16xf32>
          %get3A_341 = arith.index_cast %add3A_328 : i32 to index
          %get3A_342 = arith.constant 48 : index
          %get3A_343 = tpu.vector_load %arg23[%get3A_341, %get3A_342] {strides = array<i32>} : memref<128x64xf32, #tpu.memory_space<vmem>>, vector<16xf32>,
          %add3A_344 = arith.addf %add3A_319, %get3A_343 : vector<16xf32>
          %scan3A_345 = arith.constant 4 : i32
          %scan3A_346 = arith.addi %scan3A_242, %scan3A_345 : i32
          %mul3A_347 = arith.constant 1 : i32
          %mul3A_348 = arith.muli %scan3A_346, %mul3A_347 : i32
          %add3A_349 = arith.constant 0 : i32
          %add3A_350 = arith.addi %add3A_349, %mul3A_348 : i32
          %mul3A_351 = arith.constant 64 : i32
          %mul3A_352 = arith.muli %add3A_187, %mul3A_351 : i32
          %add3A_353 = arith.addi %mul3A_352, %add3A_350 : i32
          %get3A_354 = arith.index_cast %add3A_353 : i32 to index
          %get3A_355 = arith.constant 0 : index
          %get3A_356 = tpu.vector_load %arg23[%get3A_354, %get3A_355] {strides = array<i32>} : memref<128x64xf32, #tpu.memory_space<vmem>>, vector<16xf32>,
          %add3A_357 = arith.addf %add3A_332, %get3A_356 : vector<16xf32>
          %get3A_358 = arith.index_cast %add3A_353 : i32 to index
          %get3A_359 = arith.constant 16 : index
          %get3A_360 = tpu.vector_load %arg23[%get3A_358, %get3A_359] {strides = array<i32>} : memref<128x64xf32, #tpu.memory_space<vmem>>, vector<16xf32>,
          %add3A_361 = arith.addf %add3A_336, %get3A_360 : vector<16xf32>
          %get3A_362 = arith.index_cast %add3A_353 : i32 to index
          %get3A_363 = arith.constant 32 : index
          %get3A_364 = tpu.vector_load %arg23[%get3A_362, %get3A_363] {strides = array<i32>} : memref<128x64xf32, #tpu.memory_space<vmem>>, vector<16xf32>,
          %add3A_365 = arith.addf %add3A_340, %get3A_364 : vector<16xf32>
          %get3A_366 = arith.index_cast %add3A_353 : i32 to index
          %get3A_367 = arith.constant 48 : index
          %get3A_368 = tpu.vector_load %arg23[%get3A_366, %get3A_367] {strides = array<i32>} : memref<128x64xf32, #tpu.memory_space<vmem>>, vector<16xf32>,
          %add3A_369 = arith.addf %add3A_344, %get3A_368 : vector<16xf32>
          %scan3A_370 = arith.constant 5 : i32
          %scan3A_371 = arith.addi %scan3A_242, %scan3A_370 : i32
          %mul3A_372 = arith.constant 1 : i32
          %mul3A_373 = arith.muli %scan3A_371, %mul3A_372 : i32
          %add3A_374 = arith.constant 0 : i32
          %add3A_375 = arith.addi %add3A_374, %mul3A_373 : i32
          %mul3A_376 = arith.constant 64 : i32
          %mul3A_377 = arith.muli %add3A_187, %mul3A_376 : i32
          %add3A_378 = arith.addi %mul3A_377, %add3A_375 : i32
          %get3A_379 = arith.index_cast %add3A_378 : i32 to index
          %get3A_380 = arith.constant 0 : index
          %get3A_381 = tpu.vector_load %arg23[%get3A_379, %get3A_380] {strides = array<i32>} : memref<128x64xf32, #tpu.memory_space<vmem>>, vector<16xf32>,
          %add3A_382 = arith.addf %add3A_357, %get3A_381 : vector<16xf32>
          %get3A_383 = arith.index_cast %add3A_378 : i32 to index
          %get3A_384 = arith.constant 16 : index
          %get3A_385 = tpu.vector_load %arg23[%get3A_383, %get3A_384] {strides = array<i32>} : memref<128x64xf32, #tpu.memory_space<vmem>>, vector<16xf32>,
          %add3A_386 = arith.addf %add3A_361, %get3A_385 : vector<16xf32>
          %get3A_387 = arith.index_cast %add3A_378 : i32 to index
          %get3A_388 = arith.constant 32 : index
          %get3A_389 = tpu.vector_load %arg23[%get3A_387, %get3A_388] {strides = array<i32>} : memref<128x64xf32, #tpu.memory_space<vmem>>, vector<16xf32>,
          %add3A_390 = arith.addf %add3A_365, %get3A_389 : vector<16xf32>
          %get3A_391 = arith.index_cast %add3A_378 : i32 to index
          %get3A_392 = arith.constant 48 : index
          %get3A_393 = tpu.vector_load %arg23[%get3A_391, %get3A_392] {strides = array<i32>} : memref<128x64xf32, #tpu.memory_space<vmem>>, vector<16xf32>,
          %add3A_394 = arith.addf %add3A_369, %get3A_393 : vector<16xf32>
          %scan3A_395 = arith.constant 6 : i32
          %scan3A_396 = arith.addi %scan3A_242, %scan3A_395 : i32
          %mul3A_397 = arith.constant 1 : i32
          %mul3A_398 = arith.muli %scan3A_396, %mul3A_397 : i32
          %add3A_399 = arith.constant 0 : i32
          %add3A_400 = arith.addi %add3A_399, %mul3A_398 : i32
          %mul3A_401 = arith.constant 64 : i32
          %mul3A_402 = arith.muli %add3A_187, %mul3A_401 : i32
          %add3A_403 = arith.addi %mul3A_402, %add3A_400 : i32
          %get3A_404 = arith.index_cast %add3A_403 : i32 to index
          %get3A_405 = arith.constant 0 : index
          %get3A_406 = tpu.vector_load %arg23[%get3A_404, %get3A_405] {strides = array<i32>} : memref<128x64xf32, #tpu.memory_space<vmem>>, vector<16xf32>,
          %add3A_407 = arith.addf %add3A_382, %get3A_406 : vector<16xf32>
          %get3A_408 = arith.index_cast %add3A_403 : i32 to index
          %get3A_409 = arith.constant 16 : index
          %get3A_410 = tpu.vector_load %arg23[%get3A_408, %get3A_409] {strides = array<i32>} : memref<128x64xf32, #tpu.memory_space<vmem>>, vector<16xf32>,
          %add3A_411 = arith.addf %add3A_386, %get3A_410 : vector<16xf32>
          %get3A_412 = arith.index_cast %add3A_403 : i32 to index
          %get3A_413 = arith.constant 32 : index
          %get3A_414 = tpu.vector_load %arg23[%get3A_412, %get3A_413] {strides = array<i32>} : memref<128x64xf32, #tpu.memory_space<vmem>>, vector<16xf32>,
          %add3A_415 = arith.addf %add3A_390, %get3A_414 : vector<16xf32>
          %get3A_416 = arith.index_cast %add3A_403 : i32 to index
          %get3A_417 = arith.constant 48 : index
          %get3A_418 = tpu.vector_load %arg23[%get3A_416, %get3A_417] {strides = array<i32>} : memref<128x64xf32, #tpu.memory_space<vmem>>, vector<16xf32>,
          %add3A_419 = arith.addf %add3A_394, %get3A_418 : vector<16xf32>
          %scan3A_420 = arith.constant 7 : i32
          %scan3A_421 = arith.addi %scan3A_242, %scan3A_420 : i32
          %mul3A_422 = arith.constant 1 : i32
          %mul3A_423 = arith.muli %scan3A_421, %mul3A_422 : i32
          %add3A_424 = arith.constant 0 : i32
          %add3A_425 = arith.addi %add3A_424, %mul3A_423 : i32
          %mul3A_426 = arith.constant 64 : i32
          %mul3A_427 = arith.muli %add3A_187, %mul3A_426 : i32
          %add3A_428 = arith.addi %mul3A_427, %add3A_425 : i32
          %get3A_429 = arith.index_cast %add3A_428 : i32 to index
          %get3A_430 = arith.constant 0 : index
          %get3A_431 = tpu.vector_load %arg23[%get3A_429, %get3A_430] {strides = array<i32>} : memref<128x64xf32, #tpu.memory_space<vmem>>, vector<16xf32>,
          %add3A_432 = arith.addf %add3A_407, %get3A_431 : vector<16xf32>
          %get3A_433 = arith.index_cast %add3A_428 : i32 to index
          %get3A_434 = arith.constant 16 : index
          %get3A_435 = tpu.vector_load %arg23[%get3A_433, %get3A_434] {strides = array<i32>} : memref<128x64xf32, #tpu.memory_space<vmem>>, vector<16xf32>,
          %add3A_436 = arith.addf %add3A_411, %get3A_435 : vector<16xf32>
          %get3A_437 = arith.index_cast %add3A_428 : i32 to index
          %get3A_438 = arith.constant 32 : index
          %get3A_439 = tpu.vector_load %arg23[%get3A_437, %get3A_438] {strides = array<i32>} : memref<128x64xf32, #tpu.memory_space<vmem>>, vector<16xf32>,
          %add3A_440 = arith.addf %add3A_415, %get3A_439 : vector<16xf32>
          %get3A_441 = arith.index_cast %add3A_428 : i32 to index
          %get3A_442 = arith.constant 48 : index
          %get3A_443 = tpu.vector_load %arg23[%get3A_441, %get3A_442] {strides = array<i32>} : memref<128x64xf32, #tpu.memory_space<vmem>>, vector<16xf32>,
          %add3A_444 = arith.addf %add3A_419, %get3A_443 : vector<16xf32>
          scf.yield %add3A_432, %add3A_436, %add3A_440, %add3A_444 : vector<16xf32>, vector<16xf32>, vector<16xf32>, vector<16xf32>
        }
        %scan3A_195 = arith.constant 64 : i32
        %mul3A_196 = arith.constant 2 : i32
        %mul3A_197 = arith.muli %add3A_162, %mul3A_196 : i32
        %add3A_198 = arith.addi %mul3A_197, %add3A_187 : i32
        %mul3A_199 = arith.constant 64 : i32
        %mul3A_200 = arith.muli %add3A_187, %mul3A_199 : i32
        %add3A_201 = arith.constant 49 : i32
        %add3A_202 = arith.addi %mul3A_200, %add3A_201 : i32
        %get3A = arith.index_cast %add3A_202 : i32 to index
        %get3A_203 = arith.constant 0 : index
        %get3A_204 = tpu.vector_load %arg23[%get3A, %get3A_203] {strides = array<i32>} : memref<128x64xf32, #tpu.memory_space<vmem>>, vector<16xf32>,
        %mul3A_205 = arith.constant 1.400000e+01 : f32
        %mul3A_206 = vector.broadcast %mul3A_205 : f32 to vector<16xf32>
        %mul3A_207 = arith.mulf %mul3A_206, %get3A_204 : vector<16xf32>
        %sub3A_208 = arith.subf %scan3A_194#0, %mul3A_207 : vector<16xf32>
        %get3A_209 = arith.index_cast %add3A_202 : i32 to index
        %get3A_210 = arith.constant 16 : index
        %get3A_211 = tpu.vector_load %arg23[%get3A_209, %get3A_210] {strides = array<i32>} : memref<128x64xf32, #tpu.memory_space<vmem>>, vector<16xf32>,
        %mul3A_212 = arith.constant 1.400000e+01 : f32
        %mul3A_213 = vector.broadcast %mul3A_212 : f32 to vector<16xf32>
        %mul3A_214 = arith.mulf %mul3A_213, %get3A_211 : vector<16xf32>
        %sub3A_215 = arith.subf %scan3A_194#1, %mul3A_214 : vector<16xf32>
        %get3A_216 = arith.index_cast %add3A_202 : i32 to index
        %get3A_217 = arith.constant 32 : index
        %get3A_218 = tpu.vector_load %arg23[%get3A_216, %get3A_217] {strides = array<i32>} : memref<128x64xf32, #tpu.memory_space<vmem>>, vector<16xf32>,
        %mul3A_219 = arith.constant 1.400000e+01 : f32
        %mul3A_220 = vector.broadcast %mul3A_219 : f32 to vector<16xf32>
        %mul3A_221 = arith.mulf %mul3A_220, %get3A_218 : vector<16xf32>
        %sub3A_222 = arith.subf %scan3A_194#2, %mul3A_221 : vector<16xf32>
        %get3A_223 = arith.index_cast %add3A_202 : i32 to index
        %get3A_224 = arith.constant 48 : index
        %get3A_225 = tpu.vector_load %arg23[%get3A_223, %get3A_224] {strides = array<i32>} : memref<128x64xf32, #tpu.memory_space<vmem>>, vector<16xf32>,
        %mul3A_226 = arith.constant 1.400000e+01 : f32
        %mul3A_227 = vector.broadcast %mul3A_226 : f32 to vector<16xf32>
        %mul3A_228 = arith.mulf %mul3A_227, %get3A_225 : vector<16xf32>
        %sub3A_229 = arith.subf %scan3A_194#3, %mul3A_228 : vector<16xf32>
        %swap3A_230 = arith.index_cast %add3A_198 : i32 to index
        %swap3A_231 = arith.constant 0 : index
        %swap3A_232 = tpu.vector_load %arg18[%swap3A_230, %swap3A_231] {strides = array<i32>} : memref<128x64xf32, #tpu.memory_space<vmem>>, vector<16xf32>,
        tpu.vector_store %arg18[%swap3A_230, %swap3A_231], %sub3A_208 {strides = array<i32>} : memref<128x64xf32, #tpu.memory_space<vmem>>, vector<16xf32>,
        %swap3A_233 = arith.index_cast %add3A_198 : i32 to index
        %swap3A_234 = arith.constant 16 : index
        %swap3A_235 = tpu.vector_load %arg18[%swap3A_233, %swap3A_234] {strides = array<i32>} : memref<128x64xf32, #tpu.memory_space<vmem>>, vector<16xf32>,
        tpu.vector_store %arg18[%swap3A_233, %swap3A_234], %sub3A_215 {strides = array<i32>} : memref<128x64xf32, #tpu.memory_space<vmem>>, vector<16xf32>,
        %swap3A_236 = arith.index_cast %add3A_198 : i32 to index
        %swap3A_237 = arith.constant 32 : index
        %swap3A_238 = tpu.vector_load %arg18[%swap3A_236, %swap3A_237] {strides = array<i32>} : memref<128x64xf32, #tpu.memory_space<vmem>>, vector<16xf32>,
        tpu.vector_store %arg18[%swap3A_236, %swap3A_237], %sub3A_222 {strides = array<i32>} : memref<128x64xf32, #tpu.memory_space<vmem>>, vector<16xf32>,
        %swap3A_239 = arith.index_cast %add3A_198 : i32 to index
        %swap3A_240 = arith.constant 48 : index
        %swap3A_241 = tpu.vector_load %arg18[%swap3A_239, %swap3A_240] {strides = array<i32>} : memref<128x64xf32, #tpu.memory_space<vmem>>, vector<16xf32>,
        tpu.vector_store %arg18[%swap3A_239, %swap3A_240], %sub3A_229 {strides = array<i32>} : memref<128x64xf32, #tpu.memory_space<vmem>>, vector<16xf32>,
      }
      %scan3A_182 = arith.constant 2 : i32
    }
    %scan3A_55 = arith.constant 16 : i32
    %dma_start3A_56 = arith.constant 0 : i32
    %dma_start3A_57 = arith.constant 0 : i32
    %dma_start3A_58 = tpu.memref_slice %arg15[%dma_start3A_56, %dma_start3A_57] : memref<64x128xi32, #tpu.memory_space<vmem>> -> memref<1x128xi32, #tpu.memory_space<vmem>>
    %dma_start3A_59 = tpu.memref_squeeze %dma_start3A_58 : memref<1x128xi32, #tpu.memory_space<vmem>> -> memref<128xi32, #tpu.memory_space<vmem>>
    %dma_start3A_60 = arith.constant 0 : i32
    %dma_start3A_61 = arith.constant 0 : i32
    %dma_start3A_62 = tpu.memref_slice %arg8[%dma_start3A_60, %dma_start3A_61] : memref<65535x64xf32, #tpu.memory_space<hbm>> -> memref<65535x64xf32, #tpu.memory_space<hbm>>
    tpu.enqueue_indirect_dma source(%dma_start3A_62 : memref<65535x64xf32, #tpu.memory_space<hbm>>) target(%arg20 : memref<128x64xf32, #tpu.memory_space<vmem>>) offsets(%dma_start3A_59 : memref<128xi32, #tpu.memory_space<vmem>>) semaphore(%arg26 : memref<!tpu.dma_semaphore, #tpu.memory_space<semaphore_mem>>)
    %dma_start3A_63 = arith.constant 1 : i32
    %dma_start3A_64 = arith.constant 0 : i32
    %dma_start3A_65 = tpu.memref_slice %arg15[%dma_start3A_63, %dma_start3A_64] : memref<64x128xi32, #tpu.memory_space<vmem>> -> memref<1x128xi32, #tpu.memory_space<vmem>>
    %dma_start3A_66 = tpu.memref_squeeze %dma_start3A_65 : memref<1x128xi32, #tpu.memory_space<vmem>> -> memref<128xi32, #tpu.memory_space<vmem>>
    %dma_start3A_67 = arith.constant 0 : i32
    %dma_start3A_68 = arith.constant 0 : i32
    %dma_start3A_69 = tpu.memref_slice %arg8[%dma_start3A_67, %dma_start3A_68] : memref<65535x64xf32, #tpu.memory_space<hbm>> -> memref<65535x64xf32, #tpu.memory_space<hbm>>
    tpu.enqueue_indirect_dma source(%dma_start3A_69 : memref<65535x64xf32, #tpu.memory_space<hbm>>) target(%arg21 : memref<128x64xf32, #tpu.memory_space<vmem>>) offsets(%dma_start3A_66 : memref<128xi32, #tpu.memory_space<vmem>>) semaphore(%arg27 : memref<!tpu.dma_semaphore, #tpu.memory_space<semaphore_mem>>)
    %dma_start3A_70 = arith.constant 2 : i32
    %dma_start3A_71 = arith.constant 0 : i32
    %dma_start3A_72 = tpu.memref_slice %arg15[%dma_start3A_70, %dma_start3A_71] : memref<64x128xi32, #tpu.memory_space<vmem>> -> memref<1x128xi32, #tpu.memory_space<vmem>>
    %dma_start3A_73 = tpu.memref_squeeze %dma_start3A_72 : memref<1x128xi32, #tpu.memory_space<vmem>> -> memref<128xi32, #tpu.memory_space<vmem>>
    %dma_start3A_74 = arith.constant 0 : i32
    %dma_start3A_75 = arith.constant 0 : i32
    %dma_start3A_76 = tpu.memref_slice %arg8[%dma_start3A_74, %dma_start3A_75] : memref<65535x64xf32, #tpu.memory_space<hbm>> -> memref<65535x64xf32, #tpu.memory_space<hbm>>
    tpu.enqueue_indirect_dma source(%dma_start3A_76 : memref<65535x64xf32, #tpu.memory_space<hbm>>) target(%arg22 : memref<128x64xf32, #tpu.memory_space<vmem>>) offsets(%dma_start3A_73 : memref<128xi32, #tpu.memory_space<vmem>>) semaphore(%arg28 : memref<!tpu.dma_semaphore, #tpu.memory_space<semaphore_mem>>)
    %scan3A_77 = arith.constant 0 : i32
    %scan3A_78 = arith.constant 16 : i32
    %scan3A_79 = arith.addi %scan3A_77, %scan3A_78 : i32
    %scan3A_80 = arith.constant 1 : i32
    scf.for %scan3A_94 = %scan3A_77 to %scan3A_79 step %scan3A_80  : i32 {
      %mul3A_95 = arith.constant 4 : i32
      %mul3A_96 = arith.muli %scan3A_94, %mul3A_95 : i32
      %add3A_97 = arith.constant 0 : i32
      %add3A_98 = arith.addi %add3A_97, %mul3A_96 : i32
      %add3A_99 = arith.constant 0 : i32
      %add3A_100 = arith.addi %add3A_98, %add3A_99 : i32
      %add3A_101 = arith.constant 4 : i32
      %add3A_102 = arith.addi %add3A_100, %add3A_101 : i32
      %sub3A = arith.constant 1 : i32
      %sub3A_103 = arith.subi %add3A_102, %sub3A : i32
      %lt3A = arith.constant 64 : i32
      %lt3A_104 = arith.cmpi slt, %sub3A_103, %lt3A : i32
      %convert_element_type3A = arith.extui %lt3A_104 : i1 to i32
      %cond3A = arith.constant 0 : i32
      %cond3A_105 = arith.cmpi ne, %convert_element_type3A, %cond3A : i32
      scf.if %cond3A_105 {
        %add3A_183 = arith.constant 4 : i32
        %add3A_184 = arith.addi %add3A_100, %add3A_183 : i32
        %sub3A_185 = arith.constant 1 : i32
        %sub3A_186 = arith.subi %add3A_184, %sub3A_185 : i32
        %dma_start3A_187 = arith.constant 0 : i32
        %dma_start3A_188 = tpu.memref_slice %arg15[%sub3A_186, %dma_start3A_187] : memref<64x128xi32, #tpu.memory_space<vmem>> -> memref<1x128xi32, #tpu.memory_space<vmem>>
        %dma_start3A_189 = tpu.memref_squeeze %dma_start3A_188 : memref<1x128xi32, #tpu.memory_space<vmem>> -> memref<128xi32, #tpu.memory_space<vmem>>
        %dma_start3A_190 = arith.constant 0 : i32
        %dma_start3A_191 = arith.constant 0 : i32
        %dma_start3A_192 = tpu.memref_slice %arg8[%dma_start3A_190, %dma_start3A_191] : memref<65535x64xf32, #tpu.memory_space<hbm>> -> memref<65535x64xf32, #tpu.memory_space<hbm>>
        tpu.enqueue_indirect_dma source(%dma_start3A_192 : memref<65535x64xf32, #tpu.memory_space<hbm>>) target(%arg23 : memref<128x64xf32, #tpu.memory_space<vmem>>) offsets(%dma_start3A_189 : memref<128xi32, #tpu.memory_space<vmem>>) semaphore(%arg29 : memref<!tpu.dma_semaphore, #tpu.memory_space<semaphore_mem>>)
      } else {
      }
      %dma_wait3A_106 = arith.constant 0 : i32
      %dma_wait3A_107 = tpu.memref_slice %arg15[%add3A_100, %dma_wait3A_106] : memref<64x128xi32, #tpu.memory_space<vmem>> -> memref<1x128xi32, #tpu.memory_space<vmem>>
      %dma_wait3A_108 = tpu.memref_squeeze %dma_wait3A_107 : memref<1x128xi32, #tpu.memory_space<vmem>> -> memref<128xi32, #tpu.memory_space<vmem>>
      %dma_wait3A_109 = arith.constant 0 : i32
      %dma_wait3A_110 = arith.constant 0 : i32
      %dma_wait3A_111 = tpu.memref_slice %arg8[%dma_wait3A_109, %dma_wait3A_110] : memref<65535x64xf32, #tpu.memory_space<hbm>> -> memref<65535x64xf32, #tpu.memory_space<hbm>>
      tpu.wait_indirect_dma semaphore(%arg26 : memref<!tpu.dma_semaphore, #tpu.memory_space<semaphore_mem>>) src(%dma_wait3A_111 : memref<65535x64xf32, #tpu.memory_space<hbm>>) dst(%arg20 : memref<128x64xf32, #tpu.memory_space<vmem>>)
      %scan3A_112 = arith.constant 0 : i32
      %scan3A_113 = arith.constant 8 : i32
      %scan3A_114 = arith.addi %scan3A_112, %scan3A_113 : i32
      %scan3A_115 = arith.constant 1 : i32
      scf.for %scan3A_183 = %scan3A_112 to %scan3A_114 step %scan3A_115  : i32 {
        %mul3A_184 = arith.constant 1 : i32
        %mul3A_185 = arith.muli %scan3A_183, %mul3A_184 : i32
        %add3A_186 = arith.constant 0 : i32
        %add3A_187 = arith.addi %add3A_186, %mul3A_185 : i32
        %shift_right_logical3A_188 = arith.constant 2 : i32
        %shift_right_logical3A_189 = arith.shrui %add3A_187, %shift_right_logical3A_188 : i32
        %and3A_190 = arith.constant 3 : i32
        %and3A_191 = arith.andi %add3A_187, %and3A_190 : i32
        %mul3A_192 = arith.constant 2 : i32
        %mul3A_193 = arith.muli %add3A_100, %mul3A_192 : i32
        %add3A_194 = arith.addi %mul3A_193, %shift_right_logical3A_189 : i32
        %get3A = arith.index_cast %add3A_194 : i32 to index
        %get3A_195 = arith.constant 0 : index
        %get3A_196 = tpu.vector_load %arg18[%get3A, %get3A_195] {strides = array<i32>} : memref<128x64xf32, #tpu.memory_space<vmem>>, vector<16xf32>,
        %get3A_197 = arith.index_cast %add3A_194 : i32 to index
        %get3A_198 = arith.constant 16 : index
        %get3A_199 = tpu.vector_load %arg18[%get3A_197, %get3A_198] {strides = array<i32>} : memref<128x64xf32, #tpu.memory_space<vmem>>, vector<16xf32>,
        %get3A_200 = arith.index_cast %add3A_194 : i32 to index
        %get3A_201 = arith.constant 32 : index
        %get3A_202 = tpu.vector_load %arg18[%get3A_200, %get3A_201] {strides = array<i32>} : memref<128x64xf32, #tpu.memory_space<vmem>>, vector<16xf32>,
        %get3A_203 = arith.index_cast %add3A_194 : i32 to index
        %get3A_204 = arith.constant 48 : index
        %get3A_205 = tpu.vector_load %arg18[%get3A_203, %get3A_204] {strides = array<i32>} : memref<128x64xf32, #tpu.memory_space<vmem>>, vector<16xf32>,
        %mul3A_206 = arith.constant 64 : i32
        %mul3A_207 = arith.muli %shift_right_logical3A_189, %mul3A_206 : i32
        %mul3A_208 = arith.constant 16 : i32
        %mul3A_209 = arith.muli %and3A_191, %mul3A_208 : i32
        %add3A_210 = arith.addi %mul3A_207, %mul3A_209 : i32
        %scan3A_211 = arith.constant 0 : i32
        %scan3A_212 = arith.constant 16 : i32
        %scan3A_213 = arith.addi %scan3A_211, %scan3A_212 : i32
        %scan3A_214 = arith.constant 8 : i32
        scf.for %scan3A_255 = %scan3A_211 to %scan3A_213 step %scan3A_214  : i32 {
          %mul3A_256 = arith.constant 1 : i32
          %mul3A_257 = arith.muli %scan3A_255, %mul3A_256 : i32
          %add3A_258 = arith.constant 0 : i32
          %add3A_259 = arith.addi %add3A_258, %mul3A_257 : i32
          %add3A_260 = arith.addi %add3A_210, %add3A_259 : i32
          %get3A_261 = arith.index_cast %add3A_260 : i32 to index
          %get3A_262 = arith.constant 0 : index
          %get3A_263 = tpu.vector_load %arg20[%get3A_261, %get3A_262] {strides = array<i32>} : memref<128x64xf32, #tpu.memory_space<vmem>>, vector<16xf32>,
          %mul3A_264 = arith.mulf %get3A_263, %get3A_196 : vector<16xf32>
          %get3A_265 = arith.index_cast %add3A_260 : i32 to index
          %get3A_266 = arith.constant 16 : index
          %get3A_267 = tpu.vector_load %arg20[%get3A_265, %get3A_266] {strides = array<i32>} : memref<128x64xf32, #tpu.memory_space<vmem>>, vector<16xf32>,
          %mul3A_268 = arith.mulf %get3A_267, %get3A_199 : vector<16xf32>
          %add3A_269 = arith.addf %mul3A_264, %mul3A_268 : vector<16xf32>
          %get3A_270 = arith.index_cast %add3A_260 : i32 to index
          %get3A_271 = arith.constant 32 : index
          %get3A_272 = tpu.vector_load %arg20[%get3A_270, %get3A_271] {strides = array<i32>} : memref<128x64xf32, #tpu.memory_space<vmem>>, vector<16xf32>,
          %mul3A_273 = arith.mulf %get3A_272, %get3A_202 : vector<16xf32>
          %add3A_274 = arith.addf %add3A_269, %mul3A_273 : vector<16xf32>
          %get3A_275 = arith.index_cast %add3A_260 : i32 to index
          %get3A_276 = arith.constant 48 : index
          %get3A_277 = tpu.vector_load %arg20[%get3A_275, %get3A_276] {strides = array<i32>} : memref<128x64xf32, #tpu.memory_space<vmem>>, vector<16xf32>,
          %mul3A_278 = arith.mulf %get3A_277, %get3A_205 : vector<16xf32>
          %add3A_279 = arith.addf %add3A_274, %mul3A_278 : vector<16xf32>
          %swap3A_280 = arith.index_cast %add3A_259 : i32 to index
          %swap3A_281 = arith.constant 0 : index
          %swap3A_282 = tpu.vector_load %arg24[%swap3A_280, %swap3A_281] {strides = array<i32>} : memref<16x16xf32, #tpu.memory_space<vmem>>, vector<16xf32>,
          tpu.vector_store %arg24[%swap3A_280, %swap3A_281], %add3A_279 {strides = array<i32>} : memref<16x16xf32, #tpu.memory_space<vmem>>, vector<16xf32>,
          %scan3A_283 = arith.constant 1 : i32
          %scan3A_284 = arith.addi %scan3A_255, %scan3A_283 : i32
          %mul3A_285 = arith.constant 1 : i32
          %mul3A_286 = arith.muli %scan3A_284, %mul3A_285 : i32
          %add3A_287 = arith.constant 0 : i32
          %add3A_288 = arith.addi %add3A_287, %mul3A_286 : i32
          %add3A_289 = arith.addi %add3A_210, %add3A_288 : i32
          %get3A_290 = arith.index_cast %add3A_289 : i32 to index
          %get3A_291 = arith.constant 0 : index
          %get3A_292 = tpu.vector_load %arg20[%get3A_290, %get3A_291] {strides = array<i32>} : memref<128x64xf32, #tpu.memory_space<vmem>>, vector<16xf32>,
          %mul3A_293 = arith.mulf %get3A_292, %get3A_196 : vector<16xf32>
          %get3A_294 = arith.index_cast %add3A_289 : i32 to index
          %get3A_295 = arith.constant 16 : index
          %get3A_296 = tpu.vector_load %arg20[%get3A_294, %get3A_295] {strides = array<i32>} : memref<128x64xf32, #tpu.memory_space<vmem>>, vector<16xf32>,
          %mul3A_297 = arith.mulf %get3A_296, %get3A_199 : vector<16xf32>
          %add3A_298 = arith.addf %mul3A_293, %mul3A_297 : vector<16xf32>
          %get3A_299 = arith.index_cast %add3A_289 : i32 to index
          %get3A_300 = arith.constant 32 : index
          %get3A_301 = tpu.vector_load %arg20[%get3A_299, %get3A_300] {strides = array<i32>} : memref<128x64xf32, #tpu.memory_space<vmem>>, vector<16xf32>,
          %mul3A_302 = arith.mulf %get3A_301, %get3A_202 : vector<16xf32>
          %add3A_303 = arith.addf %add3A_298, %mul3A_302 : vector<16xf32>
          %get3A_304 = arith.index_cast %add3A_289 : i32 to index
          %get3A_305 = arith.constant 48 : index
          %get3A_306 = tpu.vector_load %arg20[%get3A_304, %get3A_305] {strides = array<i32>} : memref<128x64xf32, #tpu.memory_space<vmem>>, vector<16xf32>,
          %mul3A_307 = arith.mulf %get3A_306, %get3A_205 : vector<16xf32>
          %add3A_308 = arith.addf %add3A_303, %mul3A_307 : vector<16xf32>
          %swap3A_309 = arith.index_cast %add3A_288 : i32 to index
          %swap3A_310 = arith.constant 0 : index
          %swap3A_311 = tpu.vector_load %arg24[%swap3A_309, %swap3A_310] {strides = array<i32>} : memref<16x16xf32, #tpu.memory_space<vmem>>, vector<16xf32>,
          tpu.vector_store %arg24[%swap3A_309, %swap3A_310], %add3A_308 {strides = array<i32>} : memref<16x16xf32, #tpu.memory_space<vmem>>, vector<16xf32>,
          %scan3A_312 = arith.constant 2 : i32
          %scan3A_313 = arith.addi %scan3A_255, %scan3A_312 : i32
          %mul3A_314 = arith.constant 1 : i32
          %mul3A_315 = arith.muli %scan3A_313, %mul3A_314 : i32
          %add3A_316 = arith.constant 0 : i32
          %add3A_317 = arith.addi %add3A_316, %mul3A_315 : i32
          %add3A_318 = arith.addi %add3A_210, %add3A_317 : i32
          %get3A_319 = arith.index_cast %add3A_318 : i32 to index
          %get3A_320 = arith.constant 0 : index
          %get3A_321 = tpu.vector_load %arg20[%get3A_319, %get3A_320] {strides = array<i32>} : memref<128x64xf32, #tpu.memory_space<vmem>>, vector<16xf32>,
          %mul3A_322 = arith.mulf %get3A_321, %get3A_196 : vector<16xf32>
          %get3A_323 = arith.index_cast %add3A_318 : i32 to index
          %get3A_324 = arith.constant 16 : index
          %get3A_325 = tpu.vector_load %arg20[%get3A_323, %get3A_324] {strides = array<i32>} : memref<128x64xf32, #tpu.memory_space<vmem>>, vector<16xf32>,
          %mul3A_326 = arith.mulf %get3A_325, %get3A_199 : vector<16xf32>
          %add3A_327 = arith.addf %mul3A_322, %mul3A_326 : vector<16xf32>
          %get3A_328 = arith.index_cast %add3A_318 : i32 to index
          %get3A_329 = arith.constant 32 : index
          %get3A_330 = tpu.vector_load %arg20[%get3A_328, %get3A_329] {strides = array<i32>} : memref<128x64xf32, #tpu.memory_space<vmem>>, vector<16xf32>,
          %mul3A_331 = arith.mulf %get3A_330, %get3A_202 : vector<16xf32>
          %add3A_332 = arith.addf %add3A_327, %mul3A_331 : vector<16xf32>
          %get3A_333 = arith.index_cast %add3A_318 : i32 to index
          %get3A_334 = arith.constant 48 : index
          %get3A_335 = tpu.vector_load %arg20[%get3A_333, %get3A_334] {strides = array<i32>} : memref<128x64xf32, #tpu.memory_space<vmem>>, vector<16xf32>,
          %mul3A_336 = arith.mulf %get3A_335, %get3A_205 : vector<16xf32>
          %add3A_337 = arith.addf %add3A_332, %mul3A_336 : vector<16xf32>
          %swap3A_338 = arith.index_cast %add3A_317 : i32 to index
          %swap3A_339 = arith.constant 0 : index
          %swap3A_340 = tpu.vector_load %arg24[%swap3A_338, %swap3A_339] {strides = array<i32>} : memref<16x16xf32, #tpu.memory_space<vmem>>, vector<16xf32>,
          tpu.vector_store %arg24[%swap3A_338, %swap3A_339], %add3A_337 {strides = array<i32>} : memref<16x16xf32, #tpu.memory_space<vmem>>, vector<16xf32>,
          %scan3A_341 = arith.constant 3 : i32
          %scan3A_342 = arith.addi %scan3A_255, %scan3A_341 : i32
          %mul3A_343 = arith.constant 1 : i32
          %mul3A_344 = arith.muli %scan3A_342, %mul3A_343 : i32
          %add3A_345 = arith.constant 0 : i32
          %add3A_346 = arith.addi %add3A_345, %mul3A_344 : i32
          %add3A_347 = arith.addi %add3A_210, %add3A_346 : i32
          %get3A_348 = arith.index_cast %add3A_347 : i32 to index
          %get3A_349 = arith.constant 0 : index
          %get3A_350 = tpu.vector_load %arg20[%get3A_348, %get3A_349] {strides = array<i32>} : memref<128x64xf32, #tpu.memory_space<vmem>>, vector<16xf32>,
          %mul3A_351 = arith.mulf %get3A_350, %get3A_196 : vector<16xf32>
          %get3A_352 = arith.index_cast %add3A_347 : i32 to index
          %get3A_353 = arith.constant 16 : index
          %get3A_354 = tpu.vector_load %arg20[%get3A_352, %get3A_353] {strides = array<i32>} : memref<128x64xf32, #tpu.memory_space<vmem>>, vector<16xf32>,
          %mul3A_355 = arith.mulf %get3A_354, %get3A_199 : vector<16xf32>
          %add3A_356 = arith.addf %mul3A_351, %mul3A_355 : vector<16xf32>
          %get3A_357 = arith.index_cast %add3A_347 : i32 to index
          %get3A_358 = arith.constant 32 : index
          %get3A_359 = tpu.vector_load %arg20[%get3A_357, %get3A_358] {strides = array<i32>} : memref<128x64xf32, #tpu.memory_space<vmem>>, vector<16xf32>,
          %mul3A_360 = arith.mulf %get3A_359, %get3A_202 : vector<16xf32>
          %add3A_361 = arith.addf %add3A_356, %mul3A_360 : vector<16xf32>
          %get3A_362 = arith.index_cast %add3A_347 : i32 to index
          %get3A_363 = arith.constant 48 : index
          %get3A_364 = tpu.vector_load %arg20[%get3A_362, %get3A_363] {strides = array<i32>} : memref<128x64xf32, #tpu.memory_space<vmem>>, vector<16xf32>,
          %mul3A_365 = arith.mulf %get3A_364, %get3A_205 : vector<16xf32>
          %add3A_366 = arith.addf %add3A_361, %mul3A_365 : vector<16xf32>
          %swap3A_367 = arith.index_cast %add3A_346 : i32 to index
          %swap3A_368 = arith.constant 0 : index
          %swap3A_369 = tpu.vector_load %arg24[%swap3A_367, %swap3A_368] {strides = array<i32>} : memref<16x16xf32, #tpu.memory_space<vmem>>, vector<16xf32>,
          tpu.vector_store %arg24[%swap3A_367, %swap3A_368], %add3A_366 {strides = array<i32>} : memref<16x16xf32, #tpu.memory_space<vmem>>, vector<16xf32>,
          %scan3A_370 = arith.constant 4 : i32
          %scan3A_371 = arith.addi %scan3A_255, %scan3A_370 : i32
          %mul3A_372 = arith.constant 1 : i32
          %mul3A_373 = arith.muli %scan3A_371, %mul3A_372 : i32
          %add3A_374 = arith.constant 0 : i32
          %add3A_375 = arith.addi %add3A_374, %mul3A_373 : i32
          %add3A_376 = arith.addi %add3A_210, %add3A_375 : i32
          %get3A_377 = arith.index_cast %add3A_376 : i32 to index
          %get3A_378 = arith.constant 0 : index
          %get3A_379 = tpu.vector_load %arg20[%get3A_377, %get3A_378] {strides = array<i32>} : memref<128x64xf32, #tpu.memory_space<vmem>>, vector<16xf32>,
          %mul3A_380 = arith.mulf %get3A_379, %get3A_196 : vector<16xf32>
          %get3A_381 = arith.index_cast %add3A_376 : i32 to index
          %get3A_382 = arith.constant 16 : index
          %get3A_383 = tpu.vector_load %arg20[%get3A_381, %get3A_382] {strides = array<i32>} : memref<128x64xf32, #tpu.memory_space<vmem>>, vector<16xf32>,
          %mul3A_384 = arith.mulf %get3A_383, %get3A_199 : vector<16xf32>
          %add3A_385 = arith.addf %mul3A_380, %mul3A_384 : vector<16xf32>
          %get3A_386 = arith.index_cast %add3A_376 : i32 to index
          %get3A_387 = arith.constant 32 : index
          %get3A_388 = tpu.vector_load %arg20[%get3A_386, %get3A_387] {strides = array<i32>} : memref<128x64xf32, #tpu.memory_space<vmem>>, vector<16xf32>,
          %mul3A_389 = arith.mulf %get3A_388, %get3A_202 : vector<16xf32>
          %add3A_390 = arith.addf %add3A_385, %mul3A_389 : vector<16xf32>
          %get3A_391 = arith.index_cast %add3A_376 : i32 to index
          %get3A_392 = arith.constant 48 : index
          %get3A_393 = tpu.vector_load %arg20[%get3A_391, %get3A_392] {strides = array<i32>} : memref<128x64xf32, #tpu.memory_space<vmem>>, vector<16xf32>,
          %mul3A_394 = arith.mulf %get3A_393, %get3A_205 : vector<16xf32>
          %add3A_395 = arith.addf %add3A_390, %mul3A_394 : vector<16xf32>
          %swap3A_396 = arith.index_cast %add3A_375 : i32 to index
          %swap3A_397 = arith.constant 0 : index
          %swap3A_398 = tpu.vector_load %arg24[%swap3A_396, %swap3A_397] {strides = array<i32>} : memref<16x16xf32, #tpu.memory_space<vmem>>, vector<16xf32>,
          tpu.vector_store %arg24[%swap3A_396, %swap3A_397], %add3A_395 {strides = array<i32>} : memref<16x16xf32, #tpu.memory_space<vmem>>, vector<16xf32>,
          %scan3A_399 = arith.constant 5 : i32
          %scan3A_400 = arith.addi %scan3A_255, %scan3A_399 : i32
          %mul3A_401 = arith.constant 1 : i32
          %mul3A_402 = arith.muli %scan3A_400, %mul3A_401 : i32
          %add3A_403 = arith.constant 0 : i32
          %add3A_404 = arith.addi %add3A_403, %mul3A_402 : i32
          %add3A_405 = arith.addi %add3A_210, %add3A_404 : i32
          %get3A_406 = arith.index_cast %add3A_405 : i32 to index
          %get3A_407 = arith.constant 0 : index
          %get3A_408 = tpu.vector_load %arg20[%get3A_406, %get3A_407] {strides = array<i32>} : memref<128x64xf32, #tpu.memory_space<vmem>>, vector<16xf32>,
          %mul3A_409 = arith.mulf %get3A_408, %get3A_196 : vector<16xf32>
          %get3A_410 = arith.index_cast %add3A_405 : i32 to index
          %get3A_411 = arith.constant 16 : index
          %get3A_412 = tpu.vector_load %arg20[%get3A_410, %get3A_411] {strides = array<i32>} : memref<128x64xf32, #tpu.memory_space<vmem>>, vector<16xf32>,
          %mul3A_413 = arith.mulf %get3A_412, %get3A_199 : vector<16xf32>
          %add3A_414 = arith.addf %mul3A_409, %mul3A_413 : vector<16xf32>
          %get3A_415 = arith.index_cast %add3A_405 : i32 to index
          %get3A_416 = arith.constant 32 : index
          %get3A_417 = tpu.vector_load %arg20[%get3A_415, %get3A_416] {strides = array<i32>} : memref<128x64xf32, #tpu.memory_space<vmem>>, vector<16xf32>,
          %mul3A_418 = arith.mulf %get3A_417, %get3A_202 : vector<16xf32>
          %add3A_419 = arith.addf %add3A_414, %mul3A_418 : vector<16xf32>
          %get3A_420 = arith.index_cast %add3A_405 : i32 to index
          %get3A_421 = arith.constant 48 : index
          %get3A_422 = tpu.vector_load %arg20[%get3A_420, %get3A_421] {strides = array<i32>} : memref<128x64xf32, #tpu.memory_space<vmem>>, vector<16xf32>,
          %mul3A_423 = arith.mulf %get3A_422, %get3A_205 : vector<16xf32>
          %add3A_424 = arith.addf %add3A_419, %mul3A_423 : vector<16xf32>
          %swap3A_425 = arith.index_cast %add3A_404 : i32 to index
          %swap3A_426 = arith.constant 0 : index
          %swap3A_427 = tpu.vector_load %arg24[%swap3A_425, %swap3A_426] {strides = array<i32>} : memref<16x16xf32, #tpu.memory_space<vmem>>, vector<16xf32>,
          tpu.vector_store %arg24[%swap3A_425, %swap3A_426], %add3A_424 {strides = array<i32>} : memref<16x16xf32, #tpu.memory_space<vmem>>, vector<16xf32>,
          %scan3A_428 = arith.constant 6 : i32
          %scan3A_429 = arith.addi %scan3A_255, %scan3A_428 : i32
          %mul3A_430 = arith.constant 1 : i32
          %mul3A_431 = arith.muli %scan3A_429, %mul3A_430 : i32
          %add3A_432 = arith.constant 0 : i32
          %add3A_433 = arith.addi %add3A_432, %mul3A_431 : i32
          %add3A_434 = arith.addi %add3A_210, %add3A_433 : i32
          %get3A_435 = arith.index_cast %add3A_434 : i32 to index
          %get3A_436 = arith.constant 0 : index
          %get3A_437 = tpu.vector_load %arg20[%get3A_435, %get3A_436] {strides = array<i32>} : memref<128x64xf32, #tpu.memory_space<vmem>>, vector<16xf32>,
          %mul3A_438 = arith.mulf %get3A_437, %get3A_196 : vector<16xf32>
          %get3A_439 = arith.index_cast %add3A_434 : i32 to index
          %get3A_440 = arith.constant 16 : index
          %get3A_441 = tpu.vector_load %arg20[%get3A_439, %get3A_440] {strides = array<i32>} : memref<128x64xf32, #tpu.memory_space<vmem>>, vector<16xf32>,
          %mul3A_442 = arith.mulf %get3A_441, %get3A_199 : vector<16xf32>
          %add3A_443 = arith.addf %mul3A_438, %mul3A_442 : vector<16xf32>
          %get3A_444 = arith.index_cast %add3A_434 : i32 to index
          %get3A_445 = arith.constant 32 : index
          %get3A_446 = tpu.vector_load %arg20[%get3A_444, %get3A_445] {strides = array<i32>} : memref<128x64xf32, #tpu.memory_space<vmem>>, vector<16xf32>,
          %mul3A_447 = arith.mulf %get3A_446, %get3A_202 : vector<16xf32>
          %add3A_448 = arith.addf %add3A_443, %mul3A_447 : vector<16xf32>
          %get3A_449 = arith.index_cast %add3A_434 : i32 to index
          %get3A_450 = arith.constant 48 : index
          %get3A_451 = tpu.vector_load %arg20[%get3A_449, %get3A_450] {strides = array<i32>} : memref<128x64xf32, #tpu.memory_space<vmem>>, vector<16xf32>,
          %mul3A_452 = arith.mulf %get3A_451, %get3A_205 : vector<16xf32>
          %add3A_453 = arith.addf %add3A_448, %mul3A_452 : vector<16xf32>
          %swap3A_454 = arith.index_cast %add3A_433 : i32 to index
          %swap3A_455 = arith.constant 0 : index
          %swap3A_456 = tpu.vector_load %arg24[%swap3A_454, %swap3A_455] {strides = array<i32>} : memref<16x16xf32, #tpu.memory_space<vmem>>, vector<16xf32>,
          tpu.vector_store %arg24[%swap3A_454, %swap3A_455], %add3A_453 {strides = array<i32>} : memref<16x16xf32, #tpu.memory_space<vmem>>, vector<16xf32>,
          %scan3A_457 = arith.constant 7 : i32
          %scan3A_458 = arith.addi %scan3A_255, %scan3A_457 : i32
          %mul3A_459 = arith.constant 1 : i32
          %mul3A_460 = arith.muli %scan3A_458, %mul3A_459 : i32
          %add3A_461 = arith.constant 0 : i32
          %add3A_462 = arith.addi %add3A_461, %mul3A_460 : i32
          %add3A_463 = arith.addi %add3A_210, %add3A_462 : i32
          %get3A_464 = arith.index_cast %add3A_463 : i32 to index
          %get3A_465 = arith.constant 0 : index
          %get3A_466 = tpu.vector_load %arg20[%get3A_464, %get3A_465] {strides = array<i32>} : memref<128x64xf32, #tpu.memory_space<vmem>>, vector<16xf32>,
          %mul3A_467 = arith.mulf %get3A_466, %get3A_196 : vector<16xf32>
          %get3A_468 = arith.index_cast %add3A_463 : i32 to index
          %get3A_469 = arith.constant 16 : index
          %get3A_470 = tpu.vector_load %arg20[%get3A_468, %get3A_469] {strides = array<i32>} : memref<128x64xf32, #tpu.memory_space<vmem>>, vector<16xf32>,
          %mul3A_471 = arith.mulf %get3A_470, %get3A_199 : vector<16xf32>
          %add3A_472 = arith.addf %mul3A_467, %mul3A_471 : vector<16xf32>
          %get3A_473 = arith.index_cast %add3A_463 : i32 to index
          %get3A_474 = arith.constant 32 : index
          %get3A_475 = tpu.vector_load %arg20[%get3A_473, %get3A_474] {strides = array<i32>} : memref<128x64xf32, #tpu.memory_space<vmem>>, vector<16xf32>,
          %mul3A_476 = arith.mulf %get3A_475, %get3A_202 : vector<16xf32>
          %add3A_477 = arith.addf %add3A_472, %mul3A_476 : vector<16xf32>
          %get3A_478 = arith.index_cast %add3A_463 : i32 to index
          %get3A_479 = arith.constant 48 : index
          %get3A_480 = tpu.vector_load %arg20[%get3A_478, %get3A_479] {strides = array<i32>} : memref<128x64xf32, #tpu.memory_space<vmem>>, vector<16xf32>,
          %mul3A_481 = arith.mulf %get3A_480, %get3A_205 : vector<16xf32>
          %add3A_482 = arith.addf %add3A_477, %mul3A_481 : vector<16xf32>
          %swap3A_483 = arith.index_cast %add3A_462 : i32 to index
          %swap3A_484 = arith.constant 0 : index
          %swap3A_485 = tpu.vector_load %arg24[%swap3A_483, %swap3A_484] {strides = array<i32>} : memref<16x16xf32, #tpu.memory_space<vmem>>, vector<16xf32>,
          tpu.vector_store %arg24[%swap3A_483, %swap3A_484], %add3A_482 {strides = array<i32>} : memref<16x16xf32, #tpu.memory_space<vmem>>, vector<16xf32>,
        }
        %scan3A_215 = arith.constant 16 : i32
        %broadcast_in_dim3A_216 = arith.constant 0.000000e+00 : f32
        %broadcast_in_dim3A_217 = vector.broadcast %broadcast_in_dim3A_216 : f32 to vector<16xf32>
        %scan3A_218 = arith.constant 0 : i32
        %scan3A_219 = arith.constant 16 : i32
        %scan3A_220 = arith.addi %scan3A_218, %scan3A_219 : i32
        %scan3A_221 = arith.constant 8 : i32
        %scan3A_222 = scf.for %scan3A_255 = %scan3A_218 to %scan3A_220 step %scan3A_221 iter_args(%scan3A_256 = %broadcast_in_dim3A_217) -> (vector<16xf32>)  : i32 {
          %mul3A_257 = arith.constant 1 : i32
          %mul3A_258 = arith.muli %scan3A_255, %mul3A_257 : i32
          %add3A_259 = arith.constant 0 : i32
          %add3A_260 = arith.addi %add3A_259, %mul3A_258 : i32
          %broadcast_in_dim3A_261 = vector.broadcast %add3A_260 : i32 to vector<16xi32>
          %gather3A_262 = tpu.vector_load_idx %arg24[%iota3A, %broadcast_in_dim3A_261] : memref<16x16xf32, #tpu.memory_space<vmem>>[vector<16xi32>, vector<16xi32>], vector<16xf32>,
          %add3A_263 = arith.addf %scan3A_256, %gather3A_262 : vector<16xf32>
          %scan3A_264 = arith.constant 1 : i32
          %scan3A_265 = arith.addi %scan3A_255, %scan3A_264 : i32
          %mul3A_266 = arith.constant 1 : i32
          %mul3A_267 = arith.muli %scan3A_265, %mul3A_266 : i32
          %add3A_268 = arith.constant 0 : i32
          %add3A_269 = arith.addi %add3A_268, %mul3A_267 : i32
          %broadcast_in_dim3A_270 = vector.broadcast %add3A_269 : i32 to vector<16xi32>
          %gather3A_271 = tpu.vector_load_idx %arg24[%iota3A, %broadcast_in_dim3A_270] : memref<16x16xf32, #tpu.memory_space<vmem>>[vector<16xi32>, vector<16xi32>], vector<16xf32>,
          %add3A_272 = arith.addf %add3A_263, %gather3A_271 : vector<16xf32>
          %scan3A_273 = arith.constant 2 : i32
          %scan3A_274 = arith.addi %scan3A_255, %scan3A_273 : i32
          %mul3A_275 = arith.constant 1 : i32
          %mul3A_276 = arith.muli %scan3A_274, %mul3A_275 : i32
          %add3A_277 = arith.constant 0 : i32
          %add3A_278 = arith.addi %add3A_277, %mul3A_276 : i32
          %broadcast_in_dim3A_279 = vector.broadcast %add3A_278 : i32 to vector<16xi32>
          %gather3A_280 = tpu.vector_load_idx %arg24[%iota3A, %broadcast_in_dim3A_279] : memref<16x16xf32, #tpu.memory_space<vmem>>[vector<16xi32>, vector<16xi32>], vector<16xf32>,
          %add3A_281 = arith.addf %add3A_272, %gather3A_280 : vector<16xf32>
          %scan3A_282 = arith.constant 3 : i32
          %scan3A_283 = arith.addi %scan3A_255, %scan3A_282 : i32
          %mul3A_284 = arith.constant 1 : i32
          %mul3A_285 = arith.muli %scan3A_283, %mul3A_284 : i32
          %add3A_286 = arith.constant 0 : i32
          %add3A_287 = arith.addi %add3A_286, %mul3A_285 : i32
          %broadcast_in_dim3A_288 = vector.broadcast %add3A_287 : i32 to vector<16xi32>
          %gather3A_289 = tpu.vector_load_idx %arg24[%iota3A, %broadcast_in_dim3A_288] : memref<16x16xf32, #tpu.memory_space<vmem>>[vector<16xi32>, vector<16xi32>], vector<16xf32>,
          %add3A_290 = arith.addf %add3A_281, %gather3A_289 : vector<16xf32>
          %scan3A_291 = arith.constant 4 : i32
          %scan3A_292 = arith.addi %scan3A_255, %scan3A_291 : i32
          %mul3A_293 = arith.constant 1 : i32
          %mul3A_294 = arith.muli %scan3A_292, %mul3A_293 : i32
          %add3A_295 = arith.constant 0 : i32
          %add3A_296 = arith.addi %add3A_295, %mul3A_294 : i32
          %broadcast_in_dim3A_297 = vector.broadcast %add3A_296 : i32 to vector<16xi32>
          %gather3A_298 = tpu.vector_load_idx %arg24[%iota3A, %broadcast_in_dim3A_297] : memref<16x16xf32, #tpu.memory_space<vmem>>[vector<16xi32>, vector<16xi32>], vector<16xf32>,
          %add3A_299 = arith.addf %add3A_290, %gather3A_298 : vector<16xf32>
          %scan3A_300 = arith.constant 5 : i32
          %scan3A_301 = arith.addi %scan3A_255, %scan3A_300 : i32
          %mul3A_302 = arith.constant 1 : i32
          %mul3A_303 = arith.muli %scan3A_301, %mul3A_302 : i32
          %add3A_304 = arith.constant 0 : i32
          %add3A_305 = arith.addi %add3A_304, %mul3A_303 : i32
          %broadcast_in_dim3A_306 = vector.broadcast %add3A_305 : i32 to vector<16xi32>
          %gather3A_307 = tpu.vector_load_idx %arg24[%iota3A, %broadcast_in_dim3A_306] : memref<16x16xf32, #tpu.memory_space<vmem>>[vector<16xi32>, vector<16xi32>], vector<16xf32>,
          %add3A_308 = arith.addf %add3A_299, %gather3A_307 : vector<16xf32>
          %scan3A_309 = arith.constant 6 : i32
          %scan3A_310 = arith.addi %scan3A_255, %scan3A_309 : i32
          %mul3A_311 = arith.constant 1 : i32
          %mul3A_312 = arith.muli %scan3A_310, %mul3A_311 : i32
          %add3A_313 = arith.constant 0 : i32
          %add3A_314 = arith.addi %add3A_313, %mul3A_312 : i32
          %broadcast_in_dim3A_315 = vector.broadcast %add3A_314 : i32 to vector<16xi32>
          %gather3A_316 = tpu.vector_load_idx %arg24[%iota3A, %broadcast_in_dim3A_315] : memref<16x16xf32, #tpu.memory_space<vmem>>[vector<16xi32>, vector<16xi32>], vector<16xf32>,
          %add3A_317 = arith.addf %add3A_308, %gather3A_316 : vector<16xf32>
          %scan3A_318 = arith.constant 7 : i32
          %scan3A_319 = arith.addi %scan3A_255, %scan3A_318 : i32
          %mul3A_320 = arith.constant 1 : i32
          %mul3A_321 = arith.muli %scan3A_319, %mul3A_320 : i32
          %add3A_322 = arith.constant 0 : i32
          %add3A_323 = arith.addi %add3A_322, %mul3A_321 : i32
          %broadcast_in_dim3A_324 = vector.broadcast %add3A_323 : i32 to vector<16xi32>
          %gather3A_325 = tpu.vector_load_idx %arg24[%iota3A, %broadcast_in_dim3A_324] : memref<16x16xf32, #tpu.memory_space<vmem>>[vector<16xi32>, vector<16xi32>], vector<16xf32>,
          %add3A_326 = arith.addf %add3A_317, %gather3A_325 : vector<16xf32>
          scf.yield %add3A_326 : vector<16xf32>
        }
        %scan3A_223 = arith.constant 16 : i32
        %neg3A = arith.constant 0.000000e+00 : f32
        %neg3A_224 = vector.broadcast %neg3A : f32 to vector<16xf32>
        %neg3A_225 = arith.subf %neg3A_224, %scan3A_222 : vector<16xf32>
        %exp3A = math.exp %neg3A_225 : vector<16xf32>
        %add3A_226 = arith.constant 1.000000e+00 : f32
        %add3A_227 = vector.broadcast %add3A_226 : f32 to vector<16xf32>
        %add3A_228 = arith.addf %add3A_227, %exp3A : vector<16xf32>
        %div3A = arith.constant 1.000000e+00 : f32
        %div3A_229 = vector.broadcast %div3A : f32 to vector<16xf32>
        %div3A_230 = arith.divf %div3A_229, %add3A_228 : vector<16xf32>
        %broadcast_in_dim3A_231 = vector.broadcast %add3A_194 : i32 to vector<16xi32>
        %gather3A = tpu.vector_load_idx %arg13[%broadcast_in_dim3A_231] : memref<128xi32, #tpu.memory_space<vmem>>[vector<16xi32>], vector<16xi32>,
        %mul3A_232 = arith.constant 15 : i32
        %mul3A_233 = arith.muli %mul3A_232, %and3A_191 : i32
        %add3A_234 = vector.broadcast %mul3A_233 : i32 to vector<16xi32>
        %add3A_235 = arith.addi %add3A_234, %iota3A : vector<16xi32>
        %min3A = arith.constant 59 : i32
        %min3A_236 = vector.broadcast %min3A : i32 to vector<16xi32>
        %min3A_237 = arith.minsi %add3A_235, %min3A_236 : vector<16xi32>
        %add3A_238 = arith.addi %gather3A, %min3A_237 : vector<16xi32>
        %gather3A_239 = tpu.vector_load_idx %arg16[%broadcast_in_dim3A_231, %add3A_238] : memref<128x240xi32, #tpu.memory_space<vmem>>[vector<16xi32>, vector<16xi32>], vector<16xi32>,
        %eq3A = arith.constant 15 : i32
        %eq3A_240 = vector.broadcast %eq3A : i32 to vector<16xi32>
        %eq3A_241 = arith.cmpi eq, %iota3A, %eq3A_240 : vector<16xi32>
        %jit3A = arith.constant 0 : i32
        %broadcast_in_dim3A_242 = vector.broadcast %jit3A : i32 to vector<16xi32>
        %select_n3A = arith.select %eq3A_241, %broadcast_in_dim3A_242, %gather3A_239 : vector<16xi1>, vector<16xi32>
        %eq3A_243 = arith.constant 1 : i32
        %eq3A_244 = vector.broadcast %eq3A_243 : i32 to vector<16xi32>
        %eq3A_245 = arith.cmpi eq, %select_n3A, %eq3A_244 : vector<16xi32>
        %sub3A_246 = arith.constant 1.000000e+00 : f32
        %sub3A_247 = vector.broadcast %sub3A_246 : f32 to vector<16xf32>
        %sub3A_248 = arith.subf %sub3A_247, %div3A_230 : vector<16xf32>
        %select_n3A_249 = arith.select %eq3A_245, %div3A_230, %sub3A_248 : vector<16xi1>, vector<16xf32>
        %mul3A_250 = arith.constant 16 : i32
        %mul3A_251 = arith.muli %and3A_191, %mul3A_250 : i32
        %swap3A_252 = arith.index_cast %add3A_194 : i32 to index
        %swap3A_253 = arith.index_cast %mul3A_251 : i32 to index
        %swap3A_254 = tpu.vector_load %arg19[%swap3A_252, %swap3A_253] {strides = array<i32>} : memref<128x64xf32, #tpu.memory_space<vmem>>, vector<16xf32>,
        tpu.vector_store %arg19[%swap3A_252, %swap3A_253], %select_n3A_249 {strides = array<i32>} : memref<128x64xf32, #tpu.memory_space<vmem>>, vector<16xf32>,
      }
      %scan3A_116 = arith.constant 8 : i32
      %add3A_117 = arith.constant 1 : i32
      %add3A_118 = arith.addi %add3A_98, %add3A_117 : i32
      %add3A_119 = arith.constant 4 : i32
      %add3A_120 = arith.addi %add3A_118, %add3A_119 : i32
      %sub3A_121 = arith.constant 1 : i32
      %sub3A_122 = arith.subi %add3A_120, %sub3A_121 : i32
      %lt3A_123 = arith.constant 64 : i32
      %lt3A_124 = arith.cmpi slt, %sub3A_122, %lt3A_123 : i32
      %convert_element_type3A_125 = arith.extui %lt3A_124 : i1 to i32
      %cond3A_126 = arith.constant 0 : i32
      %cond3A_127 = arith.cmpi ne, %convert_element_type3A_125, %cond3A_126 : i32
      scf.if %cond3A_127 {
        %add3A_183 = arith.constant 4 : i32
        %add3A_184 = arith.addi %add3A_118, %add3A_183 : i32
        %sub3A_185 = arith.constant 1 : i32
        %sub3A_186 = arith.subi %add3A_184, %sub3A_185 : i32
        %dma_start3A_187 = arith.constant 0 : i32
        %dma_start3A_188 = tpu.memref_slice %arg15[%sub3A_186, %dma_start3A_187] : memref<64x128xi32, #tpu.memory_space<vmem>> -> memref<1x128xi32, #tpu.memory_space<vmem>>
        %dma_start3A_189 = tpu.memref_squeeze %dma_start3A_188 : memref<1x128xi32, #tpu.memory_space<vmem>> -> memref<128xi32, #tpu.memory_space<vmem>>
        %dma_start3A_190 = arith.constant 0 : i32
        %dma_start3A_191 = arith.constant 0 : i32
        %dma_start3A_192 = tpu.memref_slice %arg8[%dma_start3A_190, %dma_start3A_191] : memref<65535x64xf32, #tpu.memory_space<hbm>> -> memref<65535x64xf32, #tpu.memory_space<hbm>>
        tpu.enqueue_indirect_dma source(%dma_start3A_192 : memref<65535x64xf32, #tpu.memory_space<hbm>>) target(%arg20 : memref<128x64xf32, #tpu.memory_space<vmem>>) offsets(%dma_start3A_189 : memref<128xi32, #tpu.memory_space<vmem>>) semaphore(%arg26 : memref<!tpu.dma_semaphore, #tpu.memory_space<semaphore_mem>>)
      } else {
      }
      %dma_wait3A_128 = arith.constant 0 : i32
      %dma_wait3A_129 = tpu.memref_slice %arg15[%add3A_118, %dma_wait3A_128] : memref<64x128xi32, #tpu.memory_space<vmem>> -> memref<1x128xi32, #tpu.memory_space<vmem>>
      %dma_wait3A_130 = tpu.memref_squeeze %dma_wait3A_129 : memref<1x128xi32, #tpu.memory_space<vmem>> -> memref<128xi32, #tpu.memory_space<vmem>>
      %dma_wait3A_131 = arith.constant 0 : i32
      %dma_wait3A_132 = arith.constant 0 : i32
      %dma_wait3A_133 = tpu.memref_slice %arg8[%dma_wait3A_131, %dma_wait3A_132] : memref<65535x64xf32, #tpu.memory_space<hbm>> -> memref<65535x64xf32, #tpu.memory_space<hbm>>
      tpu.wait_indirect_dma semaphore(%arg27 : memref<!tpu.dma_semaphore, #tpu.memory_space<semaphore_mem>>) src(%dma_wait3A_133 : memref<65535x64xf32, #tpu.memory_space<hbm>>) dst(%arg21 : memref<128x64xf32, #tpu.memory_space<vmem>>)
      %scan3A_134 = arith.constant 0 : i32
      %scan3A_135 = arith.constant 8 : i32
      %scan3A_136 = arith.addi %scan3A_134, %scan3A_135 : i32
      %scan3A_137 = arith.constant 1 : i32
      scf.for %scan3A_183 = %scan3A_134 to %scan3A_136 step %scan3A_137  : i32 {
        %mul3A_184 = arith.constant 1 : i32
        %mul3A_185 = arith.muli %scan3A_183, %mul3A_184 : i32
        %add3A_186 = arith.constant 0 : i32
        %add3A_187 = arith.addi %add3A_186, %mul3A_185 : i32
        %shift_right_logical3A_188 = arith.constant 2 : i32
        %shift_right_logical3A_189 = arith.shrui %add3A_187, %shift_right_logical3A_188 : i32
        %and3A_190 = arith.constant 3 : i32
        %and3A_191 = arith.andi %add3A_187, %and3A_190 : i32
        %mul3A_192 = arith.constant 2 : i32
        %mul3A_193 = arith.muli %add3A_118, %mul3A_192 : i32
        %add3A_194 = arith.addi %mul3A_193, %shift_right_logical3A_189 : i32
        %get3A = arith.index_cast %add3A_194 : i32 to index
        %get3A_195 = arith.constant 0 : index
        %get3A_196 = tpu.vector_load %arg18[%get3A, %get3A_195] {strides = array<i32>} : memref<128x64xf32, #tpu.memory_space<vmem>>, vector<16xf32>,
        %get3A_197 = arith.index_cast %add3A_194 : i32 to index
        %get3A_198 = arith.constant 16 : index
        %get3A_199 = tpu.vector_load %arg18[%get3A_197, %get3A_198] {strides = array<i32>} : memref<128x64xf32, #tpu.memory_space<vmem>>, vector<16xf32>,
        %get3A_200 = arith.index_cast %add3A_194 : i32 to index
        %get3A_201 = arith.constant 32 : index
        %get3A_202 = tpu.vector_load %arg18[%get3A_200, %get3A_201] {strides = array<i32>} : memref<128x64xf32, #tpu.memory_space<vmem>>, vector<16xf32>,
        %get3A_203 = arith.index_cast %add3A_194 : i32 to index
        %get3A_204 = arith.constant 48 : index
        %get3A_205 = tpu.vector_load %arg18[%get3A_203, %get3A_204] {strides = array<i32>} : memref<128x64xf32, #tpu.memory_space<vmem>>, vector<16xf32>,
        %mul3A_206 = arith.constant 64 : i32
        %mul3A_207 = arith.muli %shift_right_logical3A_189, %mul3A_206 : i32
        %mul3A_208 = arith.constant 16 : i32
        %mul3A_209 = arith.muli %and3A_191, %mul3A_208 : i32
        %add3A_210 = arith.addi %mul3A_207, %mul3A_209 : i32
        %scan3A_211 = arith.constant 0 : i32
        %scan3A_212 = arith.constant 16 : i32
        %scan3A_213 = arith.addi %scan3A_211, %scan3A_212 : i32
        %scan3A_214 = arith.constant 8 : i32
        scf.for %scan3A_255 = %scan3A_211 to %scan3A_213 step %scan3A_214  : i32 {
          %mul3A_256 = arith.constant 1 : i32
          %mul3A_257 = arith.muli %scan3A_255, %mul3A_256 : i32
          %add3A_258 = arith.constant 0 : i32
          %add3A_259 = arith.addi %add3A_258, %mul3A_257 : i32
          %add3A_260 = arith.addi %add3A_210, %add3A_259 : i32
          %get3A_261 = arith.index_cast %add3A_260 : i32 to index
          %get3A_262 = arith.constant 0 : index
          %get3A_263 = tpu.vector_load %arg21[%get3A_261, %get3A_262] {strides = array<i32>} : memref<128x64xf32, #tpu.memory_space<vmem>>, vector<16xf32>,
          %mul3A_264 = arith.mulf %get3A_263, %get3A_196 : vector<16xf32>
          %get3A_265 = arith.index_cast %add3A_260 : i32 to index
          %get3A_266 = arith.constant 16 : index
          %get3A_267 = tpu.vector_load %arg21[%get3A_265, %get3A_266] {strides = array<i32>} : memref<128x64xf32, #tpu.memory_space<vmem>>, vector<16xf32>,
          %mul3A_268 = arith.mulf %get3A_267, %get3A_199 : vector<16xf32>
          %add3A_269 = arith.addf %mul3A_264, %mul3A_268 : vector<16xf32>
          %get3A_270 = arith.index_cast %add3A_260 : i32 to index
          %get3A_271 = arith.constant 32 : index
          %get3A_272 = tpu.vector_load %arg21[%get3A_270, %get3A_271] {strides = array<i32>} : memref<128x64xf32, #tpu.memory_space<vmem>>, vector<16xf32>,
          %mul3A_273 = arith.mulf %get3A_272, %get3A_202 : vector<16xf32>
          %add3A_274 = arith.addf %add3A_269, %mul3A_273 : vector<16xf32>
          %get3A_275 = arith.index_cast %add3A_260 : i32 to index
          %get3A_276 = arith.constant 48 : index
          %get3A_277 = tpu.vector_load %arg21[%get3A_275, %get3A_276] {strides = array<i32>} : memref<128x64xf32, #tpu.memory_space<vmem>>, vector<16xf32>,
          %mul3A_278 = arith.mulf %get3A_277, %get3A_205 : vector<16xf32>
          %add3A_279 = arith.addf %add3A_274, %mul3A_278 : vector<16xf32>
          %swap3A_280 = arith.index_cast %add3A_259 : i32 to index
          %swap3A_281 = arith.constant 0 : index
          %swap3A_282 = tpu.vector_load %arg24[%swap3A_280, %swap3A_281] {strides = array<i32>} : memref<16x16xf32, #tpu.memory_space<vmem>>, vector<16xf32>,
          tpu.vector_store %arg24[%swap3A_280, %swap3A_281], %add3A_279 {strides = array<i32>} : memref<16x16xf32, #tpu.memory_space<vmem>>, vector<16xf32>,
          %scan3A_283 = arith.constant 1 : i32
          %scan3A_284 = arith.addi %scan3A_255, %scan3A_283 : i32
          %mul3A_285 = arith.constant 1 : i32
          %mul3A_286 = arith.muli %scan3A_284, %mul3A_285 : i32
          %add3A_287 = arith.constant 0 : i32
          %add3A_288 = arith.addi %add3A_287, %mul3A_286 : i32
          %add3A_289 = arith.addi %add3A_210, %add3A_288 : i32
          %get3A_290 = arith.index_cast %add3A_289 : i32 to index
          %get3A_291 = arith.constant 0 : index
          %get3A_292 = tpu.vector_load %arg21[%get3A_290, %get3A_291] {strides = array<i32>} : memref<128x64xf32, #tpu.memory_space<vmem>>, vector<16xf32>,
          %mul3A_293 = arith.mulf %get3A_292, %get3A_196 : vector<16xf32>
          %get3A_294 = arith.index_cast %add3A_289 : i32 to index
          %get3A_295 = arith.constant 16 : index
          %get3A_296 = tpu.vector_load %arg21[%get3A_294, %get3A_295] {strides = array<i32>} : memref<128x64xf32, #tpu.memory_space<vmem>>, vector<16xf32>,
          %mul3A_297 = arith.mulf %get3A_296, %get3A_199 : vector<16xf32>
          %add3A_298 = arith.addf %mul3A_293, %mul3A_297 : vector<16xf32>
          %get3A_299 = arith.index_cast %add3A_289 : i32 to index
          %get3A_300 = arith.constant 32 : index
          %get3A_301 = tpu.vector_load %arg21[%get3A_299, %get3A_300] {strides = array<i32>} : memref<128x64xf32, #tpu.memory_space<vmem>>, vector<16xf32>,
          %mul3A_302 = arith.mulf %get3A_301, %get3A_202 : vector<16xf32>
          %add3A_303 = arith.addf %add3A_298, %mul3A_302 : vector<16xf32>
          %get3A_304 = arith.index_cast %add3A_289 : i32 to index
          %get3A_305 = arith.constant 48 : index
          %get3A_306 = tpu.vector_load %arg21[%get3A_304, %get3A_305] {strides = array<i32>} : memref<128x64xf32, #tpu.memory_space<vmem>>, vector<16xf32>,
          %mul3A_307 = arith.mulf %get3A_306, %get3A_205 : vector<16xf32>
          %add3A_308 = arith.addf %add3A_303, %mul3A_307 : vector<16xf32>
          %swap3A_309 = arith.index_cast %add3A_288 : i32 to index
          %swap3A_310 = arith.constant 0 : index
          %swap3A_311 = tpu.vector_load %arg24[%swap3A_309, %swap3A_310] {strides = array<i32>} : memref<16x16xf32, #tpu.memory_space<vmem>>, vector<16xf32>,
          tpu.vector_store %arg24[%swap3A_309, %swap3A_310], %add3A_308 {strides = array<i32>} : memref<16x16xf32, #tpu.memory_space<vmem>>, vector<16xf32>,
          %scan3A_312 = arith.constant 2 : i32
          %scan3A_313 = arith.addi %scan3A_255, %scan3A_312 : i32
          %mul3A_314 = arith.constant 1 : i32
          %mul3A_315 = arith.muli %scan3A_313, %mul3A_314 : i32
          %add3A_316 = arith.constant 0 : i32
          %add3A_317 = arith.addi %add3A_316, %mul3A_315 : i32
          %add3A_318 = arith.addi %add3A_210, %add3A_317 : i32
          %get3A_319 = arith.index_cast %add3A_318 : i32 to index
          %get3A_320 = arith.constant 0 : index
          %get3A_321 = tpu.vector_load %arg21[%get3A_319, %get3A_320] {strides = array<i32>} : memref<128x64xf32, #tpu.memory_space<vmem>>, vector<16xf32>,
          %mul3A_322 = arith.mulf %get3A_321, %get3A_196 : vector<16xf32>
          %get3A_323 = arith.index_cast %add3A_318 : i32 to index
          %get3A_324 = arith.constant 16 : index
          %get3A_325 = tpu.vector_load %arg21[%get3A_323, %get3A_324] {strides = array<i32>} : memref<128x64xf32, #tpu.memory_space<vmem>>, vector<16xf32>,
          %mul3A_326 = arith.mulf %get3A_325, %get3A_199 : vector<16xf32>
          %add3A_327 = arith.addf %mul3A_322, %mul3A_326 : vector<16xf32>
          %get3A_328 = arith.index_cast %add3A_318 : i32 to index
          %get3A_329 = arith.constant 32 : index
          %get3A_330 = tpu.vector_load %arg21[%get3A_328, %get3A_329] {strides = array<i32>} : memref<128x64xf32, #tpu.memory_space<vmem>>, vector<16xf32>,
          %mul3A_331 = arith.mulf %get3A_330, %get3A_202 : vector<16xf32>
          %add3A_332 = arith.addf %add3A_327, %mul3A_331 : vector<16xf32>
          %get3A_333 = arith.index_cast %add3A_318 : i32 to index
          %get3A_334 = arith.constant 48 : index
          %get3A_335 = tpu.vector_load %arg21[%get3A_333, %get3A_334] {strides = array<i32>} : memref<128x64xf32, #tpu.memory_space<vmem>>, vector<16xf32>,
          %mul3A_336 = arith.mulf %get3A_335, %get3A_205 : vector<16xf32>
          %add3A_337 = arith.addf %add3A_332, %mul3A_336 : vector<16xf32>
          %swap3A_338 = arith.index_cast %add3A_317 : i32 to index
          %swap3A_339 = arith.constant 0 : index
          %swap3A_340 = tpu.vector_load %arg24[%swap3A_338, %swap3A_339] {strides = array<i32>} : memref<16x16xf32, #tpu.memory_space<vmem>>, vector<16xf32>,
          tpu.vector_store %arg24[%swap3A_338, %swap3A_339], %add3A_337 {strides = array<i32>} : memref<16x16xf32, #tpu.memory_space<vmem>>, vector<16xf32>,
          %scan3A_341 = arith.constant 3 : i32
          %scan3A_342 = arith.addi %scan3A_255, %scan3A_341 : i32
          %mul3A_343 = arith.constant 1 : i32
          %mul3A_344 = arith.muli %scan3A_342, %mul3A_343 : i32
          %add3A_345 = arith.constant 0 : i32
          %add3A_346 = arith.addi %add3A_345, %mul3A_344 : i32
          %add3A_347 = arith.addi %add3A_210, %add3A_346 : i32
          %get3A_348 = arith.index_cast %add3A_347 : i32 to index
          %get3A_349 = arith.constant 0 : index
          %get3A_350 = tpu.vector_load %arg21[%get3A_348, %get3A_349] {strides = array<i32>} : memref<128x64xf32, #tpu.memory_space<vmem>>, vector<16xf32>,
          %mul3A_351 = arith.mulf %get3A_350, %get3A_196 : vector<16xf32>
          %get3A_352 = arith.index_cast %add3A_347 : i32 to index
          %get3A_353 = arith.constant 16 : index
          %get3A_354 = tpu.vector_load %arg21[%get3A_352, %get3A_353] {strides = array<i32>} : memref<128x64xf32, #tpu.memory_space<vmem>>, vector<16xf32>,
          %mul3A_355 = arith.mulf %get3A_354, %get3A_199 : vector<16xf32>
          %add3A_356 = arith.addf %mul3A_351, %mul3A_355 : vector<16xf32>
          %get3A_357 = arith.index_cast %add3A_347 : i32 to index
          %get3A_358 = arith.constant 32 : index
          %get3A_359 = tpu.vector_load %arg21[%get3A_357, %get3A_358] {strides = array<i32>} : memref<128x64xf32, #tpu.memory_space<vmem>>, vector<16xf32>,
          %mul3A_360 = arith.mulf %get3A_359, %get3A_202 : vector<16xf32>
          %add3A_361 = arith.addf %add3A_356, %mul3A_360 : vector<16xf32>
          %get3A_362 = arith.index_cast %add3A_347 : i32 to index
          %get3A_363 = arith.constant 48 : index
          %get3A_364 = tpu.vector_load %arg21[%get3A_362, %get3A_363] {strides = array<i32>} : memref<128x64xf32, #tpu.memory_space<vmem>>, vector<16xf32>,
          %mul3A_365 = arith.mulf %get3A_364, %get3A_205 : vector<16xf32>
          %add3A_366 = arith.addf %add3A_361, %mul3A_365 : vector<16xf32>
          %swap3A_367 = arith.index_cast %add3A_346 : i32 to index
          %swap3A_368 = arith.constant 0 : index
          %swap3A_369 = tpu.vector_load %arg24[%swap3A_367, %swap3A_368] {strides = array<i32>} : memref<16x16xf32, #tpu.memory_space<vmem>>, vector<16xf32>,
          tpu.vector_store %arg24[%swap3A_367, %swap3A_368], %add3A_366 {strides = array<i32>} : memref<16x16xf32, #tpu.memory_space<vmem>>, vector<16xf32>,
          %scan3A_370 = arith.constant 4 : i32
          %scan3A_371 = arith.addi %scan3A_255, %scan3A_370 : i32
          %mul3A_372 = arith.constant 1 : i32
          %mul3A_373 = arith.muli %scan3A_371, %mul3A_372 : i32
          %add3A_374 = arith.constant 0 : i32
          %add3A_375 = arith.addi %add3A_374, %mul3A_373 : i32
          %add3A_376 = arith.addi %add3A_210, %add3A_375 : i32
          %get3A_377 = arith.index_cast %add3A_376 : i32 to index
          %get3A_378 = arith.constant 0 : index
          %get3A_379 = tpu.vector_load %arg21[%get3A_377, %get3A_378] {strides = array<i32>} : memref<128x64xf32, #tpu.memory_space<vmem>>, vector<16xf32>,
          %mul3A_380 = arith.mulf %get3A_379, %get3A_196 : vector<16xf32>
          %get3A_381 = arith.index_cast %add3A_376 : i32 to index
          %get3A_382 = arith.constant 16 : index
          %get3A_383 = tpu.vector_load %arg21[%get3A_381, %get3A_382] {strides = array<i32>} : memref<128x64xf32, #tpu.memory_space<vmem>>, vector<16xf32>,
          %mul3A_384 = arith.mulf %get3A_383, %get3A_199 : vector<16xf32>
          %add3A_385 = arith.addf %mul3A_380, %mul3A_384 : vector<16xf32>
          %get3A_386 = arith.index_cast %add3A_376 : i32 to index
          %get3A_387 = arith.constant 32 : index
          %get3A_388 = tpu.vector_load %arg21[%get3A_386, %get3A_387] {strides = array<i32>} : memref<128x64xf32, #tpu.memory_space<vmem>>, vector<16xf32>,
          %mul3A_389 = arith.mulf %get3A_388, %get3A_202 : vector<16xf32>
          %add3A_390 = arith.addf %add3A_385, %mul3A_389 : vector<16xf32>
          %get3A_391 = arith.index_cast %add3A_376 : i32 to index
          %get3A_392 = arith.constant 48 : index
          %get3A_393 = tpu.vector_load %arg21[%get3A_391, %get3A_392] {strides = array<i32>} : memref<128x64xf32, #tpu.memory_space<vmem>>, vector<16xf32>,
          %mul3A_394 = arith.mulf %get3A_393, %get3A_205 : vector<16xf32>
          %add3A_395 = arith.addf %add3A_390, %mul3A_394 : vector<16xf32>
          %swap3A_396 = arith.index_cast %add3A_375 : i32 to index
          %swap3A_397 = arith.constant 0 : index
          %swap3A_398 = tpu.vector_load %arg24[%swap3A_396, %swap3A_397] {strides = array<i32>} : memref<16x16xf32, #tpu.memory_space<vmem>>, vector<16xf32>,
          tpu.vector_store %arg24[%swap3A_396, %swap3A_397], %add3A_395 {strides = array<i32>} : memref<16x16xf32, #tpu.memory_space<vmem>>, vector<16xf32>,
          %scan3A_399 = arith.constant 5 : i32
          %scan3A_400 = arith.addi %scan3A_255, %scan3A_399 : i32
          %mul3A_401 = arith.constant 1 : i32
          %mul3A_402 = arith.muli %scan3A_400, %mul3A_401 : i32
          %add3A_403 = arith.constant 0 : i32
          %add3A_404 = arith.addi %add3A_403, %mul3A_402 : i32
          %add3A_405 = arith.addi %add3A_210, %add3A_404 : i32
          %get3A_406 = arith.index_cast %add3A_405 : i32 to index
          %get3A_407 = arith.constant 0 : index
          %get3A_408 = tpu.vector_load %arg21[%get3A_406, %get3A_407] {strides = array<i32>} : memref<128x64xf32, #tpu.memory_space<vmem>>, vector<16xf32>,
          %mul3A_409 = arith.mulf %get3A_408, %get3A_196 : vector<16xf32>
          %get3A_410 = arith.index_cast %add3A_405 : i32 to index
          %get3A_411 = arith.constant 16 : index
          %get3A_412 = tpu.vector_load %arg21[%get3A_410, %get3A_411] {strides = array<i32>} : memref<128x64xf32, #tpu.memory_space<vmem>>, vector<16xf32>,
          %mul3A_413 = arith.mulf %get3A_412, %get3A_199 : vector<16xf32>
          %add3A_414 = arith.addf %mul3A_409, %mul3A_413 : vector<16xf32>
          %get3A_415 = arith.index_cast %add3A_405 : i32 to index
          %get3A_416 = arith.constant 32 : index
          %get3A_417 = tpu.vector_load %arg21[%get3A_415, %get3A_416] {strides = array<i32>} : memref<128x64xf32, #tpu.memory_space<vmem>>, vector<16xf32>,
          %mul3A_418 = arith.mulf %get3A_417, %get3A_202 : vector<16xf32>
          %add3A_419 = arith.addf %add3A_414, %mul3A_418 : vector<16xf32>
          %get3A_420 = arith.index_cast %add3A_405 : i32 to index
          %get3A_421 = arith.constant 48 : index
          %get3A_422 = tpu.vector_load %arg21[%get3A_420, %get3A_421] {strides = array<i32>} : memref<128x64xf32, #tpu.memory_space<vmem>>, vector<16xf32>,
          %mul3A_423 = arith.mulf %get3A_422, %get3A_205 : vector<16xf32>
          %add3A_424 = arith.addf %add3A_419, %mul3A_423 : vector<16xf32>
          %swap3A_425 = arith.index_cast %add3A_404 : i32 to index
          %swap3A_426 = arith.constant 0 : index
          %swap3A_427 = tpu.vector_load %arg24[%swap3A_425, %swap3A_426] {strides = array<i32>} : memref<16x16xf32, #tpu.memory_space<vmem>>, vector<16xf32>,
          tpu.vector_store %arg24[%swap3A_425, %swap3A_426], %add3A_424 {strides = array<i32>} : memref<16x16xf32, #tpu.memory_space<vmem>>, vector<16xf32>,
          %scan3A_428 = arith.constant 6 : i32
          %scan3A_429 = arith.addi %scan3A_255, %scan3A_428 : i32
          %mul3A_430 = arith.constant 1 : i32
          %mul3A_431 = arith.muli %scan3A_429, %mul3A_430 : i32
          %add3A_432 = arith.constant 0 : i32
          %add3A_433 = arith.addi %add3A_432, %mul3A_431 : i32
          %add3A_434 = arith.addi %add3A_210, %add3A_433 : i32
          %get3A_435 = arith.index_cast %add3A_434 : i32 to index
          %get3A_436 = arith.constant 0 : index
          %get3A_437 = tpu.vector_load %arg21[%get3A_435, %get3A_436] {strides = array<i32>} : memref<128x64xf32, #tpu.memory_space<vmem>>, vector<16xf32>,
          %mul3A_438 = arith.mulf %get3A_437, %get3A_196 : vector<16xf32>
          %get3A_439 = arith.index_cast %add3A_434 : i32 to index
          %get3A_440 = arith.constant 16 : index
          %get3A_441 = tpu.vector_load %arg21[%get3A_439, %get3A_440] {strides = array<i32>} : memref<128x64xf32, #tpu.memory_space<vmem>>, vector<16xf32>,
          %mul3A_442 = arith.mulf %get3A_441, %get3A_199 : vector<16xf32>
          %add3A_443 = arith.addf %mul3A_438, %mul3A_442 : vector<16xf32>
          %get3A_444 = arith.index_cast %add3A_434 : i32 to index
          %get3A_445 = arith.constant 32 : index
          %get3A_446 = tpu.vector_load %arg21[%get3A_444, %get3A_445] {strides = array<i32>} : memref<128x64xf32, #tpu.memory_space<vmem>>, vector<16xf32>,
          %mul3A_447 = arith.mulf %get3A_446, %get3A_202 : vector<16xf32>
          %add3A_448 = arith.addf %add3A_443, %mul3A_447 : vector<16xf32>
          %get3A_449 = arith.index_cast %add3A_434 : i32 to index
          %get3A_450 = arith.constant 48 : index
          %get3A_451 = tpu.vector_load %arg21[%get3A_449, %get3A_450] {strides = array<i32>} : memref<128x64xf32, #tpu.memory_space<vmem>>, vector<16xf32>,
          %mul3A_452 = arith.mulf %get3A_451, %get3A_205 : vector<16xf32>
          %add3A_453 = arith.addf %add3A_448, %mul3A_452 : vector<16xf32>
          %swap3A_454 = arith.index_cast %add3A_433 : i32 to index
          %swap3A_455 = arith.constant 0 : index
          %swap3A_456 = tpu.vector_load %arg24[%swap3A_454, %swap3A_455] {strides = array<i32>} : memref<16x16xf32, #tpu.memory_space<vmem>>, vector<16xf32>,
          tpu.vector_store %arg24[%swap3A_454, %swap3A_455], %add3A_453 {strides = array<i32>} : memref<16x16xf32, #tpu.memory_space<vmem>>, vector<16xf32>,
          %scan3A_457 = arith.constant 7 : i32
          %scan3A_458 = arith.addi %scan3A_255, %scan3A_457 : i32
          %mul3A_459 = arith.constant 1 : i32
          %mul3A_460 = arith.muli %scan3A_458, %mul3A_459 : i32
          %add3A_461 = arith.constant 0 : i32
          %add3A_462 = arith.addi %add3A_461, %mul3A_460 : i32
          %add3A_463 = arith.addi %add3A_210, %add3A_462 : i32
          %get3A_464 = arith.index_cast %add3A_463 : i32 to index
          %get3A_465 = arith.constant 0 : index
          %get3A_466 = tpu.vector_load %arg21[%get3A_464, %get3A_465] {strides = array<i32>} : memref<128x64xf32, #tpu.memory_space<vmem>>, vector<16xf32>,
          %mul3A_467 = arith.mulf %get3A_466, %get3A_196 : vector<16xf32>
          %get3A_468 = arith.index_cast %add3A_463 : i32 to index
          %get3A_469 = arith.constant 16 : index
          %get3A_470 = tpu.vector_load %arg21[%get3A_468, %get3A_469] {strides = array<i32>} : memref<128x64xf32, #tpu.memory_space<vmem>>, vector<16xf32>,
          %mul3A_471 = arith.mulf %get3A_470, %get3A_199 : vector<16xf32>
          %add3A_472 = arith.addf %mul3A_467, %mul3A_471 : vector<16xf32>
          %get3A_473 = arith.index_cast %add3A_463 : i32 to index
          %get3A_474 = arith.constant 32 : index
          %get3A_475 = tpu.vector_load %arg21[%get3A_473, %get3A_474] {strides = array<i32>} : memref<128x64xf32, #tpu.memory_space<vmem>>, vector<16xf32>,
          %mul3A_476 = arith.mulf %get3A_475, %get3A_202 : vector<16xf32>
          %add3A_477 = arith.addf %add3A_472, %mul3A_476 : vector<16xf32>
          %get3A_478 = arith.index_cast %add3A_463 : i32 to index
          %get3A_479 = arith.constant 48 : index
          %get3A_480 = tpu.vector_load %arg21[%get3A_478, %get3A_479] {strides = array<i32>} : memref<128x64xf32, #tpu.memory_space<vmem>>, vector<16xf32>,
          %mul3A_481 = arith.mulf %get3A_480, %get3A_205 : vector<16xf32>
          %add3A_482 = arith.addf %add3A_477, %mul3A_481 : vector<16xf32>
          %swap3A_483 = arith.index_cast %add3A_462 : i32 to index
          %swap3A_484 = arith.constant 0 : index
          %swap3A_485 = tpu.vector_load %arg24[%swap3A_483, %swap3A_484] {strides = array<i32>} : memref<16x16xf32, #tpu.memory_space<vmem>>, vector<16xf32>,
          tpu.vector_store %arg24[%swap3A_483, %swap3A_484], %add3A_482 {strides = array<i32>} : memref<16x16xf32, #tpu.memory_space<vmem>>, vector<16xf32>,
        }
        %scan3A_215 = arith.constant 16 : i32
        %broadcast_in_dim3A_216 = arith.constant 0.000000e+00 : f32
        %broadcast_in_dim3A_217 = vector.broadcast %broadcast_in_dim3A_216 : f32 to vector<16xf32>
        %scan3A_218 = arith.constant 0 : i32
        %scan3A_219 = arith.constant 16 : i32
        %scan3A_220 = arith.addi %scan3A_218, %scan3A_219 : i32
        %scan3A_221 = arith.constant 8 : i32
        %scan3A_222 = scf.for %scan3A_255 = %scan3A_218 to %scan3A_220 step %scan3A_221 iter_args(%scan3A_256 = %broadcast_in_dim3A_217) -> (vector<16xf32>)  : i32 {
          %mul3A_257 = arith.constant 1 : i32
          %mul3A_258 = arith.muli %scan3A_255, %mul3A_257 : i32
          %add3A_259 = arith.constant 0 : i32
          %add3A_260 = arith.addi %add3A_259, %mul3A_258 : i32
          %broadcast_in_dim3A_261 = vector.broadcast %add3A_260 : i32 to vector<16xi32>
          %gather3A_262 = tpu.vector_load_idx %arg24[%iota3A, %broadcast_in_dim3A_261] : memref<16x16xf32, #tpu.memory_space<vmem>>[vector<16xi32>, vector<16xi32>], vector<16xf32>,
          %add3A_263 = arith.addf %scan3A_256, %gather3A_262 : vector<16xf32>
          %scan3A_264 = arith.constant 1 : i32
          %scan3A_265 = arith.addi %scan3A_255, %scan3A_264 : i32
          %mul3A_266 = arith.constant 1 : i32
          %mul3A_267 = arith.muli %scan3A_265, %mul3A_266 : i32
          %add3A_268 = arith.constant 0 : i32
          %add3A_269 = arith.addi %add3A_268, %mul3A_267 : i32
          %broadcast_in_dim3A_270 = vector.broadcast %add3A_269 : i32 to vector<16xi32>
          %gather3A_271 = tpu.vector_load_idx %arg24[%iota3A, %broadcast_in_dim3A_270] : memref<16x16xf32, #tpu.memory_space<vmem>>[vector<16xi32>, vector<16xi32>], vector<16xf32>,
          %add3A_272 = arith.addf %add3A_263, %gather3A_271 : vector<16xf32>
          %scan3A_273 = arith.constant 2 : i32
          %scan3A_274 = arith.addi %scan3A_255, %scan3A_273 : i32
          %mul3A_275 = arith.constant 1 : i32
          %mul3A_276 = arith.muli %scan3A_274, %mul3A_275 : i32
          %add3A_277 = arith.constant 0 : i32
          %add3A_278 = arith.addi %add3A_277, %mul3A_276 : i32
          %broadcast_in_dim3A_279 = vector.broadcast %add3A_278 : i32 to vector<16xi32>
          %gather3A_280 = tpu.vector_load_idx %arg24[%iota3A, %broadcast_in_dim3A_279] : memref<16x16xf32, #tpu.memory_space<vmem>>[vector<16xi32>, vector<16xi32>], vector<16xf32>,
          %add3A_281 = arith.addf %add3A_272, %gather3A_280 : vector<16xf32>
          %scan3A_282 = arith.constant 3 : i32
          %scan3A_283 = arith.addi %scan3A_255, %scan3A_282 : i32
          %mul3A_284 = arith.constant 1 : i32
          %mul3A_285 = arith.muli %scan3A_283, %mul3A_284 : i32
          %add3A_286 = arith.constant 0 : i32
          %add3A_287 = arith.addi %add3A_286, %mul3A_285 : i32
          %broadcast_in_dim3A_288 = vector.broadcast %add3A_287 : i32 to vector<16xi32>
          %gather3A_289 = tpu.vector_load_idx %arg24[%iota3A, %broadcast_in_dim3A_288] : memref<16x16xf32, #tpu.memory_space<vmem>>[vector<16xi32>, vector<16xi32>], vector<16xf32>,
          %add3A_290 = arith.addf %add3A_281, %gather3A_289 : vector<16xf32>
          %scan3A_291 = arith.constant 4 : i32
          %scan3A_292 = arith.addi %scan3A_255, %scan3A_291 : i32
          %mul3A_293 = arith.constant 1 : i32
          %mul3A_294 = arith.muli %scan3A_292, %mul3A_293 : i32
          %add3A_295 = arith.constant 0 : i32
          %add3A_296 = arith.addi %add3A_295, %mul3A_294 : i32
          %broadcast_in_dim3A_297 = vector.broadcast %add3A_296 : i32 to vector<16xi32>
          %gather3A_298 = tpu.vector_load_idx %arg24[%iota3A, %broadcast_in_dim3A_297] : memref<16x16xf32, #tpu.memory_space<vmem>>[vector<16xi32>, vector<16xi32>], vector<16xf32>,
          %add3A_299 = arith.addf %add3A_290, %gather3A_298 : vector<16xf32>
          %scan3A_300 = arith.constant 5 : i32
          %scan3A_301 = arith.addi %scan3A_255, %scan3A_300 : i32
          %mul3A_302 = arith.constant 1 : i32
          %mul3A_303 = arith.muli %scan3A_301, %mul3A_302 : i32
          %add3A_304 = arith.constant 0 : i32
          %add3A_305 = arith.addi %add3A_304, %mul3A_303 : i32
          %broadcast_in_dim3A_306 = vector.broadcast %add3A_305 : i32 to vector<16xi32>
          %gather3A_307 = tpu.vector_load_idx %arg24[%iota3A, %broadcast_in_dim3A_306] : memref<16x16xf32, #tpu.memory_space<vmem>>[vector<16xi32>, vector<16xi32>], vector<16xf32>,
          %add3A_308 = arith.addf %add3A_299, %gather3A_307 : vector<16xf32>
          %scan3A_309 = arith.constant 6 : i32
          %scan3A_310 = arith.addi %scan3A_255, %scan3A_309 : i32
          %mul3A_311 = arith.constant 1 : i32
          %mul3A_312 = arith.muli %scan3A_310, %mul3A_311 : i32
          %add3A_313 = arith.constant 0 : i32
          %add3A_314 = arith.addi %add3A_313, %mul3A_312 : i32
          %broadcast_in_dim3A_315 = vector.broadcast %add3A_314 : i32 to vector<16xi32>
          %gather3A_316 = tpu.vector_load_idx %arg24[%iota3A, %broadcast_in_dim3A_315] : memref<16x16xf32, #tpu.memory_space<vmem>>[vector<16xi32>, vector<16xi32>], vector<16xf32>,
          %add3A_317 = arith.addf %add3A_308, %gather3A_316 : vector<16xf32>
          %scan3A_318 = arith.constant 7 : i32
          %scan3A_319 = arith.addi %scan3A_255, %scan3A_318 : i32
          %mul3A_320 = arith.constant 1 : i32
          %mul3A_321 = arith.muli %scan3A_319, %mul3A_320 : i32
          %add3A_322 = arith.constant 0 : i32
          %add3A_323 = arith.addi %add3A_322, %mul3A_321 : i32
          %broadcast_in_dim3A_324 = vector.broadcast %add3A_323 : i32 to vector<16xi32>
          %gather3A_325 = tpu.vector_load_idx %arg24[%iota3A, %broadcast_in_dim3A_324] : memref<16x16xf32, #tpu.memory_space<vmem>>[vector<16xi32>, vector<16xi32>], vector<16xf32>,
          %add3A_326 = arith.addf %add3A_317, %gather3A_325 : vector<16xf32>
          scf.yield %add3A_326 : vector<16xf32>
        }
        %scan3A_223 = arith.constant 16 : i32
        %neg3A = arith.constant 0.000000e+00 : f32
        %neg3A_224 = vector.broadcast %neg3A : f32 to vector<16xf32>
        %neg3A_225 = arith.subf %neg3A_224, %scan3A_222 : vector<16xf32>
        %exp3A = math.exp %neg3A_225 : vector<16xf32>
        %add3A_226 = arith.constant 1.000000e+00 : f32
        %add3A_227 = vector.broadcast %add3A_226 : f32 to vector<16xf32>
        %add3A_228 = arith.addf %add3A_227, %exp3A : vector<16xf32>
        %div3A = arith.constant 1.000000e+00 : f32
        %div3A_229 = vector.broadcast %div3A : f32 to vector<16xf32>
        %div3A_230 = arith.divf %div3A_229, %add3A_228 : vector<16xf32>
        %broadcast_in_dim3A_231 = vector.broadcast %add3A_194 : i32 to vector<16xi32>
        %gather3A = tpu.vector_load_idx %arg13[%broadcast_in_dim3A_231] : memref<128xi32, #tpu.memory_space<vmem>>[vector<16xi32>], vector<16xi32>,
        %mul3A_232 = arith.constant 15 : i32
        %mul3A_233 = arith.muli %mul3A_232, %and3A_191 : i32
        %add3A_234 = vector.broadcast %mul3A_233 : i32 to vector<16xi32>
        %add3A_235 = arith.addi %add3A_234, %iota3A : vector<16xi32>
        %min3A = arith.constant 59 : i32
        %min3A_236 = vector.broadcast %min3A : i32 to vector<16xi32>
        %min3A_237 = arith.minsi %add3A_235, %min3A_236 : vector<16xi32>
        %add3A_238 = arith.addi %gather3A, %min3A_237 : vector<16xi32>
        %gather3A_239 = tpu.vector_load_idx %arg16[%broadcast_in_dim3A_231, %add3A_238] : memref<128x240xi32, #tpu.memory_space<vmem>>[vector<16xi32>, vector<16xi32>], vector<16xi32>,
        %eq3A = arith.constant 15 : i32
        %eq3A_240 = vector.broadcast %eq3A : i32 to vector<16xi32>
        %eq3A_241 = arith.cmpi eq, %iota3A, %eq3A_240 : vector<16xi32>
        %jit3A = arith.constant 0 : i32
        %broadcast_in_dim3A_242 = vector.broadcast %jit3A : i32 to vector<16xi32>
        %select_n3A = arith.select %eq3A_241, %broadcast_in_dim3A_242, %gather3A_239 : vector<16xi1>, vector<16xi32>
        %eq3A_243 = arith.constant 1 : i32
        %eq3A_244 = vector.broadcast %eq3A_243 : i32 to vector<16xi32>
        %eq3A_245 = arith.cmpi eq, %select_n3A, %eq3A_244 : vector<16xi32>
        %sub3A_246 = arith.constant 1.000000e+00 : f32
        %sub3A_247 = vector.broadcast %sub3A_246 : f32 to vector<16xf32>
        %sub3A_248 = arith.subf %sub3A_247, %div3A_230 : vector<16xf32>
        %select_n3A_249 = arith.select %eq3A_245, %div3A_230, %sub3A_248 : vector<16xi1>, vector<16xf32>
        %mul3A_250 = arith.constant 16 : i32
        %mul3A_251 = arith.muli %and3A_191, %mul3A_250 : i32
        %swap3A_252 = arith.index_cast %add3A_194 : i32 to index
        %swap3A_253 = arith.index_cast %mul3A_251 : i32 to index
        %swap3A_254 = tpu.vector_load %arg19[%swap3A_252, %swap3A_253] {strides = array<i32>} : memref<128x64xf32, #tpu.memory_space<vmem>>, vector<16xf32>,
        tpu.vector_store %arg19[%swap3A_252, %swap3A_253], %select_n3A_249 {strides = array<i32>} : memref<128x64xf32, #tpu.memory_space<vmem>>, vector<16xf32>,
      }
      %scan3A_138 = arith.constant 8 : i32
      %add3A_139 = arith.constant 2 : i32
      %add3A_140 = arith.addi %add3A_98, %add3A_139 : i32
      %add3A_141 = arith.constant 4 : i32
      %add3A_142 = arith.addi %add3A_140, %add3A_141 : i32
      %sub3A_143 = arith.constant 1 : i32
      %sub3A_144 = arith.subi %add3A_142, %sub3A_143 : i32
      %lt3A_145 = arith.constant 64 : i32
      %lt3A_146 = arith.cmpi slt, %sub3A_144, %lt3A_145 : i32
      %convert_element_type3A_147 = arith.extui %lt3A_146 : i1 to i32
      %cond3A_148 = arith.constant 0 : i32
      %cond3A_149 = arith.cmpi ne, %convert_element_type3A_147, %cond3A_148 : i32
      scf.if %cond3A_149 {
        %add3A_183 = arith.constant 4 : i32
        %add3A_184 = arith.addi %add3A_140, %add3A_183 : i32
        %sub3A_185 = arith.constant 1 : i32
        %sub3A_186 = arith.subi %add3A_184, %sub3A_185 : i32
        %dma_start3A_187 = arith.constant 0 : i32
        %dma_start3A_188 = tpu.memref_slice %arg15[%sub3A_186, %dma_start3A_187] : memref<64x128xi32, #tpu.memory_space<vmem>> -> memref<1x128xi32, #tpu.memory_space<vmem>>
        %dma_start3A_189 = tpu.memref_squeeze %dma_start3A_188 : memref<1x128xi32, #tpu.memory_space<vmem>> -> memref<128xi32, #tpu.memory_space<vmem>>
        %dma_start3A_190 = arith.constant 0 : i32
        %dma_start3A_191 = arith.constant 0 : i32
        %dma_start3A_192 = tpu.memref_slice %arg8[%dma_start3A_190, %dma_start3A_191] : memref<65535x64xf32, #tpu.memory_space<hbm>> -> memref<65535x64xf32, #tpu.memory_space<hbm>>
        tpu.enqueue_indirect_dma source(%dma_start3A_192 : memref<65535x64xf32, #tpu.memory_space<hbm>>) target(%arg21 : memref<128x64xf32, #tpu.memory_space<vmem>>) offsets(%dma_start3A_189 : memref<128xi32, #tpu.memory_space<vmem>>) semaphore(%arg27 : memref<!tpu.dma_semaphore, #tpu.memory_space<semaphore_mem>>)
      } else {
      }
      %dma_wait3A_150 = arith.constant 0 : i32
      %dma_wait3A_151 = tpu.memref_slice %arg15[%add3A_140, %dma_wait3A_150] : memref<64x128xi32, #tpu.memory_space<vmem>> -> memref<1x128xi32, #tpu.memory_space<vmem>>
      %dma_wait3A_152 = tpu.memref_squeeze %dma_wait3A_151 : memref<1x128xi32, #tpu.memory_space<vmem>> -> memref<128xi32, #tpu.memory_space<vmem>>
      %dma_wait3A_153 = arith.constant 0 : i32
      %dma_wait3A_154 = arith.constant 0 : i32
      %dma_wait3A_155 = tpu.memref_slice %arg8[%dma_wait3A_153, %dma_wait3A_154] : memref<65535x64xf32, #tpu.memory_space<hbm>> -> memref<65535x64xf32, #tpu.memory_space<hbm>>
      tpu.wait_indirect_dma semaphore(%arg28 : memref<!tpu.dma_semaphore, #tpu.memory_space<semaphore_mem>>) src(%dma_wait3A_155 : memref<65535x64xf32, #tpu.memory_space<hbm>>) dst(%arg22 : memref<128x64xf32, #tpu.memory_space<vmem>>)
      %scan3A_156 = arith.constant 0 : i32
      %scan3A_157 = arith.constant 8 : i32
      %scan3A_158 = arith.addi %scan3A_156, %scan3A_157 : i32
      %scan3A_159 = arith.constant 1 : i32
      scf.for %scan3A_183 = %scan3A_156 to %scan3A_158 step %scan3A_159  : i32 {
        %mul3A_184 = arith.constant 1 : i32
        %mul3A_185 = arith.muli %scan3A_183, %mul3A_184 : i32
        %add3A_186 = arith.constant 0 : i32
        %add3A_187 = arith.addi %add3A_186, %mul3A_185 : i32
        %shift_right_logical3A_188 = arith.constant 2 : i32
        %shift_right_logical3A_189 = arith.shrui %add3A_187, %shift_right_logical3A_188 : i32
        %and3A_190 = arith.constant 3 : i32
        %and3A_191 = arith.andi %add3A_187, %and3A_190 : i32
        %mul3A_192 = arith.constant 2 : i32
        %mul3A_193 = arith.muli %add3A_140, %mul3A_192 : i32
        %add3A_194 = arith.addi %mul3A_193, %shift_right_logical3A_189 : i32
        %get3A = arith.index_cast %add3A_194 : i32 to index
        %get3A_195 = arith.constant 0 : index
        %get3A_196 = tpu.vector_load %arg18[%get3A, %get3A_195] {strides = array<i32>} : memref<128x64xf32, #tpu.memory_space<vmem>>, vector<16xf32>,
        %get3A_197 = arith.index_cast %add3A_194 : i32 to index
        %get3A_198 = arith.constant 16 : index
        %get3A_199 = tpu.vector_load %arg18[%get3A_197, %get3A_198] {strides = array<i32>} : memref<128x64xf32, #tpu.memory_space<vmem>>, vector<16xf32>,
        %get3A_200 = arith.index_cast %add3A_194 : i32 to index
        %get3A_201 = arith.constant 32 : index
        %get3A_202 = tpu.vector_load %arg18[%get3A_200, %get3A_201] {strides = array<i32>} : memref<128x64xf32, #tpu.memory_space<vmem>>, vector<16xf32>,
        %get3A_203 = arith.index_cast %add3A_194 : i32 to index
        %get3A_204 = arith.constant 48 : index
        %get3A_205 = tpu.vector_load %arg18[%get3A_203, %get3A_204] {strides = array<i32>} : memref<128x64xf32, #tpu.memory_space<vmem>>, vector<16xf32>,
        %mul3A_206 = arith.constant 64 : i32
        %mul3A_207 = arith.muli %shift_right_logical3A_189, %mul3A_206 : i32
        %mul3A_208 = arith.constant 16 : i32
        %mul3A_209 = arith.muli %and3A_191, %mul3A_208 : i32
        %add3A_210 = arith.addi %mul3A_207, %mul3A_209 : i32
        %scan3A_211 = arith.constant 0 : i32
        %scan3A_212 = arith.constant 16 : i32
        %scan3A_213 = arith.addi %scan3A_211, %scan3A_212 : i32
        %scan3A_214 = arith.constant 8 : i32
        scf.for %scan3A_255 = %scan3A_211 to %scan3A_213 step %scan3A_214  : i32 {
          %mul3A_256 = arith.constant 1 : i32
          %mul3A_257 = arith.muli %scan3A_255, %mul3A_256 : i32
          %add3A_258 = arith.constant 0 : i32
          %add3A_259 = arith.addi %add3A_258, %mul3A_257 : i32
          %add3A_260 = arith.addi %add3A_210, %add3A_259 : i32
          %get3A_261 = arith.index_cast %add3A_260 : i32 to index
          %get3A_262 = arith.constant 0 : index
          %get3A_263 = tpu.vector_load %arg22[%get3A_261, %get3A_262] {strides = array<i32>} : memref<128x64xf32, #tpu.memory_space<vmem>>, vector<16xf32>,
          %mul3A_264 = arith.mulf %get3A_263, %get3A_196 : vector<16xf32>
          %get3A_265 = arith.index_cast %add3A_260 : i32 to index
          %get3A_266 = arith.constant 16 : index
          %get3A_267 = tpu.vector_load %arg22[%get3A_265, %get3A_266] {strides = array<i32>} : memref<128x64xf32, #tpu.memory_space<vmem>>, vector<16xf32>,
          %mul3A_268 = arith.mulf %get3A_267, %get3A_199 : vector<16xf32>
          %add3A_269 = arith.addf %mul3A_264, %mul3A_268 : vector<16xf32>
          %get3A_270 = arith.index_cast %add3A_260 : i32 to index
          %get3A_271 = arith.constant 32 : index
          %get3A_272 = tpu.vector_load %arg22[%get3A_270, %get3A_271] {strides = array<i32>} : memref<128x64xf32, #tpu.memory_space<vmem>>, vector<16xf32>,
          %mul3A_273 = arith.mulf %get3A_272, %get3A_202 : vector<16xf32>
          %add3A_274 = arith.addf %add3A_269, %mul3A_273 : vector<16xf32>
          %get3A_275 = arith.index_cast %add3A_260 : i32 to index
          %get3A_276 = arith.constant 48 : index
          %get3A_277 = tpu.vector_load %arg22[%get3A_275, %get3A_276] {strides = array<i32>} : memref<128x64xf32, #tpu.memory_space<vmem>>, vector<16xf32>,
          %mul3A_278 = arith.mulf %get3A_277, %get3A_205 : vector<16xf32>
          %add3A_279 = arith.addf %add3A_274, %mul3A_278 : vector<16xf32>
          %swap3A_280 = arith.index_cast %add3A_259 : i32 to index
          %swap3A_281 = arith.constant 0 : index
          %swap3A_282 = tpu.vector_load %arg24[%swap3A_280, %swap3A_281] {strides = array<i32>} : memref<16x16xf32, #tpu.memory_space<vmem>>, vector<16xf32>,
          tpu.vector_store %arg24[%swap3A_280, %swap3A_281], %add3A_279 {strides = array<i32>} : memref<16x16xf32, #tpu.memory_space<vmem>>, vector<16xf32>,
          %scan3A_283 = arith.constant 1 : i32
          %scan3A_284 = arith.addi %scan3A_255, %scan3A_283 : i32
          %mul3A_285 = arith.constant 1 : i32
          %mul3A_286 = arith.muli %scan3A_284, %mul3A_285 : i32
          %add3A_287 = arith.constant 0 : i32
          %add3A_288 = arith.addi %add3A_287, %mul3A_286 : i32
          %add3A_289 = arith.addi %add3A_210, %add3A_288 : i32
          %get3A_290 = arith.index_cast %add3A_289 : i32 to index
          %get3A_291 = arith.constant 0 : index
          %get3A_292 = tpu.vector_load %arg22[%get3A_290, %get3A_291] {strides = array<i32>} : memref<128x64xf32, #tpu.memory_space<vmem>>, vector<16xf32>,
          %mul3A_293 = arith.mulf %get3A_292, %get3A_196 : vector<16xf32>
          %get3A_294 = arith.index_cast %add3A_289 : i32 to index
          %get3A_295 = arith.constant 16 : index
          %get3A_296 = tpu.vector_load %arg22[%get3A_294, %get3A_295] {strides = array<i32>} : memref<128x64xf32, #tpu.memory_space<vmem>>, vector<16xf32>,
          %mul3A_297 = arith.mulf %get3A_296, %get3A_199 : vector<16xf32>
          %add3A_298 = arith.addf %mul3A_293, %mul3A_297 : vector<16xf32>
          %get3A_299 = arith.index_cast %add3A_289 : i32 to index
          %get3A_300 = arith.constant 32 : index
          %get3A_301 = tpu.vector_load %arg22[%get3A_299, %get3A_300] {strides = array<i32>} : memref<128x64xf32, #tpu.memory_space<vmem>>, vector<16xf32>,
          %mul3A_302 = arith.mulf %get3A_301, %get3A_202 : vector<16xf32>
          %add3A_303 = arith.addf %add3A_298, %mul3A_302 : vector<16xf32>
          %get3A_304 = arith.index_cast %add3A_289 : i32 to index
          %get3A_305 = arith.constant 48 : index
          %get3A_306 = tpu.vector_load %arg22[%get3A_304, %get3A_305] {strides = array<i32>} : memref<128x64xf32, #tpu.memory_space<vmem>>, vector<16xf32>,
          %mul3A_307 = arith.mulf %get3A_306, %get3A_205 : vector<16xf32>
          %add3A_308 = arith.addf %add3A_303, %mul3A_307 : vector<16xf32>
          %swap3A_309 = arith.index_cast %add3A_288 : i32 to index
          %swap3A_310 = arith.constant 0 : index
          %swap3A_311 = tpu.vector_load %arg24[%swap3A_309, %swap3A_310] {strides = array<i32>} : memref<16x16xf32, #tpu.memory_space<vmem>>, vector<16xf32>,
          tpu.vector_store %arg24[%swap3A_309, %swap3A_310], %add3A_308 {strides = array<i32>} : memref<16x16xf32, #tpu.memory_space<vmem>>, vector<16xf32>,
          %scan3A_312 = arith.constant 2 : i32
          %scan3A_313 = arith.addi %scan3A_255, %scan3A_312 : i32
          %mul3A_314 = arith.constant 1 : i32
          %mul3A_315 = arith.muli %scan3A_313, %mul3A_314 : i32
          %add3A_316 = arith.constant 0 : i32
          %add3A_317 = arith.addi %add3A_316, %mul3A_315 : i32
          %add3A_318 = arith.addi %add3A_210, %add3A_317 : i32
          %get3A_319 = arith.index_cast %add3A_318 : i32 to index
          %get3A_320 = arith.constant 0 : index
          %get3A_321 = tpu.vector_load %arg22[%get3A_319, %get3A_320] {strides = array<i32>} : memref<128x64xf32, #tpu.memory_space<vmem>>, vector<16xf32>,
          %mul3A_322 = arith.mulf %get3A_321, %get3A_196 : vector<16xf32>
          %get3A_323 = arith.index_cast %add3A_318 : i32 to index
          %get3A_324 = arith.constant 16 : index
          %get3A_325 = tpu.vector_load %arg22[%get3A_323, %get3A_324] {strides = array<i32>} : memref<128x64xf32, #tpu.memory_space<vmem>>, vector<16xf32>,
          %mul3A_326 = arith.mulf %get3A_325, %get3A_199 : vector<16xf32>
          %add3A_327 = arith.addf %mul3A_322, %mul3A_326 : vector<16xf32>
          %get3A_328 = arith.index_cast %add3A_318 : i32 to index
          %get3A_329 = arith.constant 32 : index
          %get3A_330 = tpu.vector_load %arg22[%get3A_328, %get3A_329] {strides = array<i32>} : memref<128x64xf32, #tpu.memory_space<vmem>>, vector<16xf32>,
          %mul3A_331 = arith.mulf %get3A_330, %get3A_202 : vector<16xf32>
          %add3A_332 = arith.addf %add3A_327, %mul3A_331 : vector<16xf32>
          %get3A_333 = arith.index_cast %add3A_318 : i32 to index
          %get3A_334 = arith.constant 48 : index
          %get3A_335 = tpu.vector_load %arg22[%get3A_333, %get3A_334] {strides = array<i32>} : memref<128x64xf32, #tpu.memory_space<vmem>>, vector<16xf32>,
          %mul3A_336 = arith.mulf %get3A_335, %get3A_205 : vector<16xf32>
          %add3A_337 = arith.addf %add3A_332, %mul3A_336 : vector<16xf32>
          %swap3A_338 = arith.index_cast %add3A_317 : i32 to index
          %swap3A_339 = arith.constant 0 : index
          %swap3A_340 = tpu.vector_load %arg24[%swap3A_338, %swap3A_339] {strides = array<i32>} : memref<16x16xf32, #tpu.memory_space<vmem>>, vector<16xf32>,
          tpu.vector_store %arg24[%swap3A_338, %swap3A_339], %add3A_337 {strides = array<i32>} : memref<16x16xf32, #tpu.memory_space<vmem>>, vector<16xf32>,
          %scan3A_341 = arith.constant 3 : i32
          %scan3A_342 = arith.addi %scan3A_255, %scan3A_341 : i32
          %mul3A_343 = arith.constant 1 : i32
          %mul3A_344 = arith.muli %scan3A_342, %mul3A_343 : i32
          %add3A_345 = arith.constant 0 : i32
          %add3A_346 = arith.addi %add3A_345, %mul3A_344 : i32
          %add3A_347 = arith.addi %add3A_210, %add3A_346 : i32
          %get3A_348 = arith.index_cast %add3A_347 : i32 to index
          %get3A_349 = arith.constant 0 : index
          %get3A_350 = tpu.vector_load %arg22[%get3A_348, %get3A_349] {strides = array<i32>} : memref<128x64xf32, #tpu.memory_space<vmem>>, vector<16xf32>,
          %mul3A_351 = arith.mulf %get3A_350, %get3A_196 : vector<16xf32>
          %get3A_352 = arith.index_cast %add3A_347 : i32 to index
          %get3A_353 = arith.constant 16 : index
          %get3A_354 = tpu.vector_load %arg22[%get3A_352, %get3A_353] {strides = array<i32>} : memref<128x64xf32, #tpu.memory_space<vmem>>, vector<16xf32>,
          %mul3A_355 = arith.mulf %get3A_354, %get3A_199 : vector<16xf32>
          %add3A_356 = arith.addf %mul3A_351, %mul3A_355 : vector<16xf32>
          %get3A_357 = arith.index_cast %add3A_347 : i32 to index
          %get3A_358 = arith.constant 32 : index
          %get3A_359 = tpu.vector_load %arg22[%get3A_357, %get3A_358] {strides = array<i32>} : memref<128x64xf32, #tpu.memory_space<vmem>>, vector<16xf32>,
          %mul3A_360 = arith.mulf %get3A_359, %get3A_202 : vector<16xf32>
          %add3A_361 = arith.addf %add3A_356, %mul3A_360 : vector<16xf32>
          %get3A_362 = arith.index_cast %add3A_347 : i32 to index
          %get3A_363 = arith.constant 48 : index
          %get3A_364 = tpu.vector_load %arg22[%get3A_362, %get3A_363] {strides = array<i32>} : memref<128x64xf32, #tpu.memory_space<vmem>>, vector<16xf32>,
          %mul3A_365 = arith.mulf %get3A_364, %get3A_205 : vector<16xf32>
          %add3A_366 = arith.addf %add3A_361, %mul3A_365 : vector<16xf32>
          %swap3A_367 = arith.index_cast %add3A_346 : i32 to index
          %swap3A_368 = arith.constant 0 : index
          %swap3A_369 = tpu.vector_load %arg24[%swap3A_367, %swap3A_368] {strides = array<i32>} : memref<16x16xf32, #tpu.memory_space<vmem>>, vector<16xf32>,
          tpu.vector_store %arg24[%swap3A_367, %swap3A_368], %add3A_366 {strides = array<i32>} : memref<16x16xf32, #tpu.memory_space<vmem>>, vector<16xf32>,
          %scan3A_370 = arith.constant 4 : i32
          %scan3A_371 = arith.addi %scan3A_255, %scan3A_370 : i32
          %mul3A_372 = arith.constant 1 : i32
          %mul3A_373 = arith.muli %scan3A_371, %mul3A_372 : i32
          %add3A_374 = arith.constant 0 : i32
          %add3A_375 = arith.addi %add3A_374, %mul3A_373 : i32
          %add3A_376 = arith.addi %add3A_210, %add3A_375 : i32
          %get3A_377 = arith.index_cast %add3A_376 : i32 to index
          %get3A_378 = arith.constant 0 : index
          %get3A_379 = tpu.vector_load %arg22[%get3A_377, %get3A_378] {strides = array<i32>} : memref<128x64xf32, #tpu.memory_space<vmem>>, vector<16xf32>,
          %mul3A_380 = arith.mulf %get3A_379, %get3A_196 : vector<16xf32>
          %get3A_381 = arith.index_cast %add3A_376 : i32 to index
          %get3A_382 = arith.constant 16 : index
          %get3A_383 = tpu.vector_load %arg22[%get3A_381, %get3A_382] {strides = array<i32>} : memref<128x64xf32, #tpu.memory_space<vmem>>, vector<16xf32>,
          %mul3A_384 = arith.mulf %get3A_383, %get3A_199 : vector<16xf32>
          %add3A_385 = arith.addf %mul3A_380, %mul3A_384 : vector<16xf32>
          %get3A_386 = arith.index_cast %add3A_376 : i32 to index
          %get3A_387 = arith.constant 32 : index
          %get3A_388 = tpu.vector_load %arg22[%get3A_386, %get3A_387] {strides = array<i32>} : memref<128x64xf32, #tpu.memory_space<vmem>>, vector<16xf32>,
          %mul3A_389 = arith.mulf %get3A_388, %get3A_202 : vector<16xf32>
          %add3A_390 = arith.addf %add3A_385, %mul3A_389 : vector<16xf32>
          %get3A_391 = arith.index_cast %add3A_376 : i32 to index
          %get3A_392 = arith.constant 48 : index
          %get3A_393 = tpu.vector_load %arg22[%get3A_391, %get3A_392] {strides = array<i32>} : memref<128x64xf32, #tpu.memory_space<vmem>>, vector<16xf32>,
          %mul3A_394 = arith.mulf %get3A_393, %get3A_205 : vector<16xf32>
          %add3A_395 = arith.addf %add3A_390, %mul3A_394 : vector<16xf32>
          %swap3A_396 = arith.index_cast %add3A_375 : i32 to index
          %swap3A_397 = arith.constant 0 : index
          %swap3A_398 = tpu.vector_load %arg24[%swap3A_396, %swap3A_397] {strides = array<i32>} : memref<16x16xf32, #tpu.memory_space<vmem>>, vector<16xf32>,
          tpu.vector_store %arg24[%swap3A_396, %swap3A_397], %add3A_395 {strides = array<i32>} : memref<16x16xf32, #tpu.memory_space<vmem>>, vector<16xf32>,
          %scan3A_399 = arith.constant 5 : i32
          %scan3A_400 = arith.addi %scan3A_255, %scan3A_399 : i32
          %mul3A_401 = arith.constant 1 : i32
          %mul3A_402 = arith.muli %scan3A_400, %mul3A_401 : i32
          %add3A_403 = arith.constant 0 : i32
          %add3A_404 = arith.addi %add3A_403, %mul3A_402 : i32
          %add3A_405 = arith.addi %add3A_210, %add3A_404 : i32
          %get3A_406 = arith.index_cast %add3A_405 : i32 to index
          %get3A_407 = arith.constant 0 : index
          %get3A_408 = tpu.vector_load %arg22[%get3A_406, %get3A_407] {strides = array<i32>} : memref<128x64xf32, #tpu.memory_space<vmem>>, vector<16xf32>,
          %mul3A_409 = arith.mulf %get3A_408, %get3A_196 : vector<16xf32>
          %get3A_410 = arith.index_cast %add3A_405 : i32 to index
          %get3A_411 = arith.constant 16 : index
          %get3A_412 = tpu.vector_load %arg22[%get3A_410, %get3A_411] {strides = array<i32>} : memref<128x64xf32, #tpu.memory_space<vmem>>, vector<16xf32>,
          %mul3A_413 = arith.mulf %get3A_412, %get3A_199 : vector<16xf32>
          %add3A_414 = arith.addf %mul3A_409, %mul3A_413 : vector<16xf32>
          %get3A_415 = arith.index_cast %add3A_405 : i32 to index
          %get3A_416 = arith.constant 32 : index
          %get3A_417 = tpu.vector_load %arg22[%get3A_415, %get3A_416] {strides = array<i32>} : memref<128x64xf32, #tpu.memory_space<vmem>>, vector<16xf32>,
          %mul3A_418 = arith.mulf %get3A_417, %get3A_202 : vector<16xf32>
          %add3A_419 = arith.addf %add3A_414, %mul3A_418 : vector<16xf32>
          %get3A_420 = arith.index_cast %add3A_405 : i32 to index
          %get3A_421 = arith.constant 48 : index
          %get3A_422 = tpu.vector_load %arg22[%get3A_420, %get3A_421] {strides = array<i32>} : memref<128x64xf32, #tpu.memory_space<vmem>>, vector<16xf32>,
          %mul3A_423 = arith.mulf %get3A_422, %get3A_205 : vector<16xf32>
          %add3A_424 = arith.addf %add3A_419, %mul3A_423 : vector<16xf32>
          %swap3A_425 = arith.index_cast %add3A_404 : i32 to index
          %swap3A_426 = arith.constant 0 : index
          %swap3A_427 = tpu.vector_load %arg24[%swap3A_425, %swap3A_426] {strides = array<i32>} : memref<16x16xf32, #tpu.memory_space<vmem>>, vector<16xf32>,
          tpu.vector_store %arg24[%swap3A_425, %swap3A_426], %add3A_424 {strides = array<i32>} : memref<16x16xf32, #tpu.memory_space<vmem>>, vector<16xf32>,
          %scan3A_428 = arith.constant 6 : i32
          %scan3A_429 = arith.addi %scan3A_255, %scan3A_428 : i32
          %mul3A_430 = arith.constant 1 : i32
          %mul3A_431 = arith.muli %scan3A_429, %mul3A_430 : i32
          %add3A_432 = arith.constant 0 : i32
          %add3A_433 = arith.addi %add3A_432, %mul3A_431 : i32
          %add3A_434 = arith.addi %add3A_210, %add3A_433 : i32
          %get3A_435 = arith.index_cast %add3A_434 : i32 to index
          %get3A_436 = arith.constant 0 : index
          %get3A_437 = tpu.vector_load %arg22[%get3A_435, %get3A_436] {strides = array<i32>} : memref<128x64xf32, #tpu.memory_space<vmem>>, vector<16xf32>,
          %mul3A_438 = arith.mulf %get3A_437, %get3A_196 : vector<16xf32>
          %get3A_439 = arith.index_cast %add3A_434 : i32 to index
          %get3A_440 = arith.constant 16 : index
          %get3A_441 = tpu.vector_load %arg22[%get3A_439, %get3A_440] {strides = array<i32>} : memref<128x64xf32, #tpu.memory_space<vmem>>, vector<16xf32>,
          %mul3A_442 = arith.mulf %get3A_441, %get3A_199 : vector<16xf32>
          %add3A_443 = arith.addf %mul3A_438, %mul3A_442 : vector<16xf32>
          %get3A_444 = arith.index_cast %add3A_434 : i32 to index
          %get3A_445 = arith.constant 32 : index
          %get3A_446 = tpu.vector_load %arg22[%get3A_444, %get3A_445] {strides = array<i32>} : memref<128x64xf32, #tpu.memory_space<vmem>>, vector<16xf32>,
          %mul3A_447 = arith.mulf %get3A_446, %get3A_202 : vector<16xf32>
          %add3A_448 = arith.addf %add3A_443, %mul3A_447 : vector<16xf32>
          %get3A_449 = arith.index_cast %add3A_434 : i32 to index
          %get3A_450 = arith.constant 48 : index
          %get3A_451 = tpu.vector_load %arg22[%get3A_449, %get3A_450] {strides = array<i32>} : memref<128x64xf32, #tpu.memory_space<vmem>>, vector<16xf32>,
          %mul3A_452 = arith.mulf %get3A_451, %get3A_205 : vector<16xf32>
          %add3A_453 = arith.addf %add3A_448, %mul3A_452 : vector<16xf32>
          %swap3A_454 = arith.index_cast %add3A_433 : i32 to index
          %swap3A_455 = arith.constant 0 : index
          %swap3A_456 = tpu.vector_load %arg24[%swap3A_454, %swap3A_455] {strides = array<i32>} : memref<16x16xf32, #tpu.memory_space<vmem>>, vector<16xf32>,
          tpu.vector_store %arg24[%swap3A_454, %swap3A_455], %add3A_453 {strides = array<i32>} : memref<16x16xf32, #tpu.memory_space<vmem>>, vector<16xf32>,
          %scan3A_457 = arith.constant 7 : i32
          %scan3A_458 = arith.addi %scan3A_255, %scan3A_457 : i32
          %mul3A_459 = arith.constant 1 : i32
          %mul3A_460 = arith.muli %scan3A_458, %mul3A_459 : i32
          %add3A_461 = arith.constant 0 : i32
          %add3A_462 = arith.addi %add3A_461, %mul3A_460 : i32
          %add3A_463 = arith.addi %add3A_210, %add3A_462 : i32
          %get3A_464 = arith.index_cast %add3A_463 : i32 to index
          %get3A_465 = arith.constant 0 : index
          %get3A_466 = tpu.vector_load %arg22[%get3A_464, %get3A_465] {strides = array<i32>} : memref<128x64xf32, #tpu.memory_space<vmem>>, vector<16xf32>,
          %mul3A_467 = arith.mulf %get3A_466, %get3A_196 : vector<16xf32>
          %get3A_468 = arith.index_cast %add3A_463 : i32 to index
          %get3A_469 = arith.constant 16 : index
          %get3A_470 = tpu.vector_load %arg22[%get3A_468, %get3A_469] {strides = array<i32>} : memref<128x64xf32, #tpu.memory_space<vmem>>, vector<16xf32>,
          %mul3A_471 = arith.mulf %get3A_470, %get3A_199 : vector<16xf32>
          %add3A_472 = arith.addf %mul3A_467, %mul3A_471 : vector<16xf32>
          %get3A_473 = arith.index_cast %add3A_463 : i32 to index
          %get3A_474 = arith.constant 32 : index
          %get3A_475 = tpu.vector_load %arg22[%get3A_473, %get3A_474] {strides = array<i32>} : memref<128x64xf32, #tpu.memory_space<vmem>>, vector<16xf32>,
          %mul3A_476 = arith.mulf %get3A_475, %get3A_202 : vector<16xf32>
          %add3A_477 = arith.addf %add3A_472, %mul3A_476 : vector<16xf32>
          %get3A_478 = arith.index_cast %add3A_463 : i32 to index
          %get3A_479 = arith.constant 48 : index
          %get3A_480 = tpu.vector_load %arg22[%get3A_478, %get3A_479] {strides = array<i32>} : memref<128x64xf32, #tpu.memory_space<vmem>>, vector<16xf32>,
          %mul3A_481 = arith.mulf %get3A_480, %get3A_205 : vector<16xf32>
          %add3A_482 = arith.addf %add3A_477, %mul3A_481 : vector<16xf32>
          %swap3A_483 = arith.index_cast %add3A_462 : i32 to index
          %swap3A_484 = arith.constant 0 : index
          %swap3A_485 = tpu.vector_load %arg24[%swap3A_483, %swap3A_484] {strides = array<i32>} : memref<16x16xf32, #tpu.memory_space<vmem>>, vector<16xf32>,
          tpu.vector_store %arg24[%swap3A_483, %swap3A_484], %add3A_482 {strides = array<i32>} : memref<16x16xf32, #tpu.memory_space<vmem>>, vector<16xf32>,
        }
        %scan3A_215 = arith.constant 16 : i32
        %broadcast_in_dim3A_216 = arith.constant 0.000000e+00 : f32
        %broadcast_in_dim3A_217 = vector.broadcast %broadcast_in_dim3A_216 : f32 to vector<16xf32>
        %scan3A_218 = arith.constant 0 : i32
        %scan3A_219 = arith.constant 16 : i32
        %scan3A_220 = arith.addi %scan3A_218, %scan3A_219 : i32
        %scan3A_221 = arith.constant 8 : i32
        %scan3A_222 = scf.for %scan3A_255 = %scan3A_218 to %scan3A_220 step %scan3A_221 iter_args(%scan3A_256 = %broadcast_in_dim3A_217) -> (vector<16xf32>)  : i32 {
          %mul3A_257 = arith.constant 1 : i32
          %mul3A_258 = arith.muli %scan3A_255, %mul3A_257 : i32
          %add3A_259 = arith.constant 0 : i32
          %add3A_260 = arith.addi %add3A_259, %mul3A_258 : i32
          %broadcast_in_dim3A_261 = vector.broadcast %add3A_260 : i32 to vector<16xi32>
          %gather3A_262 = tpu.vector_load_idx %arg24[%iota3A, %broadcast_in_dim3A_261] : memref<16x16xf32, #tpu.memory_space<vmem>>[vector<16xi32>, vector<16xi32>], vector<16xf32>,
          %add3A_263 = arith.addf %scan3A_256, %gather3A_262 : vector<16xf32>
          %scan3A_264 = arith.constant 1 : i32
          %scan3A_265 = arith.addi %scan3A_255, %scan3A_264 : i32
          %mul3A_266 = arith.constant 1 : i32
          %mul3A_267 = arith.muli %scan3A_265, %mul3A_266 : i32
          %add3A_268 = arith.constant 0 : i32
          %add3A_269 = arith.addi %add3A_268, %mul3A_267 : i32
          %broadcast_in_dim3A_270 = vector.broadcast %add3A_269 : i32 to vector<16xi32>
          %gather3A_271 = tpu.vector_load_idx %arg24[%iota3A, %broadcast_in_dim3A_270] : memref<16x16xf32, #tpu.memory_space<vmem>>[vector<16xi32>, vector<16xi32>], vector<16xf32>,
          %add3A_272 = arith.addf %add3A_263, %gather3A_271 : vector<16xf32>
          %scan3A_273 = arith.constant 2 : i32
          %scan3A_274 = arith.addi %scan3A_255, %scan3A_273 : i32
          %mul3A_275 = arith.constant 1 : i32
          %mul3A_276 = arith.muli %scan3A_274, %mul3A_275 : i32
          %add3A_277 = arith.constant 0 : i32
          %add3A_278 = arith.addi %add3A_277, %mul3A_276 : i32
          %broadcast_in_dim3A_279 = vector.broadcast %add3A_278 : i32 to vector<16xi32>
          %gather3A_280 = tpu.vector_load_idx %arg24[%iota3A, %broadcast_in_dim3A_279] : memref<16x16xf32, #tpu.memory_space<vmem>>[vector<16xi32>, vector<16xi32>], vector<16xf32>,
          %add3A_281 = arith.addf %add3A_272, %gather3A_280 : vector<16xf32>
          %scan3A_282 = arith.constant 3 : i32
          %scan3A_283 = arith.addi %scan3A_255, %scan3A_282 : i32
          %mul3A_284 = arith.constant 1 : i32
          %mul3A_285 = arith.muli %scan3A_283, %mul3A_284 : i32
          %add3A_286 = arith.constant 0 : i32
          %add3A_287 = arith.addi %add3A_286, %mul3A_285 : i32
          %broadcast_in_dim3A_288 = vector.broadcast %add3A_287 : i32 to vector<16xi32>
          %gather3A_289 = tpu.vector_load_idx %arg24[%iota3A, %broadcast_in_dim3A_288] : memref<16x16xf32, #tpu.memory_space<vmem>>[vector<16xi32>, vector<16xi32>], vector<16xf32>,
          %add3A_290 = arith.addf %add3A_281, %gather3A_289 : vector<16xf32>
          %scan3A_291 = arith.constant 4 : i32
          %scan3A_292 = arith.addi %scan3A_255, %scan3A_291 : i32
          %mul3A_293 = arith.constant 1 : i32
          %mul3A_294 = arith.muli %scan3A_292, %mul3A_293 : i32
          %add3A_295 = arith.constant 0 : i32
          %add3A_296 = arith.addi %add3A_295, %mul3A_294 : i32
          %broadcast_in_dim3A_297 = vector.broadcast %add3A_296 : i32 to vector<16xi32>
          %gather3A_298 = tpu.vector_load_idx %arg24[%iota3A, %broadcast_in_dim3A_297] : memref<16x16xf32, #tpu.memory_space<vmem>>[vector<16xi32>, vector<16xi32>], vector<16xf32>,
          %add3A_299 = arith.addf %add3A_290, %gather3A_298 : vector<16xf32>
          %scan3A_300 = arith.constant 5 : i32
          %scan3A_301 = arith.addi %scan3A_255, %scan3A_300 : i32
          %mul3A_302 = arith.constant 1 : i32
          %mul3A_303 = arith.muli %scan3A_301, %mul3A_302 : i32
          %add3A_304 = arith.constant 0 : i32
          %add3A_305 = arith.addi %add3A_304, %mul3A_303 : i32
          %broadcast_in_dim3A_306 = vector.broadcast %add3A_305 : i32 to vector<16xi32>
          %gather3A_307 = tpu.vector_load_idx %arg24[%iota3A, %broadcast_in_dim3A_306] : memref<16x16xf32, #tpu.memory_space<vmem>>[vector<16xi32>, vector<16xi32>], vector<16xf32>,
          %add3A_308 = arith.addf %add3A_299, %gather3A_307 : vector<16xf32>
          %scan3A_309 = arith.constant 6 : i32
          %scan3A_310 = arith.addi %scan3A_255, %scan3A_309 : i32
          %mul3A_311 = arith.constant 1 : i32
          %mul3A_312 = arith.muli %scan3A_310, %mul3A_311 : i32
          %add3A_313 = arith.constant 0 : i32
          %add3A_314 = arith.addi %add3A_313, %mul3A_312 : i32
          %broadcast_in_dim3A_315 = vector.broadcast %add3A_314 : i32 to vector<16xi32>
          %gather3A_316 = tpu.vector_load_idx %arg24[%iota3A, %broadcast_in_dim3A_315] : memref<16x16xf32, #tpu.memory_space<vmem>>[vector<16xi32>, vector<16xi32>], vector<16xf32>,
          %add3A_317 = arith.addf %add3A_308, %gather3A_316 : vector<16xf32>
          %scan3A_318 = arith.constant 7 : i32
          %scan3A_319 = arith.addi %scan3A_255, %scan3A_318 : i32
          %mul3A_320 = arith.constant 1 : i32
          %mul3A_321 = arith.muli %scan3A_319, %mul3A_320 : i32
          %add3A_322 = arith.constant 0 : i32
          %add3A_323 = arith.addi %add3A_322, %mul3A_321 : i32
          %broadcast_in_dim3A_324 = vector.broadcast %add3A_323 : i32 to vector<16xi32>
          %gather3A_325 = tpu.vector_load_idx %arg24[%iota3A, %broadcast_in_dim3A_324] : memref<16x16xf32, #tpu.memory_space<vmem>>[vector<16xi32>, vector<16xi32>], vector<16xf32>,
          %add3A_326 = arith.addf %add3A_317, %gather3A_325 : vector<16xf32>
          scf.yield %add3A_326 : vector<16xf32>
        }
        %scan3A_223 = arith.constant 16 : i32
        %neg3A = arith.constant 0.000000e+00 : f32
        %neg3A_224 = vector.broadcast %neg3A : f32 to vector<16xf32>
        %neg3A_225 = arith.subf %neg3A_224, %scan3A_222 : vector<16xf32>
        %exp3A = math.exp %neg3A_225 : vector<16xf32>
        %add3A_226 = arith.constant 1.000000e+00 : f32
        %add3A_227 = vector.broadcast %add3A_226 : f32 to vector<16xf32>
        %add3A_228 = arith.addf %add3A_227, %exp3A : vector<16xf32>
        %div3A = arith.constant 1.000000e+00 : f32
        %div3A_229 = vector.broadcast %div3A : f32 to vector<16xf32>
        %div3A_230 = arith.divf %div3A_229, %add3A_228 : vector<16xf32>
        %broadcast_in_dim3A_231 = vector.broadcast %add3A_194 : i32 to vector<16xi32>
        %gather3A = tpu.vector_load_idx %arg13[%broadcast_in_dim3A_231] : memref<128xi32, #tpu.memory_space<vmem>>[vector<16xi32>], vector<16xi32>,
        %mul3A_232 = arith.constant 15 : i32
        %mul3A_233 = arith.muli %mul3A_232, %and3A_191 : i32
        %add3A_234 = vector.broadcast %mul3A_233 : i32 to vector<16xi32>
        %add3A_235 = arith.addi %add3A_234, %iota3A : vector<16xi32>
        %min3A = arith.constant 59 : i32
        %min3A_236 = vector.broadcast %min3A : i32 to vector<16xi32>
        %min3A_237 = arith.minsi %add3A_235, %min3A_236 : vector<16xi32>
        %add3A_238 = arith.addi %gather3A, %min3A_237 : vector<16xi32>
        %gather3A_239 = tpu.vector_load_idx %arg16[%broadcast_in_dim3A_231, %add3A_238] : memref<128x240xi32, #tpu.memory_space<vmem>>[vector<16xi32>, vector<16xi32>], vector<16xi32>,
        %eq3A = arith.constant 15 : i32
        %eq3A_240 = vector.broadcast %eq3A : i32 to vector<16xi32>
        %eq3A_241 = arith.cmpi eq, %iota3A, %eq3A_240 : vector<16xi32>
        %jit3A = arith.constant 0 : i32
        %broadcast_in_dim3A_242 = vector.broadcast %jit3A : i32 to vector<16xi32>
        %select_n3A = arith.select %eq3A_241, %broadcast_in_dim3A_242, %gather3A_239 : vector<16xi1>, vector<16xi32>
        %eq3A_243 = arith.constant 1 : i32
        %eq3A_244 = vector.broadcast %eq3A_243 : i32 to vector<16xi32>
        %eq3A_245 = arith.cmpi eq, %select_n3A, %eq3A_244 : vector<16xi32>
        %sub3A_246 = arith.constant 1.000000e+00 : f32
        %sub3A_247 = vector.broadcast %sub3A_246 : f32 to vector<16xf32>
        %sub3A_248 = arith.subf %sub3A_247, %div3A_230 : vector<16xf32>
        %select_n3A_249 = arith.select %eq3A_245, %div3A_230, %sub3A_248 : vector<16xi1>, vector<16xf32>
        %mul3A_250 = arith.constant 16 : i32
        %mul3A_251 = arith.muli %and3A_191, %mul3A_250 : i32
        %swap3A_252 = arith.index_cast %add3A_194 : i32 to index
        %swap3A_253 = arith.index_cast %mul3A_251 : i32 to index
        %swap3A_254 = tpu.vector_load %arg19[%swap3A_252, %swap3A_253] {strides = array<i32>} : memref<128x64xf32, #tpu.memory_space<vmem>>, vector<16xf32>,
        tpu.vector_store %arg19[%swap3A_252, %swap3A_253], %select_n3A_249 {strides = array<i32>} : memref<128x64xf32, #tpu.memory_space<vmem>>, vector<16xf32>,
      }
      %scan3A_160 = arith.constant 8 : i32
      %add3A_161 = arith.constant 3 : i32
      %add3A_162 = arith.addi %add3A_98, %add3A_161 : i32
      %add3A_163 = arith.constant 4 : i32
      %add3A_164 = arith.addi %add3A_162, %add3A_163 : i32
      %sub3A_165 = arith.constant 1 : i32
      %sub3A_166 = arith.subi %add3A_164, %sub3A_165 : i32
      %lt3A_167 = arith.constant 64 : i32
      %lt3A_168 = arith.cmpi slt, %sub3A_166, %lt3A_167 : i32
      %convert_element_type3A_169 = arith.extui %lt3A_168 : i1 to i32
      %cond3A_170 = arith.constant 0 : i32
      %cond3A_171 = arith.cmpi ne, %convert_element_type3A_169, %cond3A_170 : i32
      scf.if %cond3A_171 {
        %add3A_183 = arith.constant 4 : i32
        %add3A_184 = arith.addi %add3A_162, %add3A_183 : i32
        %sub3A_185 = arith.constant 1 : i32
        %sub3A_186 = arith.subi %add3A_184, %sub3A_185 : i32
        %dma_start3A_187 = arith.constant 0 : i32
        %dma_start3A_188 = tpu.memref_slice %arg15[%sub3A_186, %dma_start3A_187] : memref<64x128xi32, #tpu.memory_space<vmem>> -> memref<1x128xi32, #tpu.memory_space<vmem>>
        %dma_start3A_189 = tpu.memref_squeeze %dma_start3A_188 : memref<1x128xi32, #tpu.memory_space<vmem>> -> memref<128xi32, #tpu.memory_space<vmem>>
        %dma_start3A_190 = arith.constant 0 : i32
        %dma_start3A_191 = arith.constant 0 : i32
        %dma_start3A_192 = tpu.memref_slice %arg8[%dma_start3A_190, %dma_start3A_191] : memref<65535x64xf32, #tpu.memory_space<hbm>> -> memref<65535x64xf32, #tpu.memory_space<hbm>>
        tpu.enqueue_indirect_dma source(%dma_start3A_192 : memref<65535x64xf32, #tpu.memory_space<hbm>>) target(%arg22 : memref<128x64xf32, #tpu.memory_space<vmem>>) offsets(%dma_start3A_189 : memref<128xi32, #tpu.memory_space<vmem>>) semaphore(%arg28 : memref<!tpu.dma_semaphore, #tpu.memory_space<semaphore_mem>>)
      } else {
      }
      %dma_wait3A_172 = arith.constant 0 : i32
      %dma_wait3A_173 = tpu.memref_slice %arg15[%add3A_162, %dma_wait3A_172] : memref<64x128xi32, #tpu.memory_space<vmem>> -> memref<1x128xi32, #tpu.memory_space<vmem>>
      %dma_wait3A_174 = tpu.memref_squeeze %dma_wait3A_173 : memref<1x128xi32, #tpu.memory_space<vmem>> -> memref<128xi32, #tpu.memory_space<vmem>>
      %dma_wait3A_175 = arith.constant 0 : i32
      %dma_wait3A_176 = arith.constant 0 : i32
      %dma_wait3A_177 = tpu.memref_slice %arg8[%dma_wait3A_175, %dma_wait3A_176] : memref<65535x64xf32, #tpu.memory_space<hbm>> -> memref<65535x64xf32, #tpu.memory_space<hbm>>
      tpu.wait_indirect_dma semaphore(%arg29 : memref<!tpu.dma_semaphore, #tpu.memory_space<semaphore_mem>>) src(%dma_wait3A_177 : memref<65535x64xf32, #tpu.memory_space<hbm>>) dst(%arg23 : memref<128x64xf32, #tpu.memory_space<vmem>>)
      %scan3A_178 = arith.constant 0 : i32
      %scan3A_179 = arith.constant 8 : i32
      %scan3A_180 = arith.addi %scan3A_178, %scan3A_179 : i32
      %scan3A_181 = arith.constant 1 : i32
      scf.for %scan3A_183 = %scan3A_178 to %scan3A_180 step %scan3A_181  : i32 {
        %mul3A_184 = arith.constant 1 : i32
        %mul3A_185 = arith.muli %scan3A_183, %mul3A_184 : i32
        %add3A_186 = arith.constant 0 : i32
        %add3A_187 = arith.addi %add3A_186, %mul3A_185 : i32
        %shift_right_logical3A_188 = arith.constant 2 : i32
        %shift_right_logical3A_189 = arith.shrui %add3A_187, %shift_right_logical3A_188 : i32
        %and3A_190 = arith.constant 3 : i32
        %and3A_191 = arith.andi %add3A_187, %and3A_190 : i32
        %mul3A_192 = arith.constant 2 : i32
        %mul3A_193 = arith.muli %add3A_162, %mul3A_192 : i32
        %add3A_194 = arith.addi %mul3A_193, %shift_right_logical3A_189 : i32
        %get3A = arith.index_cast %add3A_194 : i32 to index
        %get3A_195 = arith.constant 0 : index
        %get3A_196 = tpu.vector_load %arg18[%get3A, %get3A_195] {strides = array<i32>} : memref<128x64xf32, #tpu.memory_space<vmem>>, vector<16xf32>,
        %get3A_197 = arith.index_cast %add3A_194 : i32 to index
        %get3A_198 = arith.constant 16 : index
        %get3A_199 = tpu.vector_load %arg18[%get3A_197, %get3A_198] {strides = array<i32>} : memref<128x64xf32, #tpu.memory_space<vmem>>, vector<16xf32>,
        %get3A_200 = arith.index_cast %add3A_194 : i32 to index
        %get3A_201 = arith.constant 32 : index
        %get3A_202 = tpu.vector_load %arg18[%get3A_200, %get3A_201] {strides = array<i32>} : memref<128x64xf32, #tpu.memory_space<vmem>>, vector<16xf32>,
        %get3A_203 = arith.index_cast %add3A_194 : i32 to index
        %get3A_204 = arith.constant 48 : index
        %get3A_205 = tpu.vector_load %arg18[%get3A_203, %get3A_204] {strides = array<i32>} : memref<128x64xf32, #tpu.memory_space<vmem>>, vector<16xf32>,
        %mul3A_206 = arith.constant 64 : i32
        %mul3A_207 = arith.muli %shift_right_logical3A_189, %mul3A_206 : i32
        %mul3A_208 = arith.constant 16 : i32
        %mul3A_209 = arith.muli %and3A_191, %mul3A_208 : i32
        %add3A_210 = arith.addi %mul3A_207, %mul3A_209 : i32
        %scan3A_211 = arith.constant 0 : i32
        %scan3A_212 = arith.constant 16 : i32
        %scan3A_213 = arith.addi %scan3A_211, %scan3A_212 : i32
        %scan3A_214 = arith.constant 8 : i32
        scf.for %scan3A_255 = %scan3A_211 to %scan3A_213 step %scan3A_214  : i32 {
          %mul3A_256 = arith.constant 1 : i32
          %mul3A_257 = arith.muli %scan3A_255, %mul3A_256 : i32
          %add3A_258 = arith.constant 0 : i32
          %add3A_259 = arith.addi %add3A_258, %mul3A_257 : i32
          %add3A_260 = arith.addi %add3A_210, %add3A_259 : i32
          %get3A_261 = arith.index_cast %add3A_260 : i32 to index
          %get3A_262 = arith.constant 0 : index
          %get3A_263 = tpu.vector_load %arg23[%get3A_261, %get3A_262] {strides = array<i32>} : memref<128x64xf32, #tpu.memory_space<vmem>>, vector<16xf32>,
          %mul3A_264 = arith.mulf %get3A_263, %get3A_196 : vector<16xf32>
          %get3A_265 = arith.index_cast %add3A_260 : i32 to index
          %get3A_266 = arith.constant 16 : index
          %get3A_267 = tpu.vector_load %arg23[%get3A_265, %get3A_266] {strides = array<i32>} : memref<128x64xf32, #tpu.memory_space<vmem>>, vector<16xf32>,
          %mul3A_268 = arith.mulf %get3A_267, %get3A_199 : vector<16xf32>
          %add3A_269 = arith.addf %mul3A_264, %mul3A_268 : vector<16xf32>
          %get3A_270 = arith.index_cast %add3A_260 : i32 to index
          %get3A_271 = arith.constant 32 : index
          %get3A_272 = tpu.vector_load %arg23[%get3A_270, %get3A_271] {strides = array<i32>} : memref<128x64xf32, #tpu.memory_space<vmem>>, vector<16xf32>,
          %mul3A_273 = arith.mulf %get3A_272, %get3A_202 : vector<16xf32>
          %add3A_274 = arith.addf %add3A_269, %mul3A_273 : vector<16xf32>
          %get3A_275 = arith.index_cast %add3A_260 : i32 to index
          %get3A_276 = arith.constant 48 : index
          %get3A_277 = tpu.vector_load %arg23[%get3A_275, %get3A_276] {strides = array<i32>} : memref<128x64xf32, #tpu.memory_space<vmem>>, vector<16xf32>,
          %mul3A_278 = arith.mulf %get3A_277, %get3A_205 : vector<16xf32>
          %add3A_279 = arith.addf %add3A_274, %mul3A_278 : vector<16xf32>
          %swap3A_280 = arith.index_cast %add3A_259 : i32 to index
          %swap3A_281 = arith.constant 0 : index
          %swap3A_282 = tpu.vector_load %arg24[%swap3A_280, %swap3A_281] {strides = array<i32>} : memref<16x16xf32, #tpu.memory_space<vmem>>, vector<16xf32>,
          tpu.vector_store %arg24[%swap3A_280, %swap3A_281], %add3A_279 {strides = array<i32>} : memref<16x16xf32, #tpu.memory_space<vmem>>, vector<16xf32>,
          %scan3A_283 = arith.constant 1 : i32
          %scan3A_284 = arith.addi %scan3A_255, %scan3A_283 : i32
          %mul3A_285 = arith.constant 1 : i32
          %mul3A_286 = arith.muli %scan3A_284, %mul3A_285 : i32
          %add3A_287 = arith.constant 0 : i32
          %add3A_288 = arith.addi %add3A_287, %mul3A_286 : i32
          %add3A_289 = arith.addi %add3A_210, %add3A_288 : i32
          %get3A_290 = arith.index_cast %add3A_289 : i32 to index
          %get3A_291 = arith.constant 0 : index
          %get3A_292 = tpu.vector_load %arg23[%get3A_290, %get3A_291] {strides = array<i32>} : memref<128x64xf32, #tpu.memory_space<vmem>>, vector<16xf32>,
          %mul3A_293 = arith.mulf %get3A_292, %get3A_196 : vector<16xf32>
          %get3A_294 = arith.index_cast %add3A_289 : i32 to index
          %get3A_295 = arith.constant 16 : index
          %get3A_296 = tpu.vector_load %arg23[%get3A_294, %get3A_295] {strides = array<i32>} : memref<128x64xf32, #tpu.memory_space<vmem>>, vector<16xf32>,
          %mul3A_297 = arith.mulf %get3A_296, %get3A_199 : vector<16xf32>
          %add3A_298 = arith.addf %mul3A_293, %mul3A_297 : vector<16xf32>
          %get3A_299 = arith.index_cast %add3A_289 : i32 to index
          %get3A_300 = arith.constant 32 : index
          %get3A_301 = tpu.vector_load %arg23[%get3A_299, %get3A_300] {strides = array<i32>} : memref<128x64xf32, #tpu.memory_space<vmem>>, vector<16xf32>,
          %mul3A_302 = arith.mulf %get3A_301, %get3A_202 : vector<16xf32>
          %add3A_303 = arith.addf %add3A_298, %mul3A_302 : vector<16xf32>
          %get3A_304 = arith.index_cast %add3A_289 : i32 to index
          %get3A_305 = arith.constant 48 : index
          %get3A_306 = tpu.vector_load %arg23[%get3A_304, %get3A_305] {strides = array<i32>} : memref<128x64xf32, #tpu.memory_space<vmem>>, vector<16xf32>,
          %mul3A_307 = arith.mulf %get3A_306, %get3A_205 : vector<16xf32>
          %add3A_308 = arith.addf %add3A_303, %mul3A_307 : vector<16xf32>
          %swap3A_309 = arith.index_cast %add3A_288 : i32 to index
          %swap3A_310 = arith.constant 0 : index
          %swap3A_311 = tpu.vector_load %arg24[%swap3A_309, %swap3A_310] {strides = array<i32>} : memref<16x16xf32, #tpu.memory_space<vmem>>, vector<16xf32>,
          tpu.vector_store %arg24[%swap3A_309, %swap3A_310], %add3A_308 {strides = array<i32>} : memref<16x16xf32, #tpu.memory_space<vmem>>, vector<16xf32>,
          %scan3A_312 = arith.constant 2 : i32
          %scan3A_313 = arith.addi %scan3A_255, %scan3A_312 : i32
          %mul3A_314 = arith.constant 1 : i32
          %mul3A_315 = arith.muli %scan3A_313, %mul3A_314 : i32
          %add3A_316 = arith.constant 0 : i32
          %add3A_317 = arith.addi %add3A_316, %mul3A_315 : i32
          %add3A_318 = arith.addi %add3A_210, %add3A_317 : i32
          %get3A_319 = arith.index_cast %add3A_318 : i32 to index
          %get3A_320 = arith.constant 0 : index
          %get3A_321 = tpu.vector_load %arg23[%get3A_319, %get3A_320] {strides = array<i32>} : memref<128x64xf32, #tpu.memory_space<vmem>>, vector<16xf32>,
          %mul3A_322 = arith.mulf %get3A_321, %get3A_196 : vector<16xf32>
          %get3A_323 = arith.index_cast %add3A_318 : i32 to index
          %get3A_324 = arith.constant 16 : index
          %get3A_325 = tpu.vector_load %arg23[%get3A_323, %get3A_324] {strides = array<i32>} : memref<128x64xf32, #tpu.memory_space<vmem>>, vector<16xf32>,
          %mul3A_326 = arith.mulf %get3A_325, %get3A_199 : vector<16xf32>
          %add3A_327 = arith.addf %mul3A_322, %mul3A_326 : vector<16xf32>
          %get3A_328 = arith.index_cast %add3A_318 : i32 to index
          %get3A_329 = arith.constant 32 : index
          %get3A_330 = tpu.vector_load %arg23[%get3A_328, %get3A_329] {strides = array<i32>} : memref<128x64xf32, #tpu.memory_space<vmem>>, vector<16xf32>,
          %mul3A_331 = arith.mulf %get3A_330, %get3A_202 : vector<16xf32>
          %add3A_332 = arith.addf %add3A_327, %mul3A_331 : vector<16xf32>
          %get3A_333 = arith.index_cast %add3A_318 : i32 to index
          %get3A_334 = arith.constant 48 : index
          %get3A_335 = tpu.vector_load %arg23[%get3A_333, %get3A_334] {strides = array<i32>} : memref<128x64xf32, #tpu.memory_space<vmem>>, vector<16xf32>,
          %mul3A_336 = arith.mulf %get3A_335, %get3A_205 : vector<16xf32>
          %add3A_337 = arith.addf %add3A_332, %mul3A_336 : vector<16xf32>
          %swap3A_338 = arith.index_cast %add3A_317 : i32 to index
          %swap3A_339 = arith.constant 0 : index
          %swap3A_340 = tpu.vector_load %arg24[%swap3A_338, %swap3A_339] {strides = array<i32>} : memref<16x16xf32, #tpu.memory_space<vmem>>, vector<16xf32>,
          tpu.vector_store %arg24[%swap3A_338, %swap3A_339], %add3A_337 {strides = array<i32>} : memref<16x16xf32, #tpu.memory_space<vmem>>, vector<16xf32>,
          %scan3A_341 = arith.constant 3 : i32
          %scan3A_342 = arith.addi %scan3A_255, %scan3A_341 : i32
          %mul3A_343 = arith.constant 1 : i32
          %mul3A_344 = arith.muli %scan3A_342, %mul3A_343 : i32
          %add3A_345 = arith.constant 0 : i32
          %add3A_346 = arith.addi %add3A_345, %mul3A_344 : i32
          %add3A_347 = arith.addi %add3A_210, %add3A_346 : i32
          %get3A_348 = arith.index_cast %add3A_347 : i32 to index
          %get3A_349 = arith.constant 0 : index
          %get3A_350 = tpu.vector_load %arg23[%get3A_348, %get3A_349] {strides = array<i32>} : memref<128x64xf32, #tpu.memory_space<vmem>>, vector<16xf32>,
          %mul3A_351 = arith.mulf %get3A_350, %get3A_196 : vector<16xf32>
          %get3A_352 = arith.index_cast %add3A_347 : i32 to index
          %get3A_353 = arith.constant 16 : index
          %get3A_354 = tpu.vector_load %arg23[%get3A_352, %get3A_353] {strides = array<i32>} : memref<128x64xf32, #tpu.memory_space<vmem>>, vector<16xf32>,
          %mul3A_355 = arith.mulf %get3A_354, %get3A_199 : vector<16xf32>
          %add3A_356 = arith.addf %mul3A_351, %mul3A_355 : vector<16xf32>
          %get3A_357 = arith.index_cast %add3A_347 : i32 to index
          %get3A_358 = arith.constant 32 : index
          %get3A_359 = tpu.vector_load %arg23[%get3A_357, %get3A_358] {strides = array<i32>} : memref<128x64xf32, #tpu.memory_space<vmem>>, vector<16xf32>,
          %mul3A_360 = arith.mulf %get3A_359, %get3A_202 : vector<16xf32>
          %add3A_361 = arith.addf %add3A_356, %mul3A_360 : vector<16xf32>
          %get3A_362 = arith.index_cast %add3A_347 : i32 to index
          %get3A_363 = arith.constant 48 : index
          %get3A_364 = tpu.vector_load %arg23[%get3A_362, %get3A_363] {strides = array<i32>} : memref<128x64xf32, #tpu.memory_space<vmem>>, vector<16xf32>,
          %mul3A_365 = arith.mulf %get3A_364, %get3A_205 : vector<16xf32>
          %add3A_366 = arith.addf %add3A_361, %mul3A_365 : vector<16xf32>
          %swap3A_367 = arith.index_cast %add3A_346 : i32 to index
          %swap3A_368 = arith.constant 0 : index
          %swap3A_369 = tpu.vector_load %arg24[%swap3A_367, %swap3A_368] {strides = array<i32>} : memref<16x16xf32, #tpu.memory_space<vmem>>, vector<16xf32>,
          tpu.vector_store %arg24[%swap3A_367, %swap3A_368], %add3A_366 {strides = array<i32>} : memref<16x16xf32, #tpu.memory_space<vmem>>, vector<16xf32>,
          %scan3A_370 = arith.constant 4 : i32
          %scan3A_371 = arith.addi %scan3A_255, %scan3A_370 : i32
          %mul3A_372 = arith.constant 1 : i32
          %mul3A_373 = arith.muli %scan3A_371, %mul3A_372 : i32
          %add3A_374 = arith.constant 0 : i32
          %add3A_375 = arith.addi %add3A_374, %mul3A_373 : i32
          %add3A_376 = arith.addi %add3A_210, %add3A_375 : i32
          %get3A_377 = arith.index_cast %add3A_376 : i32 to index
          %get3A_378 = arith.constant 0 : index
          %get3A_379 = tpu.vector_load %arg23[%get3A_377, %get3A_378] {strides = array<i32>} : memref<128x64xf32, #tpu.memory_space<vmem>>, vector<16xf32>,
          %mul3A_380 = arith.mulf %get3A_379, %get3A_196 : vector<16xf32>
          %get3A_381 = arith.index_cast %add3A_376 : i32 to index
          %get3A_382 = arith.constant 16 : index
          %get3A_383 = tpu.vector_load %arg23[%get3A_381, %get3A_382] {strides = array<i32>} : memref<128x64xf32, #tpu.memory_space<vmem>>, vector<16xf32>,
          %mul3A_384 = arith.mulf %get3A_383, %get3A_199 : vector<16xf32>
          %add3A_385 = arith.addf %mul3A_380, %mul3A_384 : vector<16xf32>
          %get3A_386 = arith.index_cast %add3A_376 : i32 to index
          %get3A_387 = arith.constant 32 : index
          %get3A_388 = tpu.vector_load %arg23[%get3A_386, %get3A_387] {strides = array<i32>} : memref<128x64xf32, #tpu.memory_space<vmem>>, vector<16xf32>,
          %mul3A_389 = arith.mulf %get3A_388, %get3A_202 : vector<16xf32>
          %add3A_390 = arith.addf %add3A_385, %mul3A_389 : vector<16xf32>
          %get3A_391 = arith.index_cast %add3A_376 : i32 to index
          %get3A_392 = arith.constant 48 : index
          %get3A_393 = tpu.vector_load %arg23[%get3A_391, %get3A_392] {strides = array<i32>} : memref<128x64xf32, #tpu.memory_space<vmem>>, vector<16xf32>,
          %mul3A_394 = arith.mulf %get3A_393, %get3A_205 : vector<16xf32>
          %add3A_395 = arith.addf %add3A_390, %mul3A_394 : vector<16xf32>
          %swap3A_396 = arith.index_cast %add3A_375 : i32 to index
          %swap3A_397 = arith.constant 0 : index
          %swap3A_398 = tpu.vector_load %arg24[%swap3A_396, %swap3A_397] {strides = array<i32>} : memref<16x16xf32, #tpu.memory_space<vmem>>, vector<16xf32>,
          tpu.vector_store %arg24[%swap3A_396, %swap3A_397], %add3A_395 {strides = array<i32>} : memref<16x16xf32, #tpu.memory_space<vmem>>, vector<16xf32>,
          %scan3A_399 = arith.constant 5 : i32
          %scan3A_400 = arith.addi %scan3A_255, %scan3A_399 : i32
          %mul3A_401 = arith.constant 1 : i32
          %mul3A_402 = arith.muli %scan3A_400, %mul3A_401 : i32
          %add3A_403 = arith.constant 0 : i32
          %add3A_404 = arith.addi %add3A_403, %mul3A_402 : i32
          %add3A_405 = arith.addi %add3A_210, %add3A_404 : i32
          %get3A_406 = arith.index_cast %add3A_405 : i32 to index
          %get3A_407 = arith.constant 0 : index
          %get3A_408 = tpu.vector_load %arg23[%get3A_406, %get3A_407] {strides = array<i32>} : memref<128x64xf32, #tpu.memory_space<vmem>>, vector<16xf32>,
          %mul3A_409 = arith.mulf %get3A_408, %get3A_196 : vector<16xf32>
          %get3A_410 = arith.index_cast %add3A_405 : i32 to index
          %get3A_411 = arith.constant 16 : index
          %get3A_412 = tpu.vector_load %arg23[%get3A_410, %get3A_411] {strides = array<i32>} : memref<128x64xf32, #tpu.memory_space<vmem>>, vector<16xf32>,
          %mul3A_413 = arith.mulf %get3A_412, %get3A_199 : vector<16xf32>
          %add3A_414 = arith.addf %mul3A_409, %mul3A_413 : vector<16xf32>
          %get3A_415 = arith.index_cast %add3A_405 : i32 to index
          %get3A_416 = arith.constant 32 : index
          %get3A_417 = tpu.vector_load %arg23[%get3A_415, %get3A_416] {strides = array<i32>} : memref<128x64xf32, #tpu.memory_space<vmem>>, vector<16xf32>,
          %mul3A_418 = arith.mulf %get3A_417, %get3A_202 : vector<16xf32>
          %add3A_419 = arith.addf %add3A_414, %mul3A_418 : vector<16xf32>
          %get3A_420 = arith.index_cast %add3A_405 : i32 to index
          %get3A_421 = arith.constant 48 : index
          %get3A_422 = tpu.vector_load %arg23[%get3A_420, %get3A_421] {strides = array<i32>} : memref<128x64xf32, #tpu.memory_space<vmem>>, vector<16xf32>,
          %mul3A_423 = arith.mulf %get3A_422, %get3A_205 : vector<16xf32>
          %add3A_424 = arith.addf %add3A_419, %mul3A_423 : vector<16xf32>
          %swap3A_425 = arith.index_cast %add3A_404 : i32 to index
          %swap3A_426 = arith.constant 0 : index
          %swap3A_427 = tpu.vector_load %arg24[%swap3A_425, %swap3A_426] {strides = array<i32>} : memref<16x16xf32, #tpu.memory_space<vmem>>, vector<16xf32>,
          tpu.vector_store %arg24[%swap3A_425, %swap3A_426], %add3A_424 {strides = array<i32>} : memref<16x16xf32, #tpu.memory_space<vmem>>, vector<16xf32>,
          %scan3A_428 = arith.constant 6 : i32
          %scan3A_429 = arith.addi %scan3A_255, %scan3A_428 : i32
          %mul3A_430 = arith.constant 1 : i32
          %mul3A_431 = arith.muli %scan3A_429, %mul3A_430 : i32
          %add3A_432 = arith.constant 0 : i32
          %add3A_433 = arith.addi %add3A_432, %mul3A_431 : i32
          %add3A_434 = arith.addi %add3A_210, %add3A_433 : i32
          %get3A_435 = arith.index_cast %add3A_434 : i32 to index
          %get3A_436 = arith.constant 0 : index
          %get3A_437 = tpu.vector_load %arg23[%get3A_435, %get3A_436] {strides = array<i32>} : memref<128x64xf32, #tpu.memory_space<vmem>>, vector<16xf32>,
          %mul3A_438 = arith.mulf %get3A_437, %get3A_196 : vector<16xf32>
          %get3A_439 = arith.index_cast %add3A_434 : i32 to index
          %get3A_440 = arith.constant 16 : index
          %get3A_441 = tpu.vector_load %arg23[%get3A_439, %get3A_440] {strides = array<i32>} : memref<128x64xf32, #tpu.memory_space<vmem>>, vector<16xf32>,
          %mul3A_442 = arith.mulf %get3A_441, %get3A_199 : vector<16xf32>
          %add3A_443 = arith.addf %mul3A_438, %mul3A_442 : vector<16xf32>
          %get3A_444 = arith.index_cast %add3A_434 : i32 to index
          %get3A_445 = arith.constant 32 : index
          %get3A_446 = tpu.vector_load %arg23[%get3A_444, %get3A_445] {strides = array<i32>} : memref<128x64xf32, #tpu.memory_space<vmem>>, vector<16xf32>,
          %mul3A_447 = arith.mulf %get3A_446, %get3A_202 : vector<16xf32>
          %add3A_448 = arith.addf %add3A_443, %mul3A_447 : vector<16xf32>
          %get3A_449 = arith.index_cast %add3A_434 : i32 to index
          %get3A_450 = arith.constant 48 : index
          %get3A_451 = tpu.vector_load %arg23[%get3A_449, %get3A_450] {strides = array<i32>} : memref<128x64xf32, #tpu.memory_space<vmem>>, vector<16xf32>,
          %mul3A_452 = arith.mulf %get3A_451, %get3A_205 : vector<16xf32>
          %add3A_453 = arith.addf %add3A_448, %mul3A_452 : vector<16xf32>
          %swap3A_454 = arith.index_cast %add3A_433 : i32 to index
          %swap3A_455 = arith.constant 0 : index
          %swap3A_456 = tpu.vector_load %arg24[%swap3A_454, %swap3A_455] {strides = array<i32>} : memref<16x16xf32, #tpu.memory_space<vmem>>, vector<16xf32>,
          tpu.vector_store %arg24[%swap3A_454, %swap3A_455], %add3A_453 {strides = array<i32>} : memref<16x16xf32, #tpu.memory_space<vmem>>, vector<16xf32>,
          %scan3A_457 = arith.constant 7 : i32
          %scan3A_458 = arith.addi %scan3A_255, %scan3A_457 : i32
          %mul3A_459 = arith.constant 1 : i32
          %mul3A_460 = arith.muli %scan3A_458, %mul3A_459 : i32
          %add3A_461 = arith.constant 0 : i32
          %add3A_462 = arith.addi %add3A_461, %mul3A_460 : i32
          %add3A_463 = arith.addi %add3A_210, %add3A_462 : i32
          %get3A_464 = arith.index_cast %add3A_463 : i32 to index
          %get3A_465 = arith.constant 0 : index
          %get3A_466 = tpu.vector_load %arg23[%get3A_464, %get3A_465] {strides = array<i32>} : memref<128x64xf32, #tpu.memory_space<vmem>>, vector<16xf32>,
          %mul3A_467 = arith.mulf %get3A_466, %get3A_196 : vector<16xf32>
          %get3A_468 = arith.index_cast %add3A_463 : i32 to index
          %get3A_469 = arith.constant 16 : index
          %get3A_470 = tpu.vector_load %arg23[%get3A_468, %get3A_469] {strides = array<i32>} : memref<128x64xf32, #tpu.memory_space<vmem>>, vector<16xf32>,
          %mul3A_471 = arith.mulf %get3A_470, %get3A_199 : vector<16xf32>
          %add3A_472 = arith.addf %mul3A_467, %mul3A_471 : vector<16xf32>
          %get3A_473 = arith.index_cast %add3A_463 : i32 to index
          %get3A_474 = arith.constant 32 : index
          %get3A_475 = tpu.vector_load %arg23[%get3A_473, %get3A_474] {strides = array<i32>} : memref<128x64xf32, #tpu.memory_space<vmem>>, vector<16xf32>,
          %mul3A_476 = arith.mulf %get3A_475, %get3A_202 : vector<16xf32>
          %add3A_477 = arith.addf %add3A_472, %mul3A_476 : vector<16xf32>
          %get3A_478 = arith.index_cast %add3A_463 : i32 to index
          %get3A_479 = arith.constant 48 : index
          %get3A_480 = tpu.vector_load %arg23[%get3A_478, %get3A_479] {strides = array<i32>} : memref<128x64xf32, #tpu.memory_space<vmem>>, vector<16xf32>,
          %mul3A_481 = arith.mulf %get3A_480, %get3A_205 : vector<16xf32>
          %add3A_482 = arith.addf %add3A_477, %mul3A_481 : vector<16xf32>
          %swap3A_483 = arith.index_cast %add3A_462 : i32 to index
          %swap3A_484 = arith.constant 0 : index
          %swap3A_485 = tpu.vector_load %arg24[%swap3A_483, %swap3A_484] {strides = array<i32>} : memref<16x16xf32, #tpu.memory_space<vmem>>, vector<16xf32>,
          tpu.vector_store %arg24[%swap3A_483, %swap3A_484], %add3A_482 {strides = array<i32>} : memref<16x16xf32, #tpu.memory_space<vmem>>, vector<16xf32>,
        }
        %scan3A_215 = arith.constant 16 : i32
        %broadcast_in_dim3A_216 = arith.constant 0.000000e+00 : f32
        %broadcast_in_dim3A_217 = vector.broadcast %broadcast_in_dim3A_216 : f32 to vector<16xf32>
        %scan3A_218 = arith.constant 0 : i32
        %scan3A_219 = arith.constant 16 : i32
        %scan3A_220 = arith.addi %scan3A_218, %scan3A_219 : i32
        %scan3A_221 = arith.constant 8 : i32
        %scan3A_222 = scf.for %scan3A_255 = %scan3A_218 to %scan3A_220 step %scan3A_221 iter_args(%scan3A_256 = %broadcast_in_dim3A_217) -> (vector<16xf32>)  : i32 {
          %mul3A_257 = arith.constant 1 : i32
          %mul3A_258 = arith.muli %scan3A_255, %mul3A_257 : i32
          %add3A_259 = arith.constant 0 : i32
          %add3A_260 = arith.addi %add3A_259, %mul3A_258 : i32
          %broadcast_in_dim3A_261 = vector.broadcast %add3A_260 : i32 to vector<16xi32>
          %gather3A_262 = tpu.vector_load_idx %arg24[%iota3A, %broadcast_in_dim3A_261] : memref<16x16xf32, #tpu.memory_space<vmem>>[vector<16xi32>, vector<16xi32>], vector<16xf32>,
          %add3A_263 = arith.addf %scan3A_256, %gather3A_262 : vector<16xf32>
          %scan3A_264 = arith.constant 1 : i32
          %scan3A_265 = arith.addi %scan3A_255, %scan3A_264 : i32
          %mul3A_266 = arith.constant 1 : i32
          %mul3A_267 = arith.muli %scan3A_265, %mul3A_266 : i32
          %add3A_268 = arith.constant 0 : i32
          %add3A_269 = arith.addi %add3A_268, %mul3A_267 : i32
          %broadcast_in_dim3A_270 = vector.broadcast %add3A_269 : i32 to vector<16xi32>
          %gather3A_271 = tpu.vector_load_idx %arg24[%iota3A, %broadcast_in_dim3A_270] : memref<16x16xf32, #tpu.memory_space<vmem>>[vector<16xi32>, vector<16xi32>], vector<16xf32>,
          %add3A_272 = arith.addf %add3A_263, %gather3A_271 : vector<16xf32>
          %scan3A_273 = arith.constant 2 : i32
          %scan3A_274 = arith.addi %scan3A_255, %scan3A_273 : i32
          %mul3A_275 = arith.constant 1 : i32
          %mul3A_276 = arith.muli %scan3A_274, %mul3A_275 : i32
          %add3A_277 = arith.constant 0 : i32
          %add3A_278 = arith.addi %add3A_277, %mul3A_276 : i32
          %broadcast_in_dim3A_279 = vector.broadcast %add3A_278 : i32 to vector<16xi32>
          %gather3A_280 = tpu.vector_load_idx %arg24[%iota3A, %broadcast_in_dim3A_279] : memref<16x16xf32, #tpu.memory_space<vmem>>[vector<16xi32>, vector<16xi32>], vector<16xf32>,
          %add3A_281 = arith.addf %add3A_272, %gather3A_280 : vector<16xf32>
          %scan3A_282 = arith.constant 3 : i32
          %scan3A_283 = arith.addi %scan3A_255, %scan3A_282 : i32
          %mul3A_284 = arith.constant 1 : i32
          %mul3A_285 = arith.muli %scan3A_283, %mul3A_284 : i32
          %add3A_286 = arith.constant 0 : i32
          %add3A_287 = arith.addi %add3A_286, %mul3A_285 : i32
          %broadcast_in_dim3A_288 = vector.broadcast %add3A_287 : i32 to vector<16xi32>
          %gather3A_289 = tpu.vector_load_idx %arg24[%iota3A, %broadcast_in_dim3A_288] : memref<16x16xf32, #tpu.memory_space<vmem>>[vector<16xi32>, vector<16xi32>], vector<16xf32>,
          %add3A_290 = arith.addf %add3A_281, %gather3A_289 : vector<16xf32>
          %scan3A_291 = arith.constant 4 : i32
          %scan3A_292 = arith.addi %scan3A_255, %scan3A_291 : i32
          %mul3A_293 = arith.constant 1 : i32
          %mul3A_294 = arith.muli %scan3A_292, %mul3A_293 : i32
          %add3A_295 = arith.constant 0 : i32
          %add3A_296 = arith.addi %add3A_295, %mul3A_294 : i32
          %broadcast_in_dim3A_297 = vector.broadcast %add3A_296 : i32 to vector<16xi32>
          %gather3A_298 = tpu.vector_load_idx %arg24[%iota3A, %broadcast_in_dim3A_297] : memref<16x16xf32, #tpu.memory_space<vmem>>[vector<16xi32>, vector<16xi32>], vector<16xf32>,
          %add3A_299 = arith.addf %add3A_290, %gather3A_298 : vector<16xf32>
          %scan3A_300 = arith.constant 5 : i32
          %scan3A_301 = arith.addi %scan3A_255, %scan3A_300 : i32
          %mul3A_302 = arith.constant 1 : i32
          %mul3A_303 = arith.muli %scan3A_301, %mul3A_302 : i32
          %add3A_304 = arith.constant 0 : i32
          %add3A_305 = arith.addi %add3A_304, %mul3A_303 : i32
          %broadcast_in_dim3A_306 = vector.broadcast %add3A_305 : i32 to vector<16xi32>
          %gather3A_307 = tpu.vector_load_idx %arg24[%iota3A, %broadcast_in_dim3A_306] : memref<16x16xf32, #tpu.memory_space<vmem>>[vector<16xi32>, vector<16xi32>], vector<16xf32>,
          %add3A_308 = arith.addf %add3A_299, %gather3A_307 : vector<16xf32>
          %scan3A_309 = arith.constant 6 : i32
          %scan3A_310 = arith.addi %scan3A_255, %scan3A_309 : i32
          %mul3A_311 = arith.constant 1 : i32
          %mul3A_312 = arith.muli %scan3A_310, %mul3A_311 : i32
          %add3A_313 = arith.constant 0 : i32
          %add3A_314 = arith.addi %add3A_313, %mul3A_312 : i32
          %broadcast_in_dim3A_315 = vector.broadcast %add3A_314 : i32 to vector<16xi32>
          %gather3A_316 = tpu.vector_load_idx %arg24[%iota3A, %broadcast_in_dim3A_315] : memref<16x16xf32, #tpu.memory_space<vmem>>[vector<16xi32>, vector<16xi32>], vector<16xf32>,
          %add3A_317 = arith.addf %add3A_308, %gather3A_316 : vector<16xf32>
          %scan3A_318 = arith.constant 7 : i32
          %scan3A_319 = arith.addi %scan3A_255, %scan3A_318 : i32
          %mul3A_320 = arith.constant 1 : i32
          %mul3A_321 = arith.muli %scan3A_319, %mul3A_320 : i32
          %add3A_322 = arith.constant 0 : i32
          %add3A_323 = arith.addi %add3A_322, %mul3A_321 : i32
          %broadcast_in_dim3A_324 = vector.broadcast %add3A_323 : i32 to vector<16xi32>
          %gather3A_325 = tpu.vector_load_idx %arg24[%iota3A, %broadcast_in_dim3A_324] : memref<16x16xf32, #tpu.memory_space<vmem>>[vector<16xi32>, vector<16xi32>], vector<16xf32>,
          %add3A_326 = arith.addf %add3A_317, %gather3A_325 : vector<16xf32>
          scf.yield %add3A_326 : vector<16xf32>
        }
        %scan3A_223 = arith.constant 16 : i32
        %neg3A = arith.constant 0.000000e+00 : f32
        %neg3A_224 = vector.broadcast %neg3A : f32 to vector<16xf32>
        %neg3A_225 = arith.subf %neg3A_224, %scan3A_222 : vector<16xf32>
        %exp3A = math.exp %neg3A_225 : vector<16xf32>
        %add3A_226 = arith.constant 1.000000e+00 : f32
        %add3A_227 = vector.broadcast %add3A_226 : f32 to vector<16xf32>
        %add3A_228 = arith.addf %add3A_227, %exp3A : vector<16xf32>
        %div3A = arith.constant 1.000000e+00 : f32
        %div3A_229 = vector.broadcast %div3A : f32 to vector<16xf32>
        %div3A_230 = arith.divf %div3A_229, %add3A_228 : vector<16xf32>
        %broadcast_in_dim3A_231 = vector.broadcast %add3A_194 : i32 to vector<16xi32>
        %gather3A = tpu.vector_load_idx %arg13[%broadcast_in_dim3A_231] : memref<128xi32, #tpu.memory_space<vmem>>[vector<16xi32>], vector<16xi32>,
        %mul3A_232 = arith.constant 15 : i32
        %mul3A_233 = arith.muli %mul3A_232, %and3A_191 : i32
        %add3A_234 = vector.broadcast %mul3A_233 : i32 to vector<16xi32>
        %add3A_235 = arith.addi %add3A_234, %iota3A : vector<16xi32>
        %min3A = arith.constant 59 : i32
        %min3A_236 = vector.broadcast %min3A : i32 to vector<16xi32>
        %min3A_237 = arith.minsi %add3A_235, %min3A_236 : vector<16xi32>
        %add3A_238 = arith.addi %gather3A, %min3A_237 : vector<16xi32>
        %gather3A_239 = tpu.vector_load_idx %arg16[%broadcast_in_dim3A_231, %add3A_238] : memref<128x240xi32, #tpu.memory_space<vmem>>[vector<16xi32>, vector<16xi32>], vector<16xi32>,
        %eq3A = arith.constant 15 : i32
        %eq3A_240 = vector.broadcast %eq3A : i32 to vector<16xi32>
        %eq3A_241 = arith.cmpi eq, %iota3A, %eq3A_240 : vector<16xi32>
        %jit3A = arith.constant 0 : i32
        %broadcast_in_dim3A_242 = vector.broadcast %jit3A : i32 to vector<16xi32>
        %select_n3A = arith.select %eq3A_241, %broadcast_in_dim3A_242, %gather3A_239 : vector<16xi1>, vector<16xi32>
        %eq3A_243 = arith.constant 1 : i32
        %eq3A_244 = vector.broadcast %eq3A_243 : i32 to vector<16xi32>
        %eq3A_245 = arith.cmpi eq, %select_n3A, %eq3A_244 : vector<16xi32>
        %sub3A_246 = arith.constant 1.000000e+00 : f32
        %sub3A_247 = vector.broadcast %sub3A_246 : f32 to vector<16xf32>
        %sub3A_248 = arith.subf %sub3A_247, %div3A_230 : vector<16xf32>
        %select_n3A_249 = arith.select %eq3A_245, %div3A_230, %sub3A_248 : vector<16xi1>, vector<16xf32>
        %mul3A_250 = arith.constant 16 : i32
        %mul3A_251 = arith.muli %and3A_191, %mul3A_250 : i32
        %swap3A_252 = arith.index_cast %add3A_194 : i32 to index
        %swap3A_253 = arith.index_cast %mul3A_251 : i32 to index
        %swap3A_254 = tpu.vector_load %arg19[%swap3A_252, %swap3A_253] {strides = array<i32>} : memref<128x64xf32, #tpu.memory_space<vmem>>, vector<16xf32>,
        tpu.vector_store %arg19[%swap3A_252, %swap3A_253], %select_n3A_249 {strides = array<i32>} : memref<128x64xf32, #tpu.memory_space<vmem>>, vector<16xf32>,
      }
      %scan3A_182 = arith.constant 8 : i32
    }
    %scan3A_81 = arith.constant 16 : i32
    %shift_right_logical3A = arith.constant 2 : i32
    %shift_right_logical3A_82 = vector.broadcast %shift_right_logical3A : i32 to vector<16xi32>
    %shift_right_logical3A_83 = arith.shrui %iota3A, %shift_right_logical3A_82 : vector<16xi32>
    %and3A = arith.constant 3 : i32
    %and3A_84 = vector.broadcast %and3A : i32 to vector<16xi32>
    %and3A_85 = arith.andi %iota3A, %and3A_84 : vector<16xi32>
    %broadcast_in_dim3A = arith.constant 0.000000e+00 : f32
    %broadcast_in_dim3A_86 = vector.broadcast %broadcast_in_dim3A : f32 to vector<16xf32>
    %scan3A_87 = arith.constant 0 : i32
    %scan3A_88 = arith.constant 32 : i32
    %scan3A_89 = arith.addi %scan3A_87, %scan3A_88 : i32
    %scan3A_90 = arith.constant 1 : i32
    %scan3A_91 = scf.for %scan3A_94 = %scan3A_87 to %scan3A_89 step %scan3A_90 iter_args(%scan3A_95 = %broadcast_in_dim3A_86) -> (vector<16xf32>)  : i32 {
      %mul3A_96 = arith.constant 4 : i32
      %mul3A_97 = arith.muli %scan3A_94, %mul3A_96 : i32
      %add3A_98 = vector.broadcast %mul3A_97 : i32 to vector<16xi32>
      %add3A_99 = arith.addi %add3A_98, %shift_right_logical3A_83 : vector<16xi32>
      %broadcast_in_dim3A_100 = arith.constant 1.000000e+00 : f32
      %broadcast_in_dim3A_101 = vector.broadcast %broadcast_in_dim3A_100 : f32 to vector<16xf32>
      %mul3A_102 = arith.constant 16 : i32
      %mul3A_103 = vector.broadcast %mul3A_102 : i32 to vector<16xi32>
      %mul3A_104 = arith.muli %and3A_85, %mul3A_103 : vector<16xi32>
      %add3A_105 = arith.constant 0 : i32
      %add3A_106 = vector.broadcast %add3A_105 : i32 to vector<16xi32>
      %add3A_107 = arith.addi %mul3A_104, %add3A_106 : vector<16xi32>
      %gather3A = tpu.vector_load_idx %arg19[%add3A_99, %add3A_107] : memref<128x64xf32, #tpu.memory_space<vmem>>[vector<16xi32>, vector<16xi32>], vector<16xf32>,
      %mul3A_108 = arith.mulf %broadcast_in_dim3A_101, %gather3A : vector<16xf32>
      %mul3A_109 = arith.constant 16 : i32
      %mul3A_110 = vector.broadcast %mul3A_109 : i32 to vector<16xi32>
      %mul3A_111 = arith.muli %and3A_85, %mul3A_110 : vector<16xi32>
      %add3A_112 = arith.constant 1 : i32
      %add3A_113 = vector.broadcast %add3A_112 : i32 to vector<16xi32>
      %add3A_114 = arith.addi %mul3A_111, %add3A_113 : vector<16xi32>
      %gather3A_115 = tpu.vector_load_idx %arg19[%add3A_99, %add3A_114] : memref<128x64xf32, #tpu.memory_space<vmem>>[vector<16xi32>, vector<16xi32>], vector<16xf32>,
      %mul3A_116 = arith.mulf %mul3A_108, %gather3A_115 : vector<16xf32>
      %mul3A_117 = arith.constant 16 : i32
      %mul3A_118 = vector.broadcast %mul3A_117 : i32 to vector<16xi32>
      %mul3A_119 = arith.muli %and3A_85, %mul3A_118 : vector<16xi32>
      %add3A_120 = arith.constant 2 : i32
      %add3A_121 = vector.broadcast %add3A_120 : i32 to vector<16xi32>
      %add3A_122 = arith.addi %mul3A_119, %add3A_121 : vector<16xi32>
      %gather3A_123 = tpu.vector_load_idx %arg19[%add3A_99, %add3A_122] : memref<128x64xf32, #tpu.memory_space<vmem>>[vector<16xi32>, vector<16xi32>], vector<16xf32>,
      %mul3A_124 = arith.mulf %mul3A_116, %gather3A_123 : vector<16xf32>
      %mul3A_125 = arith.constant 16 : i32
      %mul3A_126 = vector.broadcast %mul3A_125 : i32 to vector<16xi32>
      %mul3A_127 = arith.muli %and3A_85, %mul3A_126 : vector<16xi32>
      %add3A_128 = arith.constant 3 : i32
      %add3A_129 = vector.broadcast %add3A_128 : i32 to vector<16xi32>
      %add3A_130 = arith.addi %mul3A_127, %add3A_129 : vector<16xi32>
      %gather3A_131 = tpu.vector_load_idx %arg19[%add3A_99, %add3A_130] : memref<128x64xf32, #tpu.memory_space<vmem>>[vector<16xi32>, vector<16xi32>], vector<16xf32>,
      %mul3A_132 = arith.mulf %mul3A_124, %gather3A_131 : vector<16xf32>
      %mul3A_133 = arith.constant 16 : i32
      %mul3A_134 = vector.broadcast %mul3A_133 : i32 to vector<16xi32>
      %mul3A_135 = arith.muli %and3A_85, %mul3A_134 : vector<16xi32>
      %add3A_136 = arith.constant 4 : i32
      %add3A_137 = vector.broadcast %add3A_136 : i32 to vector<16xi32>
      %add3A_138 = arith.addi %mul3A_135, %add3A_137 : vector<16xi32>
      %gather3A_139 = tpu.vector_load_idx %arg19[%add3A_99, %add3A_138] : memref<128x64xf32, #tpu.memory_space<vmem>>[vector<16xi32>, vector<16xi32>], vector<16xf32>,
      %mul3A_140 = arith.mulf %mul3A_132, %gather3A_139 : vector<16xf32>
      %mul3A_141 = arith.constant 16 : i32
      %mul3A_142 = vector.broadcast %mul3A_141 : i32 to vector<16xi32>
      %mul3A_143 = arith.muli %and3A_85, %mul3A_142 : vector<16xi32>
      %add3A_144 = arith.constant 5 : i32
      %add3A_145 = vector.broadcast %add3A_144 : i32 to vector<16xi32>
      %add3A_146 = arith.addi %mul3A_143, %add3A_145 : vector<16xi32>
      %gather3A_147 = tpu.vector_load_idx %arg19[%add3A_99, %add3A_146] : memref<128x64xf32, #tpu.memory_space<vmem>>[vector<16xi32>, vector<16xi32>], vector<16xf32>,
      %mul3A_148 = arith.mulf %mul3A_140, %gather3A_147 : vector<16xf32>
      %mul3A_149 = arith.constant 16 : i32
      %mul3A_150 = vector.broadcast %mul3A_149 : i32 to vector<16xi32>
      %mul3A_151 = arith.muli %and3A_85, %mul3A_150 : vector<16xi32>
      %add3A_152 = arith.constant 6 : i32
      %add3A_153 = vector.broadcast %add3A_152 : i32 to vector<16xi32>
      %add3A_154 = arith.addi %mul3A_151, %add3A_153 : vector<16xi32>
      %gather3A_155 = tpu.vector_load_idx %arg19[%add3A_99, %add3A_154] : memref<128x64xf32, #tpu.memory_space<vmem>>[vector<16xi32>, vector<16xi32>], vector<16xf32>,
      %mul3A_156 = arith.mulf %mul3A_148, %gather3A_155 : vector<16xf32>
      %mul3A_157 = arith.constant 16 : i32
      %mul3A_158 = vector.broadcast %mul3A_157 : i32 to vector<16xi32>
      %mul3A_159 = arith.muli %and3A_85, %mul3A_158 : vector<16xi32>
      %add3A_160 = arith.constant 7 : i32
      %add3A_161 = vector.broadcast %add3A_160 : i32 to vector<16xi32>
      %add3A_162 = arith.addi %mul3A_159, %add3A_161 : vector<16xi32>
      %gather3A_163 = tpu.vector_load_idx %arg19[%add3A_99, %add3A_162] : memref<128x64xf32, #tpu.memory_space<vmem>>[vector<16xi32>, vector<16xi32>], vector<16xf32>,
      %mul3A_164 = arith.mulf %mul3A_156, %gather3A_163 : vector<16xf32>
      %mul3A_165 = arith.constant 16 : i32
      %mul3A_166 = vector.broadcast %mul3A_165 : i32 to vector<16xi32>
      %mul3A_167 = arith.muli %and3A_85, %mul3A_166 : vector<16xi32>
      %add3A_168 = arith.constant 8 : i32
      %add3A_169 = vector.broadcast %add3A_168 : i32 to vector<16xi32>
      %add3A_170 = arith.addi %mul3A_167, %add3A_169 : vector<16xi32>
      %gather3A_171 = tpu.vector_load_idx %arg19[%add3A_99, %add3A_170] : memref<128x64xf32, #tpu.memory_space<vmem>>[vector<16xi32>, vector<16xi32>], vector<16xf32>,
      %mul3A_172 = arith.mulf %mul3A_164, %gather3A_171 : vector<16xf32>
      %mul3A_173 = arith.constant 16 : i32
      %mul3A_174 = vector.broadcast %mul3A_173 : i32 to vector<16xi32>
      %mul3A_175 = arith.muli %and3A_85, %mul3A_174 : vector<16xi32>
      %add3A_176 = arith.constant 9 : i32
      %add3A_177 = vector.broadcast %add3A_176 : i32 to vector<16xi32>
      %add3A_178 = arith.addi %mul3A_175, %add3A_177 : vector<16xi32>
      %gather3A_179 = tpu.vector_load_idx %arg19[%add3A_99, %add3A_178] : memref<128x64xf32, #tpu.memory_space<vmem>>[vector<16xi32>, vector<16xi32>], vector<16xf32>,
      %mul3A_180 = arith.mulf %mul3A_172, %gather3A_179 : vector<16xf32>
      %mul3A_181 = arith.constant 16 : i32
      %mul3A_182 = vector.broadcast %mul3A_181 : i32 to vector<16xi32>
      %mul3A_183 = arith.muli %and3A_85, %mul3A_182 : vector<16xi32>
      %add3A_184 = arith.constant 10 : i32
      %add3A_185 = vector.broadcast %add3A_184 : i32 to vector<16xi32>
      %add3A_186 = arith.addi %mul3A_183, %add3A_185 : vector<16xi32>
      %gather3A_187 = tpu.vector_load_idx %arg19[%add3A_99, %add3A_186] : memref<128x64xf32, #tpu.memory_space<vmem>>[vector<16xi32>, vector<16xi32>], vector<16xf32>,
      %mul3A_188 = arith.mulf %mul3A_180, %gather3A_187 : vector<16xf32>
      %mul3A_189 = arith.constant 16 : i32
      %mul3A_190 = vector.broadcast %mul3A_189 : i32 to vector<16xi32>
      %mul3A_191 = arith.muli %and3A_85, %mul3A_190 : vector<16xi32>
      %add3A_192 = arith.constant 11 : i32
      %add3A_193 = vector.broadcast %add3A_192 : i32 to vector<16xi32>
      %add3A_194 = arith.addi %mul3A_191, %add3A_193 : vector<16xi32>
      %gather3A_195 = tpu.vector_load_idx %arg19[%add3A_99, %add3A_194] : memref<128x64xf32, #tpu.memory_space<vmem>>[vector<16xi32>, vector<16xi32>], vector<16xf32>,
      %mul3A_196 = arith.mulf %mul3A_188, %gather3A_195 : vector<16xf32>
      %mul3A_197 = arith.constant 16 : i32
      %mul3A_198 = vector.broadcast %mul3A_197 : i32 to vector<16xi32>
      %mul3A_199 = arith.muli %and3A_85, %mul3A_198 : vector<16xi32>
      %add3A_200 = arith.constant 12 : i32
      %add3A_201 = vector.broadcast %add3A_200 : i32 to vector<16xi32>
      %add3A_202 = arith.addi %mul3A_199, %add3A_201 : vector<16xi32>
      %gather3A_203 = tpu.vector_load_idx %arg19[%add3A_99, %add3A_202] : memref<128x64xf32, #tpu.memory_space<vmem>>[vector<16xi32>, vector<16xi32>], vector<16xf32>,
      %mul3A_204 = arith.mulf %mul3A_196, %gather3A_203 : vector<16xf32>
      %mul3A_205 = arith.constant 16 : i32
      %mul3A_206 = vector.broadcast %mul3A_205 : i32 to vector<16xi32>
      %mul3A_207 = arith.muli %and3A_85, %mul3A_206 : vector<16xi32>
      %add3A_208 = arith.constant 13 : i32
      %add3A_209 = vector.broadcast %add3A_208 : i32 to vector<16xi32>
      %add3A_210 = arith.addi %mul3A_207, %add3A_209 : vector<16xi32>
      %gather3A_211 = tpu.vector_load_idx %arg19[%add3A_99, %add3A_210] : memref<128x64xf32, #tpu.memory_space<vmem>>[vector<16xi32>, vector<16xi32>], vector<16xf32>,
      %mul3A_212 = arith.mulf %mul3A_204, %gather3A_211 : vector<16xf32>
      %mul3A_213 = arith.constant 16 : i32
      %mul3A_214 = vector.broadcast %mul3A_213 : i32 to vector<16xi32>
      %mul3A_215 = arith.muli %and3A_85, %mul3A_214 : vector<16xi32>
      %add3A_216 = arith.constant 14 : i32
      %add3A_217 = vector.broadcast %add3A_216 : i32 to vector<16xi32>
      %add3A_218 = arith.addi %mul3A_215, %add3A_217 : vector<16xi32>
      %gather3A_219 = tpu.vector_load_idx %arg19[%add3A_99, %add3A_218] : memref<128x64xf32, #tpu.memory_space<vmem>>[vector<16xi32>, vector<16xi32>], vector<16xf32>,
      %mul3A_220 = arith.mulf %mul3A_212, %gather3A_219 : vector<16xf32>
      %mul3A_221 = arith.constant 16 : i32
      %mul3A_222 = vector.broadcast %mul3A_221 : i32 to vector<16xi32>
      %mul3A_223 = arith.muli %and3A_85, %mul3A_222 : vector<16xi32>
      %add3A_224 = arith.constant 15 : i32
      %add3A_225 = vector.broadcast %add3A_224 : i32 to vector<16xi32>
      %add3A_226 = arith.addi %mul3A_223, %add3A_225 : vector<16xi32>
      %gather3A_227 = tpu.vector_load_idx %arg19[%add3A_99, %add3A_226] : memref<128x64xf32, #tpu.memory_space<vmem>>[vector<16xi32>, vector<16xi32>], vector<16xf32>,
      %mul3A_228 = arith.mulf %mul3A_220, %gather3A_227 : vector<16xf32>
      %gather3A_229 = tpu.vector_load_idx %arg11[%add3A_99] : memref<128xi32, #tpu.memory_space<vmem>>[vector<16xi32>], vector<16xi32>,
      %and3A_230 = arith.constant 3 : i32
      %and3A_231 = vector.broadcast %and3A_230 : i32 to vector<16xi32>
      %and3A_232 = arith.andi %gather3A_229, %and3A_231 : vector<16xi32>
      %mul3A_233 = arith.constant 4 : i32
      %mul3A_234 = vector.broadcast %mul3A_233 : i32 to vector<16xi32>
      %mul3A_235 = arith.muli %and3A_232, %mul3A_234 : vector<16xi32>
      %add3A_236 = arith.addi %mul3A_235, %and3A_85 : vector<16xi32>
      %gather3A_237 = tpu.vector_load_idx %arg17[%add3A_99, %add3A_236] : memref<128x16xf32, #tpu.memory_space<vmem>>[vector<16xi32>, vector<16xi32>], vector<16xf32>,
      %mul3A_238 = arith.mulf %mul3A_228, %gather3A_237 : vector<16xf32>
      %add3A_239 = arith.addf %scan3A_95, %mul3A_238 : vector<16xf32>
      scf.yield %add3A_239 : vector<16xf32>
    }
    %scan3A_92 = arith.constant 32 : i32
    %swap3A = arith.constant 0 : index
    %swap3A_93 = tpu.vector_load %arg25[%swap3A] {strides = array<i32>} : memref<16xf32, #tpu.memory_space<vmem>>, vector<16xf32>,
    tpu.vector_store %arg25[%swap3A], %scan3A_91 {strides = array<i32>} : memref<16xf32, #tpu.memory_space<vmem>>, vector<16xf32>,
    "tpu.region"() ({
      %run_scoped3A = tpu.sem_alloc : memref<!tpu.dma_semaphore, #tpu.memory_space<semaphore_mem>>
      %dma_start3A_94 = arith.constant 0 : i32
      %dma_start3A_95 = tpu.memref_slice %arg9[%add3A, %dma_start3A_94] : memref<32x16xf32, #tpu.memory_space<hbm>> -> memref<1x16xf32, #tpu.memory_space<hbm>>
      %dma_start3A_96 = tpu.memref_squeeze %dma_start3A_95 : memref<1x16xf32, #tpu.memory_space<hbm>> -> memref<16xf32, #tpu.memory_space<hbm>>
      %dma_start3A_97 = arith.constant 0 : i32
      %dma_start3A_98 = tpu.memref_slice %arg9[%add3A, %dma_start3A_97] : memref<32x16xf32, #tpu.memory_space<hbm>> -> memref<1x16xf32, #tpu.memory_space<hbm>>
      %dma_start3A_99 = tpu.memref_squeeze %dma_start3A_98 : memref<1x16xf32, #tpu.memory_space<hbm>> -> memref<16xf32, #tpu.memory_space<hbm>>
      tpu.enqueue_dma source(%arg25 : memref<16xf32, #tpu.memory_space<vmem>>) target(%dma_start3A_99 : memref<16xf32, #tpu.memory_space<hbm>>) target_semaphore(%run_scoped3A : memref<!tpu.dma_semaphore, #tpu.memory_space<semaphore_mem>>)
      %dma_wait3A_100 = arith.constant 0 : i32
      %dma_wait3A_101 = tpu.memref_slice %arg9[%add3A, %dma_wait3A_100] : memref<32x16xf32, #tpu.memory_space<hbm>> -> memref<1x16xf32, #tpu.memory_space<hbm>>
      %dma_wait3A_102 = tpu.memref_squeeze %dma_wait3A_101 : memref<1x16xf32, #tpu.memory_space<hbm>> -> memref<16xf32, #tpu.memory_space<hbm>>
      %dma_wait3A_103 = arith.constant 0 : i32
      %dma_wait3A_104 = tpu.memref_slice %arg9[%add3A, %dma_wait3A_103] : memref<32x16xf32, #tpu.memory_space<hbm>> -> memref<1x16xf32, #tpu.memory_space<hbm>>
      %dma_wait3A_105 = tpu.memref_squeeze %dma_wait3A_104 : memref<1x16xf32, #tpu.memory_space<hbm>> -> memref<16xf32, #tpu.memory_space<hbm>>
      tpu.wait_dma2 semaphore(%run_scoped3A : memref<!tpu.dma_semaphore, #tpu.memory_space<semaphore_mem>>) src(%arg25 : memref<16xf32, #tpu.memory_space<vmem>>) dst(%dma_wait3A_105 : memref<16xf32, #tpu.memory_space<hbm>>)
      tpu.yield
    }) : () -> ()
    return
  }
}

</mosaic_0001>

<sc_bundles>
// kernel: kernel.3.cloned.1.call-start
scs
__scs_entry_jumppad:
0x0: {  	(pc) =	sbr.rel $0x88, $3  }
0x1: {  	(tag) =	ssettag $0x0;
	lr =	simm.s32 $0x1  }
0x2: {  	[smem:$0x3F9A] =	sst lr;
	_ =	strace $0xD0000000  }
0x3: {  	_ = 	snop  }
0x4: {  	_ = 	snop  }
0x5: {  	_ = 	snop  }
0x6: {  	_ = 	snop  }
0x7: {  	_ = 	snop  }
__scs_overlays_trampoline_lowered:
0x8: {  	[smem:$0x3FA9] =	sst s0  }
0x9: {  	[smem:$0x3FAA] =	sst s1  }
0xa: {  	[smem:$0x3FAB] =	sst s2  }
0xb: {  	[smem:$0x3FAC] =	sst s3  }
0xc: {  	[smem:$0x3FAD] =	sst s4  }
0xd: {  	[smem:$0x3FAE] =	sst s5  }
0xe: {  	[smem:$0x3FAF] =	sst s6  }
0xf: {  	[smem:$0x3FB0] =	sst s7  }
0x10: {  	[smem:$0x3FB1] =	sst s8  }
0x11: {  	[smem:$0x3FB2] =	sst s9;
	s0 =	simm.s32 @!p0 $0x0  }
0x12: {  	s1 =	sld [smem:$0x3F98];
	s0 =	simm.s32 @p0 $0x1  }
0x13: {  	[smem:$0x3FB3] =	sst s0;
	s0 =	simm.s32 @!p1 $0x0  }
0x14: {  	s2 =	sld [smem:$0x3F97];
	s0 =	simm.s32 @p1 $0x1  }
0x15: {  	[smem:$0x3FB4] =	sst s0;
	s0 =	simm.s32 @!p2 $0x0  }
0x16: {  	s3 =	sld [smem:$0x3FDB];
	s0 =	simm.s32 @p2 $0x1  }
0x17: {  	s4 =	simm.s32 $0x1BF5;
	[smem:$0x3FB6] =	sst s0  }
0x18: {  	s0 =	sld [smem:$0x3F99];
	_ =	swait.ge [sflag:s4], $0x0  }
0x19: {  	s7 =	sld [smem:$0x3F9A]  }
0x1a: {  	s8 =	sadd.s32 $0xFFFFE003, lr  }
0x1b: {  	s9 =	sadd.s32 $0xFFFFFEF7, lr;
	s5 =	simm.s32 $0xFFFFFFFF;
	p2 =	slt.u32 s8, $0xFFFFF086  }
0x1c: {  	p1 =	slt.u32 s9, $0xF7A;
	s5 =	simm.s32 @!p2 $0x0  }
0x1d: {  	s5 =	simm.s32 @p1 $0x1;
	p0 =	seq.s32 s7, s2  }
0x1e: {  	s7 =	smul.u32 @!p0 $0xF7A, s2;
	p2 =	seq.s32 @!p0 s5, $0x0  }
0x1f: {  	s9 =	smul.u32 $0xF7A, s1;
	s8 =	simm.s32 @!p0 $0x1BF5;
	p2 =	por !p2, p0  }
0x20: {  	[sflag:s8] =	ssyncset.s32 @!p0 $0xFFFFF086;
	s6 =	sadd.s32 @!p0 s3, s7;
	s7 =	simm.s32 @!p0 $0x108  }
0x21: {  	s3 =	sadd.s32 s3, s9;
	s6 =	sadd.s32 @!p0 $0x88, s6;
	s7 =	simm.s32 @p2 $0x1082  }
0x22: {  	[simem:s7], [sflag:s8] =	dma.local @!p0 [hbm:s6], $0xF7A  }
0x23: {  	s9 =	sor.u32 $0xD0000000, s2;
	s6 =	simm.s32 $0x108;
	_ =	swait.ge @!p0 [sflag:s8], $0x0  }
0x24: {  	s3 =	sadd.s32 $0x88, s3;
	s6 =	simm.s32 @!p1 $0x1082;
	[sflag:s4] =	ssyncset.s32 $0xFFFFF086  }
0x25: {  	[simem:s6], [sflag:s4] =	dma.local [hbm:s3], $0xF7A  }
0x26: {  	[smem:$0x3F9A] =	sst s1;
	(tag) =	ssettag s2;
	_ =	strace s9  }
0x27: {  	s1 =	sld [smem:$0x3FAA]  }
0x28: {  	s2 =	sld [smem:$0x3FAB]  }
0x29: {  	s4 =	sld [smem:$0x3FAD]  }
0x2a: {  	p0 =	seq.s32 s5, $0x0;
	s5 =	sld [smem:$0x3FAE]  }
0x2b: {  	s6 =	sld [smem:$0x3FAF]  }
0x2c: {  	s7 =	sld [smem:$0x3FB0]  }
0x2d: {  	s3 =	simm.s32 $0x108;
	s8 =	sld [smem:$0x3FB1]  }
0x2e: {  	s3 =	simm.s32 @!p0 $0x1082;
	s9 =	sld [smem:$0x3FB2]  }
0x2f: {  	lr =	sadd.s32 s0, s3;
	s0 =	sld [smem:$0x3FA9]  }
0x30: {  	s3 =	sld [smem:$0x3FAC]  }
0x31: {  	[smem:$0x3FB5] =	sst s10  }
0x32: {  	s10 =	sld [smem:$0x3FB3];
	_ =	sdelay $0x3  }
0x33: {  	p0 =	seq.s32 s10, $0x1;
	s10 =	sld [smem:$0x3FB5];
	_ =	sdelay $0x3  }
0x34: {  	[smem:$0x3FB5] =	sst s10  }
0x35: {  	s10 =	sld [smem:$0x3FB4];
	_ =	sdelay $0x3  }
0x36: {  	p1 =	seq.s32 s10, $0x1;
	s10 =	sld [smem:$0x3FB5];
	_ =	sdelay $0x3  }
0x37: {  	[smem:$0x3FB5] =	sst s10  }
0x38: {  	s10 =	sld [smem:$0x3FB6]  }
0x39: {  	_ = 	snop;
	(pc) =	sbr.ind lr, $3  }
0x3a: {  	_ = 	snop  }
0x3b: {  	_ = 	snop  }
0x3c: {  	p2 =	seq.s32 s10, $0x1;
	s10 =	sld [smem:$0x3FB5]  }
0x3d: {  	_ =	shalt  }
0x3e: {  	_ =	shalt  }
0x3f: {  	_ =	shalt  }
0x40: {  	_ =	shalt  }
0x41: {  	_ =	shalt  }
0x42: {  	_ =	shalt  }
0x43: {  	_ =	shalt  }
0x44: {  	_ =	shalt  }
0x45: {  	_ =	shalt  }
0x46: {  	_ =	shalt  }
0x47: {  	_ =	shalt  }
0x48: {  	_ =	shalt  }
0x49: {  	_ =	shalt  }
0x4a: {  	_ =	shalt  }
0x4b: {  	_ =	shalt  }
0x4c: {  	_ =	shalt  }
0x4d: {  	_ =	shalt  }
0x4e: {  	_ =	shalt  }
0x4f: {  	_ =	shalt  }
0x50: {  	_ =	shalt  }
0x51: {  	_ =	shalt  }
0x52: {  	_ =	shalt  }
0x53: {  	_ =	shalt  }
0x54: {  	_ =	shalt  }
0x55: {  	_ =	shalt  }
0x56: {  	_ =	shalt  }
0x57: {  	_ =	shalt  }
0x58: {  	_ =	shalt  }
0x59: {  	_ =	shalt  }
0x5a: {  	_ =	shalt  }
0x5b: {  	_ =	shalt  }
0x5c: {  	_ =	shalt  }
0x5d: {  	_ =	shalt  }
0x5e: {  	_ =	shalt  }
0x5f: {  	_ =	shalt  }
0x60: {  	_ =	shalt  }
0x61: {  	_ =	shalt  }
0x62: {  	_ =	shalt  }
0x63: {  	_ =	shalt  }
0x64: {  	_ =	shalt  }
0x65: {  	_ =	shalt  }
0x66: {  	_ =	shalt  }
0x67: {  	_ =	shalt  }
0x68: {  	_ =	shalt  }
0x69: {  	_ =	shalt  }
0x6a: {  	_ =	shalt  }
0x6b: {  	_ =	shalt  }
0x6c: {  	_ =	shalt  }
0x6d: {  	_ =	shalt  }
0x6e: {  	_ =	shalt  }
0x6f: {  	_ =	shalt  }
0x70: {  	_ =	shalt  }
0x71: {  	_ =	shalt  }
0x72: {  	_ =	shalt  }
0x73: {  	_ =	shalt  }
0x74: {  	_ =	shalt  }
0x75: {  	_ =	shalt  }
0x76: {  	_ =	shalt  }
0x77: {  	_ =	shalt  }
0x78: {  	_ =	shalt  }
0x79: {  	_ =	shalt  }
0x7a: {  	_ =	shalt  }
0x7b: {  	_ =	shalt  }
0x7c: {  	_ =	shalt  }
0x7d: {  	_ =	shalt  }
0x7e: {  	_ =	shalt  }
0x7f: {  	_ =	shalt  }
0x80: {  	_ =	shalt  }
0x81: {  	_ =	shalt  }
0x82: {  	_ =	shalt  }
0x83: {  	_ =	shalt  }
0x84: {  	_ =	shalt  }
0x85: {  	_ =	shalt  }
0x86: {  	_ =	shalt  }
0x87: {  	_ =	shalt  }
.Lfunc_end0:
.L_simem_size_0:
called_computation_lowered:
.L_overlay_start_0:
0x88: {  	s2 =	sld [smem:$0x3FD9]  }
0x89: {  	s3 =	sld [smem:$0x3FFE];
	_ =	sdelay $0x1  }
0x8a: {  	s1 =	srdreg.scid  }
0x8b: {  	s0 =	sand.u32 $0x1, s1  }
0x8c: {  	s17 =	sshll.u32 s0, $0xA;
	s2 =	sadd.s32 s3, s2  }
0x8d: {  	s2 =	sadd.s32 s2, s17  }
0x8e: {  	[smem:$0x3FC1] =	sst s2  }
0x8f: {  	_ = 	snop  }
0x90: {  	s2 =	sld [smem:$0x3FC8];
	(tm) =	ssettm $0x1  }
0x91: {  	s18 =	sld [smem:$0x3FFB];
	_ =	sdelay $0x3  }
0x92: {  	_ =	strace s18  }
0x93: {  	s3 =	sld [smem:$0x3FFC];
	_ =	sdelay $0x3  }
0x94: {  	_ =	strace s3  }
0x95: {  	s3 =	sld [smem:$0x3FFD];
	_ =	sdelay $0x3  }
0x96: {  	_ =	strace s3  }
0x97: {  	_ =	strace $0x8FFFFFFF  }
0x98: {  	s19 =	sld [smem:$0x3FDB];
	_ =	sdelay $0x1  }
0x99: {  	s4 =	simm.s32 $_scs_section_size  }
0x9a: {  	s5 =	simm.s32 $_size__tile_overlayer_lowered;
	s6 =	simm.s32 $_tile_overlayer_lowered  }
0x9b: {  	s22 =	simm.s32 $0x1BFF;
	s21 =	sshll.u32 s6, $0x1;
	s3 =	sadd.s32 s4, s19  }
0x9c: {  	s7 =	simm.s32 $0x0;
	s20 =	sshll.u32 s5, $0x1;
	s5 =	sadd.s32 s21, s3  }
0x9d: {  	[timem:s7], [sflag:s22] =	dma.local [hbm:s5], s20  }
0x9e: {  	_ =	swait.ge [sflag:s22], s20  }
0x9f: {  	s4 =	ssub.s32 $0x0, s20;
	[sflag:s22] =	ssyncset.done $0x0  }
0xa0: {  	[sflag:s22] =	ssyncadd.s32 s4;
	_ =	sdelay $0x1  }
0xa1: {  	s23 =	simm.s32 $0x1B8B  }
0xa2: {  	_ =	swait.ge [sflag:s23], $0x1  }
0xa3: {  	[sflag:s23] =	ssyncset.done $0x0  }
0xa4: {  	s25 =	simm.s32 $0x1B8E;
	s24 =	sld [smem:$0x3FFE];
	[sflag:s23] =	ssyncadd.s32 $0xFFFFFFFF  }
0xa5: {  	s26 =	simm.s32 $execute0_lowered;
	[smem:$0x3FD2] =	sst s25  }
0xa6: {  	s5 =	sshll.u32 s26, $0x1;
	_ =	strace $0x80000046;
	[dreg:$0x1] =	wrdreg $0xFFFFFFFF  }
0xa7: {  	s28 =	simm.s32 $_size_execute0_lowered;
	s3 =	sadd.s32 s3, s5;
	[dreg:$0x0] =	wrdreg $0x0  }
0xa8: {  	s5 =	sshll.u32 s28, $0x1;
	[dreg:$0x2] =	wrdreg s3  }
0xa9: {  	[dreg:$0x3] =	wrdreg s5  }
0xaa: {  	[dreg:$0x4] =	wrdreg $0xC0  }
0xab: {  	_ =	task [dreg:s7], $0x5FFFF  }
0xac: {  	[dreg:$0x1] =	wrdreg $0xFFFFFFFF  }
0xad: {  	[dreg:$0x0] =	wrdreg $0x60  }
0xae: {  	[dreg:$0x2] =	wrdreg s24  }
0xaf: {  	[dreg:$0x3] =	wrdreg s2  }
0xb0: {  	[dreg:$0x4] =	wrdreg $0x9  }
0xb1: {  	_ =	task.clear_ibuf [dreg:s7], $0x5FFFF;
	_ =	strace $0x90000046  }
0xb2: {  	s29 =	simm.s32 $0x9;
	_ =	strace $0x80000048  }
0xb3: {  	_ =	swait.ge [sflag:s29], $0x1  }
0xb4: {  	[sflag:s29] =	ssyncadd.s32 $0xFFFFFFFF  }
0xb5: {  	_ =	strace $0x90000048  }
0xb6: {  	_ =	sfence  }
0xb7: {  	s30 =	sld [smem:$0x0];
	_ =	sdelay $0x2  }
0xb8: {  	s31 =	sshll.u32 s1, $0xD;
	s1 =	sshrl.u32 s1, $0x2  }
0xb9: {  	s3 =	sand.u32 $0x4000, s31;
	s1 =	sadd.s32 s1, s30  }
0xba: {  	s0 =	sor.u32 s3, s0;
	s1 =	sshll.u32 s1, $0x11  }
0xbb: {  	s0 =	sor.u32 s1, s0  }
0xbc: {  	s0 =	sadd.s32 $0x8F2B, s0  }
0xbd: {  	[sflag:s0] =	ssyncadd.remote.s32 $0x1  }
0xbe: {  	_ =	sfence.sel $0xFFFF  }
0xbf: {  	[dreg:$0x0] =	wrdreg $0xFFFFFFFF;
	(pc) =	sbr.abs _section_cstart, $3  }
0xc0: {  	[dreg:$0x1] =	wrdreg $0xFFFFFFFF  }
0xc1: {  	_ =	task.clear_ibuf [dreg:s7], $0x2FFFF;
	_ =	strace $0x9FFFFFFF  }
0xc2: {  	(tm) =	ssettm $0x7FFFFFFF  }
0xc3: {  	_ =	shalt  }
tec
execute0_lowered:
.L_overlay_start_1:
0x0: {  	(tag) =	ssettag $0x1  }
0x1: {  	s0 =	rddreg [dreg:$0x0]  }
0x2: {  	s1 =	rddreg [dreg:$0x1];
	s3 =	srdreg.scid  }
0x3: {  	s2 =	stileid.u32;
	s9 =	simm.s32 $0x0;
	s12 =	simm.s32 $0x5  }
0x4: {  	s13 =	simm.s32 $0x2000;
	s14 =	simm.s32 $0x80;
	s17 =	simm.s32 $0x6180  }
0x5: {  	s18 =	simm.s32 $0xD980;
	s19 =	simm.s32 $0x1;
	s20 =	simm.s32 $0x2  }
0x6: {  	s21 =	simm.s32 $0x3;
	s10 =	simm.s32 $0x12180;
	s11 =	simm.s32 $0x14180  }
0x7: {  	s22 =	simm.s32 $0x16180;
	s28 =	simm.s32 $0x4;
	s15 =	simm.s32 $0x10180  }
0x8: {  	s29 =	simm.s32 $0x0;
	s3 =	sand.u32 $0x1, s3;
	s4 =	sshll.u32 s2, $0x1  }
0x9: {  	[smem:$0x7FF] =	sst s9;
	s23 =	sadd.s32 $0x24D000, s0;
	s24 =	sadd.s32 $0x61D800, s0  }
0xa: {  	s25 =	sadd.s32 $0x310600, s0;
	_ =	strace $0x80000047;
	[dreg:$0x3] =	wrdreg s23  }
0xb: {  	s6 =	sadd.s32 $0x189A00, s0;
	s7 =	sadd.s32 $0x103000, s0;
	[dreg:$0x4] =	wrdreg s24  }
0xc: {  	s4 =	sor.u32 s3, s4;
	[dreg:$0x5] =	wrdreg s25;
	s3 =	ssub.s32 $0x2, s3  }
0xd: {  	v0 =	vlaneseq.u32;
	s5 =	sshll.u32 s4, $0xA;
	s8 =	sshll.u32 s4, $0x1;
	s4 =	sshll.u32 s4, $0x4  }
0xe: {  	v1 =	vmul.u32 $0x10, v0;
	s26 =	sshrl.u32 s3, $0x1;
	s5 =	sadd.s32 s5, s0;
	s1 =	sadd.s32 s1, s4  }
0xf: {  	s0 =	sadd.s32 s8, s0;
	s30 =	sadd.s32 $0x3000, s5;
	[dreg:$0x7] =	wrdreg s1  }
0x10: {  	v2 =	vor.u32 $0x1, v1;
	s3 =	ssub.s32 s3, s26;
	s0 =	sadd.s32 $0x183000, s0;
	[dreg:$0x6] =	wrdreg s30  }
0x11: {  	v3 =	vor.u32 $0x2, v1;
	v4 =	vor.u32 $0x3, v1;
	v5 =	vor.u32 $0x4, v1;
	s26 =	simm.s32 $0x18180;
	s31 =	smax.u32 s3, $0x1;
	[dreg:$0x8] =	wrdreg s0  }
0x12: {  	v6 =	vor.u32 $0x5, v1;
	v7 =	vor.u32 $0x6, v1;
	v8 =	vor.u32 $0x7, v1;
	s1 =	simm.s32 $0x2100;
	[dreg:$0x9] =	wrdreg s31;
	s0 =	simm.s32 $0x1A180  }
.LBB2_1:
0x13: {  	s2 =	rddreg [dreg:$0x6]  }
0x14: {  	[tilespmem:s9], [sflag:$0x5] =	stream.linear.gather [hbm4b:s2+s9], $0x2000, $0x38;
	[tilespmem:$0x1A290] =	vst v63  }
0x15: {  	_ =	swait.ge [sflag:s12], $0x2000  }
0x16: {  	[sflag:s12] =	ssyncset.done $0x0  }
0x17: {  	s23 =	rddreg [dreg:$0x7];
	[sflag:s12] =	ssyncadd.s32 $0xFFFFE000  }
0x18: {  	[tilespmem:s13], [sflag:$0x5] =	stream.linear.gather [hbm4b:s23+s9], $0x80, $0x38;
	[tilespmem:$0x1A290] =	vst v63  }
0x19: {  	_ =	swait.ge [sflag:s12], $0x80  }
0x1a: {  	[sflag:s12] =	ssyncset.done $0x0  }
0x1b: {  	[sflag:s12] =	ssyncadd.s32 $0xFFFFFF80  }
0x1c: {  	v9 =	vld [tilespmem:$0x2000];
	_ =	sdelay $0x1  }
0x1d: {  	v10 =	vld [tilespmem:$0x2010];
	_ =	sdelay $0x1  }
0x1e: {  	v11 =	vld [tilespmem:$0x2020]  }
0x1f: {  	v12 =	vand.u32 $0x3, v9  }
0x20: {  	v13 =	vld [tilespmem:$0x2030];
	v9 =	vshrl.u32 v9, $0x2;
	v12 =	vmul.u32 $0x3C, v12  }
0x21: {  	[tilespmem:$0x2080] =	vst v9;
	v9 =	vand.u32 $0x3, v10  }
0x22: {  	v10 =	vshrl.u32 v10, $0x2;
	v9 =	vmul.u32 $0x3C, v9;
	[tilespmem:$0x2100] =	vst v12;
	v12 =	vld [tilespmem:$0x2040]  }
0x23: {  	[tilespmem:$0x2090] =	vst v10;
	v10 =	vand.u32 $0x3, v11  }
0x24: {  	v10 =	vmul.u32 $0x3C, v10;
	[tilespmem:$0x2110] =	vst v9;
	v9 =	vshrl.u32 v11, $0x2;
	v11 =	vld [tilespmem:$0x2050]  }
0x25: {  	[tilespmem:$0x20A0] =	vst v9;
	v9 =	vand.u32 $0x3, v13  }
0x26: {  	[tilespmem:$0x2120] =	vst v10;
	v10 =	vshrl.u32 v13, $0x2;
	v13 =	vld [tilespmem:$0x2060];
	v9 =	vmul.u32 $0x3C, v9  }
0x27: {  	[tilespmem:$0x20B0] =	vst v10;
	v10 =	vand.u32 $0x3, v12  }
0x28: {  	[tilespmem:$0x2130] =	vst v9;
	v9 =	vshrl.u32 v12, $0x2;
	v12 =	vld [tilespmem:$0x2070];
	v10 =	vmul.u32 $0x3C, v10  }
0x29: {  	[tilespmem:$0x20C0] =	vst v9;
	v9 =	vand.u32 $0x3, v11  }
0x2a: {  	v9 =	vmul.u32 $0x3C, v9;
	[tilespmem:$0x2140] =	vst v10;
	v10 =	vshrl.u32 v11, $0x2  }
0x2b: {  	[tilespmem:$0x20D0] =	vst v10;
	v10 =	vand.u32 $0x3, v13  }
0x2c: {  	[tilespmem:$0x2150] =	vst v9;
	v9 =	vshrl.u32 v13, $0x2;
	v10 =	vmul.u32 $0x3C, v10  }
0x2d: {  	[tilespmem:$0x20E0] =	vst v9;
	v9 =	vand.u32 $0x3, v12  }
0x2e: {  	v9 =	vmul.u32 $0x3C, v9;
	[tilespmem:$0x2160] =	vst v10;
	v10 =	vshrl.u32 v12, $0x2  }
0x2f: {  	[tilespmem:$0x20F0] =	vst v10  }
0x30: {  	s3 =	simm.s32 $0x2180;
	s24 =	rddreg [dreg:$0x3];
	[tilespmem:$0x2170] =	vst v9  }
0x31: {  	[tilespmem:s3], [sflag:$0x1] =	stream.indirect.gather [hbm4b:s24+s14], $0x40, s13, s14, $0xb8;
	[tilespmem:$0x1A290] =	vst v63  }
0x32: {  	s30 =	simm.s32 $0x2080;
	s25 =	rddreg [dreg:$0x4]  }
0x33: {  	[tilespmem:s17], [sflag:$0x2] =	stream.indirect.gather [hbm4b:s25+s14], $0xF0, s30, s14, $0xb8;
	[tilespmem:$0x1A290] =	vst v63  }
0x34: {  	s31 =	rddreg [dreg:$0x5]  }
0x35: {  	[tilespmem:s18], [sflag:$0x3] =	stream.indirect.gather [hbm4b:s31+s14], $0x10, s30, s14, $0xb8;
	[tilespmem:$0x1A290] =	vst v63  }
0x36: {  	_ =	swait.ge [sflag:s19], $0x2000  }
0x37: {  	[sflag:s19] =	ssyncset.done $0x0  }
0x38: {  	[sflag:s19] =	ssyncadd.s32 $0xFFFFE000  }
0x39: {  	_ =	swait.ge [sflag:s20], $0x7800  }
0x3a: {  	[sflag:s20] =	ssyncset.done $0x0  }
0x3b: {  	[sflag:s20] =	ssyncadd.s32 $0xFFFF8800  }
0x3c: {  	_ =	swait.ge [sflag:s21], $0x800  }
0x3d: {  	[sflag:s21] =	ssyncset.done $0x0  }
0x3e: {  	s3 =	simm.s32 $0x0;
	[sflag:s21] =	ssyncadd.s32 $0xFFFFF800  }
0x3f: {  	v12 =	vld [tilespmem:s3+$0x21F0]  }
0x40: {  	v13 =	vld [tilespmem:s3+$0x2180]  }
0x41: {  	v14 =	vld [tilespmem:s3+$0x2190]  }
0x42: {  	v11 =	vld [tilespmem:s3+$0x21A0]  }
0x43: {  	v9 =	vld [tilespmem:s3+$0x21B0]  }
0x44: {  	v10 =	vld [tilespmem:s3+$0x21C0];
	[tilespmem:s3+$0x41F0] =	vst v12  }
0x45: {  	[tilespmem:s3+$0x4180] =	vst v13;
	v12 =	vld [tilespmem:s3+$0x21D0]  }
0x46: {  	s4 =	simm.s32 $0x80;
	s5 =	simm.s32 $0x400;
	[tilespmem:s3+$0x4190] =	vst v14;
	v13 =	vld [tilespmem:s3+$0x21E0]  }
.LBB2_2:
0x47: {  	p0 =	sne.s32 s5, $0x7E00;
	v14 =	vld [tilespmem:s4+$0x21F0];
	[tilespmem:s3+$0x41A0] =	vst v11  }
0x48: {  	v15 =	vld [tilespmem:s4+$0x2180];
	[tilespmem:s3+$0x41B0] =	vst v9  }
0x49: {  	v16 =	vld [tilespmem:s4+$0x2190];
	[tilespmem:s3+$0x41C0] =	vst v10  }
.Ltmp0:
0x4a: {  	v11 =	vld [tilespmem:s4+$0x21A0];
	[tilespmem:s3+$0x41D0] =	vst v12;
	(pc) =	sbr.rel @p0 .LBB2_2-.Ltmp0, $4  }
0x4b: {  	v9 =	vld [tilespmem:s4+$0x21B0];
	[tilespmem:s3+$0x41E0] =	vst v13;
	s3 =	smov.u32 s4  }
0x4c: {  	v10 =	vld [tilespmem:s3+$0x21C0];
	[tilespmem:s3+$0x41F0] =	vst v14  }
0x4d: {  	[tilespmem:s3+$0x4180] =	vst v15;
	v12 =	vld [tilespmem:s3+$0x21D0]  }
0x4e: {  	s4 =	sshra.s32 s5, $0x2;
	s5 =	sadd.s32 $0x200, s5;
	[tilespmem:s3+$0x4190] =	vst v16;
	v13 =	vld [tilespmem:s3+$0x21E0]  }
0x4f: {  	v14 =	vld [tilespmem:s4+$0x21F0];
	[tilespmem:s3+$0x41A0] =	vst v11  }
0x50: {  	v11 =	vld [tilespmem:s4+$0x2180];
	[tilespmem:s3+$0x41B0] =	vst v9  }
0x51: {  	v9 =	vld [tilespmem:s4+$0x2190];
	[tilespmem:s3+$0x41C0] =	vst v10  }
0x52: {  	v10 =	vld [tilespmem:s4+$0x21A0];
	[tilespmem:s3+$0x41D0] =	vst v12  }
0x53: {  	v12 =	vld [tilespmem:s4+$0x21B0];
	[tilespmem:s3+$0x41E0] =	vst v13  }
0x54: {  	v13 =	vld [tilespmem:s4+$0x21C0];
	[tilespmem:s4+$0x41F0] =	vst v14  }
0x55: {  	[tilespmem:s4+$0x4180] =	vst v11;
	v11 =	vld [tilespmem:s4+$0x21D0]  }
0x56: {  	[tilespmem:s4+$0x4190] =	vst v9;
	v9 =	vld [tilespmem:s4+$0x21E0]  }
0x57: {  	[tilespmem:s4+$0x41A0] =	vst v10  }
0x58: {  	[tilespmem:s4+$0x41B0] =	vst v12  }
0x59: {  	[tilespmem:s4+$0x41C0] =	vst v13  }
0x5a: {  	[tilespmem:s4+$0x41D0] =	vst v11  }
0x5b: {  	s30 =	simm.s32 $0x0;
	[tilespmem:s4+$0x41E0] =	vst v9  }
0x5c: {  	[tilespmem:s10], [sflag:$0x1] =	stream.indirect.gather [hbm4b:s6+s14], $0x40, s30, s14, $0xb8;
	[tilespmem:$0x1A290] =	vst v63  }
0x5d: {  	_ = 	snop  }
0x5e: {  	[tilespmem:s11], [sflag:$0x2] =	stream.indirect.gather [hbm4b:s6+s14], $0x40, s14, s14, $0xb8;
	[tilespmem:$0x1A290] =	vst v63  }
0x5f: {  	s2 =	simm.s32 $0x100  }
0x60: {  	[tilespmem:s22], [sflag:$0x3] =	stream.indirect.gather [hbm4b:s6+s14], $0x40, s2, s14, $0xb8;
	[tilespmem:$0x1A290] =	vst v63  }
.LBB2_4:
0x61: {  	s3 =	sshll.u32 s30, $0xB  }
0x62: {  	s4 =	sor.u32 $0x600, s3  }
0x63: {  	s31 =	sshra.s32 s4, $0x2  }
0x64: {  	[tilespmem:s26], [sflag:$0x4] =	stream.indirect.gather [hbm4b:s6+s14], $0x40, s31, s14, $0xb8;
	[tilespmem:$0x1A290] =	vst v63  }
0x65: {  	s25 =	sshra.s32 s3, $0x2;
	_ =	swait.ge [sflag:s19], $0x2000  }
0x66: {  	s4 =	sadd.s32 $0xE180, s25;
	[sflag:s19] =	ssyncset.done $0x0  }
0x67: {  	p1 =	por $0x1, $0x1;
	v9 =	vmov s4;
	s4 =	simm.s32 $0x0;
	[sflag:s19] =	ssyncadd.s32 $0xFFFFE000  }
.LBB2_5:
0x68: {  	s5 =	sshll.u32 s4, $0xC  }
0x69: {  	s5 =	sand.u32 $0x3FFFF000, s5  }
0x6a: {  	s9 =	sadd.s32 $0x12280, s5  }
0x6b: {  	v10 =	vld [tilespmem:s9+$0xC0]  }
0x6c: {  	v11 =	vld [tilespmem:s9+$0xD0]  }
0x6d: {  	v12 =	vld [tilespmem:s9+$0x80]  }
0x6e: {  	v13 =	vld [tilespmem:s9+$0x90]  }
0x6f: {  	v19 =	vld [tilespmem:s9+$0x40]  }
0x70: {  	v22 =	vld [tilespmem:s9+$0x50]  }
0x71: {  	v16 =	vld [tilespmem:s9+$0x0]  }
0x72: {  	v18 =	vld [tilespmem:s9+$0x10]  }
0x73: {  	v15 =	vld [tilespmem:s9+$0xFFFFFFC0]  }
0x74: {  	v17 =	vld [tilespmem:s9+$0xFFFFFFD0]  }
0x75: {  	v14 =	vld [tilespmem:s9+$0xFFFFFF80]  }
0x76: {  	v20 =	vld [tilespmem:s9+$0xFFFFFF90]  }
0x77: {  	v21 =	vld [tilespmem:s9+$0xFFFFFF40]  }
0x78: {  	v23 =	vld [tilespmem:s9+$0xFFFFFF50]  }
0x79: {  	v24 =	vld [tilespmem:s9+$0xFFFFFF00]  }
0x7a: {  	v25 =	vld [tilespmem:s9+$0xFFFFFF10]  }
0x7b: {  	v26 =	vld [tilespmem:s9+$0xFFFFFF20]  }
0x7c: {  	v27 =	vld [tilespmem:s9+$0xFFFFFF30]  }
0x7d: {  	v28 =	vld [tilespmem:s9+$0xFFFFFF60]  }
0x7e: {  	v29 =	vld [tilespmem:s9+$0xFFFFFF70]  }
0x7f: {  	v30 =	vimm.f32 $0.0e+00;
	v31 =	vld [tilespmem:s9+$0xFFFFFFA0]  }
0x80: {  	v32 =	vld [tilespmem:s9+$0xFFFFFFB0];
	v24 =	vadd.f32 v24, v30;
	v25 =	vadd.f32 v25, v30  }
0x81: {  	v57 =	vld [tilespmem:s9+$0xFFFFFFE0];
	v26 =	vadd.f32 v26, v30;
	v27 =	vadd.f32 v27, v30  }
0x82: {  	v58 =	vld [tilespmem:s9+$0xFFFFFFF0];
	v21 =	vadd.f32 v21, v24;
	v23 =	vadd.f32 v23, v25  }
0x83: {  	v61 =	vld [tilespmem:s9+$0x20];
	v59 =	vadd.f32 v28, v26;
	v60 =	vadd.f32 v29, v27  }
0x84: {  	v21 =	vadd.f32 v14, v21;
	v20 =	vadd.f32 v20, v23;
	v23 =	vld [tilespmem:s9+$0x30]  }
0x85: {  	v25 =	vadd.f32 v31, v59;
	v26 =	vadd.f32 v32, v60;
	v14 =	vld [tilespmem:s9+$0x60]  }
0x86: {  	v21 =	vadd.f32 v15, v21;
	v20 =	vadd.f32 v17, v20;
	v17 =	vld [tilespmem:s9+$0x70]  }
0x87: {  	v25 =	vadd.f32 v57, v25;
	v24 =	vadd.f32 v58, v26;
	v15 =	vld [tilespmem:s9+$0xA0]  }
0x88: {  	v62 =	vadd.f32 v16, v21;
	v63 =	vadd.f32 v18, v20;
	v18 =	vld [tilespmem:s9+$0xB0]  }
0x89: {  	v21 =	vadd.f32 v61, v25;
	v16 =	vld [tilespmem:s9+$0xE0];
	v20 =	vadd.f32 v23, v24  }
0x8a: {  	p0 =	por p1, p1;
	s8 =	simm.s32 $0x0;
	v23 =	vadd.f32 v19, v62;
	v22 =	vadd.f32 v22, v63;
	v19 =	vld [tilespmem:s9+$0xF0];
	s9 =	sadd.s32 $0x200, s9  }
.LBB2_6:
0x8b: {  	v24 =	vld [tilespmem:s9+$0xC0];
	v14 =	vadd.f32 v14, v21;
	v17 =	vadd.f32 v17, v20  }
0x8c: {  	v20 =	vld [tilespmem:s9+$0xD0];
	v21 =	vadd.f32 v12, v23;
	v22 =	vadd.f32 v13, v22  }
0x8d: {  	v12 =	vld [tilespmem:s9+$0x80];
	v14 =	vadd.f32 v15, v14;
	v15 =	vadd.f32 v18, v17  }
0x8e: {  	v13 =	vld [tilespmem:s9+$0x90];
	v17 =	vadd.f32 v10, v21;
	v18 =	vadd.f32 v11, v22  }
0x8f: {  	v22 =	vld [tilespmem:s9+$0x40];
	v14 =	vadd.f32 v16, v14;
	v15 =	vadd.f32 v19, v15  }
0x90: {  	v19 =	vld [tilespmem:s9+$0x50];
	v10 =	vmov v24  }
0x91: {  	v16 =	vld [tilespmem:s9+$0x0];
	v11 =	vmov v20  }
0x92: {  	v20 =	vld [tilespmem:s9+$0x10]  }
0x93: {  	v21 =	vld [tilespmem:s9+$0xFFFFFFC0]  }
0x94: {  	v23 =	vld [tilespmem:s9+$0xFFFFFFD0]  }
0x95: {  	v24 =	vld [tilespmem:s9+$0xFFFFFF80]  }
0x96: {  	v25 =	vld [tilespmem:s9+$0xFFFFFF90]  }
0x97: {  	v26 =	vld [tilespmem:s9+$0xFFFFFF40]  }
0x98: {  	v27 =	vld [tilespmem:s9+$0xFFFFFF50]  }
0x99: {  	v28 =	vld [tilespmem:s9+$0xFFFFFF00]  }
0x9a: {  	v29 =	vld [tilespmem:s9+$0xFFFFFF10]  }
0x9b: {  	v30 =	vld [tilespmem:s9+$0xFFFFFF20]  }
0x9c: {  	s8 =	sadd.s32 $0x8, s8;
	v31 =	vld [tilespmem:s9+$0xFFFFFF30]  }
0x9d: {  	p1 =	slt.u32 s8, $0x38;
	v32 =	vld [tilespmem:s9+$0xFFFFFF60]  }
0x9e: {  	v33 =	vld [tilespmem:s9+$0xFFFFFF70]  }
0x9f: {  	v34 =	vld [tilespmem:s9+$0xFFFFFFA0]  }
0xa0: {  	v17 =	vadd.f32 v28, v17;
	v18 =	vadd.f32 v29, v18;
	v28 =	vld [tilespmem:s9+$0xFFFFFFB0]  }
0xa1: {  	v14 =	vadd.f32 v30, v14;
	v15 =	vadd.f32 v31, v15;
	v29 =	vld [tilespmem:s9+$0xFFFFFFE0]  }
0xa2: {  	v17 =	vadd.f32 v26, v17;
	v18 =	vadd.f32 v27, v18;
	v26 =	vld [tilespmem:s9+$0xFFFFFFF0]  }
0xa3: {  	v14 =	vadd.f32 v32, v14;
	v15 =	vadd.f32 v33, v15;
	v27 =	vld [tilespmem:s9+$0x20]  }
0xa4: {  	v17 =	vadd.f32 v24, v17;
	v18 =	vadd.f32 v25, v18;
	v24 =	vld [tilespmem:s9+$0x30]  }
0xa5: {  	v25 =	vadd.f32 v34, v14;
	v15 =	vadd.f32 v28, v15;
	v14 =	vld [tilespmem:s9+$0x60]  }
.Ltmp1:
0xa6: {  	v21 =	vadd.f32 v21, v17;
	v18 =	vadd.f32 v23, v18;
	v17 =	vld [tilespmem:s9+$0x70];
	(pc) =	sbr.rel @p1 .LBB2_6-.Ltmp1, $4  }
0xa7: {  	v23 =	vadd.f32 v29, v25;
	v25 =	vadd.f32 v26, v15;
	v15 =	vld [tilespmem:s9+$0xA0]  }
0xa8: {  	v26 =	vadd.f32 v16, v21;
	v28 =	vadd.f32 v20, v18;
	v18 =	vld [tilespmem:s9+$0xB0]  }
0xa9: {  	v21 =	vadd.f32 v27, v23;
	v20 =	vadd.f32 v24, v25;
	v16 =	vld [tilespmem:s9+$0xE0]  }
0xaa: {  	v23 =	vadd.f32 v22, v26;
	v22 =	vadd.f32 v19, v28;
	v19 =	vld [tilespmem:s9+$0xF0];
	s9 =	sadd.s32 $0x200, s9  }
0xab: {  	v24 =	vld [tilespmem:s5+$0x12DC0]  }
0xac: {  	v25 =	vld [tilespmem:s5+$0x12DD0]  }
0xad: {  	v26 =	vld [tilespmem:s5+$0x12DE0]  }
0xae: {  	v14 =	vadd.f32 v14, v21;
	v58 =	vld [tilespmem:s5+$0x12DF0];
	v12 =	vadd.f32 v12, v23  }
0xaf: {  	v17 =	vadd.f32 v17, v20;
	v13 =	vadd.f32 v13, v22  }
0xb0: {  	v14 =	vadd.f32 v15, v14;
	v10 =	vadd.f32 v10, v12;
	v59 =	vmul.f32 $1.400000000e+01, v24  }
0xb1: {  	v60 =	vadd.f32 v18, v17;
	v11 =	vadd.f32 v11, v13;
	v61 =	vmul.f32 $1.400000000e+01, v25  }
0xb2: {  	s4 =	sshll.u32 s4, $0x6;
	v14 =	vadd.f32 v16, v14;
	v62 =	vmul.f32 $1.400000000e+01, v26;
	v10 =	vsub.f32 v10, v59  }
.Ltmp2:
0xb3: {  	s4 =	sand.u32 $0x3FFFFFC0, s4;
	v15 =	vadd.f32 v19, v60;
	v63 =	vmul.f32 $1.400000000e+01, v58;
	v11 =	vsub.f32 v11, v61;
	(pc) =	sbr.rel @p0 .LBB2_5-.Ltmp2, $4  }
0xb4: {  	v12 =	vsub.f32 v14, v62;
	[tilespmem:v9+s4+$0x0 ss:$0x1] =	vst.idx.msk $0xffff, v10  }
0xb5: {  	v10 =	vsub.f32 v15, v63;
	[tilespmem:v9+s4+$0x10 ss:$0x1] =	vst.idx.msk $0xffff, v11  }
0xb6: {  	[tilespmem:v9+s4+$0x20 ss:$0x1] =	vst.idx.msk $0xffff, v12  }
0xb7: {  	p1 =	por $0x0, $0x0;
	[tilespmem:v9+s4+$0x30 ss:$0x1] =	vst.idx.msk $0xffff, v10;
	s4 =	simm.s32 $0x1  }
0xb8: {  	p0 =	seq.s32 s30, $0xF  }
0xb9: {  	s16 =	sshra.s32 @!p0 s3, $0x2  }
0xba: {  	s4 =	simm.s32 @!p0 $0x80;
	s5 =	simm.s32 @!p0 $0x12180;
	s3 =	sadd.s32 @!p0 $0x200, s16  }
0xbb: {  	[tilespmem:s5], [sflag:$0x1] =	stream.indirect.gather @!p0 [hbm4b:s6+s4], $0x40, s3, s4, $0xb8;
	[tilespmem:$0x1A290] =	vst v63  }
0xbc: {  	_ =	swait.ge [sflag:s20], $0x2000  }
0xbd: {  	[sflag:s20] =	ssyncset.done $0x0  }
0xbe: {  	p2 =	por $0x1, $0x1;
	s3 =	simm.s32 $0x0;
	[sflag:s20] =	ssyncadd.s32 $0xFFFFE000  }
.LBB2_9:
0xbf: {  	s4 =	sshll.u32 s3, $0xC  }
0xc0: {  	s4 =	sand.u32 $0x3FFFF000, s4  }
0xc1: {  	s8 =	sadd.s32 $0x14280, s4  }
0xc2: {  	v10 =	vld [tilespmem:s8+$0xC0]  }
0xc3: {  	v11 =	vld [tilespmem:s8+$0xD0]  }
0xc4: {  	v12 =	vld [tilespmem:s8+$0x80]  }
0xc5: {  	v13 =	vld [tilespmem:s8+$0x90]  }
0xc6: {  	v19 =	vld [tilespmem:s8+$0x40]  }
0xc7: {  	v22 =	vld [tilespmem:s8+$0x50]  }
0xc8: {  	v16 =	vld [tilespmem:s8+$0x0]  }
0xc9: {  	v18 =	vld [tilespmem:s8+$0x10]  }
0xca: {  	v15 =	vld [tilespmem:s8+$0xFFFFFFC0]  }
0xcb: {  	v17 =	vld [tilespmem:s8+$0xFFFFFFD0]  }
0xcc: {  	v14 =	vld [tilespmem:s8+$0xFFFFFF80]  }
0xcd: {  	v20 =	vld [tilespmem:s8+$0xFFFFFF90]  }
0xce: {  	v21 =	vld [tilespmem:s8+$0xFFFFFF40]  }
0xcf: {  	v23 =	vld [tilespmem:s8+$0xFFFFFF50]  }
0xd0: {  	v24 =	vld [tilespmem:s8+$0xFFFFFF00]  }
0xd1: {  	v25 =	vld [tilespmem:s8+$0xFFFFFF10]  }
0xd2: {  	v26 =	vld [tilespmem:s8+$0xFFFFFF20]  }
0xd3: {  	v27 =	vld [tilespmem:s8+$0xFFFFFF30]  }
0xd4: {  	v28 =	vld [tilespmem:s8+$0xFFFFFF60]  }
0xd5: {  	v29 =	vld [tilespmem:s8+$0xFFFFFF70]  }
0xd6: {  	v30 =	vimm.f32 $0.0e+00;
	v31 =	vld [tilespmem:s8+$0xFFFFFFA0]  }
0xd7: {  	v32 =	vld [tilespmem:s8+$0xFFFFFFB0];
	v24 =	vadd.f32 v24, v30;
	v25 =	vadd.f32 v25, v30  }
0xd8: {  	v57 =	vld [tilespmem:s8+$0xFFFFFFE0];
	v26 =	vadd.f32 v26, v30;
	v27 =	vadd.f32 v27, v30  }
0xd9: {  	v58 =	vld [tilespmem:s8+$0xFFFFFFF0];
	v21 =	vadd.f32 v21, v24;
	v23 =	vadd.f32 v23, v25  }
0xda: {  	v61 =	vld [tilespmem:s8+$0x20];
	v59 =	vadd.f32 v28, v26;
	v60 =	vadd.f32 v29, v27  }
0xdb: {  	v21 =	vadd.f32 v14, v21;
	v20 =	vadd.f32 v20, v23;
	v23 =	vld [tilespmem:s8+$0x30]  }
0xdc: {  	v25 =	vadd.f32 v31, v59;
	v26 =	vadd.f32 v32, v60;
	v14 =	vld [tilespmem:s8+$0x60]  }
0xdd: {  	v21 =	vadd.f32 v15, v21;
	v20 =	vadd.f32 v17, v20;
	v17 =	vld [tilespmem:s8+$0x70]  }
0xde: {  	v25 =	vadd.f32 v57, v25;
	v24 =	vadd.f32 v58, v26;
	v15 =	vld [tilespmem:s8+$0xA0]  }
0xdf: {  	v62 =	vadd.f32 v16, v21;
	v63 =	vadd.f32 v18, v20;
	v18 =	vld [tilespmem:s8+$0xB0]  }
0xe0: {  	v21 =	vadd.f32 v61, v25;
	v16 =	vld [tilespmem:s8+$0xE0];
	v20 =	vadd.f32 v23, v24  }
0xe1: {  	p1 =	por p2, p2;
	s5 =	simm.s32 $0x0;
	v23 =	vadd.f32 v19, v62;
	v22 =	vadd.f32 v22, v63;
	v19 =	vld [tilespmem:s8+$0xF0];
	s8 =	sadd.s32 $0x200, s8  }
.LBB2_10:
0xe2: {  	v24 =	vld [tilespmem:s8+$0xC0];
	v14 =	vadd.f32 v14, v21;
	v17 =	vadd.f32 v17, v20  }
0xe3: {  	v20 =	vld [tilespmem:s8+$0xD0];
	v21 =	vadd.f32 v12, v23;
	v22 =	vadd.f32 v13, v22  }
0xe4: {  	v12 =	vld [tilespmem:s8+$0x80];
	v14 =	vadd.f32 v15, v14;
	v15 =	vadd.f32 v18, v17  }
0xe5: {  	v13 =	vld [tilespmem:s8+$0x90];
	v17 =	vadd.f32 v10, v21;
	v18 =	vadd.f32 v11, v22  }
0xe6: {  	v22 =	vld [tilespmem:s8+$0x40];
	v14 =	vadd.f32 v16, v14;
	v15 =	vadd.f32 v19, v15  }
0xe7: {  	v19 =	vld [tilespmem:s8+$0x50];
	v10 =	vmov v24  }
0xe8: {  	v16 =	vld [tilespmem:s8+$0x0];
	v11 =	vmov v20  }
0xe9: {  	v20 =	vld [tilespmem:s8+$0x10]  }
0xea: {  	v21 =	vld [tilespmem:s8+$0xFFFFFFC0]  }
0xeb: {  	v23 =	vld [tilespmem:s8+$0xFFFFFFD0]  }
0xec: {  	v24 =	vld [tilespmem:s8+$0xFFFFFF80]  }
0xed: {  	v25 =	vld [tilespmem:s8+$0xFFFFFF90]  }
0xee: {  	v26 =	vld [tilespmem:s8+$0xFFFFFF40]  }
0xef: {  	v27 =	vld [tilespmem:s8+$0xFFFFFF50]  }
0xf0: {  	v28 =	vld [tilespmem:s8+$0xFFFFFF00]  }
0xf1: {  	v29 =	vld [tilespmem:s8+$0xFFFFFF10]  }
0xf2: {  	v30 =	vld [tilespmem:s8+$0xFFFFFF20]  }
0xf3: {  	s5 =	sadd.s32 $0x8, s5;
	v31 =	vld [tilespmem:s8+$0xFFFFFF30]  }
0xf4: {  	p2 =	slt.u32 s5, $0x38;
	v32 =	vld [tilespmem:s8+$0xFFFFFF60]  }
0xf5: {  	v33 =	vld [tilespmem:s8+$0xFFFFFF70]  }
0xf6: {  	v34 =	vld [tilespmem:s8+$0xFFFFFFA0]  }
0xf7: {  	v17 =	vadd.f32 v28, v17;
	v18 =	vadd.f32 v29, v18;
	v28 =	vld [tilespmem:s8+$0xFFFFFFB0]  }
0xf8: {  	v14 =	vadd.f32 v30, v14;
	v15 =	vadd.f32 v31, v15;
	v29 =	vld [tilespmem:s8+$0xFFFFFFE0]  }
0xf9: {  	v17 =	vadd.f32 v26, v17;
	v18 =	vadd.f32 v27, v18;
	v26 =	vld [tilespmem:s8+$0xFFFFFFF0]  }
0xfa: {  	v14 =	vadd.f32 v32, v14;
	v15 =	vadd.f32 v33, v15;
	v27 =	vld [tilespmem:s8+$0x20]  }
0xfb: {  	v17 =	vadd.f32 v24, v17;
	v18 =	vadd.f32 v25, v18;
	v24 =	vld [tilespmem:s8+$0x30]  }
0xfc: {  	v25 =	vadd.f32 v34, v14;
	v15 =	vadd.f32 v28, v15;
	v14 =	vld [tilespmem:s8+$0x60]  }
.Ltmp3:
0xfd: {  	v21 =	vadd.f32 v21, v17;
	v18 =	vadd.f32 v23, v18;
	v17 =	vld [tilespmem:s8+$0x70];
	(pc) =	sbr.rel @p2 .LBB2_10-.Ltmp3, $4  }
0xfe: {  	v23 =	vadd.f32 v29, v25;
	v25 =	vadd.f32 v26, v15;
	v15 =	vld [tilespmem:s8+$0xA0]  }
0xff: {  	v26 =	vadd.f32 v16, v21;
	v28 =	vadd.f32 v20, v18;
	v18 =	vld [tilespmem:s8+$0xB0]  }
0x100: {  	v21 =	vadd.f32 v27, v23;
	v20 =	vadd.f32 v24, v25;
	v16 =	vld [tilespmem:s8+$0xE0]  }
0x101: {  	v23 =	vadd.f32 v22, v26;
	v22 =	vadd.f32 v19, v28;
	v19 =	vld [tilespmem:s8+$0xF0];
	s8 =	sadd.s32 $0x200, s8  }
0x102: {  	v24 =	vld [tilespmem:s4+$0x14DC0]  }
0x103: {  	v25 =	vld [tilespmem:s4+$0x14DD0]  }
0x104: {  	v26 =	vld [tilespmem:s4+$0x14DE0]  }
0x105: {  	v14 =	vadd.f32 v14, v21;
	v58 =	vld [tilespmem:s4+$0x14DF0];
	v12 =	vadd.f32 v12, v23  }
0x106: {  	v17 =	vadd.f32 v17, v20;
	v13 =	vadd.f32 v13, v22  }
0x107: {  	v14 =	vadd.f32 v15, v14;
	v10 =	vadd.f32 v10, v12;
	v59 =	vmul.f32 $1.400000000e+01, v24  }
0x108: {  	v60 =	vadd.f32 v18, v17;
	v11 =	vadd.f32 v11, v13;
	v61 =	vmul.f32 $1.400000000e+01, v25  }
0x109: {  	s3 =	sshll.u32 s3, $0x6;
	v14 =	vadd.f32 v16, v14;
	v62 =	vmul.f32 $1.400000000e+01, v26;
	v10 =	vsub.f32 v10, v59  }
.Ltmp4:
0x10a: {  	s3 =	sand.u32 $0x3FFFFFC0, s3;
	v15 =	vadd.f32 v19, v60;
	v63 =	vmul.f32 $1.400000000e+01, v58;
	v11 =	vsub.f32 v11, v61;
	(pc) =	sbr.rel @p1 .LBB2_9-.Ltmp4, $4  }
0x10b: {  	v12 =	vsub.f32 v14, v62;
	[tilespmem:v9+s3+$0x80 ss:$0x1] =	vst.idx.msk $0xffff, v10  }
0x10c: {  	v10 =	vsub.f32 v15, v63;
	[tilespmem:v9+s3+$0x90 ss:$0x1] =	vst.idx.msk $0xffff, v11  }
0x10d: {  	[tilespmem:v9+s3+$0xA0 ss:$0x1] =	vst.idx.msk $0xffff, v12  }
0x10e: {  	p2 =	por $0x0, $0x0;
	[tilespmem:v9+s3+$0xB0 ss:$0x1] =	vst.idx.msk $0xffff, v10;
	s3 =	simm.s32 $0x1  }
0x10f: {  	s3 =	sadd.s32 @!p0 $0x280, s16;
	s4 =	simm.s32 @!p0 $0x80;
	s5 =	simm.s32 @!p0 $0x14180  }
0x110: {  	[tilespmem:s5], [sflag:$0x2] =	stream.indirect.gather @!p0 [hbm4b:s6+s4], $0x40, s3, s4, $0xb8;
	[tilespmem:$0x1A290] =	vst v63  }
0x111: {  	_ =	swait.ge [sflag:s21], $0x2000  }
0x112: {  	[sflag:s21] =	ssyncset.done $0x0  }
0x113: {  	p2 =	por $0x1, $0x1;
	s3 =	simm.s32 $0x0;
	[sflag:s21] =	ssyncadd.s32 $0xFFFFE000  }
.LBB2_13:
0x114: {  	s4 =	sshll.u32 s3, $0xC  }
0x115: {  	s4 =	sand.u32 $0x3FFFF000, s4  }
0x116: {  	s8 =	sadd.s32 $0x16280, s4  }
0x117: {  	v10 =	vld [tilespmem:s8+$0xC0]  }
0x118: {  	v11 =	vld [tilespmem:s8+$0xD0]  }
0x119: {  	v12 =	vld [tilespmem:s8+$0x80]  }
0x11a: {  	v13 =	vld [tilespmem:s8+$0x90]  }
0x11b: {  	v19 =	vld [tilespmem:s8+$0x40]  }
0x11c: {  	v22 =	vld [tilespmem:s8+$0x50]  }
0x11d: {  	v16 =	vld [tilespmem:s8+$0x0]  }
0x11e: {  	v18 =	vld [tilespmem:s8+$0x10]  }
0x11f: {  	v15 =	vld [tilespmem:s8+$0xFFFFFFC0]  }
0x120: {  	v17 =	vld [tilespmem:s8+$0xFFFFFFD0]  }
0x121: {  	v14 =	vld [tilespmem:s8+$0xFFFFFF80]  }
0x122: {  	v20 =	vld [tilespmem:s8+$0xFFFFFF90]  }
0x123: {  	v21 =	vld [tilespmem:s8+$0xFFFFFF40]  }
0x124: {  	v23 =	vld [tilespmem:s8+$0xFFFFFF50]  }
0x125: {  	v24 =	vld [tilespmem:s8+$0xFFFFFF00]  }
0x126: {  	v25 =	vld [tilespmem:s8+$0xFFFFFF10]  }
0x127: {  	v26 =	vld [tilespmem:s8+$0xFFFFFF20]  }
0x128: {  	v27 =	vld [tilespmem:s8+$0xFFFFFF30]  }
0x129: {  	v28 =	vld [tilespmem:s8+$0xFFFFFF60]  }
0x12a: {  	v29 =	vld [tilespmem:s8+$0xFFFFFF70]  }
0x12b: {  	v30 =	vimm.f32 $0.0e+00;
	v31 =	vld [tilespmem:s8+$0xFFFFFFA0]  }
0x12c: {  	v32 =	vld [tilespmem:s8+$0xFFFFFFB0];
	v24 =	vadd.f32 v24, v30;
	v25 =	vadd.f32 v25, v30  }
0x12d: {  	v57 =	vld [tilespmem:s8+$0xFFFFFFE0];
	v26 =	vadd.f32 v26, v30;
	v27 =	vadd.f32 v27, v30  }
0x12e: {  	v58 =	vld [tilespmem:s8+$0xFFFFFFF0];
	v21 =	vadd.f32 v21, v24;
	v23 =	vadd.f32 v23, v25  }
0x12f: {  	v61 =	vld [tilespmem:s8+$0x20];
	v59 =	vadd.f32 v28, v26;
	v60 =	vadd.f32 v29, v27  }
0x130: {  	v21 =	vadd.f32 v14, v21;
	v20 =	vadd.f32 v20, v23;
	v23 =	vld [tilespmem:s8+$0x30]  }
0x131: {  	v25 =	vadd.f32 v31, v59;
	v26 =	vadd.f32 v32, v60;
	v14 =	vld [tilespmem:s8+$0x60]  }
0x132: {  	v21 =	vadd.f32 v15, v21;
	v20 =	vadd.f32 v17, v20;
	v17 =	vld [tilespmem:s8+$0x70]  }
0x133: {  	v25 =	vadd.f32 v57, v25;
	v24 =	vadd.f32 v58, v26;
	v15 =	vld [tilespmem:s8+$0xA0]  }
0x134: {  	v62 =	vadd.f32 v16, v21;
	v63 =	vadd.f32 v18, v20;
	v18 =	vld [tilespmem:s8+$0xB0]  }
0x135: {  	v21 =	vadd.f32 v61, v25;
	v16 =	vld [tilespmem:s8+$0xE0];
	v20 =	vadd.f32 v23, v24  }
0x136: {  	p1 =	por p2, p2;
	s5 =	simm.s32 $0x0;
	v23 =	vadd.f32 v19, v62;
	v22 =	vadd.f32 v22, v63;
	v19 =	vld [tilespmem:s8+$0xF0];
	s8 =	sadd.s32 $0x200, s8  }
.LBB2_14:
0x137: {  	v24 =	vld [tilespmem:s8+$0xC0];
	v14 =	vadd.f32 v14, v21;
	v17 =	vadd.f32 v17, v20  }
0x138: {  	v20 =	vld [tilespmem:s8+$0xD0];
	v21 =	vadd.f32 v12, v23;
	v22 =	vadd.f32 v13, v22  }
0x139: {  	v12 =	vld [tilespmem:s8+$0x80];
	v14 =	vadd.f32 v15, v14;
	v15 =	vadd.f32 v18, v17  }
0x13a: {  	v13 =	vld [tilespmem:s8+$0x90];
	v17 =	vadd.f32 v10, v21;
	v18 =	vadd.f32 v11, v22  }
0x13b: {  	v22 =	vld [tilespmem:s8+$0x40];
	v14 =	vadd.f32 v16, v14;
	v15 =	vadd.f32 v19, v15  }
0x13c: {  	v19 =	vld [tilespmem:s8+$0x50];
	v10 =	vmov v24  }
0x13d: {  	v16 =	vld [tilespmem:s8+$0x0];
	v11 =	vmov v20  }
0x13e: {  	v20 =	vld [tilespmem:s8+$0x10]  }
0x13f: {  	v21 =	vld [tilespmem:s8+$0xFFFFFFC0]  }
0x140: {  	v23 =	vld [tilespmem:s8+$0xFFFFFFD0]  }
0x141: {  	v24 =	vld [tilespmem:s8+$0xFFFFFF80]  }
0x142: {  	v25 =	vld [tilespmem:s8+$0xFFFFFF90]  }
0x143: {  	v26 =	vld [tilespmem:s8+$0xFFFFFF40]  }
0x144: {  	v27 =	vld [tilespmem:s8+$0xFFFFFF50]  }
0x145: {  	v28 =	vld [tilespmem:s8+$0xFFFFFF00]  }
0x146: {  	v29 =	vld [tilespmem:s8+$0xFFFFFF10]  }
0x147: {  	v30 =	vld [tilespmem:s8+$0xFFFFFF20]  }
0x148: {  	s5 =	sadd.s32 $0x8, s5;
	v31 =	vld [tilespmem:s8+$0xFFFFFF30]  }
0x149: {  	p2 =	slt.u32 s5, $0x38;
	v32 =	vld [tilespmem:s8+$0xFFFFFF60]  }
0x14a: {  	v33 =	vld [tilespmem:s8+$0xFFFFFF70]  }
0x14b: {  	v34 =	vld [tilespmem:s8+$0xFFFFFFA0]  }
0x14c: {  	v17 =	vadd.f32 v28, v17;
	v18 =	vadd.f32 v29, v18;
	v28 =	vld [tilespmem:s8+$0xFFFFFFB0]  }
0x14d: {  	v14 =	vadd.f32 v30, v14;
	v15 =	vadd.f32 v31, v15;
	v29 =	vld [tilespmem:s8+$0xFFFFFFE0]  }
0x14e: {  	v17 =	vadd.f32 v26, v17;
	v18 =	vadd.f32 v27, v18;
	v26 =	vld [tilespmem:s8+$0xFFFFFFF0]  }
0x14f: {  	v14 =	vadd.f32 v32, v14;
	v15 =	vadd.f32 v33, v15;
	v27 =	vld [tilespmem:s8+$0x20]  }
0x150: {  	v17 =	vadd.f32 v24, v17;
	v18 =	vadd.f32 v25, v18;
	v24 =	vld [tilespmem:s8+$0x30]  }
0x151: {  	v25 =	vadd.f32 v34, v14;
	v15 =	vadd.f32 v28, v15;
	v14 =	vld [tilespmem:s8+$0x60]  }
.Ltmp5:
0x152: {  	v21 =	vadd.f32 v21, v17;
	v18 =	vadd.f32 v23, v18;
	v17 =	vld [tilespmem:s8+$0x70];
	(pc) =	sbr.rel @p2 .LBB2_14-.Ltmp5, $4  }
0x153: {  	v23 =	vadd.f32 v29, v25;
	v25 =	vadd.f32 v26, v15;
	v15 =	vld [tilespmem:s8+$0xA0]  }
0x154: {  	v26 =	vadd.f32 v16, v21;
	v28 =	vadd.f32 v20, v18;
	v18 =	vld [tilespmem:s8+$0xB0]  }
0x155: {  	v21 =	vadd.f32 v27, v23;
	v20 =	vadd.f32 v24, v25;
	v16 =	vld [tilespmem:s8+$0xE0]  }
0x156: {  	v23 =	vadd.f32 v22, v26;
	v22 =	vadd.f32 v19, v28;
	v19 =	vld [tilespmem:s8+$0xF0];
	s8 =	sadd.s32 $0x200, s8  }
0x157: {  	v24 =	vld [tilespmem:s4+$0x16DC0]  }
0x158: {  	v25 =	vld [tilespmem:s4+$0x16DD0]  }
0x159: {  	v26 =	vld [tilespmem:s4+$0x16DE0]  }
0x15a: {  	v14 =	vadd.f32 v14, v21;
	v58 =	vld [tilespmem:s4+$0x16DF0];
	v12 =	vadd.f32 v12, v23  }
0x15b: {  	v17 =	vadd.f32 v17, v20;
	v13 =	vadd.f32 v13, v22  }
0x15c: {  	v14 =	vadd.f32 v15, v14;
	v10 =	vadd.f32 v10, v12;
	v59 =	vmul.f32 $1.400000000e+01, v24  }
0x15d: {  	v60 =	vadd.f32 v18, v17;
	v11 =	vadd.f32 v11, v13;
	v61 =	vmul.f32 $1.400000000e+01, v25  }
0x15e: {  	s3 =	sshll.u32 s3, $0x6;
	v14 =	vadd.f32 v16, v14;
	v62 =	vmul.f32 $1.400000000e+01, v26;
	v10 =	vsub.f32 v10, v59  }
.Ltmp6:
0x15f: {  	s3 =	sand.u32 $0x3FFFFFC0, s3;
	v15 =	vadd.f32 v19, v60;
	v63 =	vmul.f32 $1.400000000e+01, v58;
	v11 =	vsub.f32 v11, v61;
	(pc) =	sbr.rel @p1 .LBB2_13-.Ltmp6, $4  }
0x160: {  	v12 =	vsub.f32 v14, v62;
	[tilespmem:v9+s3+$0x100 ss:$0x1] =	vst.idx.msk $0xffff, v10  }
0x161: {  	v10 =	vsub.f32 v15, v63;
	[tilespmem:v9+s3+$0x110 ss:$0x1] =	vst.idx.msk $0xffff, v11  }
0x162: {  	[tilespmem:v9+s3+$0x120 ss:$0x1] =	vst.idx.msk $0xffff, v12  }
0x163: {  	p2 =	por $0x0, $0x0;
	[tilespmem:v9+s3+$0x130 ss:$0x1] =	vst.idx.msk $0xffff, v10;
	s3 =	simm.s32 $0x1  }
0x164: {  	s3 =	sadd.s32 @!p0 $0x300, s16;
	s4 =	simm.s32 @!p0 $0x80;
	s5 =	simm.s32 @!p0 $0x16180  }
0x165: {  	[tilespmem:s5], [sflag:$0x3] =	stream.indirect.gather @!p0 [hbm4b:s6+s4], $0x40, s3, s4, $0xb8;
	[tilespmem:$0x1A290] =	vst v63  }
0x166: {  	_ =	swait.ge [sflag:s28], $0x2000  }
0x167: {  	s31 =	sadd.s32 $0xE180, s31;
	[sflag:s28] =	ssyncset.done $0x0  }
0x168: {  	p1 =	por $0x1, $0x1;
	s3 =	simm.s32 $0x0;
	v9 =	vmov s31;
	[sflag:s28] =	ssyncadd.s32 $0xFFFFE000  }
.LBB2_17:
0x169: {  	s4 =	sshll.u32 s3, $0xC  }
0x16a: {  	s4 =	sand.u32 $0x3FFFF000, s4  }
0x16b: {  	s8 =	sadd.s32 $0x18280, s4  }
0x16c: {  	v10 =	vld [tilespmem:s8+$0xC0]  }
0x16d: {  	v11 =	vld [tilespmem:s8+$0xD0]  }
0x16e: {  	v12 =	vld [tilespmem:s8+$0x80]  }
0x16f: {  	v13 =	vld [tilespmem:s8+$0x90]  }
0x170: {  	v19 =	vld [tilespmem:s8+$0x40]  }
0x171: {  	v22 =	vld [tilespmem:s8+$0x50]  }
0x172: {  	v16 =	vld [tilespmem:s8+$0x0]  }
0x173: {  	v18 =	vld [tilespmem:s8+$0x10]  }
0x174: {  	v15 =	vld [tilespmem:s8+$0xFFFFFFC0]  }
0x175: {  	v17 =	vld [tilespmem:s8+$0xFFFFFFD0]  }
0x176: {  	v14 =	vld [tilespmem:s8+$0xFFFFFF80]  }
0x177: {  	v20 =	vld [tilespmem:s8+$0xFFFFFF90]  }
0x178: {  	v21 =	vld [tilespmem:s8+$0xFFFFFF40]  }
0x179: {  	v23 =	vld [tilespmem:s8+$0xFFFFFF50]  }
0x17a: {  	v24 =	vld [tilespmem:s8+$0xFFFFFF00]  }
0x17b: {  	v25 =	vld [tilespmem:s8+$0xFFFFFF10]  }
0x17c: {  	v26 =	vld [tilespmem:s8+$0xFFFFFF20]  }
0x17d: {  	v27 =	vld [tilespmem:s8+$0xFFFFFF30]  }
0x17e: {  	v28 =	vld [tilespmem:s8+$0xFFFFFF60]  }
0x17f: {  	v29 =	vld [tilespmem:s8+$0xFFFFFF70]  }
0x180: {  	v30 =	vimm.f32 $0.0e+00;
	v31 =	vld [tilespmem:s8+$0xFFFFFFA0]  }
0x181: {  	v32 =	vld [tilespmem:s8+$0xFFFFFFB0];
	v24 =	vadd.f32 v24, v30;
	v25 =	vadd.f32 v25, v30  }
0x182: {  	v57 =	vld [tilespmem:s8+$0xFFFFFFE0];
	v26 =	vadd.f32 v26, v30;
	v27 =	vadd.f32 v27, v30  }
0x183: {  	v58 =	vld [tilespmem:s8+$0xFFFFFFF0];
	v21 =	vadd.f32 v21, v24;
	v23 =	vadd.f32 v23, v25  }
0x184: {  	v61 =	vld [tilespmem:s8+$0x20];
	v59 =	vadd.f32 v28, v26;
	v60 =	vadd.f32 v29, v27  }
0x185: {  	v21 =	vadd.f32 v14, v21;
	v20 =	vadd.f32 v20, v23;
	v23 =	vld [tilespmem:s8+$0x30]  }
0x186: {  	v25 =	vadd.f32 v31, v59;
	v26 =	vadd.f32 v32, v60;
	v14 =	vld [tilespmem:s8+$0x60]  }
0x187: {  	v21 =	vadd.f32 v15, v21;
	v20 =	vadd.f32 v17, v20;
	v17 =	vld [tilespmem:s8+$0x70]  }
0x188: {  	v25 =	vadd.f32 v57, v25;
	v24 =	vadd.f32 v58, v26;
	v15 =	vld [tilespmem:s8+$0xA0]  }
0x189: {  	v62 =	vadd.f32 v16, v21;
	v63 =	vadd.f32 v18, v20;
	v18 =	vld [tilespmem:s8+$0xB0]  }
0x18a: {  	v21 =	vadd.f32 v61, v25;
	v16 =	vld [tilespmem:s8+$0xE0];
	v20 =	vadd.f32 v23, v24  }
0x18b: {  	p0 =	por p1, p1;
	s5 =	simm.s32 $0x0;
	v23 =	vadd.f32 v19, v62;
	v22 =	vadd.f32 v22, v63;
	v19 =	vld [tilespmem:s8+$0xF0];
	s8 =	sadd.s32 $0x200, s8  }
.LBB2_18:
0x18c: {  	v24 =	vld [tilespmem:s8+$0xC0];
	v14 =	vadd.f32 v14, v21;
	v17 =	vadd.f32 v17, v20  }
0x18d: {  	v20 =	vld [tilespmem:s8+$0xD0];
	v21 =	vadd.f32 v12, v23;
	v22 =	vadd.f32 v13, v22  }
0x18e: {  	v12 =	vld [tilespmem:s8+$0x80];
	v14 =	vadd.f32 v15, v14;
	v15 =	vadd.f32 v18, v17  }
0x18f: {  	v13 =	vld [tilespmem:s8+$0x90];
	v17 =	vadd.f32 v10, v21;
	v18 =	vadd.f32 v11, v22  }
0x190: {  	v22 =	vld [tilespmem:s8+$0x40];
	v14 =	vadd.f32 v16, v14;
	v15 =	vadd.f32 v19, v15  }
0x191: {  	v19 =	vld [tilespmem:s8+$0x50];
	v10 =	vmov v24  }
0x192: {  	v16 =	vld [tilespmem:s8+$0x0];
	v11 =	vmov v20  }
0x193: {  	v20 =	vld [tilespmem:s8+$0x10]  }
0x194: {  	v21 =	vld [tilespmem:s8+$0xFFFFFFC0]  }
0x195: {  	v23 =	vld [tilespmem:s8+$0xFFFFFFD0]  }
0x196: {  	v24 =	vld [tilespmem:s8+$0xFFFFFF80]  }
0x197: {  	v25 =	vld [tilespmem:s8+$0xFFFFFF90]  }
0x198: {  	v26 =	vld [tilespmem:s8+$0xFFFFFF40]  }
0x199: {  	v27 =	vld [tilespmem:s8+$0xFFFFFF50]  }
0x19a: {  	v28 =	vld [tilespmem:s8+$0xFFFFFF00]  }
0x19b: {  	v29 =	vld [tilespmem:s8+$0xFFFFFF10]  }
0x19c: {  	v30 =	vld [tilespmem:s8+$0xFFFFFF20]  }
0x19d: {  	s5 =	sadd.s32 $0x8, s5;
	v31 =	vld [tilespmem:s8+$0xFFFFFF30]  }
0x19e: {  	p1 =	slt.u32 s5, $0x38;
	v32 =	vld [tilespmem:s8+$0xFFFFFF60]  }
0x19f: {  	v33 =	vld [tilespmem:s8+$0xFFFFFF70]  }
0x1a0: {  	v34 =	vld [tilespmem:s8+$0xFFFFFFA0]  }
0x1a1: {  	v17 =	vadd.f32 v28, v17;
	v18 =	vadd.f32 v29, v18;
	v28 =	vld [tilespmem:s8+$0xFFFFFFB0]  }
0x1a2: {  	v14 =	vadd.f32 v30, v14;
	v15 =	vadd.f32 v31, v15;
	v29 =	vld [tilespmem:s8+$0xFFFFFFE0]  }
0x1a3: {  	v17 =	vadd.f32 v26, v17;
	v18 =	vadd.f32 v27, v18;
	v26 =	vld [tilespmem:s8+$0xFFFFFFF0]  }
0x1a4: {  	v14 =	vadd.f32 v32, v14;
	v15 =	vadd.f32 v33, v15;
	v27 =	vld [tilespmem:s8+$0x20]  }
0x1a5: {  	v17 =	vadd.f32 v24, v17;
	v18 =	vadd.f32 v25, v18;
	v24 =	vld [tilespmem:s8+$0x30]  }
0x1a6: {  	v25 =	vadd.f32 v34, v14;
	v15 =	vadd.f32 v28, v15;
	v14 =	vld [tilespmem:s8+$0x60]  }
.Ltmp7:
0x1a7: {  	v21 =	vadd.f32 v21, v17;
	v18 =	vadd.f32 v23, v18;
	v17 =	vld [tilespmem:s8+$0x70];
	(pc) =	sbr.rel @p1 .LBB2_18-.Ltmp7, $4  }
0x1a8: {  	v23 =	vadd.f32 v29, v25;
	v25 =	vadd.f32 v26, v15;
	v15 =	vld [tilespmem:s8+$0xA0]  }
0x1a9: {  	v26 =	vadd.f32 v16, v21;
	v28 =	vadd.f32 v20, v18;
	v18 =	vld [tilespmem:s8+$0xB0]  }
0x1aa: {  	v21 =	vadd.f32 v27, v23;
	v20 =	vadd.f32 v24, v25;
	v16 =	vld [tilespmem:s8+$0xE0]  }
0x1ab: {  	v23 =	vadd.f32 v22, v26;
	v22 =	vadd.f32 v19, v28;
	v19 =	vld [tilespmem:s8+$0xF0];
	s8 =	sadd.s32 $0x200, s8  }
0x1ac: {  	v24 =	vld [tilespmem:s4+$0x18DC0]  }
0x1ad: {  	v25 =	vld [tilespmem:s4+$0x18DD0]  }
0x1ae: {  	v26 =	vld [tilespmem:s4+$0x18DE0]  }
0x1af: {  	v14 =	vadd.f32 v14, v21;
	v58 =	vld [tilespmem:s4+$0x18DF0];
	v12 =	vadd.f32 v12, v23  }
0x1b0: {  	v17 =	vadd.f32 v17, v20;
	v13 =	vadd.f32 v13, v22  }
0x1b1: {  	v14 =	vadd.f32 v15, v14;
	v10 =	vadd.f32 v10, v12;
	v59 =	vmul.f32 $1.400000000e+01, v24  }
0x1b2: {  	v60 =	vadd.f32 v18, v17;
	v11 =	vadd.f32 v11, v13;
	v61 =	vmul.f32 $1.400000000e+01, v25  }
0x1b3: {  	s3 =	sshll.u32 s3, $0x6;
	v14 =	vadd.f32 v16, v14;
	v62 =	vmul.f32 $1.400000000e+01, v26;
	v10 =	vsub.f32 v10, v59  }
.Ltmp8:
0x1b4: {  	s3 =	sand.u32 $0x3FFFFFC0, s3;
	v15 =	vadd.f32 v19, v60;
	v63 =	vmul.f32 $1.400000000e+01, v58;
	v11 =	vsub.f32 v11, v61;
	(pc) =	sbr.rel @p0 .LBB2_17-.Ltmp8, $4  }
0x1b5: {  	v12 =	vsub.f32 v14, v62;
	[tilespmem:v9+s3+$0x0 ss:$0x1] =	vst.idx.msk $0xffff, v10  }
0x1b6: {  	v10 =	vsub.f32 v15, v63;
	[tilespmem:v9+s3+$0x10 ss:$0x1] =	vst.idx.msk $0xffff, v11  }
0x1b7: {  	[tilespmem:v9+s3+$0x20 ss:$0x1] =	vst.idx.msk $0xffff, v12  }
0x1b8: {  	p1 =	por $0x0, $0x0;
	[tilespmem:v9+s3+$0x30 ss:$0x1] =	vst.idx.msk $0xffff, v10;
	s3 =	simm.s32 $0x1  }
0x1b9: {  	s30 =	sadd.s32 $0x1, s30  }
0x1ba: {  	p0 =	sne.s32 s30, $0x10  }
.Ltmp9:
0x1bb: {  	_ = 	snop;
	(pc) =	sbr.rel @p0 .LBB2_4-.Ltmp9, $1  }
0x1bc: {  	_ =	sdelay $0x3  }
0x1bd: {  	s2 =	simm.s32 $0x4180  }
0x1be: {  	[tilespmem:s10], [sflag:$0x1] =	stream.indirect.gather [hbm4b:s7+s14], $0x40, s2, s14, $0xb8;
	[tilespmem:$0x1A290] =	vst v63  }
0x1bf: {  	s25 =	simm.s32 $0x4200  }
0x1c0: {  	[tilespmem:s11], [sflag:$0x2] =	stream.indirect.gather [hbm4b:s7+s14], $0x40, s25, s14, $0xb8;
	[tilespmem:$0x1A290] =	vst v63  }
0x1c1: {  	s31 =	simm.s32 $0x4280;
	s30 =	simm.s32 $0x0  }
0x1c2: {  	[tilespmem:s22], [sflag:$0x3] =	stream.indirect.gather [hbm4b:s7+s14], $0x40, s31, s14, $0xb8;
	[tilespmem:$0x1A290] =	vst v63  }
.LBB2_22:
0x1c3: {  	s31 =	sshllo.u32 s30, $0x2  }
0x1c4: {  	s3 =	sshll.u32 s31, $0x7  }
0x1c5: {  	s3 =	sand.u32 $0x3FFFFF80, s3  }
0x1c6: {  	s3 =	sadd.s32 $0x4180, s3  }
0x1c7: {  	[tilespmem:s26], [sflag:$0x4] =	stream.indirect.gather [hbm4b:s7+s14], $0x40, s3, s14, $0xb8;
	[tilespmem:$0x1A290] =	vst v63  }
0x1c8: {  	_ =	swait.ge [sflag:s19], $0x2000  }
0x1c9: {  	[sflag:s19] =	ssyncset.done $0x0  }
0x1ca: {  	s24 =	sshll.u32 s30, $0x3;
	s16 =	simm.s32 $0x0;
	[sflag:s19] =	ssyncadd.s32 $0xFFFFE000  }
.LBB2_23:
0x1cb: {  	s5 =	sshrl.u32 s16, $0x2  }
0x1cc: {  	s4 =	sadd.s32 s24, s5  }
0x1cd: {  	s22 =	sshll.u32 s4, $0x6  }
0x1ce: {  	v9 =	vld [tilespmem:s22+$0xE180]  }
0x1cf: {  	s3 =	sand.u32 $0x3, s16;
	p0 =	por $0x1, $0x1;
	v10 =	vld [tilespmem:s22+$0xE190]  }
0x1d0: {  	p1 =	por $0x1, $0x1;
	s5 =	sshll.u32 s5, $0x6;
	s23 =	sshll.u32 s3, $0x4;
	v11 =	vld [tilespmem:s22+$0xE1A0]  }
0x1d1: {  	s8 =	simm.s32 $0x0;
	s25 =	sor.u32 s23, s5;
	s5 =	simm.s32 $0x0;
	v12 =	vld [tilespmem:s22+$0xE1B0]  }
.LBB2_24:
0x1d2: {  	s9 =	sor.u32 s25, s8  }
0x1d3: {  	s9 =	sshll.u32 s9, $0x6  }
0x1d4: {  	s9 =	sand.u32 $0x3FFFFFC0, s9  }
0x1d5: {  	v13 =	vld [tilespmem:s9+$0x12180]  }
0x1d6: {  	v14 =	vld [tilespmem:s9+$0x12190];
	_ =	sdelay $0x1  }
0x1d7: {  	v15 =	vld [tilespmem:s9+$0x121A0];
	_ =	sdelay $0x1  }
0x1d8: {  	v16 =	vld [tilespmem:s9+$0x121B0]  }
0x1d9: {  	v13 =	vmul.f32 v13, v9;
	v14 =	vmul.f32 v14, v10;
	_ =	sdelay $0x1  }
0x1da: {  	v13 =	vadd.f32 v14, v13;
	v14 =	vmul.f32 v15, v11;
	_ =	sdelay $0x1  }
0x1db: {  	v13 =	vadd.f32 v14, v13;
	v14 =	vmul.f32 v16, v12  }
0x1dc: {  	s2 =	sor.u32 $0x1, s8  }
0x1dd: {  	s10 =	sshll.u32 s8, $0x4;
	s11 =	sor.u32 s25, s2;
	v13 =	vadd.f32 v14, v13  }
0x1de: {  	s10 =	sand.u32 $0x3FFFFFF0, s10;
	s11 =	sshll.u32 s11, $0x6  }
0x1df: {  	s11 =	sand.u32 $0x3FFFFFC0, s11;
	[tilespmem:s10+$0x1A180] =	vst v13  }
0x1e0: {  	v13 =	vld [tilespmem:s11+$0x12180]  }
0x1e1: {  	v14 =	vld [tilespmem:s11+$0x12190];
	_ =	sdelay $0x1  }
0x1e2: {  	v15 =	vld [tilespmem:s11+$0x121A0];
	_ =	sdelay $0x1  }
0x1e3: {  	v57 =	vld [tilespmem:s11+$0x121B0]  }
0x1e4: {  	v13 =	vmul.f32 v13, v9;
	v14 =	vmul.f32 v14, v10;
	_ =	sdelay $0x1  }
0x1e5: {  	v13 =	vadd.f32 v14, v13;
	v14 =	vmul.f32 v15, v11;
	_ =	sdelay $0x1  }
0x1e6: {  	v13 =	vadd.f32 v14, v13;
	v14 =	vmul.f32 v57, v12  }
0x1e7: {  	s10 =	sor.u32 $0x2, s8  }
0x1e8: {  	s9 =	sshll.u32 s2, $0x4;
	s2 =	sor.u32 s25, s10;
	v13 =	vadd.f32 v14, v13  }
0x1e9: {  	s9 =	sand.u32 $0x3FFFFFF0, s9;
	s11 =	sshll.u32 s2, $0x6  }
0x1ea: {  	s11 =	sand.u32 $0x3FFFFFC0, s11;
	[tilespmem:s9+$0x1A180] =	vst v13  }
0x1eb: {  	v13 =	vld [tilespmem:s11+$0x12180]  }
0x1ec: {  	v14 =	vld [tilespmem:s11+$0x12190];
	_ =	sdelay $0x1  }
0x1ed: {  	v15 =	vld [tilespmem:s11+$0x121A0];
	_ =	sdelay $0x1  }
0x1ee: {  	v58 =	vld [tilespmem:s11+$0x121B0]  }
0x1ef: {  	v13 =	vmul.f32 v13, v9;
	v14 =	vmul.f32 v14, v10;
	_ =	sdelay $0x1  }
0x1f0: {  	v13 =	vadd.f32 v14, v13;
	v14 =	vmul.f32 v15, v11;
	_ =	sdelay $0x1  }
0x1f1: {  	v13 =	vadd.f32 v14, v13;
	v14 =	vmul.f32 v58, v12  }
0x1f2: {  	s9 =	sor.u32 $0x3, s8  }
0x1f3: {  	s10 =	sshll.u32 s10, $0x4;
	s2 =	sor.u32 s25, s9;
	v13 =	vadd.f32 v14, v13  }
0x1f4: {  	s10 =	sand.u32 $0x3FFFFFF0, s10;
	s11 =	sshll.u32 s2, $0x6  }
0x1f5: {  	s11 =	sand.u32 $0x3FFFFFC0, s11;
	[tilespmem:s10+$0x1A180] =	vst v13  }
0x1f6: {  	v13 =	vld [tilespmem:s11+$0x12180]  }
0x1f7: {  	v14 =	vld [tilespmem:s11+$0x12190];
	_ =	sdelay $0x1  }
0x1f8: {  	v15 =	vld [tilespmem:s11+$0x121A0];
	_ =	sdelay $0x1  }
0x1f9: {  	v59 =	vld [tilespmem:s11+$0x121B0]  }
0x1fa: {  	v13 =	vmul.f32 v13, v9;
	v14 =	vmul.f32 v14, v10;
	_ =	sdelay $0x1  }
0x1fb: {  	v13 =	vadd.f32 v14, v13;
	v14 =	vmul.f32 v15, v11;
	_ =	sdelay $0x1  }
0x1fc: {  	v13 =	vadd.f32 v14, v13;
	v14 =	vmul.f32 v59, v12  }
0x1fd: {  	s10 =	sor.u32 $0x4, s8  }
0x1fe: {  	s9 =	sshll.u32 s9, $0x4;
	s2 =	sor.u32 s25, s10;
	v13 =	vadd.f32 v14, v13  }
0x1ff: {  	s9 =	sand.u32 $0x3FFFFFF0, s9;
	s11 =	sshll.u32 s2, $0x6  }
0x200: {  	s11 =	sand.u32 $0x3FFFFFC0, s11;
	[tilespmem:s9+$0x1A180] =	vst v13  }
0x201: {  	v13 =	vld [tilespmem:s11+$0x12180]  }
0x202: {  	v14 =	vld [tilespmem:s11+$0x12190];
	_ =	sdelay $0x1  }
0x203: {  	v15 =	vld [tilespmem:s11+$0x121A0];
	_ =	sdelay $0x1  }
0x204: {  	v60 =	vld [tilespmem:s11+$0x121B0]  }
0x205: {  	v13 =	vmul.f32 v13, v9;
	v14 =	vmul.f32 v14, v10;
	_ =	sdelay $0x1  }
0x206: {  	v13 =	vadd.f32 v14, v13;
	v14 =	vmul.f32 v15, v11;
	_ =	sdelay $0x1  }
0x207: {  	v13 =	vadd.f32 v14, v13;
	v14 =	vmul.f32 v60, v12  }
0x208: {  	s9 =	sor.u32 $0x5, s8  }
0x209: {  	s10 =	sshll.u32 s10, $0x4;
	s2 =	sor.u32 s25, s9;
	v13 =	vadd.f32 v14, v13  }
0x20a: {  	s10 =	sand.u32 $0x3FFFFFF0, s10;
	s11 =	sshll.u32 s2, $0x6  }
0x20b: {  	s11 =	sand.u32 $0x3FFFFFC0, s11;
	[tilespmem:s10+$0x1A180] =	vst v13  }
0x20c: {  	v13 =	vld [tilespmem:s11+$0x12180]  }
0x20d: {  	v14 =	vld [tilespmem:s11+$0x12190];
	_ =	sdelay $0x1  }
0x20e: {  	v15 =	vld [tilespmem:s11+$0x121A0];
	_ =	sdelay $0x1  }
0x20f: {  	v61 =	vld [tilespmem:s11+$0x121B0]  }
0x210: {  	v13 =	vmul.f32 v13, v9;
	v14 =	vmul.f32 v14, v10;
	_ =	sdelay $0x1  }
0x211: {  	v13 =	vadd.f32 v14, v13;
	v14 =	vmul.f32 v15, v11;
	_ =	sdelay $0x1  }
0x212: {  	v13 =	vadd.f32 v14, v13;
	v14 =	vmul.f32 v61, v12  }
0x213: {  	s10 =	sor.u32 $0x6, s8  }
0x214: {  	s9 =	sshll.u32 s9, $0x4;
	s2 =	sor.u32 s25, s10;
	v13 =	vadd.f32 v14, v13  }
0x215: {  	s9 =	sand.u32 $0x3FFFFFF0, s9;
	s11 =	sshll.u32 s2, $0x6  }
0x216: {  	s2 =	sand.u32 $0x3FFFFFC0, s11;
	[tilespmem:s9+$0x1A180] =	vst v13  }
0x217: {  	v13 =	vld [tilespmem:s2+$0x12180]  }
0x218: {  	v14 =	vld [tilespmem:s2+$0x12190];
	_ =	sdelay $0x1  }
0x219: {  	v15 =	vld [tilespmem:s2+$0x121A0];
	_ =	sdelay $0x1  }
0x21a: {  	v62 =	vld [tilespmem:s2+$0x121B0]  }
0x21b: {  	v13 =	vmul.f32 v13, v9;
	v14 =	vmul.f32 v14, v10;
	_ =	sdelay $0x1  }
0x21c: {  	v13 =	vadd.f32 v14, v13;
	v14 =	vmul.f32 v15, v11;
	_ =	sdelay $0x1  }
0x21d: {  	v13 =	vadd.f32 v14, v13;
	v14 =	vmul.f32 v62, v12  }
0x21e: {  	s8 =	sor.u32 $0x7, s8  }
0x21f: {  	s11 =	sshll.u32 s10, $0x4;
	s2 =	sor.u32 s25, s8;
	v13 =	vadd.f32 v14, v13  }
0x220: {  	s9 =	sand.u32 $0x3FFFFFF0, s11;
	s10 =	sshll.u32 s2, $0x6  }
0x221: {  	s11 =	sand.u32 $0x3FFFFFC0, s10;
	[tilespmem:s9+$0x1A180] =	vst v13  }
0x222: {  	v13 =	vld [tilespmem:s11+$0x12180]  }
0x223: {  	v14 =	vld [tilespmem:s11+$0x12190];
	_ =	sdelay $0x1  }
0x224: {  	v15 =	vld [tilespmem:s11+$0x121A0];
	_ =	sdelay $0x1  }
0x225: {  	v63 =	vld [tilespmem:s11+$0x121B0]  }
0x226: {  	v13 =	vmul.f32 v13, v9;
	v14 =	vmul.f32 v14, v10;
	_ =	sdelay $0x1  }
0x227: {  	v13 =	vadd.f32 v14, v13;
	v14 =	vmul.f32 v15, v11  }
0x228: {  	p2 =	por p1, p1  }
.Ltmp10:
0x229: {  	v13 =	vadd.f32 v14, v13;
	v14 =	vmul.f32 v63, v12;
	(pc) =	sbr.rel @p2 .LBB2_24-.Ltmp10, $4  }
0x22a: {  	_ = 	snop  }
0x22b: {  	s8 =	sshll.u32 s8, $0x4;
	v13 =	vadd.f32 v14, v13  }
0x22c: {  	s8 =	sand.u32 $0x3FFFFFF0, s8  }
0x22d: {  	p1 =	por $0x0, $0x0;
	[tilespmem:s8+$0x1A180] =	vst v13;
	v13 =	vimm.f32 $0.0e+00;
	s8 =	simm.s32 $0x8  }
.LBB2_25:
0x22e: {  	v9 =	vmov s5  }
0x22f: {  	v9 =	vshrl.u32 v9, $0x3  }
0x230: {  	v9 =	vshll.u32 v9, $0x3  }
0x231: {  	v9 =	vbroadcast v9, $0x0;
	_ =	sdelay $0x1  }
0x232: {  	v10 =	vor.u32 v1, v9;
	_ =	sdelay $0x1  }
0x233: {  	v11 =	vor.u32 v2, v9;
	_ =	sdelay $0x1  }
0x234: {  	v12 =	vor.u32 v3, v9  }
0x235: {  	v10 =	vld.idx.msk [tilespmem:v10+s0+$0x0], $0xffff  }
0x236: {  	v14 =	vor.u32 v4, v9  }
0x237: {  	v11 =	vld.idx.msk [tilespmem:v11+s0+$0x0], $0xffff  }
0x238: {  	v15 =	vor.u32 v5, v9  }
0x239: {  	v12 =	vld.idx.msk [tilespmem:v12+s0+$0x0], $0xffff  }
0x23a: {  	v10 =	vadd.f32 v10, v13;
	v13 =	vor.u32 v6, v9  }
0x23b: {  	v14 =	vld.idx.msk [tilespmem:v14+s0+$0x0], $0xffff  }
0x23c: {  	v10 =	vadd.f32 v11, v10;
	v11 =	vor.u32 v7, v9  }
0x23d: {  	v15 =	vld.idx.msk [tilespmem:v15+s0+$0x0], $0xffff  }
0x23e: {  	v9 =	vor.u32 v8, v9;
	v10 =	vadd.f32 v12, v10  }
0x23f: {  	v12 =	vld.idx.msk [tilespmem:v13+s0+$0x0], $0xffff  }
0x240: {  	v10 =	vadd.f32 v14, v10  }
0x241: {  	v11 =	vld.idx.msk [tilespmem:v11+s0+$0x0], $0xffff  }
0x242: {  	v10 =	vadd.f32 v15, v10  }
0x243: {  	p1 =	por p0, p0;
	v9 =	vld.idx.msk [tilespmem:v9+s0+$0x0], $0xffff  }
.Ltmp11:
0x244: {  	v10 =	vadd.f32 v12, v10;
	(pc) =	sbr.rel @p1 .LBB2_25-.Ltmp11, $3  }
0x245: {  	_ = 	snop  }
0x246: {  	v10 =	vadd.f32 v11, v10;
	_ =	sdelay $0x1  }
0x247: {  	s5 =	simm.s32 $0x8;
	p0 =	por $0x0, $0x0;
	v13 =	vadd.f32 v9, v10  }
0x248: {  	_ = 	snop  }
0x249: {  	v9 =	vsub.f32 $0.0e+00, v13;
	_ =	sdelay $0x1  }
0x24a: {  	v9 =	vmul.f32 $1.442695020e+00, v9  }
0x24b: {  	v10 =	vmov s4  }
0x24c: {  	(erf) = vpow2.f32 v9;
	_ =	sdelay $0x3  }
0x24d: {  	v9 =	vld.idx.msk [tilespmem:v10+s1+$0x0], $0xffff  }
0x24e: {  	s3 =	smul.u32 $0xF, s3;
	_ =	sdelay $0x1  }
0x24f: {  	v11 =	vadd.s32 s3, v0  }
0x250: {  	v11 =	vmin.u32 v11, $0x3B  }
0x251: {  	v10 =	vmul.u32 $0xF0, v10;
	v9 =	vadd.s32 v11, v9;
	v12 =	vpop (erf)  }
0x252: {  	v63 =	vand.u32 $0xFFFFFFF8, v9;
	v11 =	vadd.f32 $1.000000000e+00, v12  }
0x253: {  	v9 =	vand.u32 $0x7, v9;
	v10 =	vadd.s32 v10, v63  }
0x254: {  	v9 =	vor.u32 v9, v10;
	(erf) = vrcp.f32 v11;
	_ =	sdelay $0x4  }
0x255: {  	v9 =	vld.idx.msk [tilespmem:v9+s17+$0x0], $0xffff;
	_ =	sdelay $0x1  }
0x256: {  	s16 =	sadd.s32 $0x1, s16  }
0x257: {  	p0 =	sne.s32 s16, $0x8  }
.Ltmp12:
0x258: {  	vm0 =	veq.s32 v0, $0xF;
	v10 =	vpop (erf);
	(pc) =	sbr.rel @p0 .LBB2_23-.Ltmp12, $4  }
0x259: {  	v9 =	vsel vm0, $0x0, v9;
	v11 =	vsub.f32 $1.000000000e+00, v10  }
0x25a: {  	vm0 =	veq.s32 v9, $0x1  }
0x25b: {  	s25 =	sadd.s32 s23, s22;
	v9 =	vsel vm0, v10, v11  }
0x25c: {  	[tilespmem:s25+$0x10180] =	vst v9  }
0x25d: {  	p0 =	seq.s32 s30, $0xF  }
0x25e: {  	s3 =	sshll.u32 @!p0 s30, $0x9  }
0x25f: {  	s16 =	sand.u32 @!p0 $0x3FFFFE00, s3  }
0x260: {  	s4 =	simm.s32 @!p0 $0x80;
	s5 =	simm.s32 @!p0 $0x12180;
	s3 =	sadd.s32 @!p0 $0x4380, s16  }
0x261: {  	[tilespmem:s5], [sflag:$0x1] =	stream.indirect.gather @!p0 [hbm4b:s7+s4], $0x40, s3, s4, $0xb8;
	[tilespmem:$0x1A290] =	vst v63  }
0x262: {  	_ =	swait.ge [sflag:s20], $0x2000  }
0x263: {  	[sflag:s20] =	ssyncset.done $0x0  }
0x264: {  	s22 =	sor.u32 $0x2, s24;
	s23 =	simm.s32 $0x0;
	[sflag:s20] =	ssyncadd.s32 $0xFFFFE000  }
.LBB2_28:
0x265: {  	s3 =	sshrl.u32 s23, $0x2  }
0x266: {  	s5 =	sadd.s32 s22, s3  }
0x267: {  	s25 =	sshll.u32 s5, $0x6  }
0x268: {  	v9 =	vld [tilespmem:s25+$0xE180]  }
0x269: {  	s4 =	sand.u32 $0x3, s23;
	v10 =	vld [tilespmem:s25+$0xE190]  }
0x26a: {  	p1 =	por $0x1, $0x1;
	s8 =	sshll.u32 s3, $0x6;
	s3 =	sshll.u32 s4, $0x4;
	v11 =	vld [tilespmem:s25+$0xE1A0]  }
0x26b: {  	p2 =	por $0x1, $0x1;
	s9 =	simm.s32 $0x0;
	s8 =	sor.u32 s3, s8;
	v12 =	vld [tilespmem:s25+$0xE1B0]  }
.LBB2_29:
0x26c: {  	s10 =	sor.u32 s8, s9  }
0x26d: {  	s10 =	sshll.u32 s10, $0x6  }
0x26e: {  	s10 =	sand.u32 $0x3FFFFFC0, s10  }
0x26f: {  	v13 =	vld [tilespmem:s10+$0x14180]  }
0x270: {  	v14 =	vld [tilespmem:s10+$0x14190];
	_ =	sdelay $0x1  }
0x271: {  	v15 =	vld [tilespmem:s10+$0x141A0];
	_ =	sdelay $0x1  }
0x272: {  	v16 =	vld [tilespmem:s10+$0x141B0]  }
0x273: {  	v13 =	vmul.f32 v13, v9;
	v14 =	vmul.f32 v14, v10;
	_ =	sdelay $0x1  }
0x274: {  	v13 =	vadd.f32 v14, v13;
	v14 =	vmul.f32 v15, v11;
	_ =	sdelay $0x1  }
0x275: {  	v13 =	vadd.f32 v14, v13;
	v14 =	vmul.f32 v16, v12  }
0x276: {  	s10 =	sor.u32 $0x1, s9  }
0x277: {  	s11 =	sshll.u32 s9, $0x4;
	s2 =	sor.u32 s8, s10;
	v13 =	vadd.f32 v14, v13  }
0x278: {  	s11 =	sand.u32 $0x3FFFFFF0, s11;
	s2 =	sshll.u32 s2, $0x6  }
0x279: {  	s2 =	sand.u32 $0x3FFFFFC0, s2;
	[tilespmem:s11+$0x1A180] =	vst v13  }
0x27a: {  	v13 =	vld [tilespmem:s2+$0x14180]  }
0x27b: {  	v14 =	vld [tilespmem:s2+$0x14190];
	_ =	sdelay $0x1  }
0x27c: {  	v15 =	vld [tilespmem:s2+$0x141A0];
	_ =	sdelay $0x1  }
0x27d: {  	v57 =	vld [tilespmem:s2+$0x141B0]  }
0x27e: {  	v13 =	vmul.f32 v13, v9;
	v14 =	vmul.f32 v14, v10;
	_ =	sdelay $0x1  }
0x27f: {  	v13 =	vadd.f32 v14, v13;
	v14 =	vmul.f32 v15, v11;
	_ =	sdelay $0x1  }
0x280: {  	v13 =	vadd.f32 v14, v13;
	v14 =	vmul.f32 v57, v12  }
0x281: {  	s2 =	sor.u32 $0x2, s9  }
0x282: {  	s10 =	sshll.u32 s10, $0x4;
	s11 =	sor.u32 s8, s2;
	v13 =	vadd.f32 v14, v13  }
0x283: {  	s10 =	sand.u32 $0x3FFFFFF0, s10;
	s11 =	sshll.u32 s11, $0x6  }
0x284: {  	s11 =	sand.u32 $0x3FFFFFC0, s11;
	[tilespmem:s10+$0x1A180] =	vst v13  }
0x285: {  	v13 =	vld [tilespmem:s11+$0x14180]  }
0x286: {  	v14 =	vld [tilespmem:s11+$0x14190];
	_ =	sdelay $0x1  }
0x287: {  	v15 =	vld [tilespmem:s11+$0x141A0];
	_ =	sdelay $0x1  }
0x288: {  	v58 =	vld [tilespmem:s11+$0x141B0]  }
0x289: {  	v13 =	vmul.f32 v13, v9;
	v14 =	vmul.f32 v14, v10;
	_ =	sdelay $0x1  }
0x28a: {  	v13 =	vadd.f32 v14, v13;
	v14 =	vmul.f32 v15, v11;
	_ =	sdelay $0x1  }
0x28b: {  	v13 =	vadd.f32 v14, v13;
	v14 =	vmul.f32 v58, v12  }
0x28c: {  	s10 =	sor.u32 $0x3, s9  }
0x28d: {  	s2 =	sshll.u32 s2, $0x4;
	s11 =	sor.u32 s8, s10;
	v13 =	vadd.f32 v14, v13  }
0x28e: {  	s2 =	sand.u32 $0x3FFFFFF0, s2;
	s11 =	sshll.u32 s11, $0x6  }
0x28f: {  	s11 =	sand.u32 $0x3FFFFFC0, s11;
	[tilespmem:s2+$0x1A180] =	vst v13  }
0x290: {  	v13 =	vld [tilespmem:s11+$0x14180]  }
0x291: {  	v14 =	vld [tilespmem:s11+$0x14190];
	_ =	sdelay $0x1  }
0x292: {  	v15 =	vld [tilespmem:s11+$0x141A0];
	_ =	sdelay $0x1  }
0x293: {  	v59 =	vld [tilespmem:s11+$0x141B0]  }
0x294: {  	v13 =	vmul.f32 v13, v9;
	v14 =	vmul.f32 v14, v10;
	_ =	sdelay $0x1  }
0x295: {  	v13 =	vadd.f32 v14, v13;
	v14 =	vmul.f32 v15, v11;
	_ =	sdelay $0x1  }
0x296: {  	v13 =	vadd.f32 v14, v13;
	v14 =	vmul.f32 v59, v12  }
0x297: {  	s2 =	sor.u32 $0x4, s9  }
0x298: {  	s10 =	sshll.u32 s10, $0x4;
	s11 =	sor.u32 s8, s2;
	v13 =	vadd.f32 v14, v13  }
0x299: {  	s10 =	sand.u32 $0x3FFFFFF0, s10;
	s11 =	sshll.u32 s11, $0x6  }
0x29a: {  	s11 =	sand.u32 $0x3FFFFFC0, s11;
	[tilespmem:s10+$0x1A180] =	vst v13  }
0x29b: {  	v13 =	vld [tilespmem:s11+$0x14180]  }
0x29c: {  	v14 =	vld [tilespmem:s11+$0x14190];
	_ =	sdelay $0x1  }
0x29d: {  	v15 =	vld [tilespmem:s11+$0x141A0];
	_ =	sdelay $0x1  }
0x29e: {  	v60 =	vld [tilespmem:s11+$0x141B0]  }
0x29f: {  	v13 =	vmul.f32 v13, v9;
	v14 =	vmul.f32 v14, v10;
	_ =	sdelay $0x1  }
0x2a0: {  	v13 =	vadd.f32 v14, v13;
	v14 =	vmul.f32 v15, v11;
	_ =	sdelay $0x1  }
0x2a1: {  	v13 =	vadd.f32 v14, v13;
	v14 =	vmul.f32 v60, v12  }
0x2a2: {  	s10 =	sor.u32 $0x5, s9  }
0x2a3: {  	s2 =	sshll.u32 s2, $0x4;
	s11 =	sor.u32 s8, s10;
	v13 =	vadd.f32 v14, v13  }
0x2a4: {  	s2 =	sand.u32 $0x3FFFFFF0, s2;
	s11 =	sshll.u32 s11, $0x6  }
0x2a5: {  	s11 =	sand.u32 $0x3FFFFFC0, s11;
	[tilespmem:s2+$0x1A180] =	vst v13  }
0x2a6: {  	v13 =	vld [tilespmem:s11+$0x14180]  }
0x2a7: {  	v14 =	vld [tilespmem:s11+$0x14190];
	_ =	sdelay $0x1  }
0x2a8: {  	v15 =	vld [tilespmem:s11+$0x141A0];
	_ =	sdelay $0x1  }
0x2a9: {  	v61 =	vld [tilespmem:s11+$0x141B0]  }
0x2aa: {  	v13 =	vmul.f32 v13, v9;
	v14 =	vmul.f32 v14, v10;
	_ =	sdelay $0x1  }
0x2ab: {  	v13 =	vadd.f32 v14, v13;
	v14 =	vmul.f32 v15, v11;
	_ =	sdelay $0x1  }
0x2ac: {  	v13 =	vadd.f32 v14, v13;
	v14 =	vmul.f32 v61, v12  }
0x2ad: {  	s2 =	sor.u32 $0x6, s9  }
0x2ae: {  	s10 =	sshll.u32 s10, $0x4;
	s11 =	sor.u32 s8, s2;
	v13 =	vadd.f32 v14, v13  }
0x2af: {  	s10 =	sand.u32 $0x3FFFFFF0, s10;
	s11 =	sshll.u32 s11, $0x6  }
0x2b0: {  	s11 =	sand.u32 $0x3FFFFFC0, s11;
	[tilespmem:s10+$0x1A180] =	vst v13  }
0x2b1: {  	v13 =	vld [tilespmem:s11+$0x14180]  }
0x2b2: {  	v14 =	vld [tilespmem:s11+$0x14190];
	_ =	sdelay $0x1  }
0x2b3: {  	v15 =	vld [tilespmem:s11+$0x141A0];
	_ =	sdelay $0x1  }
0x2b4: {  	v62 =	vld [tilespmem:s11+$0x141B0]  }
0x2b5: {  	v13 =	vmul.f32 v13, v9;
	v14 =	vmul.f32 v14, v10;
	_ =	sdelay $0x1  }
0x2b6: {  	v13 =	vadd.f32 v14, v13;
	v14 =	vmul.f32 v15, v11;
	_ =	sdelay $0x1  }
0x2b7: {  	v13 =	vadd.f32 v14, v13;
	v14 =	vmul.f32 v62, v12  }
0x2b8: {  	s9 =	sor.u32 $0x7, s9  }
0x2b9: {  	s2 =	sshll.u32 s2, $0x4;
	s11 =	sor.u32 s8, s9;
	v13 =	vadd.f32 v14, v13  }
0x2ba: {  	s2 =	sand.u32 $0x3FFFFFF0, s2;
	s10 =	sshll.u32 s11, $0x6  }
0x2bb: {  	s10 =	sand.u32 $0x3FFFFFC0, s10;
	[tilespmem:s2+$0x1A180] =	vst v13  }
0x2bc: {  	v13 =	vld [tilespmem:s10+$0x14180]  }
0x2bd: {  	v14 =	vld [tilespmem:s10+$0x14190];
	_ =	sdelay $0x1  }
0x2be: {  	v15 =	vld [tilespmem:s10+$0x141A0];
	_ =	sdelay $0x1  }
0x2bf: {  	v63 =	vld [tilespmem:s10+$0x141B0]  }
0x2c0: {  	v13 =	vmul.f32 v13, v9;
	v14 =	vmul.f32 v14, v10;
	_ =	sdelay $0x1  }
0x2c1: {  	v13 =	vadd.f32 v14, v13;
	v14 =	vmul.f32 v15, v11  }
0x2c2: {  	p3 =	por p2, p2  }
.Ltmp13:
0x2c3: {  	v13 =	vadd.f32 v14, v13;
	v14 =	vmul.f32 v63, v12;
	(pc) =	sbr.rel @p3 .LBB2_29-.Ltmp13, $4  }
0x2c4: {  	_ = 	snop  }
0x2c5: {  	s11 =	sshll.u32 s9, $0x4;
	v13 =	vadd.f32 v14, v13  }
0x2c6: {  	s2 =	sand.u32 $0x3FFFFFF0, s11  }
0x2c7: {  	p2 =	por $0x0, $0x0;
	s9 =	simm.s32 $0x8;
	s10 =	simm.s32 $0x0;
	[tilespmem:s2+$0x1A180] =	vst v13;
	v13 =	vimm.f32 $0.0e+00  }
.LBB2_30:
0x2c8: {  	v9 =	vmov s10  }
0x2c9: {  	v9 =	vshrl.u32 v9, $0x3  }
0x2ca: {  	v9 =	vshll.u32 v9, $0x3  }
0x2cb: {  	v9 =	vbroadcast v9, $0x0;
	_ =	sdelay $0x1  }
0x2cc: {  	v10 =	vor.u32 v1, v9;
	_ =	sdelay $0x1  }
0x2cd: {  	v11 =	vor.u32 v2, v9;
	_ =	sdelay $0x1  }
0x2ce: {  	v12 =	vor.u32 v3, v9  }
0x2cf: {  	v10 =	vld.idx.msk [tilespmem:v10+s0+$0x0], $0xffff  }
0x2d0: {  	v14 =	vor.u32 v4, v9  }
0x2d1: {  	v11 =	vld.idx.msk [tilespmem:v11+s0+$0x0], $0xffff  }
0x2d2: {  	v15 =	vor.u32 v5, v9  }
0x2d3: {  	v12 =	vld.idx.msk [tilespmem:v12+s0+$0x0], $0xffff  }
0x2d4: {  	v10 =	vadd.f32 v10, v13;
	v13 =	vor.u32 v6, v9  }
0x2d5: {  	v14 =	vld.idx.msk [tilespmem:v14+s0+$0x0], $0xffff  }
0x2d6: {  	v10 =	vadd.f32 v11, v10;
	v11 =	vor.u32 v7, v9  }
0x2d7: {  	v15 =	vld.idx.msk [tilespmem:v15+s0+$0x0], $0xffff  }
0x2d8: {  	v9 =	vor.u32 v8, v9;
	v10 =	vadd.f32 v12, v10  }
0x2d9: {  	v12 =	vld.idx.msk [tilespmem:v13+s0+$0x0], $0xffff  }
0x2da: {  	v10 =	vadd.f32 v14, v10  }
0x2db: {  	v11 =	vld.idx.msk [tilespmem:v11+s0+$0x0], $0xffff  }
0x2dc: {  	v10 =	vadd.f32 v15, v10  }
0x2dd: {  	p2 =	por p1, p1;
	v9 =	vld.idx.msk [tilespmem:v9+s0+$0x0], $0xffff  }
.Ltmp14:
0x2de: {  	v10 =	vadd.f32 v12, v10;
	(pc) =	sbr.rel @p2 .LBB2_30-.Ltmp14, $3  }
0x2df: {  	_ = 	snop  }
0x2e0: {  	v10 =	vadd.f32 v11, v10;
	_ =	sdelay $0x1  }
0x2e1: {  	s10 =	simm.s32 $0x8;
	p1 =	por $0x0, $0x0;
	v13 =	vadd.f32 v9, v10  }
0x2e2: {  	_ = 	snop  }
0x2e3: {  	v9 =	vsub.f32 $0.0e+00, v13;
	_ =	sdelay $0x1  }
0x2e4: {  	v9 =	vmul.f32 $1.442695020e+00, v9  }
0x2e5: {  	v10 =	vmov s5  }
0x2e6: {  	(erf) = vpow2.f32 v9;
	_ =	sdelay $0x3  }
0x2e7: {  	v9 =	vld.idx.msk [tilespmem:v10+s1+$0x0], $0xffff  }
0x2e8: {  	s2 =	smul.u32 $0xF, s4;
	_ =	sdelay $0x1  }
0x2e9: {  	v11 =	vadd.s32 s2, v0  }
0x2ea: {  	v11 =	vmin.u32 v11, $0x3B  }
0x2eb: {  	v10 =	vmul.u32 $0xF0, v10;
	v9 =	vadd.s32 v11, v9;
	v12 =	vpop (erf)  }
0x2ec: {  	v63 =	vand.u32 $0xFFFFFFF8, v9;
	v11 =	vadd.f32 $1.000000000e+00, v12  }
0x2ed: {  	v9 =	vand.u32 $0x7, v9;
	v10 =	vadd.s32 v10, v63  }
0x2ee: {  	v9 =	vor.u32 v9, v10;
	(erf) = vrcp.f32 v11;
	_ =	sdelay $0x4  }
0x2ef: {  	v9 =	vld.idx.msk [tilespmem:v9+s17+$0x0], $0xffff;
	_ =	sdelay $0x1  }
0x2f0: {  	s23 =	sadd.s32 $0x1, s23  }
0x2f1: {  	p1 =	sne.s32 s23, $0x8  }
.Ltmp15:
0x2f2: {  	vm0 =	veq.s32 v0, $0xF;
	v10 =	vpop (erf);
	(pc) =	sbr.rel @p1 .LBB2_28-.Ltmp15, $4  }
0x2f3: {  	v9 =	vsel vm0, $0x0, v9;
	v11 =	vsub.f32 $1.000000000e+00, v10  }
0x2f4: {  	vm0 =	veq.s32 v9, $0x1  }
0x2f5: {  	s25 =	sadd.s32 s3, s25;
	v9 =	vsel vm0, v10, v11  }
0x2f6: {  	[tilespmem:s25+$0x10180] =	vst v9  }
0x2f7: {  	s2 =	sadd.s32 @!p0 $0x4400, s16;
	s3 =	simm.s32 @!p0 $0x80;
	s4 =	simm.s32 @!p0 $0x14180  }
0x2f8: {  	[tilespmem:s4], [sflag:$0x2] =	stream.indirect.gather @!p0 [hbm4b:s7+s3], $0x40, s2, s3, $0xb8;
	[tilespmem:$0x1A290] =	vst v63  }
0x2f9: {  	_ =	swait.ge [sflag:s21], $0x2000  }
0x2fa: {  	[sflag:s21] =	ssyncset.done $0x0  }
0x2fb: {  	s22 =	sor.u32 $0x4, s24;
	s23 =	simm.s32 $0x0;
	[sflag:s21] =	ssyncadd.s32 $0xFFFFE000  }
.LBB2_33:
0x2fc: {  	s2 =	sshrl.u32 s23, $0x2  }
0x2fd: {  	s5 =	sadd.s32 s22, s2  }
0x2fe: {  	s24 =	sshll.u32 s5, $0x6  }
0x2ff: {  	v9 =	vld [tilespmem:s24+$0xE180]  }
0x300: {  	s4 =	sand.u32 $0x3, s23;
	v10 =	vld [tilespmem:s24+$0xE190]  }
0x301: {  	p1 =	por $0x1, $0x1;
	s2 =	sshll.u32 s2, $0x6;
	s3 =	sshll.u32 s4, $0x4;
	v11 =	vld [tilespmem:s24+$0xE1A0]  }
0x302: {  	p2 =	por $0x1, $0x1;
	s9 =	simm.s32 $0x0;
	s8 =	sor.u32 s3, s2;
	v12 =	vld [tilespmem:s24+$0xE1B0]  }
.LBB2_34:
0x303: {  	s2 =	sor.u32 s8, s9  }
0x304: {  	s2 =	sshll.u32 s2, $0x6  }
0x305: {  	s2 =	sand.u32 $0x3FFFFFC0, s2  }
0x306: {  	v13 =	vld [tilespmem:s2+$0x16180]  }
0x307: {  	v14 =	vld [tilespmem:s2+$0x16190];
	_ =	sdelay $0x1  }
0x308: {  	v15 =	vld [tilespmem:s2+$0x161A0];
	_ =	sdelay $0x1  }
0x309: {  	v16 =	vld [tilespmem:s2+$0x161B0]  }
0x30a: {  	v13 =	vmul.f32 v13, v9;
	v14 =	vmul.f32 v14, v10;
	_ =	sdelay $0x1  }
0x30b: {  	v13 =	vadd.f32 v14, v13;
	v14 =	vmul.f32 v15, v11;
	_ =	sdelay $0x1  }
0x30c: {  	v13 =	vadd.f32 v14, v13;
	v14 =	vmul.f32 v16, v12  }
0x30d: {  	s25 =	sor.u32 $0x1, s9  }
0x30e: {  	s10 =	sshll.u32 s9, $0x4;
	s11 =	sor.u32 s8, s25;
	v13 =	vadd.f32 v14, v13  }
0x30f: {  	s10 =	sand.u32 $0x3FFFFFF0, s10;
	s11 =	sshll.u32 s11, $0x6  }
0x310: {  	s11 =	sand.u32 $0x3FFFFFC0, s11;
	[tilespmem:s10+$0x1A180] =	vst v13  }
0x311: {  	v13 =	vld [tilespmem:s11+$0x16180]  }
0x312: {  	v14 =	vld [tilespmem:s11+$0x16190];
	_ =	sdelay $0x1  }
0x313: {  	v15 =	vld [tilespmem:s11+$0x161A0];
	_ =	sdelay $0x1  }
0x314: {  	v57 =	vld [tilespmem:s11+$0x161B0]  }
0x315: {  	v13 =	vmul.f32 v13, v9;
	v14 =	vmul.f32 v14, v10;
	_ =	sdelay $0x1  }
0x316: {  	v13 =	vadd.f32 v14, v13;
	v14 =	vmul.f32 v15, v11;
	_ =	sdelay $0x1  }
0x317: {  	v13 =	vadd.f32 v14, v13;
	v14 =	vmul.f32 v57, v12  }
0x318: {  	s10 =	sor.u32 $0x2, s9  }
0x319: {  	s2 =	sshll.u32 s25, $0x4;
	s25 =	sor.u32 s8, s10;
	v13 =	vadd.f32 v14, v13  }
0x31a: {  	s2 =	sand.u32 $0x3FFFFFF0, s2;
	s11 =	sshll.u32 s25, $0x6  }
0x31b: {  	s11 =	sand.u32 $0x3FFFFFC0, s11;
	[tilespmem:s2+$0x1A180] =	vst v13  }
0x31c: {  	v13 =	vld [tilespmem:s11+$0x16180]  }
0x31d: {  	v14 =	vld [tilespmem:s11+$0x16190];
	_ =	sdelay $0x1  }
0x31e: {  	v15 =	vld [tilespmem:s11+$0x161A0];
	_ =	sdelay $0x1  }
0x31f: {  	v58 =	vld [tilespmem:s11+$0x161B0]  }
0x320: {  	v13 =	vmul.f32 v13, v9;
	v14 =	vmul.f32 v14, v10;
	_ =	sdelay $0x1  }
0x321: {  	v13 =	vadd.f32 v14, v13;
	v14 =	vmul.f32 v15, v11;
	_ =	sdelay $0x1  }
0x322: {  	v13 =	vadd.f32 v14, v13;
	v14 =	vmul.f32 v58, v12  }
0x323: {  	s2 =	sor.u32 $0x3, s9  }
0x324: {  	s10 =	sshll.u32 s10, $0x4;
	s25 =	sor.u32 s8, s2;
	v13 =	vadd.f32 v14, v13  }
0x325: {  	s10 =	sand.u32 $0x3FFFFFF0, s10;
	s11 =	sshll.u32 s25, $0x6  }
0x326: {  	s11 =	sand.u32 $0x3FFFFFC0, s11;
	[tilespmem:s10+$0x1A180] =	vst v13  }
0x327: {  	v13 =	vld [tilespmem:s11+$0x16180]  }
0x328: {  	v14 =	vld [tilespmem:s11+$0x16190];
	_ =	sdelay $0x1  }
0x329: {  	v15 =	vld [tilespmem:s11+$0x161A0];
	_ =	sdelay $0x1  }
0x32a: {  	v59 =	vld [tilespmem:s11+$0x161B0]  }
0x32b: {  	v13 =	vmul.f32 v13, v9;
	v14 =	vmul.f32 v14, v10;
	_ =	sdelay $0x1  }
0x32c: {  	v13 =	vadd.f32 v14, v13;
	v14 =	vmul.f32 v15, v11;
	_ =	sdelay $0x1  }
0x32d: {  	v13 =	vadd.f32 v14, v13;
	v14 =	vmul.f32 v59, v12  }
0x32e: {  	s10 =	sor.u32 $0x4, s9  }
0x32f: {  	s2 =	sshll.u32 s2, $0x4;
	s25 =	sor.u32 s8, s10;
	v13 =	vadd.f32 v14, v13  }
0x330: {  	s2 =	sand.u32 $0x3FFFFFF0, s2;
	s11 =	sshll.u32 s25, $0x6  }
0x331: {  	s11 =	sand.u32 $0x3FFFFFC0, s11;
	[tilespmem:s2+$0x1A180] =	vst v13  }
0x332: {  	v13 =	vld [tilespmem:s11+$0x16180]  }
0x333: {  	v14 =	vld [tilespmem:s11+$0x16190];
	_ =	sdelay $0x1  }
0x334: {  	v15 =	vld [tilespmem:s11+$0x161A0];
	_ =	sdelay $0x1  }
0x335: {  	v60 =	vld [tilespmem:s11+$0x161B0]  }
0x336: {  	v13 =	vmul.f32 v13, v9;
	v14 =	vmul.f32 v14, v10;
	_ =	sdelay $0x1  }
0x337: {  	v13 =	vadd.f32 v14, v13;
	v14 =	vmul.f32 v15, v11;
	_ =	sdelay $0x1  }
0x338: {  	v13 =	vadd.f32 v14, v13;
	v14 =	vmul.f32 v60, v12  }
0x339: {  	s2 =	sor.u32 $0x5, s9  }
0x33a: {  	s10 =	sshll.u32 s10, $0x4;
	s25 =	sor.u32 s8, s2;
	v13 =	vadd.f32 v14, v13  }
0x33b: {  	s10 =	sand.u32 $0x3FFFFFF0, s10;
	s11 =	sshll.u32 s25, $0x6  }
0x33c: {  	s11 =	sand.u32 $0x3FFFFFC0, s11;
	[tilespmem:s10+$0x1A180] =	vst v13  }
0x33d: {  	v13 =	vld [tilespmem:s11+$0x16180]  }
0x33e: {  	v14 =	vld [tilespmem:s11+$0x16190];
	_ =	sdelay $0x1  }
0x33f: {  	v15 =	vld [tilespmem:s11+$0x161A0];
	_ =	sdelay $0x1  }
0x340: {  	v61 =	vld [tilespmem:s11+$0x161B0]  }
0x341: {  	v13 =	vmul.f32 v13, v9;
	v14 =	vmul.f32 v14, v10;
	_ =	sdelay $0x1  }
0x342: {  	v13 =	vadd.f32 v14, v13;
	v14 =	vmul.f32 v15, v11;
	_ =	sdelay $0x1  }
0x343: {  	v13 =	vadd.f32 v14, v13;
	v14 =	vmul.f32 v61, v12  }
0x344: {  	s10 =	sor.u32 $0x6, s9  }
0x345: {  	s2 =	sshll.u32 s2, $0x4;
	s25 =	sor.u32 s8, s10;
	v13 =	vadd.f32 v14, v13  }
0x346: {  	s2 =	sand.u32 $0x3FFFFFF0, s2;
	s11 =	sshll.u32 s25, $0x6  }
0x347: {  	s25 =	sand.u32 $0x3FFFFFC0, s11;
	[tilespmem:s2+$0x1A180] =	vst v13  }
0x348: {  	v13 =	vld [tilespmem:s25+$0x16180]  }
0x349: {  	v14 =	vld [tilespmem:s25+$0x16190];
	_ =	sdelay $0x1  }
0x34a: {  	v15 =	vld [tilespmem:s25+$0x161A0];
	_ =	sdelay $0x1  }
0x34b: {  	v62 =	vld [tilespmem:s25+$0x161B0]  }
0x34c: {  	v13 =	vmul.f32 v13, v9;
	v14 =	vmul.f32 v14, v10;
	_ =	sdelay $0x1  }
0x34d: {  	v13 =	vadd.f32 v14, v13;
	v14 =	vmul.f32 v15, v11;
	_ =	sdelay $0x1  }
0x34e: {  	v13 =	vadd.f32 v14, v13;
	v14 =	vmul.f32 v62, v12  }
0x34f: {  	s2 =	sor.u32 $0x7, s9  }
0x350: {  	s10 =	sshll.u32 s10, $0x4;
	s11 =	sor.u32 s8, s2;
	v13 =	vadd.f32 v14, v13  }
0x351: {  	s9 =	sand.u32 $0x3FFFFFF0, s10;
	s10 =	sshll.u32 s11, $0x6  }
0x352: {  	s25 =	sand.u32 $0x3FFFFFC0, s10;
	[tilespmem:s9+$0x1A180] =	vst v13  }
0x353: {  	v13 =	vld [tilespmem:s25+$0x16180]  }
0x354: {  	v14 =	vld [tilespmem:s25+$0x16190];
	_ =	sdelay $0x1  }
0x355: {  	v15 =	vld [tilespmem:s25+$0x161A0];
	_ =	sdelay $0x1  }
0x356: {  	v63 =	vld [tilespmem:s25+$0x161B0]  }
0x357: {  	v13 =	vmul.f32 v13, v9;
	v14 =	vmul.f32 v14, v10;
	_ =	sdelay $0x1  }
0x358: {  	v13 =	vadd.f32 v14, v13;
	v14 =	vmul.f32 v15, v11  }
0x359: {  	p3 =	por p2, p2  }
.Ltmp16:
0x35a: {  	v13 =	vadd.f32 v14, v13;
	v14 =	vmul.f32 v63, v12;
	(pc) =	sbr.rel @p3 .LBB2_34-.Ltmp16, $4  }
0x35b: {  	_ = 	snop  }
0x35c: {  	s2 =	sshll.u32 s2, $0x4;
	v13 =	vadd.f32 v14, v13  }
0x35d: {  	s2 =	sand.u32 $0x3FFFFFF0, s2  }
0x35e: {  	p2 =	por $0x0, $0x0;
	s10 =	simm.s32 $0x0;
	s9 =	simm.s32 $0x8;
	[tilespmem:s2+$0x1A180] =	vst v13;
	v13 =	vimm.f32 $0.0e+00  }
.LBB2_35:
0x35f: {  	v9 =	vmov s10  }
0x360: {  	v9 =	vshrl.u32 v9, $0x3  }
0x361: {  	v9 =	vshll.u32 v9, $0x3  }
0x362: {  	v9 =	vbroadcast v9, $0x0;
	_ =	sdelay $0x1  }
0x363: {  	v10 =	vor.u32 v1, v9;
	_ =	sdelay $0x1  }
0x364: {  	v11 =	vor.u32 v2, v9;
	_ =	sdelay $0x1  }
0x365: {  	v12 =	vor.u32 v3, v9  }
0x366: {  	v10 =	vld.idx.msk [tilespmem:v10+s0+$0x0], $0xffff  }
0x367: {  	v14 =	vor.u32 v4, v9  }
0x368: {  	v11 =	vld.idx.msk [tilespmem:v11+s0+$0x0], $0xffff  }
0x369: {  	v15 =	vor.u32 v5, v9  }
0x36a: {  	v12 =	vld.idx.msk [tilespmem:v12+s0+$0x0], $0xffff  }
0x36b: {  	v10 =	vadd.f32 v10, v13;
	v13 =	vor.u32 v6, v9  }
0x36c: {  	v14 =	vld.idx.msk [tilespmem:v14+s0+$0x0], $0xffff  }
0x36d: {  	v10 =	vadd.f32 v11, v10;
	v11 =	vor.u32 v7, v9  }
0x36e: {  	v15 =	vld.idx.msk [tilespmem:v15+s0+$0x0], $0xffff  }
0x36f: {  	v9 =	vor.u32 v8, v9;
	v10 =	vadd.f32 v12, v10  }
0x370: {  	v12 =	vld.idx.msk [tilespmem:v13+s0+$0x0], $0xffff  }
0x371: {  	v10 =	vadd.f32 v14, v10  }
0x372: {  	v11 =	vld.idx.msk [tilespmem:v11+s0+$0x0], $0xffff  }
0x373: {  	v10 =	vadd.f32 v15, v10  }
0x374: {  	p2 =	por p1, p1;
	v9 =	vld.idx.msk [tilespmem:v9+s0+$0x0], $0xffff  }
.Ltmp17:
0x375: {  	v10 =	vadd.f32 v12, v10;
	(pc) =	sbr.rel @p2 .LBB2_35-.Ltmp17, $3  }
0x376: {  	_ = 	snop  }
0x377: {  	v10 =	vadd.f32 v11, v10;
	_ =	sdelay $0x1  }
0x378: {  	s10 =	simm.s32 $0x8;
	p1 =	por $0x0, $0x0;
	v13 =	vadd.f32 v9, v10  }
0x379: {  	_ = 	snop  }
0x37a: {  	v9 =	vsub.f32 $0.0e+00, v13;
	_ =	sdelay $0x1  }
0x37b: {  	v9 =	vmul.f32 $1.442695020e+00, v9  }
0x37c: {  	v10 =	vmov s5  }
0x37d: {  	(erf) = vpow2.f32 v9;
	_ =	sdelay $0x3  }
0x37e: {  	v9 =	vld.idx.msk [tilespmem:v10+s1+$0x0], $0xffff  }
0x37f: {  	s2 =	smul.u32 $0xF, s4;
	_ =	sdelay $0x1  }
0x380: {  	v11 =	vadd.s32 s2, v0  }
0x381: {  	v11 =	vmin.u32 v11, $0x3B  }
0x382: {  	v10 =	vmul.u32 $0xF0, v10;
	v9 =	vadd.s32 v11, v9;
	v12 =	vpop (erf)  }
0x383: {  	v63 =	vand.u32 $0xFFFFFFF8, v9;
	v11 =	vadd.f32 $1.000000000e+00, v12  }
0x384: {  	v9 =	vand.u32 $0x7, v9;
	v10 =	vadd.s32 v10, v63  }
0x385: {  	v9 =	vor.u32 v9, v10;
	(erf) = vrcp.f32 v11;
	_ =	sdelay $0x4  }
0x386: {  	v9 =	vld.idx.msk [tilespmem:v9+s17+$0x0], $0xffff;
	_ =	sdelay $0x1  }
0x387: {  	s23 =	sadd.s32 $0x1, s23  }
0x388: {  	p1 =	sne.s32 s23, $0x8  }
.Ltmp18:
0x389: {  	vm0 =	veq.s32 v0, $0xF;
	v10 =	vpop (erf);
	(pc) =	sbr.rel @p1 .LBB2_33-.Ltmp18, $4  }
0x38a: {  	v9 =	vsel vm0, $0x0, v9;
	v11 =	vsub.f32 $1.000000000e+00, v10  }
0x38b: {  	vm0 =	veq.s32 v9, $0x1  }
0x38c: {  	s25 =	sadd.s32 s3, s24;
	v9 =	vsel vm0, v10, v11  }
0x38d: {  	[tilespmem:s25+$0x10180] =	vst v9  }
0x38e: {  	s2 =	sadd.s32 @!p0 $0x4480, s16;
	s3 =	simm.s32 @!p0 $0x80;
	s4 =	simm.s32 @!p0 $0x16180  }
0x38f: {  	[tilespmem:s4], [sflag:$0x3] =	stream.indirect.gather @!p0 [hbm4b:s7+s3], $0x40, s2, s3, $0xb8;
	[tilespmem:$0x1A290] =	vst v63  }
0x390: {  	_ =	swait.ge [sflag:s28], $0x2000  }
0x391: {  	[sflag:s28] =	ssyncset.done $0x0  }
0x392: {  	s16 =	sshll.u32 s31, $0x1;
	s22 =	simm.s32 $0x0;
	[sflag:s28] =	ssyncadd.s32 $0xFFFFE000  }
.LBB2_38:
0x393: {  	s2 =	sshrl.u32 s22, $0x2  }
0x394: {  	s5 =	sadd.s32 s16, s2  }
0x395: {  	s23 =	sshll.u32 s5, $0x6  }
0x396: {  	v9 =	vld [tilespmem:s23+$0xE180]  }
0x397: {  	s4 =	sand.u32 $0x3, s22;
	v10 =	vld [tilespmem:s23+$0xE190]  }
0x398: {  	p0 =	por $0x1, $0x1;
	s2 =	sshll.u32 s2, $0x6;
	s3 =	sshll.u32 s4, $0x4;
	v11 =	vld [tilespmem:s23+$0xE1A0]  }
0x399: {  	p1 =	por $0x1, $0x1;
	s9 =	simm.s32 $0x0;
	s8 =	sor.u32 s3, s2;
	v12 =	vld [tilespmem:s23+$0xE1B0]  }
.LBB2_39:
0x39a: {  	s2 =	sor.u32 s8, s9  }
0x39b: {  	s2 =	sshll.u32 s2, $0x6  }
0x39c: {  	s2 =	sand.u32 $0x3FFFFFC0, s2  }
0x39d: {  	v13 =	vld [tilespmem:s2+$0x18180]  }
0x39e: {  	v14 =	vld [tilespmem:s2+$0x18190];
	_ =	sdelay $0x1  }
0x39f: {  	v15 =	vld [tilespmem:s2+$0x181A0];
	_ =	sdelay $0x1  }
0x3a0: {  	v16 =	vld [tilespmem:s2+$0x181B0]  }
0x3a1: {  	v13 =	vmul.f32 v13, v9;
	v14 =	vmul.f32 v14, v10;
	_ =	sdelay $0x1  }
0x3a2: {  	v13 =	vadd.f32 v14, v13;
	v14 =	vmul.f32 v15, v11;
	_ =	sdelay $0x1  }
0x3a3: {  	v13 =	vadd.f32 v14, v13;
	v14 =	vmul.f32 v16, v12  }
0x3a4: {  	s31 =	sor.u32 $0x1, s9  }
0x3a5: {  	s10 =	sshll.u32 s9, $0x4;
	s11 =	sor.u32 s8, s31;
	v13 =	vadd.f32 v14, v13  }
0x3a6: {  	s10 =	sand.u32 $0x3FFFFFF0, s10;
	s11 =	sshll.u32 s11, $0x6  }
0x3a7: {  	s11 =	sand.u32 $0x3FFFFFC0, s11;
	[tilespmem:s10+$0x1A180] =	vst v13  }
0x3a8: {  	v13 =	vld [tilespmem:s11+$0x18180]  }
0x3a9: {  	v14 =	vld [tilespmem:s11+$0x18190];
	_ =	sdelay $0x1  }
0x3aa: {  	v15 =	vld [tilespmem:s11+$0x181A0];
	_ =	sdelay $0x1  }
0x3ab: {  	v57 =	vld [tilespmem:s11+$0x181B0]  }
0x3ac: {  	v13 =	vmul.f32 v13, v9;
	v14 =	vmul.f32 v14, v10;
	_ =	sdelay $0x1  }
0x3ad: {  	v13 =	vadd.f32 v14, v13;
	v14 =	vmul.f32 v15, v11;
	_ =	sdelay $0x1  }
0x3ae: {  	v13 =	vadd.f32 v14, v13;
	v14 =	vmul.f32 v57, v12  }
0x3af: {  	s10 =	sor.u32 $0x2, s9  }
0x3b0: {  	s2 =	sshll.u32 s31, $0x4;
	s24 =	sor.u32 s8, s10;
	v13 =	vadd.f32 v14, v13  }
0x3b1: {  	s2 =	sand.u32 $0x3FFFFFF0, s2;
	s11 =	sshll.u32 s24, $0x6  }
0x3b2: {  	s25 =	sand.u32 $0x3FFFFFC0, s11;
	[tilespmem:s2+$0x1A180] =	vst v13  }
0x3b3: {  	v13 =	vld [tilespmem:s25+$0x18180]  }
0x3b4: {  	v14 =	vld [tilespmem:s25+$0x18190];
	_ =	sdelay $0x1  }
0x3b5: {  	v15 =	vld [tilespmem:s25+$0x181A0];
	_ =	sdelay $0x1  }
0x3b6: {  	v58 =	vld [tilespmem:s25+$0x181B0]  }
0x3b7: {  	v13 =	vmul.f32 v13, v9;
	v14 =	vmul.f32 v14, v10;
	_ =	sdelay $0x1  }
0x3b8: {  	v13 =	vadd.f32 v14, v13;
	v14 =	vmul.f32 v15, v11;
	_ =	sdelay $0x1  }
0x3b9: {  	v13 =	vadd.f32 v14, v13;
	v14 =	vmul.f32 v58, v12  }
0x3ba: {  	s31 =	sor.u32 $0x3, s9  }
0x3bb: {  	s10 =	sshll.u32 s10, $0x4;
	s24 =	sor.u32 s8, s31;
	v13 =	vadd.f32 v14, v13  }
0x3bc: {  	s10 =	sand.u32 $0x3FFFFFF0, s10;
	s11 =	sshll.u32 s24, $0x6  }
0x3bd: {  	s25 =	sand.u32 $0x3FFFFFC0, s11;
	[tilespmem:s10+$0x1A180] =	vst v13  }
0x3be: {  	v13 =	vld [tilespmem:s25+$0x18180]  }
0x3bf: {  	v14 =	vld [tilespmem:s25+$0x18190];
	_ =	sdelay $0x1  }
0x3c0: {  	v15 =	vld [tilespmem:s25+$0x181A0];
	_ =	sdelay $0x1  }
0x3c1: {  	v59 =	vld [tilespmem:s25+$0x181B0]  }
0x3c2: {  	v13 =	vmul.f32 v13, v9;
	v14 =	vmul.f32 v14, v10;
	_ =	sdelay $0x1  }
0x3c3: {  	v13 =	vadd.f32 v14, v13;
	v14 =	vmul.f32 v15, v11;
	_ =	sdelay $0x1  }
0x3c4: {  	v13 =	vadd.f32 v14, v13;
	v14 =	vmul.f32 v59, v12  }
0x3c5: {  	s10 =	sor.u32 $0x4, s9  }
0x3c6: {  	s2 =	sshll.u32 s31, $0x4;
	s31 =	sor.u32 s8, s10;
	v13 =	vadd.f32 v14, v13  }
0x3c7: {  	s2 =	sand.u32 $0x3FFFFFF0, s2;
	s11 =	sshll.u32 s31, $0x6  }
0x3c8: {  	s24 =	sand.u32 $0x3FFFFFC0, s11;
	[tilespmem:s2+$0x1A180] =	vst v13  }
0x3c9: {  	v13 =	vld [tilespmem:s24+$0x18180]  }
0x3ca: {  	v14 =	vld [tilespmem:s24+$0x18190];
	_ =	sdelay $0x1  }
0x3cb: {  	v15 =	vld [tilespmem:s24+$0x181A0];
	_ =	sdelay $0x1  }
0x3cc: {  	v60 =	vld [tilespmem:s24+$0x181B0]  }
0x3cd: {  	v13 =	vmul.f32 v13, v9;
	v14 =	vmul.f32 v14, v10;
	_ =	sdelay $0x1  }
0x3ce: {  	v13 =	vadd.f32 v14, v13;
	v14 =	vmul.f32 v15, v11;
	_ =	sdelay $0x1  }
0x3cf: {  	v13 =	vadd.f32 v14, v13;
	v14 =	vmul.f32 v60, v12  }
0x3d0: {  	s25 =	sor.u32 $0x5, s9  }
0x3d1: {  	s10 =	sshll.u32 s10, $0x4;
	s31 =	sor.u32 s8, s25;
	v13 =	vadd.f32 v14, v13  }
0x3d2: {  	s10 =	sand.u32 $0x3FFFFFF0, s10;
	s11 =	sshll.u32 s31, $0x6  }
0x3d3: {  	s11 =	sand.u32 $0x3FFFFFC0, s11;
	[tilespmem:s10+$0x1A180] =	vst v13  }
0x3d4: {  	v13 =	vld [tilespmem:s11+$0x18180]  }
0x3d5: {  	v14 =	vld [tilespmem:s11+$0x18190];
	_ =	sdelay $0x1  }
0x3d6: {  	v15 =	vld [tilespmem:s11+$0x181A0];
	_ =	sdelay $0x1  }
0x3d7: {  	v61 =	vld [tilespmem:s11+$0x181B0]  }
0x3d8: {  	v13 =	vmul.f32 v13, v9;
	v14 =	vmul.f32 v14, v10;
	_ =	sdelay $0x1  }
0x3d9: {  	v13 =	vadd.f32 v14, v13;
	v14 =	vmul.f32 v15, v11;
	_ =	sdelay $0x1  }
0x3da: {  	v13 =	vadd.f32 v14, v13;
	v14 =	vmul.f32 v61, v12  }
0x3db: {  	s24 =	sor.u32 $0x6, s9  }
0x3dc: {  	s2 =	sshll.u32 s25, $0x4;
	s25 =	sor.u32 s8, s24;
	v13 =	vadd.f32 v14, v13  }
0x3dd: {  	s2 =	sand.u32 $0x3FFFFFF0, s2;
	s11 =	sshll.u32 s25, $0x6  }
0x3de: {  	s31 =	sand.u32 $0x3FFFFFC0, s11;
	[tilespmem:s2+$0x1A180] =	vst v13  }
0x3df: {  	v13 =	vld [tilespmem:s31+$0x18180]  }
0x3e0: {  	v14 =	vld [tilespmem:s31+$0x18190];
	_ =	sdelay $0x1  }
0x3e1: {  	v15 =	vld [tilespmem:s31+$0x181A0];
	_ =	sdelay $0x1  }
0x3e2: {  	v62 =	vld [tilespmem:s31+$0x181B0]  }
0x3e3: {  	v13 =	vmul.f32 v13, v9;
	v14 =	vmul.f32 v14, v10;
	_ =	sdelay $0x1  }
0x3e4: {  	v13 =	vadd.f32 v14, v13;
	v14 =	vmul.f32 v15, v11;
	_ =	sdelay $0x1  }
0x3e5: {  	v13 =	vadd.f32 v14, v13;
	v14 =	vmul.f32 v62, v12  }
0x3e6: {  	s11 =	sor.u32 $0x7, s9  }
0x3e7: {  	s24 =	sshll.u32 s24, $0x4;
	s25 =	sor.u32 s8, s11;
	v13 =	vadd.f32 v14, v13  }
0x3e8: {  	s9 =	sand.u32 $0x3FFFFFF0, s24;
	s10 =	sshll.u32 s25, $0x6  }
0x3e9: {  	s31 =	sand.u32 $0x3FFFFFC0, s10;
	[tilespmem:s9+$0x1A180] =	vst v13  }
0x3ea: {  	v13 =	vld [tilespmem:s31+$0x18180]  }
0x3eb: {  	v14 =	vld [tilespmem:s31+$0x18190];
	_ =	sdelay $0x1  }
0x3ec: {  	v15 =	vld [tilespmem:s31+$0x181A0];
	_ =	sdelay $0x1  }
0x3ed: {  	v63 =	vld [tilespmem:s31+$0x181B0]  }
0x3ee: {  	v13 =	vmul.f32 v13, v9;
	v14 =	vmul.f32 v14, v10;
	_ =	sdelay $0x1  }
0x3ef: {  	v13 =	vadd.f32 v14, v13;
	v14 =	vmul.f32 v15, v11  }
0x3f0: {  	p2 =	por p1, p1  }
.Ltmp19:
0x3f1: {  	v13 =	vadd.f32 v14, v13;
	v14 =	vmul.f32 v63, v12;
	(pc) =	sbr.rel @p2 .LBB2_39-.Ltmp19, $4  }
0x3f2: {  	_ = 	snop  }
0x3f3: {  	s2 =	sshll.u32 s11, $0x4;
	v13 =	vadd.f32 v14, v13  }
0x3f4: {  	s2 =	sand.u32 $0x3FFFFFF0, s2  }
0x3f5: {  	p1 =	por $0x0, $0x0;
	s10 =	simm.s32 $0x0;
	s9 =	simm.s32 $0x8;
	[tilespmem:s2+$0x1A180] =	vst v13;
	v13 =	vimm.f32 $0.0e+00  }
.LBB2_40:
0x3f6: {  	v9 =	vmov s10  }
0x3f7: {  	v9 =	vshrl.u32 v9, $0x3  }
0x3f8: {  	v9 =	vshll.u32 v9, $0x3  }
0x3f9: {  	v9 =	vbroadcast v9, $0x0;
	_ =	sdelay $0x1  }
0x3fa: {  	v10 =	vor.u32 v1, v9;
	_ =	sdelay $0x1  }
0x3fb: {  	v11 =	vor.u32 v2, v9;
	_ =	sdelay $0x1  }
0x3fc: {  	v12 =	vor.u32 v3, v9  }
0x3fd: {  	v10 =	vld.idx.msk [tilespmem:v10+s0+$0x0], $0xffff  }
0x3fe: {  	v14 =	vor.u32 v4, v9  }
0x3ff: {  	v11 =	vld.idx.msk [tilespmem:v11+s0+$0x0], $0xffff  }
0x400: {  	v15 =	vor.u32 v5, v9  }
0x401: {  	v12 =	vld.idx.msk [tilespmem:v12+s0+$0x0], $0xffff  }
0x402: {  	v10 =	vadd.f32 v10, v13;
	v13 =	vor.u32 v6, v9  }
0x403: {  	v14 =	vld.idx.msk [tilespmem:v14+s0+$0x0], $0xffff  }
0x404: {  	v10 =	vadd.f32 v11, v10;
	v11 =	vor.u32 v7, v9  }
0x405: {  	v15 =	vld.idx.msk [tilespmem:v15+s0+$0x0], $0xffff  }
0x406: {  	v9 =	vor.u32 v8, v9;
	v10 =	vadd.f32 v12, v10  }
0x407: {  	v12 =	vld.idx.msk [tilespmem:v13+s0+$0x0], $0xffff  }
0x408: {  	v10 =	vadd.f32 v14, v10  }
0x409: {  	v11 =	vld.idx.msk [tilespmem:v11+s0+$0x0], $0xffff  }
0x40a: {  	v10 =	vadd.f32 v15, v10  }
0x40b: {  	p1 =	por p0, p0;
	v9 =	vld.idx.msk [tilespmem:v9+s0+$0x0], $0xffff  }
.Ltmp20:
0x40c: {  	v10 =	vadd.f32 v12, v10;
	(pc) =	sbr.rel @p1 .LBB2_40-.Ltmp20, $3  }
0x40d: {  	_ = 	snop  }
0x40e: {  	v10 =	vadd.f32 v11, v10;
	_ =	sdelay $0x1  }
0x40f: {  	s10 =	simm.s32 $0x8;
	p0 =	por $0x0, $0x0;
	v13 =	vadd.f32 v9, v10  }
0x410: {  	_ = 	snop  }
0x411: {  	v9 =	vsub.f32 $0.0e+00, v13;
	_ =	sdelay $0x1  }
0x412: {  	v9 =	vmul.f32 $1.442695020e+00, v9  }
0x413: {  	v10 =	vmov s5  }
0x414: {  	(erf) = vpow2.f32 v9;
	_ =	sdelay $0x3  }
0x415: {  	v9 =	vld.idx.msk [tilespmem:v10+s1+$0x0], $0xffff  }
0x416: {  	s2 =	smul.u32 $0xF, s4;
	_ =	sdelay $0x1  }
0x417: {  	v11 =	vadd.s32 s2, v0  }
0x418: {  	v11 =	vmin.u32 v11, $0x3B  }
0x419: {  	v10 =	vmul.u32 $0xF0, v10;
	v9 =	vadd.s32 v11, v9;
	v12 =	vpop (erf)  }
0x41a: {  	v63 =	vand.u32 $0xFFFFFFF8, v9;
	v11 =	vadd.f32 $1.000000000e+00, v12  }
0x41b: {  	v9 =	vand.u32 $0x7, v9;
	v10 =	vadd.s32 v10, v63  }
0x41c: {  	v9 =	vor.u32 v9, v10;
	(erf) = vrcp.f32 v11;
	_ =	sdelay $0x4  }
0x41d: {  	v9 =	vld.idx.msk [tilespmem:v9+s17+$0x0], $0xffff;
	_ =	sdelay $0x1  }
0x41e: {  	s22 =	sadd.s32 $0x1, s22  }
0x41f: {  	p0 =	sne.s32 s22, $0x8  }
.Ltmp21:
0x420: {  	vm0 =	veq.s32 v0, $0xF;
	v10 =	vpop (erf);
	(pc) =	sbr.rel @p0 .LBB2_38-.Ltmp21, $4  }
0x421: {  	v9 =	vsel vm0, $0x0, v9;
	v11 =	vsub.f32 $1.000000000e+00, v10  }
0x422: {  	vm0 =	veq.s32 v9, $0x1  }
0x423: {  	s31 =	sadd.s32 s3, s23;
	v9 =	vsel vm0, v10, v11  }
0x424: {  	[tilespmem:s31+$0x10180] =	vst v9  }
0x425: {  	s30 =	sadd.s32 $0x1, s30  }
0x426: {  	p0 =	sne.s32 s30, $0x10  }
.Ltmp22:
0x427: {  	_ = 	snop;
	(pc) =	sbr.rel @p0 .LBB2_22-.Ltmp22, $1  }
0x428: {  	_ =	sdelay $0x3  }
0x429: {  	s2 =	simm.s32 $0x0;
	v13 =	vshrl.u32 v0, $0x2;
	v9 =	vand.u32 $0x3, v0  }
0x42a: {  	v11 =	vor.u32 s2, v13;
	v10 =	vmul.u32 $0x10, v9  }
0x42b: {  	v19 =	vshll.u32 v11, $0x6  }
0x42c: {  	v12 =	vor.u32 v10, v19;
	v16 =	vor.u32 $0x1, v10  }
0x42d: {  	v14 =	vor.u32 v16, v19  }
0x42e: {  	v17 =	vor.u32 $0x2, v10  }
0x42f: {  	v15 =	vor.u32 v17, v19  }
0x430: {  	v18 =	vor.u32 $0x3, v10  }
0x431: {  	v20 =	vor.u32 v18, v19;
	v12 =	vld.idx.msk [tilespmem:v12+s15+$0x0], $0xffff  }
0x432: {  	v21 =	vor.u32 $0x4, v10;
	v14 =	vld.idx.msk [tilespmem:v14+s15+$0x0], $0xffff  }
0x433: {  	v22 =	vor.u32 v21, v19  }
0x434: {  	v23 =	vor.u32 $0x5, v10;
	v24 =	vld.idx.msk [tilespmem:v15+s15+$0x0], $0xffff  }
0x435: {  	v25 =	vor.u32 v23, v19  }
0x436: {  	v15 =	vor.u32 $0x6, v10;
	v20 =	vld.idx.msk [tilespmem:v20+s15+$0x0], $0xffff  }
0x437: {  	v26 =	vor.u32 v15, v19;
	v12 =	vmul.f32 v14, v12  }
0x438: {  	v27 =	vor.u32 $0x7, v10;
	v22 =	vld.idx.msk [tilespmem:v22+s15+$0x0], $0xffff  }
0x439: {  	v28 =	vor.u32 v27, v19;
	v12 =	vmul.f32 v24, v12  }
0x43a: {  	v25 =	vld.idx.msk [tilespmem:v25+s15+$0x0], $0xffff;
	v24 =	vor.u32 $0x8, v10  }
0x43b: {  	v30 =	vor.u32 v24, v19;
	v20 =	vmul.f32 v20, v12  }
0x43c: {  	v31 =	vor.u32 $0x9, v10;
	v26 =	vld.idx.msk [tilespmem:v26+s15+$0x0], $0xffff  }
0x43d: {  	s30 =	simm.s32 $0x4;
	v32 =	vor.u32 v31, v19;
	v20 =	vmul.f32 v22, v20  }
0x43e: {  	v29 =	vor.u32 $0xA, v10;
	v14 =	vor.u32 s30, v13;
	v22 =	vld.idx.msk [tilespmem:v28+s15+$0x0], $0xffff  }
0x43f: {  	v12 =	vshll.u32 v14, $0x6;
	v28 =	vor.u32 v29, v19;
	v20 =	vmul.f32 v25, v20  }
0x440: {  	v34 =	vor.u32 $0xB, v10;
	v33 =	vor.u32 v10, v12;
	v30 =	vld.idx.msk [tilespmem:v30+s15+$0x0], $0xffff  }
0x441: {  	v25 =	vor.u32 v34, v19;
	v20 =	vmul.f32 v26, v20  }
0x442: {  	v35 =	vor.u32 $0xC, v10;
	v58 =	vor.u32 v16, v12;
	v26 =	vld.idx.msk [tilespmem:v32+s15+$0x0], $0xffff  }
0x443: {  	v59 =	vor.u32 v35, v19;
	v36 =	vld.idx.msk [tilespmem:v11+s13+$0x0], $0xffff;
	v20 =	vmul.f32 v22, v20  }
0x444: {  	v60 =	vor.u32 v17, v12;
	v22 =	vld.idx.msk [tilespmem:v28+s15+$0x0], $0xffff  }
0x445: {  	v37 =	vor.u32 $0xD, v10;
	v61 =	vor.u32 v18, v12;
	v33 =	vld.idx.msk [tilespmem:v33+s15+$0x0], $0xffff;
	v20 =	vmul.f32 v30, v20  }
0x446: {  	v39 =	vor.u32 $0xE, v10;
	v28 =	vor.u32 v37, v19;
	v38 =	vld.idx.msk [tilespmem:v25+s15+$0x0], $0xffff  }
0x447: {  	v11 =	vshll.u32 v11, $0x4;
	v34 =	vld.idx.msk [tilespmem:v58+s15+$0x0], $0xffff;
	v30 =	vor.u32 v39, v19;
	v20 =	vmul.f32 v26, v20  }
0x448: {  	v62 =	vld.idx.msk [tilespmem:v59+s15+$0x0], $0xffff;
	v21 =	vor.u32 v21, v12;
	v40 =	vor.u32 v15, v12;
	v25 =	vor.u32 $0xF, v10  }
0x449: {  	v35 =	vld.idx.msk [tilespmem:v60+s15+$0x0], $0xffff;
	v19 =	vor.u32 v25, v19;
	v26 =	vshll.u32 v36, $0x2;
	v20 =	vmul.f32 v22, v20  }
0x44a: {  	v63 =	vor.u32 v23, v12;
	v37 =	vld.idx.msk [tilespmem:v61+s15+$0x0], $0xffff;
	v23 =	vor.u32 v9, v26;
	v26 =	vand.u32 $0x8, v26  }
0x44b: {  	v28 =	vld.idx.msk [tilespmem:v28+s15+$0x0], $0xffff;
	v23 =	vand.u32 $0x7, v23;
	v11 =	vor.u32 v11, v26;
	v20 =	vmul.f32 v38, v20  }
0x44c: {  	v22 =	vld.idx.msk [tilespmem:v30+s15+$0x0], $0xffff;
	v41 =	vor.u32 v23, v11;
	v30 =	vmul.f32 v34, v33  }
0x44d: {  	v32 =	vld.idx.msk [tilespmem:v21+s15+$0x0], $0xffff;
	v34 =	vor.u32 v27, v12;
	v20 =	vmul.f32 v62, v20  }
0x44e: {  	v23 =	vld.idx.msk [tilespmem:v19+s15+$0x0], $0xffff;
	v27 =	vmul.f32 v35, v30  }
0x44f: {  	s31 =	simm.s32 $0x8;
	v31 =	vor.u32 v31, v12;
	v33 =	vld.idx.msk [tilespmem:v63+s15+$0x0], $0xffff;
	v35 =	vor.u32 v24, v12  }
0x450: {  	v26 =	vor.u32 s31, v13;
	v30 =	vld.idx.msk [tilespmem:v40+s15+$0x0], $0xffff;
	v36 =	vmul.f32 v37, v27;
	v28 =	vmul.f32 v28, v20  }
0x451: {  	s3 =	simm.s32 $0xC;
	v21 =	vshll.u32 v14, $0x4;
	v11 =	vimm.f32 $0.0e+00;
	v19 =	vshll.u32 v26, $0x6;
	v24 =	vmovc v10;
	v27 =	vld.idx.msk [tilespmem:v41+s18+$0x0], $0xffff;
	v20 =	vmovc v9  }
.LBB2_44:
0x452: {  	p0 =	sne.s32 s3, $0x7C;
	v37 =	vor.u32 v10, v19;
	v32 =	vmul.f32 v32, v36;
	v34 =	vld.idx.msk [tilespmem:v34+s15+$0x0], $0xffff;
	v22 =	vmul.f32 v22, v28  }
0x453: {  	v28 =	vor.u32 $0x1, v10;
	v29 =	vor.u32 v29, v12;
	v36 =	vor.u32 $0xB, v24  }
0x454: {  	v32 =	vmul.f32 v33, v32;
	v33 =	vld.idx.msk [tilespmem:v35+s15+$0x0], $0xffff;
	v35 =	vor.u32 v36, v12;
	v22 =	vmul.f32 v23, v22  }
0x455: {  	v23 =	vor.u32 v28, v19;
	v28 =	vor.u32 $0x2, v10;
	v36 =	vor.u32 $0xC, v24;
	v38 =	vld.idx.msk [tilespmem:v14+s13+$0x0], $0xffff;
	v14 =	vmovc v26  }
0x456: {  	v26 =	vmul.f32 v30, v32;
	v30 =	vld.idx.msk [tilespmem:v31+s15+$0x0], $0xffff;
	v31 =	vor.u32 v36, v12;
	v22 =	vmul.f32 v27, v22  }
0x457: {  	v28 =	vor.u32 v28, v19;
	v32 =	vor.u32 $0x3, v10;
	v36 =	vor.u32 $0xD, v24;
	v27 =	vld.idx.msk [tilespmem:v37+s15+$0x0], $0xffff  }
0x458: {  	v26 =	vmul.f32 v34, v26;
	v29 =	vld.idx.msk [tilespmem:v29+s15+$0x0], $0xffff;
	v34 =	vor.u32 v36, v12;
	v11 =	vadd.f32 v22, v11  }
0x459: {  	v22 =	vor.u32 v32, v19;
	v32 =	vor.u32 $0x6, v10;
	v36 =	vor.u32 $0xE, v24;
	v24 =	vmovc v10;
	v35 =	vld.idx.msk [tilespmem:v35+s15+$0x0], $0xffff  }
0x45a: {  	v37 =	vor.u32 $0x4, v24;
	v23 =	vld.idx.msk [tilespmem:v23+s15+$0x0], $0xffff;
	v26 =	vmul.f32 v33, v26;
	v33 =	vor.u32 v36, v12  }
0x45b: {  	v25 =	vor.u32 v25, v12;
	v36 =	vor.u32 v37, v19;
	v37 =	vor.u32 $0x5, v24;
	v12 =	vmovc v19;
	v31 =	vld.idx.msk [tilespmem:v31+s15+$0x0], $0xffff  }
0x45c: {  	v19 =	vld.idx.msk [tilespmem:v28+s15+$0x0], $0xffff;
	v28 =	vor.u32 v32, v12;
	v26 =	vmul.f32 v30, v26;
	v30 =	vshll.u32 v38, $0x2  }
0x45d: {  	v37 =	vor.u32 v37, v12;
	v38 =	vld.idx.msk [tilespmem:v34+s15+$0x0], $0xffff;
	v32 =	vor.u32 v20, v30;
	v30 =	vand.u32 $0x8, v30;
	v20 =	vmovc v9  }
0x45e: {  	v39 =	vld.idx.msk [tilespmem:v22+s15+$0x0], $0xffff;
	v26 =	vmul.f32 v29, v26;
	v29 =	vand.u32 $0x7, v32;
	v21 =	vor.u32 v21, v30  }
0x45f: {  	v22 =	vld.idx.msk [tilespmem:v33+s15+$0x0], $0xffff;
	v29 =	vor.u32 v29, v21  }
0x460: {  	v21 =	vmul.f32 v23, v27;
	v23 =	vor.u32 $0x7, v24;
	v32 =	vld.idx.msk [tilespmem:v36+s15+$0x0], $0xffff;
	v27 =	vmul.f32 v35, v26  }
.Ltmp23:
0x461: {  	v26 =	vor.u32 s3, v13;
	v34 =	vor.u32 v23, v12;
	v23 =	vld.idx.msk [tilespmem:v25+s15+$0x0], $0xffff;
	(pc) =	sbr.rel @p0 .LBB2_44-.Ltmp23, $4  }
0x462: {  	v25 =	vmul.f32 v19, v21;
	v21 =	vor.u32 $0x8, v24;
	v33 =	vld.idx.msk [tilespmem:v37+s15+$0x0], $0xffff;
	v27 =	vmul.f32 v31, v27  }
0x463: {  	v19 =	vshll.u32 v26, $0x6;
	v35 =	vor.u32 v21, v12;
	v21 =	vshll.u32 v14, $0x4;
	v30 =	vld.idx.msk [tilespmem:v28+s15+$0x0], $0xffff  }
0x464: {  	v36 =	vmul.f32 v39, v25;
	v25 =	vor.u32 $0x9, v24;
	v28 =	vmul.f32 v38, v27;
	v27 =	vld.idx.msk [tilespmem:v29+s18+$0x0], $0xffff  }
0x465: {  	s3 =	sadd.s32 $0x4, s3;
	v31 =	vor.u32 v25, v12;
	v29 =	vor.u32 $0xA, v24;
	v25 =	vor.u32 $0xF, v24  }
0x466: {  	v13 =	vor.u32 v10, v19  }
0x467: {  	v16 =	vor.u32 v16, v19;
	_ =	sdelay $0x1  }
0x468: {  	v17 =	vor.u32 v17, v19;
	_ =	sdelay $0x1  }
0x469: {  	v18 =	vor.u32 v18, v19;
	v13 =	vld.idx.msk [tilespmem:v13+s15+$0x0], $0xffff  }
0x46a: {  	v37 =	vor.u32 $0x4, v10;
	v16 =	vld.idx.msk [tilespmem:v16+s15+$0x0], $0xffff  }
0x46b: {  	v37 =	vor.u32 v37, v19  }
0x46c: {  	v38 =	vor.u32 $0x5, v10;
	v17 =	vld.idx.msk [tilespmem:v17+s15+$0x0], $0xffff  }
0x46d: {  	v62 =	vld.idx.msk [tilespmem:v34+s15+$0x0], $0xffff;
	v38 =	vor.u32 v38, v19  }
0x46e: {  	v32 =	vmul.f32 v32, v36;
	v18 =	vld.idx.msk [tilespmem:v18+s15+$0x0], $0xffff  }
0x46f: {  	v15 =	vor.u32 v15, v19;
	v35 =	vld.idx.msk [tilespmem:v35+s15+$0x0], $0xffff;
	v13 =	vmul.f32 v16, v13  }
0x470: {  	v29 =	vor.u32 v29, v12;
	v39 =	vor.u32 $0x7, v10;
	v32 =	vmul.f32 v33, v32;
	v63 =	vld.idx.msk [tilespmem:v37+s15+$0x0], $0xffff  }
0x471: {  	v40 =	vor.u32 $0xB, v24;
	v14 =	vld.idx.msk [tilespmem:v14+s13+$0x0], $0xffff;
	v34 =	vor.u32 v39, v19;
	v13 =	vmul.f32 v17, v13  }
0x472: {  	v42 =	vor.u32 $0x8, v10;
	v43 =	vor.u32 $0xC, v24;
	v30 =	vmul.f32 v30, v32;
	v41 =	vld.idx.msk [tilespmem:v38+s15+$0x0], $0xffff  }
0x473: {  	v44 =	vor.u32 $0x9, v10;
	v31 =	vld.idx.msk [tilespmem:v31+s15+$0x0], $0xffff;
	v36 =	vor.u32 v42, v19;
	v13 =	vmul.f32 v18, v13  }
0x474: {  	v45 =	vor.u32 $0xD, v24;
	v15 =	vld.idx.msk [tilespmem:v15+s15+$0x0], $0xffff;
	v16 =	vmul.f32 v62, v30;
	v30 =	vor.u32 v44, v19  }
0x475: {  	v46 =	vor.u32 $0xA, v10;
	v54 =	vld.idx.msk [tilespmem:v26+s13+$0x0], $0xffff;
	v17 =	vor.u32 v40, v12;
	v13 =	vmul.f32 v63, v13  }
0x476: {  	v47 =	vor.u32 $0xE, v24;
	v48 =	vor.u32 v25, v12;
	v49 =	vor.u32 $0xB, v10;
	v34 =	vld.idx.msk [tilespmem:v34+s15+$0x0], $0xffff  }
0x477: {  	v29 =	vld.idx.msk [tilespmem:v29+s15+$0x0], $0xffff;
	v16 =	vmul.f32 v35, v16;
	v35 =	vor.u32 v46, v19;
	v13 =	vmul.f32 v41, v13  }
0x478: {  	v53 =	vor.u32 $0xC, v10;
	v55 =	vor.u32 $0xD, v10;
	v25 =	vor.u32 v49, v19;
	v50 =	vld.idx.msk [tilespmem:v36+s15+$0x0], $0xffff  }
0x479: {  	v14 =	vshll.u32 v14, $0x2;
	v18 =	vor.u32 v43, v12;
	v30 =	vld.idx.msk [tilespmem:v30+s15+$0x0], $0xffff;
	v13 =	vmul.f32 v15, v13  }
0x47a: {  	v59 =	vor.u32 $0xE, v10;
	v33 =	vor.u32 v45, v12;
	v52 =	vor.u32 v20, v14;
	v17 =	vld.idx.msk [tilespmem:v17+s15+$0x0], $0xffff  }
0x47b: {  	v20 =	vor.u32 v53, v19;
	v51 =	vmul.f32 v31, v16;
	v13 =	vmul.f32 v34, v13  }
0x47c: {  	v10 =	vor.u32 $0xF, v10;
	v61 =	vshll.u32 v26, $0x4;
	v24 =	vor.u32 v47, v12;
	v56 =	vld.idx.msk [tilespmem:v35+s15+$0x0], $0xffff  }
0x47d: {  	v57 =	vor.u32 v55, v19;
	v58 =	vld.idx.msk [tilespmem:v25+s15+$0x0], $0xffff;
	v15 =	vmul.f32 v29, v51;
	v13 =	vmul.f32 v50, v13  }
0x47e: {  	v10 =	vor.u32 v10, v19;
	v14 =	vand.u32 $0x8, v14;
	v62 =	vshll.u32 v54, $0x2;
	v18 =	vld.idx.msk [tilespmem:v18+s15+$0x0], $0xffff  }
0x47f: {  	v60 =	vld.idx.msk [tilespmem:v33+s15+$0x0], $0xffff;
	v15 =	vmul.f32 v17, v15;
	v17 =	vor.u32 v59, v19;
	v13 =	vmul.f32 v30, v13  }
0x480: {  	v14 =	vor.u32 v21, v14;
	v20 =	vld.idx.msk [tilespmem:v20+s15+$0x0], $0xffff;
	v9 =	vor.u32 v9, v62;
	v16 =	vand.u32 $0x7, v52  }
0x481: {  	v24 =	vld.idx.msk [tilespmem:v24+s15+$0x0], $0xffff;
	v14 =	vor.u32 v16, v14;
	v19 =	vand.u32 $0x8, v62;
	v13 =	vmul.f32 v56, v13  }
0x482: {  	v21 =	vld.idx.msk [tilespmem:v57+s15+$0x0], $0xffff;
	v9 =	vand.u32 $0x7, v9;
	v19 =	vor.u32 v61, v19  }
0x483: {  	v12 =	vld.idx.msk [tilespmem:v48+s15+$0x0], $0xffff;
	v15 =	vmul.f32 v18, v15;
	v9 =	vor.u32 v9, v19;
	v13 =	vmul.f32 v58, v13  }
0x484: {  	v63 =	vmul.f32 v22, v28;
	v17 =	vld.idx.msk [tilespmem:v17+s15+$0x0], $0xffff  }
0x485: {  	v10 =	vld.idx.msk [tilespmem:v10+s15+$0x0], $0xffff;
	v15 =	vmul.f32 v60, v15;
	v13 =	vmul.f32 v20, v13  }
0x486: {  	v16 =	vmul.f32 v23, v63;
	v14 =	vld.idx.msk [tilespmem:v14+s18+$0x0], $0xffff  }
0x487: {  	v15 =	vmul.f32 v24, v15;
	v13 =	vmul.f32 v21, v13  }
0x488: {  	v16 =	vmul.f32 v27, v16;
	v9 =	vld.idx.msk [tilespmem:v9+s18+$0x0], $0xffff  }
0x489: {  	v12 =	vmul.f32 v12, v15;
	v13 =	vmul.f32 v17, v13;
	_ =	sdelay $0x1  }
0x48a: {  	v11 =	vadd.f32 v16, v11;
	v12 =	vmul.f32 v14, v12;
	v10 =	vmul.f32 v10, v13;
	_ =	sdelay $0x1  }
0x48b: {  	v11 =	vadd.f32 v12, v11;
	v9 =	vmul.f32 v9, v10;
	_ =	sdelay $0x1  }
0x48c: {  	v9 =	vadd.f32 v9, v11;
	_ =	sdelay $0x1  }
0x48d: {  	s9 =	simm.s32 $0x0;
	s2 =	rddreg [dreg:$0x8];
	s3 =	simm.s32 $0x1A280;
	[tilespmem:$0x1A280] =	vst v9  }
0x48e: {  	[hbm4b:s2+s9] =	stream.linear.scatter [tilespmem:s3], [sflag:$0x5], $0x10, $0x38;
	[tilespmem:$0x1A290] =	vst v63  }
0x48f: {  	_ =	swait.ge [sflag:s12], $0x10  }
0x490: {  	s29 =	sadd.s32 $0x1, s29;
	s31 =	rddreg [dreg:$0x9]  }
0x491: {  	p0 =	sne.s32 s29, s31  }
.Ltmp24:
0x492: {  	_ = 	snop;
	(pc) =	sbr.rel @p0 .LBB2_1-.Ltmp24, $3  }
0x493: {  	_ =	sdelay $0x1  }
0x494: {  	s10 =	simm.s32 $0x12180;
	[sflag:s12] =	ssyncset.done $0x0  }
0x495: {  	s11 =	simm.s32 $0x14180;
	s22 =	simm.s32 $0x16180;
	[sflag:s12] =	ssyncadd.s32 $0xFFFFFFF0  }
0x496: {  	_ =	sfence.sel $0x180000  }
0x497: {  	[bflag:$0x0] =	sbarrier.arrive $0xFFFF  }
0x498: {  	_ =	strace $0x90000047  }
0x499: {  	s0 =	stileid.u32;
	[bflag:$0x2] =	sbarrier.arrive $0xFFFF  }
0x49a: {  	p0 =	sne.s32 s0, $0x0;
	s0 =	rddreg [dreg:$0x2]  }
0x49b: {  	s0 =	sadd.s32 @!p0 $0x100000, s0  }
0x49c: {  	[sflag:s0] =	ssyncadd.tile.s32 @!p0 $0x1;
	_ =	shalt  }
.Lfunc_end2:
_tile_overlayer_lowered:
.L_overlay_start_2:
0x49d: {  	(tag) =	ssettag $0x2  }
0x49e: {  	s0 =	rddreg [dreg:$0x0];
	s2 =	stileid.u32  }
0x49f: {  	s1 =	rddreg [dreg:$0x1];
	p0 =	sne.s32 s2, $0x0  }
0x4a0: {  	s3 =	rddreg [dreg:$0x2];
	[bflag:$0x3] =	sbarrier.arrive $0xFFFF;
	s2 =	simm.s32 @!p0 $0x1C05  }
0x4a1: {  	[timem:s3], [sflag:s2] =	dma.local @!p0 [hbm:s0], s1  }
0x4a2: {  	s0 =	simm.s32 @!p0 $0x5  }
0x4a3: {  	_ =	swait.ge @!p0 [sflag:s0], s1  }
0x4a4: {  	s1 =	ssub.s32 @!p0 $0x0, s1;
	[sflag:s0] =	ssyncset.done @!p0 $0x0  }
0x4a5: {  	[sflag:s0] =	ssyncadd.s32 @!p0 s1  }
0x4a6: {  	[bflag:$0x3] =	sbarrier.arrive $0xFFFF  }
0x4a7: {  	_ =	shalt  }

</sc_bundles>
